<compile_context>
chip_gen: v7x
topology: tpu7x:2x2x1
jax: 0.10.2.dev20260603
libtpu: 0.0.44.dev20260713+nightly
codegen_flags: <defaults>
</compile_context>

<pallas_src>
import functools

import jax
import jax.numpy as jnp
from jax import lax
from jax.experimental import pallas as pl
from jax.experimental.pallas import tpu as pltpu
from jax.experimental.pallas import tpu_sc as plsc

_H = 2048
_W = 2048
_BLK = 64
_GRID = _H // _BLK
_K = 2000
_EPS_NMS = 1e-5
_EPS_DEN = 1e-8

_NW = 32
_WROWS = _H // _NW
_CAND = 16400
_SLOT = 1024
_OBUF = _SLOT + 32


def _nms_body(lo_ref, cu_ref, hi_ref,
              lo_u, cu_u, hi_u, lo_d, cu_d, hi_d, nm_ref):
    i = pl.program_id(0)
    cu_blk = cu_ref[:]

    mp = None
    planes = (
        (lo_ref, lo_u, lo_d),
        (cu_ref, cu_u, cu_d),
        (hi_ref, hi_u, hi_d),
    )
    for (ref, uref, dref) in planes:
        full = jnp.concatenate([uref[0], ref[:], dref[0]], axis=0)
        for dy in (-1, 0, 1):
            base = lax.slice_in_dim(full, dy + 1, dy + 1 + _BLK, axis=0)
            for dx in (-1, 0, 1):
                v = base if dx == 0 else jnp.roll(base, -dx, axis=1)
                mp = v if mp is None else jnp.maximum(mp, v)

    col = lax.broadcasted_iota(jnp.int32, (_BLK, _W), 1)
    row = lax.broadcasted_iota(jnp.int32, (_BLK, _W), 0) + i * _BLK
    keep = (cu_blk - mp + _EPS_NMS > 0)
    keep = jnp.logical_and(keep, jnp.logical_and(col > 0, col < _W - 1))
    keep = jnp.logical_and(keep, jnp.logical_and(row > 0, row < _H - 1))
    nm_ref[:] = jnp.where(keep, cu_blk, 0.0)


def _popcnt(m):
    return jnp.max(plsc.all_reduce_population_count(m))


def _select_body(nm_hbm, ov_hbm, oi_hbm,
                 chunk_v, cand_v, cand_i, outv_v, outi_v):
    cid = lax.axis_index("c")
    sid = lax.axis_index("s")
    wid = cid * 16 + sid

    neg1 = jnp.full((16,), -1.0, jnp.float32)
    zero_i = jnp.zeros((16,), jnp.int32)

    def fill(k, _):
        cand_v[pl.ds(k * 16, 16)] = neg1
        return 0
    lax.fori_loop(0, _CAND // 16, fill, 0)

    cnt = jnp.int32(0)
    lanes = lax.iota(jnp.int32, 16)
    for c in range(_WROWS // 8):
        row0 = wid * _WROWS + c * 8
        pltpu.sync_copy(nm_hbm.at[pl.ds(row0, 8)], chunk_v)

        def scan_body(j, cnt, c=c, row0=row0):
            r = j // 128
            col = (j % 128) * 16
            v = chunk_v[r, pl.ds(col, 16)]
            m = v > 0.0
            base = (row0 + r) * _W + col
            idxv = jnp.full((16,), base, jnp.int32) + lanes
            pref = plsc.cumsum(m.astype(jnp.int32))
            pos = jnp.minimum(cnt, _CAND - 48) + pref - 1
            pos = jnp.where(m, pos, _CAND - 16 + lanes)
            plsc.store_scatter(cand_v, [pos], v)
            plsc.store_scatter(cand_i, [pos], idxv)
            return cnt + pref[15]
        cnt = lax.fori_loop(0, 1024, scan_body, cnt)

    nvec = (cnt + 15) // 16

    def _tvec(bits):
        return lax.bitcast_convert_type(jnp.full((16,), bits, jnp.int32),
                                        jnp.float32)

    target = jnp.minimum(jnp.int32(_SLOT - 32), cnt)

    def round_body(it, carry):
        lo, hi = carry
        q = (hi - lo) // 4
        m1 = lo + q
        m2 = lo + 2 * q
        m3 = hi - q
        t1 = _tvec(m1)
        t2 = _tvec(m2)
        t3 = _tvec(m3)

        def cbody(j, accs):
            a1, a2, a3 = accs
            v = cand_v[pl.ds(j * 16, 16)]
            p1 = plsc.cumsum((v >= t1).astype(jnp.int32))
            p2 = plsc.cumsum((v >= t2).astype(jnp.int32))
            p3 = plsc.cumsum((v >= t3).astype(jnp.int32))
            return a1 + p1[15], a2 + p2[15], a3 + p3[15]

        c1, c2, c3 = lax.fori_loop(0, nvec, cbody,
                                   (jnp.int32(0), jnp.int32(0), jnp.int32(0)))
        ge1 = c1 >= target
        ge2 = c2 >= target
        ge3 = c3 >= target
        lo = jnp.where(ge3, m3, jnp.where(ge2, m2, jnp.where(ge1, m1, lo)))
        hi = jnp.where(ge3, hi, jnp.where(ge2, m3, jnp.where(ge1, m2, m1)))
        return lo, hi

    lo, hi = lax.fori_loop(0, 16, round_body,
                           (jnp.int32(0), jnp.int32(0x3F800000)))
    tv = lax.bitcast_convert_type(jnp.full((16,), lo, jnp.int32), jnp.float32)

    def ofill(k, _):
        outv_v[pl.ds(k * 16, 16)] = neg1
        outi_v[pl.ds(k * 16, 16)] = zero_i
        return 0
    lax.fori_loop(0, _OBUF // 16, ofill, 0)

    def ebody(j, ocnt):
        off = jnp.minimum(ocnt, _SLOT)
        v = cand_v[pl.ds(j * 16, 16)]
        iv = cand_i[pl.ds(j * 16, 16)]
        m = v >= tv
        pref = plsc.cumsum(m.astype(jnp.int32))
        pos = off + pref - 1
        pos = jnp.where(m, pos, _SLOT + 16 + lanes)
        plsc.store_scatter(outv_v, [pos], v)
        plsc.store_scatter(outi_v, [pos], iv)
        return off + pref[15]
    lax.fori_loop(0, nvec, ebody, jnp.int32(0))

    pltpu.sync_copy(outv_v.at[pl.ds(0, _SLOT)], ov_hbm.at[wid])
    pltpu.sync_copy(outi_v.at[pl.ds(0, _SLOT)], oi_hbm.at[wid])


def _select_topk(nm):
    mesh = plsc.VectorSubcoreMesh(core_axis_name="c", subcore_axis_name="s")
    sel = pl.kernel(
        _select_body,
        mesh=mesh,
        out_type=[
            jax.ShapeDtypeStruct((_NW, _SLOT), jnp.float32),
            jax.ShapeDtypeStruct((_NW, _SLOT), jnp.int32),
        ],
        scratch_types=[
            pltpu.VMEM((8, _W), jnp.float32),
            pltpu.VMEM((_CAND,), jnp.float32),
            pltpu.VMEM((_CAND,), jnp.int32),
            pltpu.VMEM((_OBUF,), jnp.float32),
            pltpu.VMEM((_OBUF,), jnp.int32),
        ],
        compiler_params=pltpu.CompilerParams(needs_layout_passes=False),
    )
    ov, oi = sel(nm)
    vals, pos = lax.top_k(ov.reshape(-1), _K)
    idxs = oi.reshape(-1)[pos]
    return vals, idxs


_TROW = _H * _W // 16


def _compose_body(lo_hbm, cu_hbm, hi_hbm, idx_hbm, out_hbm,
                  pts_v, idx2d, rows_lo, rows_cu, rows_hi, out_v, sem):
    tid = lax.axis_index("c") * 16 + lax.axis_index("s")
    lanes = lax.iota(jnp.int32, 16)
    zero = jnp.zeros((16,), jnp.float32)

    pltpu.sync_copy(idx_hbm.at[pl.ds(tid * 64, 64)], pts_v)

    for b in range(4):
        p = pts_v[pl.ds(b * 16, 16)]
        y = lax.shift_right_logical(p, 11)
        xm1 = jnp.bitwise_and(p, _W - 1) - 1
        for dy in range(3):
            e0 = (y + (dy - 1)) * _W + xm1
            r0 = lax.shift_right_logical(e0, 4)
            r1 = jnp.minimum(r0 + 1, _TROW - 1)
            cpos = b * 16 + lanes
            plsc.store_scatter(idx2d, [jnp.full((16,), dy * 2, jnp.int32), cpos], r0)
            plsc.store_scatter(idx2d, [jnp.full((16,), dy * 2 + 1, jnp.int32), cpos], r1)

    copies = []
    for tab, rows in ((lo_hbm, rows_lo), (cu_hbm, rows_cu), (hi_hbm, rows_hi)):
        for k in range(6):
            copies.append(pltpu.async_copy(tab.at[idx2d.at[k]], rows.at[k], sem))
    for cp in copies:
        cp.wait()

    for k in range(32):
        out_v[pl.ds(k * 16, 16)] = zero

    inv = 1.0 / float(_W)
    for b in range(4):
        p = pts_v[pl.ds(b * 16, 16)]
        y = lax.shift_right_logical(p, 11)
        xm1 = jnp.bitwise_and(p, _W - 1) - 1
        den = zero
        ns = zero
        ny = zero
        nx = zero
        for dy in range(3):
            e0 = (y + (dy - 1)) * _W + xm1
            r0 = lax.shift_right_logical(e0, 4)
            for d in range(3):
                ee = e0 + d
                o = lax.shift_right_logical(ee, 4) - r0
                d0 = jnp.full((16,), dy * 2, jnp.int32) + o
                d1 = jnp.full((16,), b * 16, jnp.int32) + lanes
                d2 = jnp.bitwise_and(ee, 15)
                for rows, zc in ((rows_lo, -1.0), (rows_cu, 0.0), (rows_hi, 1.0)):
                    val = plsc.load_gather(rows, [d0, d1, d2])
                    den = den + val
                    if zc != 0.0:
                        ns = ns + zc * val
                    if dy != 1:
                        ny = ny + float(dy - 1) * val
                    if d != 1:
                        nx = nx + float(d - 1) * val
        den = den + _EPS_DEN
        s = ns / den * inv
        yc = (ny / den + y.astype(jnp.float32)) * inv
        xc = (nx / den + (xm1 + 1).astype(jnp.float32)) * inv
        rowpos = (jnp.full((16,), b * 16, jnp.int32) + lanes) * 8
        for col, vec in ((0, s), (2, xc), (4, s), (5, yc)):
            plsc.store_scatter(out_v, [rowpos + col], vec)

    pltpu.sync_copy(out_v, out_hbm.at[tid])


def _compose(low2d, cur2d, high2d, idxs):
    mesh = plsc.VectorSubcoreMesh(core_axis_name="c", subcore_axis_name="s")
    comp = pl.kernel(
        _compose_body,
        mesh=mesh,
        out_type=jax.ShapeDtypeStruct((_NW, 512), jnp.float32),
        scratch_types=[
            pltpu.VMEM((64,), jnp.int32),
            pltpu.VMEM((6, 64), jnp.int32),
            pltpu.VMEM((6, 64, 16), jnp.float32),
            pltpu.VMEM((6, 64, 16), jnp.float32),
            pltpu.VMEM((6, 64, 16), jnp.float32),
            pltpu.VMEM((512,), jnp.float32),
            pltpu.SemaphoreType.DMA,
        ],
        compiler_params=pltpu.CompilerParams(needs_layout_passes=False,
                                             use_tc_tiling_on_sc=False),
    )
    idx_pad = jnp.full((_NW * 64,), 2049, jnp.int32).at[:_K].set(idxs)
    out = comp(low2d.reshape(_TROW, 16), cur2d.reshape(_TROW, 16),
               high2d.reshape(_TROW, 16), idx_pad)
    rows6 = out.reshape(_NW * 64, 8)[:_K, :6]
    return rows6.reshape(_K, 2, 3)


def _edges(x):
    zero = jnp.zeros((1, _W), x.dtype)
    up = jnp.concatenate([zero, x[_BLK - 1::_BLK][: _GRID - 1]], axis=0)
    down = jnp.concatenate([x[_BLK::_BLK], zero], axis=0)
    return up.reshape(_GRID, 1, _W), down.reshape(_GRID, 1, _W)


@functools.partial(jax.jit, static_argnums=())
def _run(low, cur, high):
    lo = low.reshape(_H, _W)
    cu = cur.reshape(_H, _W)
    hi = high.reshape(_H, _W)
    lo_u, lo_d = _edges(lo)
    cu_u, cu_d = _edges(cu)
    hi_u, hi_d = _edges(hi)

    blk = pl.BlockSpec((_BLK, _W), lambda i: (i, 0))
    eblk = pl.BlockSpec((1, 1, _W), lambda i: (i, 0, 0))
    out_sd = jax.ShapeDtypeStruct((_H, _W), jnp.float32)
    nm = pl.pallas_call(
        _nms_body,
        grid=(_GRID,),
        in_specs=[blk, blk, blk, eblk, eblk, eblk, eblk, eblk, eblk],
        out_specs=blk,
        out_shape=out_sd,
    )(lo, cu, hi, lo_u, cu_u, hi_u, lo_d, cu_d, hi_d)

    vals, idxs = _select_topk(nm)
    lafs = _compose(lo, cu, hi, idxs)
    return vals, lafs


def kernel(low, cur, high, num_features):
    vals, lafs = _run(low, cur, high)
    return vals, lafs

# --- scband reference (transcript-rebuilt; emitter-appended) ---
"""Pipeline reference for scband-nms3d-and-compose-a-22857815949342 (READ-ONLY COPY).

The authoritative reference and input builder live on the scoring server;
editing this copy changes nothing except your own understanding.
"""

import jax, jax.numpy as jnp
import numpy as np

KS = 3
EPS_NMS = 1e-05
BORDER_W = 1  # int(mrSize=1.0)
NUM_FEATURES = 2000


def _make_grids():
    # generate_3dgrid(3, 3, 3) centered (py2 int div): z=y=x=[-1,0,1]
    z = np.array([-1.0, 0.0, 1.0], dtype=np.float32)
    w = np.zeros((3, 3, 3, 3), dtype=np.float32)
    w[0] = z[:, None, None]   # scale channel: depends on depth index
    w[1] = z[None, :, None]   # y channel: depends on row index
    w[2] = z[None, None, :]   # x channel: depends on col index
    return jnp.asarray(w), jnp.ones((3, 3, 3, 3), dtype=jnp.float32)


def _maxpool3d(x, ks):
    p = ks // 2
    return jax.lax.reduce_window(
        x, -jnp.inf, jax.lax.max,
        (1, 1, ks, ks, ks), (1, 1, 1, 1, 1),
        ((0, 0), (0, 0), (0, 0), (p, p), (p, p)))


def _nms3d(x):
    # threshold == 0 branch of NMS3d
    mp = _maxpool3d(x, KS)
    return (x - mp + EPS_NMS > 0).astype(x.dtype) * x


def _conv2d(x, w):
    return jax.lax.conv_general_dilated(
        x, w, (1, 1), ((1, 1), (1, 1)),
        dimension_numbers=('NCHW', 'OIHW', 'NCHW'))


def _zero_border(x, b):
    B, C, H, W = x.shape
    m = jnp.zeros((H, W), x.dtype).at[b:H - b, b:W - b].set(1.0)
    return x * m


def _forward(low, cur, high, num_features):
    B, C, H, W = low.shape
    resp3d = jnp.concatenate([low, cur, high], axis=1)           # [B,3,H,W]
    nmsed = _nms3d(resp3d[:, None])[:, 0][:, 1:2]                # [B,1,H,W] cur scale
    nmsed = _zero_border(nmsed, BORDER_W)
    flat = nmsed.reshape(-1)
    nmsed_resp, idxs = jax.lax.top_k(flat, NUM_FEATURES)
    nmsed_resp = nmsed_resp + (num_features * 0).astype(nmsed_resp.dtype)
    grid_w, ones_w = _make_grids()
    sc = _conv2d(resp3d, grid_w) / (_conv2d(resp3d, ones_w) + 1e-08)  # [1,3,H,W]
    ys = jnp.broadcast_to(jnp.arange(H, dtype=sc.dtype)[:, None], (H, W))
    xs = jnp.broadcast_to(jnp.arange(W, dtype=sc.dtype)[None, :], (H, W))
    off = jnp.stack([jnp.zeros((H, W), sc.dtype), ys, xs])[None]
    sc = sc + off
    sc = sc.reshape(3, -1).T                                     # [H*W, 3]
    sc = sc[idxs, :]
    min_size = float(min(H, W))
    sc = sc * jnp.array([1.0 / min_size, 1.0 / H, 1.0 / W], sc.dtype)
    # sc_y_x2LAFs: cols [scale, y, x] -> LAF [N,2,3] = [s*I2 | (x,y)]
    s = sc[:, 0]
    A = s[:, None, None] * jnp.eye(2, dtype=sc.dtype)[None]
    center = jnp.stack([sc[:, 2], sc[:, 1]], axis=1)[:, :, None]
    LAFs = jnp.concatenate([A, center], axis=2)
    return nmsed_resp, LAFs


def setup_inputs(seed: int = 0) -> dict:
    key = jax.random.key(seed)
    k1, k2, k3 = jax.random.split(key, 3)
    shape = (1, 1, 2048, 2048)
    low = jax.random.uniform(k1, shape, dtype=jnp.float32)
    cur = jax.random.uniform(k2, shape, dtype=jnp.float32)
    high = jax.random.uniform(k3, shape, dtype=jnp.float32)
    return {'low': low, 'cur': cur, 'high': high, 'num_features': 2000}


def reference(low, cur, high, num_features):
    return _forward(low, cur, high, jnp.asarray(num_features))

if __name__ == "__main__":
    import jax
    _d = setup_inputs()
    print(jax.jit(kernel)(*tuple(_d.values())))

</pallas_src>

<mosaic_0001>
#map = affine_map<(d0, d1) -> (0, 0)>
module attributes {stable_mosaic.version = 14 : i64} {
  func.func @_select_body(%arg0: i32, %arg1: i32, %arg2: memref<2048x2048xf32, #tpu.memory_space<hbm>>, %arg3: memref<32x1024xf32, #tpu.memory_space<hbm>>, %arg4: memref<32x1024xi32, #tpu.memory_space<hbm>>, %arg5: memref<8x2048xf32, #tpu.memory_space<vmem>>, %arg6: memref<16400xf32, #tpu.memory_space<vmem>>, %arg7: memref<16400xi32, #tpu.memory_space<vmem>>, %arg8: memref<1056xf32, #tpu.memory_space<vmem>>, %arg9: memref<1056xi32, #tpu.memory_space<vmem>>) attributes {dimension_semantics = [#tpu.dimension_semantics<core_parallel>, #tpu.dimension_semantics<subcore_parallel>], iteration_bounds = array<i64: 2, 16>, scalar_prefetch = 0 : i64, scratch_operands = 5 : i64, tpu.core_type = #tpu.core_type<sc_vector_subcore>, window_params = [{transform_indices = #map}, {transform_indices = #map}, {transform_indices = #map}]} {
    %mul3A = arith.constant 16 : i32
    %mul3A_0 = arith.muli %arg0, %mul3A : i32
    %add3A = arith.addi %mul3A_0, %arg1 : i32
    %broadcast_in_dim3A = arith.constant -1.000000e+00 : f32
    %broadcast_in_dim3A_1 = vector.broadcast %broadcast_in_dim3A : f32 to vector<16xf32>
    %broadcast_in_dim3A_2 = arith.constant 0 : i32
    %broadcast_in_dim3A_3 = vector.broadcast %broadcast_in_dim3A_2 : i32 to vector<16xi32>
    %scan3A = arith.constant 0 : i32
    %scan3A_4 = arith.constant 0 : i32
    %scan3A_5 = arith.constant 1025 : i32
    %scan3A_6 = arith.addi %scan3A_4, %scan3A_5 : i32
    %scan3A_7 = arith.constant 1 : i32
    %scan3A_8 = scf.for %scan3A_137 = %scan3A_4 to %scan3A_6 step %scan3A_7 iter_args(%scan3A_138 = %scan3A) -> (i32)  : i32 {
      %mul3A_139 = arith.constant 16 : i32
      %mul3A_140 = arith.muli %scan3A_137, %mul3A_139 : i32
      %swap3A = arith.index_cast %mul3A_140 : i32 to index
      %swap3A_141 = tpu.vector_load %arg6[%swap3A] {strides = array<i32>} : memref<16400xf32, #tpu.memory_space<vmem>>, vector<16xf32>,
      tpu.vector_store %arg6[%swap3A], %broadcast_in_dim3A_1 {strides = array<i32>} : memref<16400xf32, #tpu.memory_space<vmem>>, vector<16xf32>,
      %scan3A_142 = arith.constant 0 : i32
      scf.yield %scan3A_142 : i32
    }
    %scan3A_9 = arith.constant 1025 : i32
    %iota3A = tpu.iota {dimensions = array<i32: 0>} : vector<16xi32>
    %mul3A_10 = arith.constant 64 : i32
    %mul3A_11 = arith.muli %add3A, %mul3A_10 : i32
    %add3A_12 = arith.constant 0 : i32
    %add3A_13 = arith.addi %mul3A_11, %add3A_12 : i32
    "tpu.region"() ({
      %run_scoped3A = tpu.sem_alloc : memref<!tpu.dma_semaphore, #tpu.memory_space<semaphore_mem>>
      %dma_start3A = arith.constant 0 : i32
      %dma_start3A_137 = tpu.memref_slice %arg2[%add3A_13, %dma_start3A] : memref<2048x2048xf32, #tpu.memory_space<hbm>> -> memref<8x2048xf32, #tpu.memory_space<hbm>>
      %dma_start3A_138 = arith.constant 0 : i32
      %dma_start3A_139 = tpu.memref_slice %arg2[%add3A_13, %dma_start3A_138] : memref<2048x2048xf32, #tpu.memory_space<hbm>> -> memref<8x2048xf32, #tpu.memory_space<hbm>>
      tpu.enqueue_dma source(%dma_start3A_139 : memref<8x2048xf32, #tpu.memory_space<hbm>>) target(%arg5 : memref<8x2048xf32, #tpu.memory_space<vmem>>) target_semaphore(%run_scoped3A : memref<!tpu.dma_semaphore, #tpu.memory_space<semaphore_mem>>)
      %dma_wait3A = arith.constant 0 : i32
      %dma_wait3A_140 = tpu.memref_slice %arg2[%add3A_13, %dma_wait3A] : memref<2048x2048xf32, #tpu.memory_space<hbm>> -> memref<8x2048xf32, #tpu.memory_space<hbm>>
      %dma_wait3A_141 = arith.constant 0 : i32
      %dma_wait3A_142 = tpu.memref_slice %arg2[%add3A_13, %dma_wait3A_141] : memref<2048x2048xf32, #tpu.memory_space<hbm>> -> memref<8x2048xf32, #tpu.memory_space<hbm>>
      tpu.wait_dma2 semaphore(%run_scoped3A : memref<!tpu.dma_semaphore, #tpu.memory_space<semaphore_mem>>) src(%dma_wait3A_142 : memref<8x2048xf32, #tpu.memory_space<hbm>>) dst(%arg5 : memref<8x2048xf32, #tpu.memory_space<vmem>>)
      tpu.yield
    }) : () -> ()
    %scan3A_14 = arith.constant 0 : i32
    %scan3A_15 = arith.constant 0 : i32
    %scan3A_16 = arith.constant 1024 : i32
    %scan3A_17 = arith.addi %scan3A_15, %scan3A_16 : i32
    %scan3A_18 = arith.constant 1 : i32
    %scan3A_19 = scf.for %scan3A_137 = %scan3A_15 to %scan3A_17 step %scan3A_18 iter_args(%scan3A_138 = %scan3A_14) -> (i32)  : i32 {
      %jit3A_139 = arith.constant 128 : i32
      %div3A_140 = arith.divsi %scan3A_137, %jit3A_139 : i32
      %sign3A_141 = arith.constant 0 : i32
      %sign3A_142 = arith.cmpi sgt, %scan3A_137, %sign3A_141 : i32
      %sign3A_143 = arith.extui %sign3A_142 : i1 to i32
      %sign3A_144 = arith.constant 0 : i32
      %sign3A_145 = arith.cmpi slt, %scan3A_137, %sign3A_144 : i32
      %sign3A_146 = arith.extui %sign3A_145 : i1 to i32
      %sign3A_147 = arith.subi %sign3A_143, %sign3A_146 : i32
      %sign3A_148 = arith.constant 0 : i32
      %sign3A_149 = arith.cmpi sgt, %jit3A_139, %sign3A_148 : i32
      %sign3A_150 = arith.extui %sign3A_149 : i1 to i32
      %sign3A_151 = arith.constant 0 : i32
      %sign3A_152 = arith.cmpi slt, %jit3A_139, %sign3A_151 : i32
      %sign3A_153 = arith.extui %sign3A_152 : i1 to i32
      %sign3A_154 = arith.subi %sign3A_150, %sign3A_153 : i32
      %ne3A_155 = arith.cmpi ne, %sign3A_147, %sign3A_154 : i32
      %rem3A_156 = arith.remsi %scan3A_137, %jit3A_139 : i32
      %ne3A_157 = arith.constant 0 : i32
      %ne3A_158 = arith.cmpi ne, %rem3A_156, %ne3A_157 : i32
      %and3A_159 = arith.andi %ne3A_155, %ne3A_158 : i1
      %sub3A_160 = arith.constant 1 : i32
      %sub3A_161 = arith.subi %div3A_140, %sub3A_160 : i32
      %select_n3A_162 = arith.select %and3A_159, %sub3A_161, %div3A_140 : i32
      %jit3A_163 = arith.constant 128 : i32
      %eq3A = arith.constant 0 : i32
      %eq3A_164 = arith.cmpi eq, %jit3A_163, %eq3A : i32
      %jit3A_165 = arith.constant 1 : i32
      %select_n3A_166 = arith.select %eq3A_164, %jit3A_165, %jit3A_163 : i32
      %rem3A_167 = arith.remsi %scan3A_137, %select_n3A_166 : i32
      %ne3A_168 = arith.constant 0 : i32
      %ne3A_169 = arith.cmpi ne, %rem3A_167, %ne3A_168 : i32
      %lt3A = arith.constant 0 : i32
      %lt3A_170 = arith.cmpi slt, %rem3A_167, %lt3A : i32
      %lt3A_171 = arith.constant 0 : i32
      %lt3A_172 = arith.cmpi slt, %select_n3A_166, %lt3A_171 : i32
      %ne3A_173 = arith.xori %lt3A_170, %lt3A_172 : i1
      %and3A_174 = arith.andi %ne3A_173, %ne3A_169 : i1
      %add3A_175 = arith.addi %rem3A_167, %select_n3A_166 : i32
      %select_n3A_176 = arith.select %and3A_174, %add3A_175, %rem3A_167 : i32
      %mul3A_177 = arith.constant 16 : i32
      %mul3A_178 = arith.muli %select_n3A_176, %mul3A_177 : i32
      %get3A = arith.index_cast %select_n3A_162 : i32 to index
      %get3A_179 = arith.index_cast %mul3A_178 : i32 to index
      %get3A_180 = tpu.vector_load %arg5[%get3A, %get3A_179] {strides = array<i32>} : memref<8x2048xf32, #tpu.memory_space<vmem>>, vector<16xf32>,
      %gt3A = arith.constant 0.000000e+00 : f32
      %gt3A_181 = vector.broadcast %gt3A : f32 to vector<16xf32>
      %gt3A_182 = arith.cmpf ogt, %get3A_180, %gt3A_181 : vector<16xf32>
      %add3A_183 = arith.addi %add3A_13, %select_n3A_162 : i32
      %mul3A_184 = arith.constant 2048 : i32
      %mul3A_185 = arith.muli %add3A_183, %mul3A_184 : i32
      %add3A_186 = arith.addi %mul3A_185, %mul3A_178 : i32
      %broadcast_in_dim3A_187 = vector.broadcast %add3A_186 : i32 to vector<16xi32>
      %add3A_188 = arith.addi %broadcast_in_dim3A_187, %iota3A : vector<16xi32>
      %convert_element_type3A = arith.extui %gt3A_182 : vector<16xi1> to vector<16xi32>
      %broadcast_in_dim3A_189 = arith.constant true
      %broadcast_in_dim3A_190 = vector.broadcast %broadcast_in_dim3A_189 : i1 to vector<16xi1>
      %masked_cumsum3A = tpu.scan <sum>, %convert_element_type3A masked %broadcast_in_dim3A_190 : vector<16xi32>, vector<16xi1> -> vector<16xi32>
      %min3A_191 = arith.constant 16352 : i32
      %min3A_192 = arith.minsi %scan3A_138, %min3A_191 : i32
      %add3A_193 = vector.broadcast %min3A_192 : i32 to vector<16xi32>
      %add3A_194 = arith.addi %add3A_193, %masked_cumsum3A : vector<16xi32>
      %sub3A_195 = arith.constant 1 : i32
      %sub3A_196 = vector.broadcast %sub3A_195 : i32 to vector<16xi32>
      %sub3A_197 = arith.subi %add3A_194, %sub3A_196 : vector<16xi32>
      %add3A_198 = arith.constant 16384 : i32
      %add3A_199 = vector.broadcast %add3A_198 : i32 to vector<16xi32>
      %add3A_200 = arith.addi %add3A_199, %iota3A : vector<16xi32>
      %select_n3A_201 = arith.select %gt3A_182, %sub3A_197, %add3A_200 : vector<16xi1>, vector<16xi32>
      tpu.vector_store_idx %arg6[%select_n3A_201], %get3A_180 : memref<16400xf32, #tpu.memory_space<vmem>>[vector<16xi32>], vector<16xf32>,
      tpu.vector_store_idx %arg7[%select_n3A_201], %add3A_188 : memref<16400xi32, #tpu.memory_space<vmem>>[vector<16xi32>], vector<16xi32>,
      %slice3A = vector.extract_strided_slice %masked_cumsum3A {offsets = [15], sizes = [1], strides = [1]} : vector<16xi32> to vector<1xi32>
      %squeeze3A = vector.extract %slice3A[0] : i32 from vector<1xi32>
      %add3A_202 = arith.addi %scan3A_138, %squeeze3A : i32
      scf.yield %add3A_202 : i32
    }
    %scan3A_20 = arith.constant 1024 : i32
    %mul3A_21 = arith.constant 64 : i32
    %mul3A_22 = arith.muli %add3A, %mul3A_21 : i32
    %add3A_23 = arith.constant 8 : i32
    %add3A_24 = arith.addi %mul3A_22, %add3A_23 : i32
    "tpu.region"() ({
      %run_scoped3A = tpu.sem_alloc : memref<!tpu.dma_semaphore, #tpu.memory_space<semaphore_mem>>
      %dma_start3A = arith.constant 0 : i32
      %dma_start3A_137 = tpu.memref_slice %arg2[%add3A_24, %dma_start3A] : memref<2048x2048xf32, #tpu.memory_space<hbm>> -> memref<8x2048xf32, #tpu.memory_space<hbm>>
      %dma_start3A_138 = arith.constant 0 : i32
      %dma_start3A_139 = tpu.memref_slice %arg2[%add3A_24, %dma_start3A_138] : memref<2048x2048xf32, #tpu.memory_space<hbm>> -> memref<8x2048xf32, #tpu.memory_space<hbm>>
      tpu.enqueue_dma source(%dma_start3A_139 : memref<8x2048xf32, #tpu.memory_space<hbm>>) target(%arg5 : memref<8x2048xf32, #tpu.memory_space<vmem>>) target_semaphore(%run_scoped3A : memref<!tpu.dma_semaphore, #tpu.memory_space<semaphore_mem>>)
      %dma_wait3A = arith.constant 0 : i32
      %dma_wait3A_140 = tpu.memref_slice %arg2[%add3A_24, %dma_wait3A] : memref<2048x2048xf32, #tpu.memory_space<hbm>> -> memref<8x2048xf32, #tpu.memory_space<hbm>>
      %dma_wait3A_141 = arith.constant 0 : i32
      %dma_wait3A_142 = tpu.memref_slice %arg2[%add3A_24, %dma_wait3A_141] : memref<2048x2048xf32, #tpu.memory_space<hbm>> -> memref<8x2048xf32, #tpu.memory_space<hbm>>
      tpu.wait_dma2 semaphore(%run_scoped3A : memref<!tpu.dma_semaphore, #tpu.memory_space<semaphore_mem>>) src(%dma_wait3A_142 : memref<8x2048xf32, #tpu.memory_space<hbm>>) dst(%arg5 : memref<8x2048xf32, #tpu.memory_space<vmem>>)
      tpu.yield
    }) : () -> ()
    %scan3A_25 = arith.constant 0 : i32
    %scan3A_26 = arith.constant 1024 : i32
    %scan3A_27 = arith.addi %scan3A_25, %scan3A_26 : i32
    %scan3A_28 = arith.constant 1 : i32
    %scan3A_29 = scf.for %scan3A_137 = %scan3A_25 to %scan3A_27 step %scan3A_28 iter_args(%scan3A_138 = %scan3A_19) -> (i32)  : i32 {
      %jit3A_139 = arith.constant 128 : i32
      %div3A_140 = arith.divsi %scan3A_137, %jit3A_139 : i32
      %sign3A_141 = arith.constant 0 : i32
      %sign3A_142 = arith.cmpi sgt, %scan3A_137, %sign3A_141 : i32
      %sign3A_143 = arith.extui %sign3A_142 : i1 to i32
      %sign3A_144 = arith.constant 0 : i32
      %sign3A_145 = arith.cmpi slt, %scan3A_137, %sign3A_144 : i32
      %sign3A_146 = arith.extui %sign3A_145 : i1 to i32
      %sign3A_147 = arith.subi %sign3A_143, %sign3A_146 : i32
      %sign3A_148 = arith.constant 0 : i32
      %sign3A_149 = arith.cmpi sgt, %jit3A_139, %sign3A_148 : i32
      %sign3A_150 = arith.extui %sign3A_149 : i1 to i32
      %sign3A_151 = arith.constant 0 : i32
      %sign3A_152 = arith.cmpi slt, %jit3A_139, %sign3A_151 : i32
      %sign3A_153 = arith.extui %sign3A_152 : i1 to i32
      %sign3A_154 = arith.subi %sign3A_150, %sign3A_153 : i32
      %ne3A_155 = arith.cmpi ne, %sign3A_147, %sign3A_154 : i32
      %rem3A_156 = arith.remsi %scan3A_137, %jit3A_139 : i32
      %ne3A_157 = arith.constant 0 : i32
      %ne3A_158 = arith.cmpi ne, %rem3A_156, %ne3A_157 : i32
      %and3A_159 = arith.andi %ne3A_155, %ne3A_158 : i1
      %sub3A_160 = arith.constant 1 : i32
      %sub3A_161 = arith.subi %div3A_140, %sub3A_160 : i32
      %select_n3A_162 = arith.select %and3A_159, %sub3A_161, %div3A_140 : i32
      %jit3A_163 = arith.constant 128 : i32
      %eq3A = arith.constant 0 : i32
      %eq3A_164 = arith.cmpi eq, %jit3A_163, %eq3A : i32
      %jit3A_165 = arith.constant 1 : i32
      %select_n3A_166 = arith.select %eq3A_164, %jit3A_165, %jit3A_163 : i32
      %rem3A_167 = arith.remsi %scan3A_137, %select_n3A_166 : i32
      %ne3A_168 = arith.constant 0 : i32
      %ne3A_169 = arith.cmpi ne, %rem3A_167, %ne3A_168 : i32
      %lt3A = arith.constant 0 : i32
      %lt3A_170 = arith.cmpi slt, %rem3A_167, %lt3A : i32
      %lt3A_171 = arith.constant 0 : i32
      %lt3A_172 = arith.cmpi slt, %select_n3A_166, %lt3A_171 : i32
      %ne3A_173 = arith.xori %lt3A_170, %lt3A_172 : i1
      %and3A_174 = arith.andi %ne3A_173, %ne3A_169 : i1
      %add3A_175 = arith.addi %rem3A_167, %select_n3A_166 : i32
      %select_n3A_176 = arith.select %and3A_174, %add3A_175, %rem3A_167 : i32
      %mul3A_177 = arith.constant 16 : i32
      %mul3A_178 = arith.muli %select_n3A_176, %mul3A_177 : i32
      %get3A = arith.index_cast %select_n3A_162 : i32 to index
      %get3A_179 = arith.index_cast %mul3A_178 : i32 to index
      %get3A_180 = tpu.vector_load %arg5[%get3A, %get3A_179] {strides = array<i32>} : memref<8x2048xf32, #tpu.memory_space<vmem>>, vector<16xf32>,
      %gt3A = arith.constant 0.000000e+00 : f32
      %gt3A_181 = vector.broadcast %gt3A : f32 to vector<16xf32>
      %gt3A_182 = arith.cmpf ogt, %get3A_180, %gt3A_181 : vector<16xf32>
      %add3A_183 = arith.addi %add3A_24, %select_n3A_162 : i32
      %mul3A_184 = arith.constant 2048 : i32
      %mul3A_185 = arith.muli %add3A_183, %mul3A_184 : i32
      %add3A_186 = arith.addi %mul3A_185, %mul3A_178 : i32
      %broadcast_in_dim3A_187 = vector.broadcast %add3A_186 : i32 to vector<16xi32>
      %add3A_188 = arith.addi %broadcast_in_dim3A_187, %iota3A : vector<16xi32>
      %convert_element_type3A = arith.extui %gt3A_182 : vector<16xi1> to vector<16xi32>
      %broadcast_in_dim3A_189 = arith.constant true
      %broadcast_in_dim3A_190 = vector.broadcast %broadcast_in_dim3A_189 : i1 to vector<16xi1>
      %masked_cumsum3A = tpu.scan <sum>, %convert_element_type3A masked %broadcast_in_dim3A_190 : vector<16xi32>, vector<16xi1> -> vector<16xi32>
      %min3A_191 = arith.constant 16352 : i32
      %min3A_192 = arith.minsi %scan3A_138, %min3A_191 : i32
      %add3A_193 = vector.broadcast %min3A_192 : i32 to vector<16xi32>
      %add3A_194 = arith.addi %add3A_193, %masked_cumsum3A : vector<16xi32>
      %sub3A_195 = arith.constant 1 : i32
      %sub3A_196 = vector.broadcast %sub3A_195 : i32 to vector<16xi32>
      %sub3A_197 = arith.subi %add3A_194, %sub3A_196 : vector<16xi32>
      %add3A_198 = arith.constant 16384 : i32
      %add3A_199 = vector.broadcast %add3A_198 : i32 to vector<16xi32>
      %add3A_200 = arith.addi %add3A_199, %iota3A : vector<16xi32>
      %select_n3A_201 = arith.select %gt3A_182, %sub3A_197, %add3A_200 : vector<16xi1>, vector<16xi32>
      tpu.vector_store_idx %arg6[%select_n3A_201], %get3A_180 : memref<16400xf32, #tpu.memory_space<vmem>>[vector<16xi32>], vector<16xf32>,
      tpu.vector_store_idx %arg7[%select_n3A_201], %add3A_188 : memref<16400xi32, #tpu.memory_space<vmem>>[vector<16xi32>], vector<16xi32>,
      %slice3A = vector.extract_strided_slice %masked_cumsum3A {offsets = [15], sizes = [1], strides = [1]} : vector<16xi32> to vector<1xi32>
      %squeeze3A = vector.extract %slice3A[0] : i32 from vector<1xi32>
      %add3A_202 = arith.addi %scan3A_138, %squeeze3A : i32
      scf.yield %add3A_202 : i32
    }
    %scan3A_30 = arith.constant 1024 : i32
    %mul3A_31 = arith.constant 64 : i32
    %mul3A_32 = arith.muli %add3A, %mul3A_31 : i32
    %add3A_33 = arith.constant 16 : i32
    %add3A_34 = arith.addi %mul3A_32, %add3A_33 : i32
    "tpu.region"() ({
      %run_scoped3A = tpu.sem_alloc : memref<!tpu.dma_semaphore, #tpu.memory_space<semaphore_mem>>
      %dma_start3A = arith.constant 0 : i32
      %dma_start3A_137 = tpu.memref_slice %arg2[%add3A_34, %dma_start3A] : memref<2048x2048xf32, #tpu.memory_space<hbm>> -> memref<8x2048xf32, #tpu.memory_space<hbm>>
      %dma_start3A_138 = arith.constant 0 : i32
      %dma_start3A_139 = tpu.memref_slice %arg2[%add3A_34, %dma_start3A_138] : memref<2048x2048xf32, #tpu.memory_space<hbm>> -> memref<8x2048xf32, #tpu.memory_space<hbm>>
      tpu.enqueue_dma source(%dma_start3A_139 : memref<8x2048xf32, #tpu.memory_space<hbm>>) target(%arg5 : memref<8x2048xf32, #tpu.memory_space<vmem>>) target_semaphore(%run_scoped3A : memref<!tpu.dma_semaphore, #tpu.memory_space<semaphore_mem>>)
      %dma_wait3A = arith.constant 0 : i32
      %dma_wait3A_140 = tpu.memref_slice %arg2[%add3A_34, %dma_wait3A] : memref<2048x2048xf32, #tpu.memory_space<hbm>> -> memref<8x2048xf32, #tpu.memory_space<hbm>>
      %dma_wait3A_141 = arith.constant 0 : i32
      %dma_wait3A_142 = tpu.memref_slice %arg2[%add3A_34, %dma_wait3A_141] : memref<2048x2048xf32, #tpu.memory_space<hbm>> -> memref<8x2048xf32, #tpu.memory_space<hbm>>
      tpu.wait_dma2 semaphore(%run_scoped3A : memref<!tpu.dma_semaphore, #tpu.memory_space<semaphore_mem>>) src(%dma_wait3A_142 : memref<8x2048xf32, #tpu.memory_space<hbm>>) dst(%arg5 : memref<8x2048xf32, #tpu.memory_space<vmem>>)
      tpu.yield
    }) : () -> ()
    %scan3A_35 = arith.constant 0 : i32
    %scan3A_36 = arith.constant 1024 : i32
    %scan3A_37 = arith.addi %scan3A_35, %scan3A_36 : i32
    %scan3A_38 = arith.constant 1 : i32
    %scan3A_39 = scf.for %scan3A_137 = %scan3A_35 to %scan3A_37 step %scan3A_38 iter_args(%scan3A_138 = %scan3A_29) -> (i32)  : i32 {
      %jit3A_139 = arith.constant 128 : i32
      %div3A_140 = arith.divsi %scan3A_137, %jit3A_139 : i32
      %sign3A_141 = arith.constant 0 : i32
      %sign3A_142 = arith.cmpi sgt, %scan3A_137, %sign3A_141 : i32
      %sign3A_143 = arith.extui %sign3A_142 : i1 to i32
      %sign3A_144 = arith.constant 0 : i32
      %sign3A_145 = arith.cmpi slt, %scan3A_137, %sign3A_144 : i32
      %sign3A_146 = arith.extui %sign3A_145 : i1 to i32
      %sign3A_147 = arith.subi %sign3A_143, %sign3A_146 : i32
      %sign3A_148 = arith.constant 0 : i32
      %sign3A_149 = arith.cmpi sgt, %jit3A_139, %sign3A_148 : i32
      %sign3A_150 = arith.extui %sign3A_149 : i1 to i32
      %sign3A_151 = arith.constant 0 : i32
      %sign3A_152 = arith.cmpi slt, %jit3A_139, %sign3A_151 : i32
      %sign3A_153 = arith.extui %sign3A_152 : i1 to i32
      %sign3A_154 = arith.subi %sign3A_150, %sign3A_153 : i32
      %ne3A_155 = arith.cmpi ne, %sign3A_147, %sign3A_154 : i32
      %rem3A_156 = arith.remsi %scan3A_137, %jit3A_139 : i32
      %ne3A_157 = arith.constant 0 : i32
      %ne3A_158 = arith.cmpi ne, %rem3A_156, %ne3A_157 : i32
      %and3A_159 = arith.andi %ne3A_155, %ne3A_158 : i1
      %sub3A_160 = arith.constant 1 : i32
      %sub3A_161 = arith.subi %div3A_140, %sub3A_160 : i32
      %select_n3A_162 = arith.select %and3A_159, %sub3A_161, %div3A_140 : i32
      %jit3A_163 = arith.constant 128 : i32
      %eq3A = arith.constant 0 : i32
      %eq3A_164 = arith.cmpi eq, %jit3A_163, %eq3A : i32
      %jit3A_165 = arith.constant 1 : i32
      %select_n3A_166 = arith.select %eq3A_164, %jit3A_165, %jit3A_163 : i32
      %rem3A_167 = arith.remsi %scan3A_137, %select_n3A_166 : i32
      %ne3A_168 = arith.constant 0 : i32
      %ne3A_169 = arith.cmpi ne, %rem3A_167, %ne3A_168 : i32
      %lt3A = arith.constant 0 : i32
      %lt3A_170 = arith.cmpi slt, %rem3A_167, %lt3A : i32
      %lt3A_171 = arith.constant 0 : i32
      %lt3A_172 = arith.cmpi slt, %select_n3A_166, %lt3A_171 : i32
      %ne3A_173 = arith.xori %lt3A_170, %lt3A_172 : i1
      %and3A_174 = arith.andi %ne3A_173, %ne3A_169 : i1
      %add3A_175 = arith.addi %rem3A_167, %select_n3A_166 : i32
      %select_n3A_176 = arith.select %and3A_174, %add3A_175, %rem3A_167 : i32
      %mul3A_177 = arith.constant 16 : i32
      %mul3A_178 = arith.muli %select_n3A_176, %mul3A_177 : i32
      %get3A = arith.index_cast %select_n3A_162 : i32 to index
      %get3A_179 = arith.index_cast %mul3A_178 : i32 to index
      %get3A_180 = tpu.vector_load %arg5[%get3A, %get3A_179] {strides = array<i32>} : memref<8x2048xf32, #tpu.memory_space<vmem>>, vector<16xf32>,
      %gt3A = arith.constant 0.000000e+00 : f32
      %gt3A_181 = vector.broadcast %gt3A : f32 to vector<16xf32>
      %gt3A_182 = arith.cmpf ogt, %get3A_180, %gt3A_181 : vector<16xf32>
      %add3A_183 = arith.addi %add3A_34, %select_n3A_162 : i32
      %mul3A_184 = arith.constant 2048 : i32
      %mul3A_185 = arith.muli %add3A_183, %mul3A_184 : i32
      %add3A_186 = arith.addi %mul3A_185, %mul3A_178 : i32
      %broadcast_in_dim3A_187 = vector.broadcast %add3A_186 : i32 to vector<16xi32>
      %add3A_188 = arith.addi %broadcast_in_dim3A_187, %iota3A : vector<16xi32>
      %convert_element_type3A = arith.extui %gt3A_182 : vector<16xi1> to vector<16xi32>
      %broadcast_in_dim3A_189 = arith.constant true
      %broadcast_in_dim3A_190 = vector.broadcast %broadcast_in_dim3A_189 : i1 to vector<16xi1>
      %masked_cumsum3A = tpu.scan <sum>, %convert_element_type3A masked %broadcast_in_dim3A_190 : vector<16xi32>, vector<16xi1> -> vector<16xi32>
      %min3A_191 = arith.constant 16352 : i32
      %min3A_192 = arith.minsi %scan3A_138, %min3A_191 : i32
      %add3A_193 = vector.broadcast %min3A_192 : i32 to vector<16xi32>
      %add3A_194 = arith.addi %add3A_193, %masked_cumsum3A : vector<16xi32>
      %sub3A_195 = arith.constant 1 : i32
      %sub3A_196 = vector.broadcast %sub3A_195 : i32 to vector<16xi32>
      %sub3A_197 = arith.subi %add3A_194, %sub3A_196 : vector<16xi32>
      %add3A_198 = arith.constant 16384 : i32
      %add3A_199 = vector.broadcast %add3A_198 : i32 to vector<16xi32>
      %add3A_200 = arith.addi %add3A_199, %iota3A : vector<16xi32>
      %select_n3A_201 = arith.select %gt3A_182, %sub3A_197, %add3A_200 : vector<16xi1>, vector<16xi32>
      tpu.vector_store_idx %arg6[%select_n3A_201], %get3A_180 : memref<16400xf32, #tpu.memory_space<vmem>>[vector<16xi32>], vector<16xf32>,
      tpu.vector_store_idx %arg7[%select_n3A_201], %add3A_188 : memref<16400xi32, #tpu.memory_space<vmem>>[vector<16xi32>], vector<16xi32>,
      %slice3A = vector.extract_strided_slice %masked_cumsum3A {offsets = [15], sizes = [1], strides = [1]} : vector<16xi32> to vector<1xi32>
      %squeeze3A = vector.extract %slice3A[0] : i32 from vector<1xi32>
      %add3A_202 = arith.addi %scan3A_138, %squeeze3A : i32
      scf.yield %add3A_202 : i32
    }
    %scan3A_40 = arith.constant 1024 : i32
    %mul3A_41 = arith.constant 64 : i32
    %mul3A_42 = arith.muli %add3A, %mul3A_41 : i32
    %add3A_43 = arith.constant 24 : i32
    %add3A_44 = arith.addi %mul3A_42, %add3A_43 : i32
    "tpu.region"() ({
      %run_scoped3A = tpu.sem_alloc : memref<!tpu.dma_semaphore, #tpu.memory_space<semaphore_mem>>
      %dma_start3A = arith.constant 0 : i32
      %dma_start3A_137 = tpu.memref_slice %arg2[%add3A_44, %dma_start3A] : memref<2048x2048xf32, #tpu.memory_space<hbm>> -> memref<8x2048xf32, #tpu.memory_space<hbm>>
      %dma_start3A_138 = arith.constant 0 : i32
      %dma_start3A_139 = tpu.memref_slice %arg2[%add3A_44, %dma_start3A_138] : memref<2048x2048xf32, #tpu.memory_space<hbm>> -> memref<8x2048xf32, #tpu.memory_space<hbm>>
      tpu.enqueue_dma source(%dma_start3A_139 : memref<8x2048xf32, #tpu.memory_space<hbm>>) target(%arg5 : memref<8x2048xf32, #tpu.memory_space<vmem>>) target_semaphore(%run_scoped3A : memref<!tpu.dma_semaphore, #tpu.memory_space<semaphore_mem>>)
      %dma_wait3A = arith.constant 0 : i32
      %dma_wait3A_140 = tpu.memref_slice %arg2[%add3A_44, %dma_wait3A] : memref<2048x2048xf32, #tpu.memory_space<hbm>> -> memref<8x2048xf32, #tpu.memory_space<hbm>>
      %dma_wait3A_141 = arith.constant 0 : i32
      %dma_wait3A_142 = tpu.memref_slice %arg2[%add3A_44, %dma_wait3A_141] : memref<2048x2048xf32, #tpu.memory_space<hbm>> -> memref<8x2048xf32, #tpu.memory_space<hbm>>
      tpu.wait_dma2 semaphore(%run_scoped3A : memref<!tpu.dma_semaphore, #tpu.memory_space<semaphore_mem>>) src(%dma_wait3A_142 : memref<8x2048xf32, #tpu.memory_space<hbm>>) dst(%arg5 : memref<8x2048xf32, #tpu.memory_space<vmem>>)
      tpu.yield
    }) : () -> ()
    %scan3A_45 = arith.constant 0 : i32
    %scan3A_46 = arith.constant 1024 : i32
    %scan3A_47 = arith.addi %scan3A_45, %scan3A_46 : i32
    %scan3A_48 = arith.constant 1 : i32
    %scan3A_49 = scf.for %scan3A_137 = %scan3A_45 to %scan3A_47 step %scan3A_48 iter_args(%scan3A_138 = %scan3A_39) -> (i32)  : i32 {
      %jit3A_139 = arith.constant 128 : i32
      %div3A_140 = arith.divsi %scan3A_137, %jit3A_139 : i32
      %sign3A_141 = arith.constant 0 : i32
      %sign3A_142 = arith.cmpi sgt, %scan3A_137, %sign3A_141 : i32
      %sign3A_143 = arith.extui %sign3A_142 : i1 to i32
      %sign3A_144 = arith.constant 0 : i32
      %sign3A_145 = arith.cmpi slt, %scan3A_137, %sign3A_144 : i32
      %sign3A_146 = arith.extui %sign3A_145 : i1 to i32
      %sign3A_147 = arith.subi %sign3A_143, %sign3A_146 : i32
      %sign3A_148 = arith.constant 0 : i32
      %sign3A_149 = arith.cmpi sgt, %jit3A_139, %sign3A_148 : i32
      %sign3A_150 = arith.extui %sign3A_149 : i1 to i32
      %sign3A_151 = arith.constant 0 : i32
      %sign3A_152 = arith.cmpi slt, %jit3A_139, %sign3A_151 : i32
      %sign3A_153 = arith.extui %sign3A_152 : i1 to i32
      %sign3A_154 = arith.subi %sign3A_150, %sign3A_153 : i32
      %ne3A_155 = arith.cmpi ne, %sign3A_147, %sign3A_154 : i32
      %rem3A_156 = arith.remsi %scan3A_137, %jit3A_139 : i32
      %ne3A_157 = arith.constant 0 : i32
      %ne3A_158 = arith.cmpi ne, %rem3A_156, %ne3A_157 : i32
      %and3A_159 = arith.andi %ne3A_155, %ne3A_158 : i1
      %sub3A_160 = arith.constant 1 : i32
      %sub3A_161 = arith.subi %div3A_140, %sub3A_160 : i32
      %select_n3A_162 = arith.select %and3A_159, %sub3A_161, %div3A_140 : i32
      %jit3A_163 = arith.constant 128 : i32
      %eq3A = arith.constant 0 : i32
      %eq3A_164 = arith.cmpi eq, %jit3A_163, %eq3A : i32
      %jit3A_165 = arith.constant 1 : i32
      %select_n3A_166 = arith.select %eq3A_164, %jit3A_165, %jit3A_163 : i32
      %rem3A_167 = arith.remsi %scan3A_137, %select_n3A_166 : i32
      %ne3A_168 = arith.constant 0 : i32
      %ne3A_169 = arith.cmpi ne, %rem3A_167, %ne3A_168 : i32
      %lt3A = arith.constant 0 : i32
      %lt3A_170 = arith.cmpi slt, %rem3A_167, %lt3A : i32
      %lt3A_171 = arith.constant 0 : i32
      %lt3A_172 = arith.cmpi slt, %select_n3A_166, %lt3A_171 : i32
      %ne3A_173 = arith.xori %lt3A_170, %lt3A_172 : i1
      %and3A_174 = arith.andi %ne3A_173, %ne3A_169 : i1
      %add3A_175 = arith.addi %rem3A_167, %select_n3A_166 : i32
      %select_n3A_176 = arith.select %and3A_174, %add3A_175, %rem3A_167 : i32
      %mul3A_177 = arith.constant 16 : i32
      %mul3A_178 = arith.muli %select_n3A_176, %mul3A_177 : i32
      %get3A = arith.index_cast %select_n3A_162 : i32 to index
      %get3A_179 = arith.index_cast %mul3A_178 : i32 to index
      %get3A_180 = tpu.vector_load %arg5[%get3A, %get3A_179] {strides = array<i32>} : memref<8x2048xf32, #tpu.memory_space<vmem>>, vector<16xf32>,
      %gt3A = arith.constant 0.000000e+00 : f32
      %gt3A_181 = vector.broadcast %gt3A : f32 to vector<16xf32>
      %gt3A_182 = arith.cmpf ogt, %get3A_180, %gt3A_181 : vector<16xf32>
      %add3A_183 = arith.addi %add3A_44, %select_n3A_162 : i32
      %mul3A_184 = arith.constant 2048 : i32
      %mul3A_185 = arith.muli %add3A_183, %mul3A_184 : i32
      %add3A_186 = arith.addi %mul3A_185, %mul3A_178 : i32
      %broadcast_in_dim3A_187 = vector.broadcast %add3A_186 : i32 to vector<16xi32>
      %add3A_188 = arith.addi %broadcast_in_dim3A_187, %iota3A : vector<16xi32>
      %convert_element_type3A = arith.extui %gt3A_182 : vector<16xi1> to vector<16xi32>
      %broadcast_in_dim3A_189 = arith.constant true
      %broadcast_in_dim3A_190 = vector.broadcast %broadcast_in_dim3A_189 : i1 to vector<16xi1>
      %masked_cumsum3A = tpu.scan <sum>, %convert_element_type3A masked %broadcast_in_dim3A_190 : vector<16xi32>, vector<16xi1> -> vector<16xi32>
      %min3A_191 = arith.constant 16352 : i32
      %min3A_192 = arith.minsi %scan3A_138, %min3A_191 : i32
      %add3A_193 = vector.broadcast %min3A_192 : i32 to vector<16xi32>
      %add3A_194 = arith.addi %add3A_193, %masked_cumsum3A : vector<16xi32>
      %sub3A_195 = arith.constant 1 : i32
      %sub3A_196 = vector.broadcast %sub3A_195 : i32 to vector<16xi32>
      %sub3A_197 = arith.subi %add3A_194, %sub3A_196 : vector<16xi32>
      %add3A_198 = arith.constant 16384 : i32
      %add3A_199 = vector.broadcast %add3A_198 : i32 to vector<16xi32>
      %add3A_200 = arith.addi %add3A_199, %iota3A : vector<16xi32>
      %select_n3A_201 = arith.select %gt3A_182, %sub3A_197, %add3A_200 : vector<16xi1>, vector<16xi32>
      tpu.vector_store_idx %arg6[%select_n3A_201], %get3A_180 : memref<16400xf32, #tpu.memory_space<vmem>>[vector<16xi32>], vector<16xf32>,
      tpu.vector_store_idx %arg7[%select_n3A_201], %add3A_188 : memref<16400xi32, #tpu.memory_space<vmem>>[vector<16xi32>], vector<16xi32>,
      %slice3A = vector.extract_strided_slice %masked_cumsum3A {offsets = [15], sizes = [1], strides = [1]} : vector<16xi32> to vector<1xi32>
      %squeeze3A = vector.extract %slice3A[0] : i32 from vector<1xi32>
      %add3A_202 = arith.addi %scan3A_138, %squeeze3A : i32
      scf.yield %add3A_202 : i32
    }
    %scan3A_50 = arith.constant 1024 : i32
    %mul3A_51 = arith.constant 64 : i32
    %mul3A_52 = arith.muli %add3A, %mul3A_51 : i32
    %add3A_53 = arith.constant 32 : i32
    %add3A_54 = arith.addi %mul3A_52, %add3A_53 : i32
    "tpu.region"() ({
      %run_scoped3A = tpu.sem_alloc : memref<!tpu.dma_semaphore, #tpu.memory_space<semaphore_mem>>
      %dma_start3A = arith.constant 0 : i32
      %dma_start3A_137 = tpu.memref_slice %arg2[%add3A_54, %dma_start3A] : memref<2048x2048xf32, #tpu.memory_space<hbm>> -> memref<8x2048xf32, #tpu.memory_space<hbm>>
      %dma_start3A_138 = arith.constant 0 : i32
      %dma_start3A_139 = tpu.memref_slice %arg2[%add3A_54, %dma_start3A_138] : memref<2048x2048xf32, #tpu.memory_space<hbm>> -> memref<8x2048xf32, #tpu.memory_space<hbm>>
      tpu.enqueue_dma source(%dma_start3A_139 : memref<8x2048xf32, #tpu.memory_space<hbm>>) target(%arg5 : memref<8x2048xf32, #tpu.memory_space<vmem>>) target_semaphore(%run_scoped3A : memref<!tpu.dma_semaphore, #tpu.memory_space<semaphore_mem>>)
      %dma_wait3A = arith.constant 0 : i32
      %dma_wait3A_140 = tpu.memref_slice %arg2[%add3A_54, %dma_wait3A] : memref<2048x2048xf32, #tpu.memory_space<hbm>> -> memref<8x2048xf32, #tpu.memory_space<hbm>>
      %dma_wait3A_141 = arith.constant 0 : i32
      %dma_wait3A_142 = tpu.memref_slice %arg2[%add3A_54, %dma_wait3A_141] : memref<2048x2048xf32, #tpu.memory_space<hbm>> -> memref<8x2048xf32, #tpu.memory_space<hbm>>
      tpu.wait_dma2 semaphore(%run_scoped3A : memref<!tpu.dma_semaphore, #tpu.memory_space<semaphore_mem>>) src(%dma_wait3A_142 : memref<8x2048xf32, #tpu.memory_space<hbm>>) dst(%arg5 : memref<8x2048xf32, #tpu.memory_space<vmem>>)
      tpu.yield
    }) : () -> ()
    %scan3A_55 = arith.constant 0 : i32
    %scan3A_56 = arith.constant 1024 : i32
    %scan3A_57 = arith.addi %scan3A_55, %scan3A_56 : i32
    %scan3A_58 = arith.constant 1 : i32
    %scan3A_59 = scf.for %scan3A_137 = %scan3A_55 to %scan3A_57 step %scan3A_58 iter_args(%scan3A_138 = %scan3A_49) -> (i32)  : i32 {
      %jit3A_139 = arith.constant 128 : i32
      %div3A_140 = arith.divsi %scan3A_137, %jit3A_139 : i32
      %sign3A_141 = arith.constant 0 : i32
      %sign3A_142 = arith.cmpi sgt, %scan3A_137, %sign3A_141 : i32
      %sign3A_143 = arith.extui %sign3A_142 : i1 to i32
      %sign3A_144 = arith.constant 0 : i32
      %sign3A_145 = arith.cmpi slt, %scan3A_137, %sign3A_144 : i32
      %sign3A_146 = arith.extui %sign3A_145 : i1 to i32
      %sign3A_147 = arith.subi %sign3A_143, %sign3A_146 : i32
      %sign3A_148 = arith.constant 0 : i32
      %sign3A_149 = arith.cmpi sgt, %jit3A_139, %sign3A_148 : i32
      %sign3A_150 = arith.extui %sign3A_149 : i1 to i32
      %sign3A_151 = arith.constant 0 : i32
      %sign3A_152 = arith.cmpi slt, %jit3A_139, %sign3A_151 : i32
      %sign3A_153 = arith.extui %sign3A_152 : i1 to i32
      %sign3A_154 = arith.subi %sign3A_150, %sign3A_153 : i32
      %ne3A_155 = arith.cmpi ne, %sign3A_147, %sign3A_154 : i32
      %rem3A_156 = arith.remsi %scan3A_137, %jit3A_139 : i32
      %ne3A_157 = arith.constant 0 : i32
      %ne3A_158 = arith.cmpi ne, %rem3A_156, %ne3A_157 : i32
      %and3A_159 = arith.andi %ne3A_155, %ne3A_158 : i1
      %sub3A_160 = arith.constant 1 : i32
      %sub3A_161 = arith.subi %div3A_140, %sub3A_160 : i32
      %select_n3A_162 = arith.select %and3A_159, %sub3A_161, %div3A_140 : i32
      %jit3A_163 = arith.constant 128 : i32
      %eq3A = arith.constant 0 : i32
      %eq3A_164 = arith.cmpi eq, %jit3A_163, %eq3A : i32
      %jit3A_165 = arith.constant 1 : i32
      %select_n3A_166 = arith.select %eq3A_164, %jit3A_165, %jit3A_163 : i32
      %rem3A_167 = arith.remsi %scan3A_137, %select_n3A_166 : i32
      %ne3A_168 = arith.constant 0 : i32
      %ne3A_169 = arith.cmpi ne, %rem3A_167, %ne3A_168 : i32
      %lt3A = arith.constant 0 : i32
      %lt3A_170 = arith.cmpi slt, %rem3A_167, %lt3A : i32
      %lt3A_171 = arith.constant 0 : i32
      %lt3A_172 = arith.cmpi slt, %select_n3A_166, %lt3A_171 : i32
      %ne3A_173 = arith.xori %lt3A_170, %lt3A_172 : i1
      %and3A_174 = arith.andi %ne3A_173, %ne3A_169 : i1
      %add3A_175 = arith.addi %rem3A_167, %select_n3A_166 : i32
      %select_n3A_176 = arith.select %and3A_174, %add3A_175, %rem3A_167 : i32
      %mul3A_177 = arith.constant 16 : i32
      %mul3A_178 = arith.muli %select_n3A_176, %mul3A_177 : i32
      %get3A = arith.index_cast %select_n3A_162 : i32 to index
      %get3A_179 = arith.index_cast %mul3A_178 : i32 to index
      %get3A_180 = tpu.vector_load %arg5[%get3A, %get3A_179] {strides = array<i32>} : memref<8x2048xf32, #tpu.memory_space<vmem>>, vector<16xf32>,
      %gt3A = arith.constant 0.000000e+00 : f32
      %gt3A_181 = vector.broadcast %gt3A : f32 to vector<16xf32>
      %gt3A_182 = arith.cmpf ogt, %get3A_180, %gt3A_181 : vector<16xf32>
      %add3A_183 = arith.addi %add3A_54, %select_n3A_162 : i32
      %mul3A_184 = arith.constant 2048 : i32
      %mul3A_185 = arith.muli %add3A_183, %mul3A_184 : i32
      %add3A_186 = arith.addi %mul3A_185, %mul3A_178 : i32
      %broadcast_in_dim3A_187 = vector.broadcast %add3A_186 : i32 to vector<16xi32>
      %add3A_188 = arith.addi %broadcast_in_dim3A_187, %iota3A : vector<16xi32>
      %convert_element_type3A = arith.extui %gt3A_182 : vector<16xi1> to vector<16xi32>
      %broadcast_in_dim3A_189 = arith.constant true
      %broadcast_in_dim3A_190 = vector.broadcast %broadcast_in_dim3A_189 : i1 to vector<16xi1>
      %masked_cumsum3A = tpu.scan <sum>, %convert_element_type3A masked %broadcast_in_dim3A_190 : vector<16xi32>, vector<16xi1> -> vector<16xi32>
      %min3A_191 = arith.constant 16352 : i32
      %min3A_192 = arith.minsi %scan3A_138, %min3A_191 : i32
      %add3A_193 = vector.broadcast %min3A_192 : i32 to vector<16xi32>
      %add3A_194 = arith.addi %add3A_193, %masked_cumsum3A : vector<16xi32>
      %sub3A_195 = arith.constant 1 : i32
      %sub3A_196 = vector.broadcast %sub3A_195 : i32 to vector<16xi32>
      %sub3A_197 = arith.subi %add3A_194, %sub3A_196 : vector<16xi32>
      %add3A_198 = arith.constant 16384 : i32
      %add3A_199 = vector.broadcast %add3A_198 : i32 to vector<16xi32>
      %add3A_200 = arith.addi %add3A_199, %iota3A : vector<16xi32>
      %select_n3A_201 = arith.select %gt3A_182, %sub3A_197, %add3A_200 : vector<16xi1>, vector<16xi32>
      tpu.vector_store_idx %arg6[%select_n3A_201], %get3A_180 : memref<16400xf32, #tpu.memory_space<vmem>>[vector<16xi32>], vector<16xf32>,
      tpu.vector_store_idx %arg7[%select_n3A_201], %add3A_188 : memref<16400xi32, #tpu.memory_space<vmem>>[vector<16xi32>], vector<16xi32>,
      %slice3A = vector.extract_strided_slice %masked_cumsum3A {offsets = [15], sizes = [1], strides = [1]} : vector<16xi32> to vector<1xi32>
      %squeeze3A = vector.extract %slice3A[0] : i32 from vector<1xi32>
      %add3A_202 = arith.addi %scan3A_138, %squeeze3A : i32
      scf.yield %add3A_202 : i32
    }
    %scan3A_60 = arith.constant 1024 : i32
    %mul3A_61 = arith.constant 64 : i32
    %mul3A_62 = arith.muli %add3A, %mul3A_61 : i32
    %add3A_63 = arith.constant 40 : i32
    %add3A_64 = arith.addi %mul3A_62, %add3A_63 : i32
    "tpu.region"() ({
      %run_scoped3A = tpu.sem_alloc : memref<!tpu.dma_semaphore, #tpu.memory_space<semaphore_mem>>
      %dma_start3A = arith.constant 0 : i32
      %dma_start3A_137 = tpu.memref_slice %arg2[%add3A_64, %dma_start3A] : memref<2048x2048xf32, #tpu.memory_space<hbm>> -> memref<8x2048xf32, #tpu.memory_space<hbm>>
      %dma_start3A_138 = arith.constant 0 : i32
      %dma_start3A_139 = tpu.memref_slice %arg2[%add3A_64, %dma_start3A_138] : memref<2048x2048xf32, #tpu.memory_space<hbm>> -> memref<8x2048xf32, #tpu.memory_space<hbm>>
      tpu.enqueue_dma source(%dma_start3A_139 : memref<8x2048xf32, #tpu.memory_space<hbm>>) target(%arg5 : memref<8x2048xf32, #tpu.memory_space<vmem>>) target_semaphore(%run_scoped3A : memref<!tpu.dma_semaphore, #tpu.memory_space<semaphore_mem>>)
      %dma_wait3A = arith.constant 0 : i32
      %dma_wait3A_140 = tpu.memref_slice %arg2[%add3A_64, %dma_wait3A] : memref<2048x2048xf32, #tpu.memory_space<hbm>> -> memref<8x2048xf32, #tpu.memory_space<hbm>>
      %dma_wait3A_141 = arith.constant 0 : i32
      %dma_wait3A_142 = tpu.memref_slice %arg2[%add3A_64, %dma_wait3A_141] : memref<2048x2048xf32, #tpu.memory_space<hbm>> -> memref<8x2048xf32, #tpu.memory_space<hbm>>
      tpu.wait_dma2 semaphore(%run_scoped3A : memref<!tpu.dma_semaphore, #tpu.memory_space<semaphore_mem>>) src(%dma_wait3A_142 : memref<8x2048xf32, #tpu.memory_space<hbm>>) dst(%arg5 : memref<8x2048xf32, #tpu.memory_space<vmem>>)
      tpu.yield
    }) : () -> ()
    %scan3A_65 = arith.constant 0 : i32
    %scan3A_66 = arith.constant 1024 : i32
    %scan3A_67 = arith.addi %scan3A_65, %scan3A_66 : i32
    %scan3A_68 = arith.constant 1 : i32
    %scan3A_69 = scf.for %scan3A_137 = %scan3A_65 to %scan3A_67 step %scan3A_68 iter_args(%scan3A_138 = %scan3A_59) -> (i32)  : i32 {
      %jit3A_139 = arith.constant 128 : i32
      %div3A_140 = arith.divsi %scan3A_137, %jit3A_139 : i32
      %sign3A_141 = arith.constant 0 : i32
      %sign3A_142 = arith.cmpi sgt, %scan3A_137, %sign3A_141 : i32
      %sign3A_143 = arith.extui %sign3A_142 : i1 to i32
      %sign3A_144 = arith.constant 0 : i32
      %sign3A_145 = arith.cmpi slt, %scan3A_137, %sign3A_144 : i32
      %sign3A_146 = arith.extui %sign3A_145 : i1 to i32
      %sign3A_147 = arith.subi %sign3A_143, %sign3A_146 : i32
      %sign3A_148 = arith.constant 0 : i32
      %sign3A_149 = arith.cmpi sgt, %jit3A_139, %sign3A_148 : i32
      %sign3A_150 = arith.extui %sign3A_149 : i1 to i32
      %sign3A_151 = arith.constant 0 : i32
      %sign3A_152 = arith.cmpi slt, %jit3A_139, %sign3A_151 : i32
      %sign3A_153 = arith.extui %sign3A_152 : i1 to i32
      %sign3A_154 = arith.subi %sign3A_150, %sign3A_153 : i32
      %ne3A_155 = arith.cmpi ne, %sign3A_147, %sign3A_154 : i32
      %rem3A_156 = arith.remsi %scan3A_137, %jit3A_139 : i32
      %ne3A_157 = arith.constant 0 : i32
      %ne3A_158 = arith.cmpi ne, %rem3A_156, %ne3A_157 : i32
      %and3A_159 = arith.andi %ne3A_155, %ne3A_158 : i1
      %sub3A_160 = arith.constant 1 : i32
      %sub3A_161 = arith.subi %div3A_140, %sub3A_160 : i32
      %select_n3A_162 = arith.select %and3A_159, %sub3A_161, %div3A_140 : i32
      %jit3A_163 = arith.constant 128 : i32
      %eq3A = arith.constant 0 : i32
      %eq3A_164 = arith.cmpi eq, %jit3A_163, %eq3A : i32
      %jit3A_165 = arith.constant 1 : i32
      %select_n3A_166 = arith.select %eq3A_164, %jit3A_165, %jit3A_163 : i32
      %rem3A_167 = arith.remsi %scan3A_137, %select_n3A_166 : i32
      %ne3A_168 = arith.constant 0 : i32
      %ne3A_169 = arith.cmpi ne, %rem3A_167, %ne3A_168 : i32
      %lt3A = arith.constant 0 : i32
      %lt3A_170 = arith.cmpi slt, %rem3A_167, %lt3A : i32
      %lt3A_171 = arith.constant 0 : i32
      %lt3A_172 = arith.cmpi slt, %select_n3A_166, %lt3A_171 : i32
      %ne3A_173 = arith.xori %lt3A_170, %lt3A_172 : i1
      %and3A_174 = arith.andi %ne3A_173, %ne3A_169 : i1
      %add3A_175 = arith.addi %rem3A_167, %select_n3A_166 : i32
      %select_n3A_176 = arith.select %and3A_174, %add3A_175, %rem3A_167 : i32
      %mul3A_177 = arith.constant 16 : i32
      %mul3A_178 = arith.muli %select_n3A_176, %mul3A_177 : i32
      %get3A = arith.index_cast %select_n3A_162 : i32 to index
      %get3A_179 = arith.index_cast %mul3A_178 : i32 to index
      %get3A_180 = tpu.vector_load %arg5[%get3A, %get3A_179] {strides = array<i32>} : memref<8x2048xf32, #tpu.memory_space<vmem>>, vector<16xf32>,
      %gt3A = arith.constant 0.000000e+00 : f32
      %gt3A_181 = vector.broadcast %gt3A : f32 to vector<16xf32>
      %gt3A_182 = arith.cmpf ogt, %get3A_180, %gt3A_181 : vector<16xf32>
      %add3A_183 = arith.addi %add3A_64, %select_n3A_162 : i32
      %mul3A_184 = arith.constant 2048 : i32
      %mul3A_185 = arith.muli %add3A_183, %mul3A_184 : i32
      %add3A_186 = arith.addi %mul3A_185, %mul3A_178 : i32
      %broadcast_in_dim3A_187 = vector.broadcast %add3A_186 : i32 to vector<16xi32>
      %add3A_188 = arith.addi %broadcast_in_dim3A_187, %iota3A : vector<16xi32>
      %convert_element_type3A = arith.extui %gt3A_182 : vector<16xi1> to vector<16xi32>
      %broadcast_in_dim3A_189 = arith.constant true
      %broadcast_in_dim3A_190 = vector.broadcast %broadcast_in_dim3A_189 : i1 to vector<16xi1>
      %masked_cumsum3A = tpu.scan <sum>, %convert_element_type3A masked %broadcast_in_dim3A_190 : vector<16xi32>, vector<16xi1> -> vector<16xi32>
      %min3A_191 = arith.constant 16352 : i32
      %min3A_192 = arith.minsi %scan3A_138, %min3A_191 : i32
      %add3A_193 = vector.broadcast %min3A_192 : i32 to vector<16xi32>
      %add3A_194 = arith.addi %add3A_193, %masked_cumsum3A : vector<16xi32>
      %sub3A_195 = arith.constant 1 : i32
      %sub3A_196 = vector.broadcast %sub3A_195 : i32 to vector<16xi32>
      %sub3A_197 = arith.subi %add3A_194, %sub3A_196 : vector<16xi32>
      %add3A_198 = arith.constant 16384 : i32
      %add3A_199 = vector.broadcast %add3A_198 : i32 to vector<16xi32>
      %add3A_200 = arith.addi %add3A_199, %iota3A : vector<16xi32>
      %select_n3A_201 = arith.select %gt3A_182, %sub3A_197, %add3A_200 : vector<16xi1>, vector<16xi32>
      tpu.vector_store_idx %arg6[%select_n3A_201], %get3A_180 : memref<16400xf32, #tpu.memory_space<vmem>>[vector<16xi32>], vector<16xf32>,
      tpu.vector_store_idx %arg7[%select_n3A_201], %add3A_188 : memref<16400xi32, #tpu.memory_space<vmem>>[vector<16xi32>], vector<16xi32>,
      %slice3A = vector.extract_strided_slice %masked_cumsum3A {offsets = [15], sizes = [1], strides = [1]} : vector<16xi32> to vector<1xi32>
      %squeeze3A = vector.extract %slice3A[0] : i32 from vector<1xi32>
      %add3A_202 = arith.addi %scan3A_138, %squeeze3A : i32
      scf.yield %add3A_202 : i32
    }
    %scan3A_70 = arith.constant 1024 : i32
    %mul3A_71 = arith.constant 64 : i32
    %mul3A_72 = arith.muli %add3A, %mul3A_71 : i32
    %add3A_73 = arith.constant 48 : i32
    %add3A_74 = arith.addi %mul3A_72, %add3A_73 : i32
    "tpu.region"() ({
      %run_scoped3A = tpu.sem_alloc : memref<!tpu.dma_semaphore, #tpu.memory_space<semaphore_mem>>
      %dma_start3A = arith.constant 0 : i32
      %dma_start3A_137 = tpu.memref_slice %arg2[%add3A_74, %dma_start3A] : memref<2048x2048xf32, #tpu.memory_space<hbm>> -> memref<8x2048xf32, #tpu.memory_space<hbm>>
      %dma_start3A_138 = arith.constant 0 : i32
      %dma_start3A_139 = tpu.memref_slice %arg2[%add3A_74, %dma_start3A_138] : memref<2048x2048xf32, #tpu.memory_space<hbm>> -> memref<8x2048xf32, #tpu.memory_space<hbm>>
      tpu.enqueue_dma source(%dma_start3A_139 : memref<8x2048xf32, #tpu.memory_space<hbm>>) target(%arg5 : memref<8x2048xf32, #tpu.memory_space<vmem>>) target_semaphore(%run_scoped3A : memref<!tpu.dma_semaphore, #tpu.memory_space<semaphore_mem>>)
      %dma_wait3A = arith.constant 0 : i32
      %dma_wait3A_140 = tpu.memref_slice %arg2[%add3A_74, %dma_wait3A] : memref<2048x2048xf32, #tpu.memory_space<hbm>> -> memref<8x2048xf32, #tpu.memory_space<hbm>>
      %dma_wait3A_141 = arith.constant 0 : i32
      %dma_wait3A_142 = tpu.memref_slice %arg2[%add3A_74, %dma_wait3A_141] : memref<2048x2048xf32, #tpu.memory_space<hbm>> -> memref<8x2048xf32, #tpu.memory_space<hbm>>
      tpu.wait_dma2 semaphore(%run_scoped3A : memref<!tpu.dma_semaphore, #tpu.memory_space<semaphore_mem>>) src(%dma_wait3A_142 : memref<8x2048xf32, #tpu.memory_space<hbm>>) dst(%arg5 : memref<8x2048xf32, #tpu.memory_space<vmem>>)
      tpu.yield
    }) : () -> ()
    %scan3A_75 = arith.constant 0 : i32
    %scan3A_76 = arith.constant 1024 : i32
    %scan3A_77 = arith.addi %scan3A_75, %scan3A_76 : i32
    %scan3A_78 = arith.constant 1 : i32
    %scan3A_79 = scf.for %scan3A_137 = %scan3A_75 to %scan3A_77 step %scan3A_78 iter_args(%scan3A_138 = %scan3A_69) -> (i32)  : i32 {
      %jit3A_139 = arith.constant 128 : i32
      %div3A_140 = arith.divsi %scan3A_137, %jit3A_139 : i32
      %sign3A_141 = arith.constant 0 : i32
      %sign3A_142 = arith.cmpi sgt, %scan3A_137, %sign3A_141 : i32
      %sign3A_143 = arith.extui %sign3A_142 : i1 to i32
      %sign3A_144 = arith.constant 0 : i32
      %sign3A_145 = arith.cmpi slt, %scan3A_137, %sign3A_144 : i32
      %sign3A_146 = arith.extui %sign3A_145 : i1 to i32
      %sign3A_147 = arith.subi %sign3A_143, %sign3A_146 : i32
      %sign3A_148 = arith.constant 0 : i32
      %sign3A_149 = arith.cmpi sgt, %jit3A_139, %sign3A_148 : i32
      %sign3A_150 = arith.extui %sign3A_149 : i1 to i32
      %sign3A_151 = arith.constant 0 : i32
      %sign3A_152 = arith.cmpi slt, %jit3A_139, %sign3A_151 : i32
      %sign3A_153 = arith.extui %sign3A_152 : i1 to i32
      %sign3A_154 = arith.subi %sign3A_150, %sign3A_153 : i32
      %ne3A_155 = arith.cmpi ne, %sign3A_147, %sign3A_154 : i32
      %rem3A_156 = arith.remsi %scan3A_137, %jit3A_139 : i32
      %ne3A_157 = arith.constant 0 : i32
      %ne3A_158 = arith.cmpi ne, %rem3A_156, %ne3A_157 : i32
      %and3A_159 = arith.andi %ne3A_155, %ne3A_158 : i1
      %sub3A_160 = arith.constant 1 : i32
      %sub3A_161 = arith.subi %div3A_140, %sub3A_160 : i32
      %select_n3A_162 = arith.select %and3A_159, %sub3A_161, %div3A_140 : i32
      %jit3A_163 = arith.constant 128 : i32
      %eq3A = arith.constant 0 : i32
      %eq3A_164 = arith.cmpi eq, %jit3A_163, %eq3A : i32
      %jit3A_165 = arith.constant 1 : i32
      %select_n3A_166 = arith.select %eq3A_164, %jit3A_165, %jit3A_163 : i32
      %rem3A_167 = arith.remsi %scan3A_137, %select_n3A_166 : i32
      %ne3A_168 = arith.constant 0 : i32
      %ne3A_169 = arith.cmpi ne, %rem3A_167, %ne3A_168 : i32
      %lt3A = arith.constant 0 : i32
      %lt3A_170 = arith.cmpi slt, %rem3A_167, %lt3A : i32
      %lt3A_171 = arith.constant 0 : i32
      %lt3A_172 = arith.cmpi slt, %select_n3A_166, %lt3A_171 : i32
      %ne3A_173 = arith.xori %lt3A_170, %lt3A_172 : i1
      %and3A_174 = arith.andi %ne3A_173, %ne3A_169 : i1
      %add3A_175 = arith.addi %rem3A_167, %select_n3A_166 : i32
      %select_n3A_176 = arith.select %and3A_174, %add3A_175, %rem3A_167 : i32
      %mul3A_177 = arith.constant 16 : i32
      %mul3A_178 = arith.muli %select_n3A_176, %mul3A_177 : i32
      %get3A = arith.index_cast %select_n3A_162 : i32 to index
      %get3A_179 = arith.index_cast %mul3A_178 : i32 to index
      %get3A_180 = tpu.vector_load %arg5[%get3A, %get3A_179] {strides = array<i32>} : memref<8x2048xf32, #tpu.memory_space<vmem>>, vector<16xf32>,
      %gt3A = arith.constant 0.000000e+00 : f32
      %gt3A_181 = vector.broadcast %gt3A : f32 to vector<16xf32>
      %gt3A_182 = arith.cmpf ogt, %get3A_180, %gt3A_181 : vector<16xf32>
      %add3A_183 = arith.addi %add3A_74, %select_n3A_162 : i32
      %mul3A_184 = arith.constant 2048 : i32
      %mul3A_185 = arith.muli %add3A_183, %mul3A_184 : i32
      %add3A_186 = arith.addi %mul3A_185, %mul3A_178 : i32
      %broadcast_in_dim3A_187 = vector.broadcast %add3A_186 : i32 to vector<16xi32>
      %add3A_188 = arith.addi %broadcast_in_dim3A_187, %iota3A : vector<16xi32>
      %convert_element_type3A = arith.extui %gt3A_182 : vector<16xi1> to vector<16xi32>
      %broadcast_in_dim3A_189 = arith.constant true
      %broadcast_in_dim3A_190 = vector.broadcast %broadcast_in_dim3A_189 : i1 to vector<16xi1>
      %masked_cumsum3A = tpu.scan <sum>, %convert_element_type3A masked %broadcast_in_dim3A_190 : vector<16xi32>, vector<16xi1> -> vector<16xi32>
      %min3A_191 = arith.constant 16352 : i32
      %min3A_192 = arith.minsi %scan3A_138, %min3A_191 : i32
      %add3A_193 = vector.broadcast %min3A_192 : i32 to vector<16xi32>
      %add3A_194 = arith.addi %add3A_193, %masked_cumsum3A : vector<16xi32>
      %sub3A_195 = arith.constant 1 : i32
      %sub3A_196 = vector.broadcast %sub3A_195 : i32 to vector<16xi32>
      %sub3A_197 = arith.subi %add3A_194, %sub3A_196 : vector<16xi32>
      %add3A_198 = arith.constant 16384 : i32
      %add3A_199 = vector.broadcast %add3A_198 : i32 to vector<16xi32>
      %add3A_200 = arith.addi %add3A_199, %iota3A : vector<16xi32>
      %select_n3A_201 = arith.select %gt3A_182, %sub3A_197, %add3A_200 : vector<16xi1>, vector<16xi32>
      tpu.vector_store_idx %arg6[%select_n3A_201], %get3A_180 : memref<16400xf32, #tpu.memory_space<vmem>>[vector<16xi32>], vector<16xf32>,
      tpu.vector_store_idx %arg7[%select_n3A_201], %add3A_188 : memref<16400xi32, #tpu.memory_space<vmem>>[vector<16xi32>], vector<16xi32>,
      %slice3A = vector.extract_strided_slice %masked_cumsum3A {offsets = [15], sizes = [1], strides = [1]} : vector<16xi32> to vector<1xi32>
      %squeeze3A = vector.extract %slice3A[0] : i32 from vector<1xi32>
      %add3A_202 = arith.addi %scan3A_138, %squeeze3A : i32
      scf.yield %add3A_202 : i32
    }
    %scan3A_80 = arith.constant 1024 : i32
    %mul3A_81 = arith.constant 64 : i32
    %mul3A_82 = arith.muli %add3A, %mul3A_81 : i32
    %add3A_83 = arith.constant 56 : i32
    %add3A_84 = arith.addi %mul3A_82, %add3A_83 : i32
    "tpu.region"() ({
      %run_scoped3A = tpu.sem_alloc : memref<!tpu.dma_semaphore, #tpu.memory_space<semaphore_mem>>
      %dma_start3A = arith.constant 0 : i32
      %dma_start3A_137 = tpu.memref_slice %arg2[%add3A_84, %dma_start3A] : memref<2048x2048xf32, #tpu.memory_space<hbm>> -> memref<8x2048xf32, #tpu.memory_space<hbm>>
      %dma_start3A_138 = arith.constant 0 : i32
      %dma_start3A_139 = tpu.memref_slice %arg2[%add3A_84, %dma_start3A_138] : memref<2048x2048xf32, #tpu.memory_space<hbm>> -> memref<8x2048xf32, #tpu.memory_space<hbm>>
      tpu.enqueue_dma source(%dma_start3A_139 : memref<8x2048xf32, #tpu.memory_space<hbm>>) target(%arg5 : memref<8x2048xf32, #tpu.memory_space<vmem>>) target_semaphore(%run_scoped3A : memref<!tpu.dma_semaphore, #tpu.memory_space<semaphore_mem>>)
      %dma_wait3A = arith.constant 0 : i32
      %dma_wait3A_140 = tpu.memref_slice %arg2[%add3A_84, %dma_wait3A] : memref<2048x2048xf32, #tpu.memory_space<hbm>> -> memref<8x2048xf32, #tpu.memory_space<hbm>>
      %dma_wait3A_141 = arith.constant 0 : i32
      %dma_wait3A_142 = tpu.memref_slice %arg2[%add3A_84, %dma_wait3A_141] : memref<2048x2048xf32, #tpu.memory_space<hbm>> -> memref<8x2048xf32, #tpu.memory_space<hbm>>
      tpu.wait_dma2 semaphore(%run_scoped3A : memref<!tpu.dma_semaphore, #tpu.memory_space<semaphore_mem>>) src(%dma_wait3A_142 : memref<8x2048xf32, #tpu.memory_space<hbm>>) dst(%arg5 : memref<8x2048xf32, #tpu.memory_space<vmem>>)
      tpu.yield
    }) : () -> ()
    %scan3A_85 = arith.constant 0 : i32
    %scan3A_86 = arith.constant 1024 : i32
    %scan3A_87 = arith.addi %scan3A_85, %scan3A_86 : i32
    %scan3A_88 = arith.constant 1 : i32
    %scan3A_89 = scf.for %scan3A_137 = %scan3A_85 to %scan3A_87 step %scan3A_88 iter_args(%scan3A_138 = %scan3A_79) -> (i32)  : i32 {
      %jit3A_139 = arith.constant 128 : i32
      %div3A_140 = arith.divsi %scan3A_137, %jit3A_139 : i32
      %sign3A_141 = arith.constant 0 : i32
      %sign3A_142 = arith.cmpi sgt, %scan3A_137, %sign3A_141 : i32
      %sign3A_143 = arith.extui %sign3A_142 : i1 to i32
      %sign3A_144 = arith.constant 0 : i32
      %sign3A_145 = arith.cmpi slt, %scan3A_137, %sign3A_144 : i32
      %sign3A_146 = arith.extui %sign3A_145 : i1 to i32
      %sign3A_147 = arith.subi %sign3A_143, %sign3A_146 : i32
      %sign3A_148 = arith.constant 0 : i32
      %sign3A_149 = arith.cmpi sgt, %jit3A_139, %sign3A_148 : i32
      %sign3A_150 = arith.extui %sign3A_149 : i1 to i32
      %sign3A_151 = arith.constant 0 : i32
      %sign3A_152 = arith.cmpi slt, %jit3A_139, %sign3A_151 : i32
      %sign3A_153 = arith.extui %sign3A_152 : i1 to i32
      %sign3A_154 = arith.subi %sign3A_150, %sign3A_153 : i32
      %ne3A_155 = arith.cmpi ne, %sign3A_147, %sign3A_154 : i32
      %rem3A_156 = arith.remsi %scan3A_137, %jit3A_139 : i32
      %ne3A_157 = arith.constant 0 : i32
      %ne3A_158 = arith.cmpi ne, %rem3A_156, %ne3A_157 : i32
      %and3A_159 = arith.andi %ne3A_155, %ne3A_158 : i1
      %sub3A_160 = arith.constant 1 : i32
      %sub3A_161 = arith.subi %div3A_140, %sub3A_160 : i32
      %select_n3A_162 = arith.select %and3A_159, %sub3A_161, %div3A_140 : i32
      %jit3A_163 = arith.constant 128 : i32
      %eq3A = arith.constant 0 : i32
      %eq3A_164 = arith.cmpi eq, %jit3A_163, %eq3A : i32
      %jit3A_165 = arith.constant 1 : i32
      %select_n3A_166 = arith.select %eq3A_164, %jit3A_165, %jit3A_163 : i32
      %rem3A_167 = arith.remsi %scan3A_137, %select_n3A_166 : i32
      %ne3A_168 = arith.constant 0 : i32
      %ne3A_169 = arith.cmpi ne, %rem3A_167, %ne3A_168 : i32
      %lt3A = arith.constant 0 : i32
      %lt3A_170 = arith.cmpi slt, %rem3A_167, %lt3A : i32
      %lt3A_171 = arith.constant 0 : i32
      %lt3A_172 = arith.cmpi slt, %select_n3A_166, %lt3A_171 : i32
      %ne3A_173 = arith.xori %lt3A_170, %lt3A_172 : i1
      %and3A_174 = arith.andi %ne3A_173, %ne3A_169 : i1
      %add3A_175 = arith.addi %rem3A_167, %select_n3A_166 : i32
      %select_n3A_176 = arith.select %and3A_174, %add3A_175, %rem3A_167 : i32
      %mul3A_177 = arith.constant 16 : i32
      %mul3A_178 = arith.muli %select_n3A_176, %mul3A_177 : i32
      %get3A = arith.index_cast %select_n3A_162 : i32 to index
      %get3A_179 = arith.index_cast %mul3A_178 : i32 to index
      %get3A_180 = tpu.vector_load %arg5[%get3A, %get3A_179] {strides = array<i32>} : memref<8x2048xf32, #tpu.memory_space<vmem>>, vector<16xf32>,
      %gt3A = arith.constant 0.000000e+00 : f32
      %gt3A_181 = vector.broadcast %gt3A : f32 to vector<16xf32>
      %gt3A_182 = arith.cmpf ogt, %get3A_180, %gt3A_181 : vector<16xf32>
      %add3A_183 = arith.addi %add3A_84, %select_n3A_162 : i32
      %mul3A_184 = arith.constant 2048 : i32
      %mul3A_185 = arith.muli %add3A_183, %mul3A_184 : i32
      %add3A_186 = arith.addi %mul3A_185, %mul3A_178 : i32
      %broadcast_in_dim3A_187 = vector.broadcast %add3A_186 : i32 to vector<16xi32>
      %add3A_188 = arith.addi %broadcast_in_dim3A_187, %iota3A : vector<16xi32>
      %convert_element_type3A = arith.extui %gt3A_182 : vector<16xi1> to vector<16xi32>
      %broadcast_in_dim3A_189 = arith.constant true
      %broadcast_in_dim3A_190 = vector.broadcast %broadcast_in_dim3A_189 : i1 to vector<16xi1>
      %masked_cumsum3A = tpu.scan <sum>, %convert_element_type3A masked %broadcast_in_dim3A_190 : vector<16xi32>, vector<16xi1> -> vector<16xi32>
      %min3A_191 = arith.constant 16352 : i32
      %min3A_192 = arith.minsi %scan3A_138, %min3A_191 : i32
      %add3A_193 = vector.broadcast %min3A_192 : i32 to vector<16xi32>
      %add3A_194 = arith.addi %add3A_193, %masked_cumsum3A : vector<16xi32>
      %sub3A_195 = arith.constant 1 : i32
      %sub3A_196 = vector.broadcast %sub3A_195 : i32 to vector<16xi32>
      %sub3A_197 = arith.subi %add3A_194, %sub3A_196 : vector<16xi32>
      %add3A_198 = arith.constant 16384 : i32
      %add3A_199 = vector.broadcast %add3A_198 : i32 to vector<16xi32>
      %add3A_200 = arith.addi %add3A_199, %iota3A : vector<16xi32>
      %select_n3A_201 = arith.select %gt3A_182, %sub3A_197, %add3A_200 : vector<16xi1>, vector<16xi32>
      tpu.vector_store_idx %arg6[%select_n3A_201], %get3A_180 : memref<16400xf32, #tpu.memory_space<vmem>>[vector<16xi32>], vector<16xf32>,
      tpu.vector_store_idx %arg7[%select_n3A_201], %add3A_188 : memref<16400xi32, #tpu.memory_space<vmem>>[vector<16xi32>], vector<16xi32>,
      %slice3A = vector.extract_strided_slice %masked_cumsum3A {offsets = [15], sizes = [1], strides = [1]} : vector<16xi32> to vector<1xi32>
      %squeeze3A = vector.extract %slice3A[0] : i32 from vector<1xi32>
      %add3A_202 = arith.addi %scan3A_138, %squeeze3A : i32
      scf.yield %add3A_202 : i32
    }
    %scan3A_90 = arith.constant 1024 : i32
    %add3A_91 = arith.constant 15 : i32
    %add3A_92 = arith.addi %scan3A_89, %add3A_91 : i32
    %jit3A = arith.constant 16 : i32
    %div3A = arith.divsi %add3A_92, %jit3A : i32
    %sign3A = arith.constant 0 : i32
    %sign3A_93 = arith.cmpi sgt, %add3A_92, %sign3A : i32
    %sign3A_94 = arith.extui %sign3A_93 : i1 to i32
    %sign3A_95 = arith.constant 0 : i32
    %sign3A_96 = arith.cmpi slt, %add3A_92, %sign3A_95 : i32
    %sign3A_97 = arith.extui %sign3A_96 : i1 to i32
    %sign3A_98 = arith.subi %sign3A_94, %sign3A_97 : i32
    %sign3A_99 = arith.constant 0 : i32
    %sign3A_100 = arith.cmpi sgt, %jit3A, %sign3A_99 : i32
    %sign3A_101 = arith.extui %sign3A_100 : i1 to i32
    %sign3A_102 = arith.constant 0 : i32
    %sign3A_103 = arith.cmpi slt, %jit3A, %sign3A_102 : i32
    %sign3A_104 = arith.extui %sign3A_103 : i1 to i32
    %sign3A_105 = arith.subi %sign3A_101, %sign3A_104 : i32
    %ne3A = arith.cmpi ne, %sign3A_98, %sign3A_105 : i32
    %rem3A = arith.remsi %add3A_92, %jit3A : i32
    %ne3A_106 = arith.constant 0 : i32
    %ne3A_107 = arith.cmpi ne, %rem3A, %ne3A_106 : i32
    %and3A = arith.andi %ne3A, %ne3A_107 : i1
    %sub3A = arith.constant 1 : i32
    %sub3A_108 = arith.subi %div3A, %sub3A : i32
    %select_n3A = arith.select %and3A, %sub3A_108, %div3A : i32
    %min3A = arith.constant 992 : i32
    %min3A_109 = arith.minsi %min3A, %scan3A_89 : i32
    %scan3A_110 = arith.constant 0 : i32
    %scan3A_111 = arith.constant 1065353216 : i32
    %scan3A_112 = arith.constant 0 : i32
    %scan3A_113 = arith.constant 16 : i32
    %scan3A_114 = arith.addi %scan3A_112, %scan3A_113 : i32
    %scan3A_115 = arith.constant 1 : i32
    %scan3A_116:2 = scf.for %scan3A_137 = %scan3A_112 to %scan3A_114 step %scan3A_115 iter_args(%scan3A_138 = %scan3A_110, %scan3A_139 = %scan3A_111) -> (i32, i32)  : i32 {
      %sub3A_140 = arith.subi %scan3A_139, %scan3A_138 : i32
      %jit3A_141 = arith.constant 4 : i32
      %div3A_142 = arith.divsi %sub3A_140, %jit3A_141 : i32
      %sign3A_143 = arith.constant 0 : i32
      %sign3A_144 = arith.cmpi sgt, %sub3A_140, %sign3A_143 : i32
      %sign3A_145 = arith.extui %sign3A_144 : i1 to i32
      %sign3A_146 = arith.constant 0 : i32
      %sign3A_147 = arith.cmpi slt, %sub3A_140, %sign3A_146 : i32
      %sign3A_148 = arith.extui %sign3A_147 : i1 to i32
      %sign3A_149 = arith.subi %sign3A_145, %sign3A_148 : i32
      %sign3A_150 = arith.constant 0 : i32
      %sign3A_151 = arith.cmpi sgt, %jit3A_141, %sign3A_150 : i32
      %sign3A_152 = arith.extui %sign3A_151 : i1 to i32
      %sign3A_153 = arith.constant 0 : i32
      %sign3A_154 = arith.cmpi slt, %jit3A_141, %sign3A_153 : i32
      %sign3A_155 = arith.extui %sign3A_154 : i1 to i32
      %sign3A_156 = arith.subi %sign3A_152, %sign3A_155 : i32
      %ne3A_157 = arith.cmpi ne, %sign3A_149, %sign3A_156 : i32
      %rem3A_158 = arith.remsi %sub3A_140, %jit3A_141 : i32
      %ne3A_159 = arith.constant 0 : i32
      %ne3A_160 = arith.cmpi ne, %rem3A_158, %ne3A_159 : i32
      %and3A_161 = arith.andi %ne3A_157, %ne3A_160 : i1
      %sub3A_162 = arith.constant 1 : i32
      %sub3A_163 = arith.subi %div3A_142, %sub3A_162 : i32
      %select_n3A_164 = arith.select %and3A_161, %sub3A_163, %div3A_142 : i32
      %add3A_165 = arith.addi %scan3A_138, %select_n3A_164 : i32
      %mul3A_166 = arith.constant 2 : i32
      %mul3A_167 = arith.muli %mul3A_166, %select_n3A_164 : i32
      %add3A_168 = arith.addi %scan3A_138, %mul3A_167 : i32
      %sub3A_169 = arith.subi %scan3A_139, %select_n3A_164 : i32
      %broadcast_in_dim3A_170 = vector.broadcast %add3A_165 : i32 to vector<16xi32>
      %bitcast_convert_type3A_171 = tpu.bitcast %broadcast_in_dim3A_170 : vector<16xi32> -> vector<16xf32>
      %broadcast_in_dim3A_172 = vector.broadcast %add3A_168 : i32 to vector<16xi32>
      %bitcast_convert_type3A_173 = tpu.bitcast %broadcast_in_dim3A_172 : vector<16xi32> -> vector<16xf32>
      %broadcast_in_dim3A_174 = vector.broadcast %sub3A_169 : i32 to vector<16xi32>
      %bitcast_convert_type3A_175 = tpu.bitcast %broadcast_in_dim3A_174 : vector<16xi32> -> vector<16xf32>
      %while3A_176 = arith.constant 0 : i32
      %while3A_177 = arith.constant 0 : i32
      %while3A_178 = arith.constant 0 : i32
      %while3A_179 = arith.constant 0 : i32
      %while3A_180 = arith.subi %select_n3A, %while3A_176 : i32
      %while3A_181 = arith.addi %while3A_176, %while3A_180 : i32
      %while3A_182 = arith.constant 1 : i32
      %while3A_183 = arith.divsi %while3A_180, %while3A_182 : i32
      %while3A_184 = arith.muli %while3A_183, %while3A_182 : i32
      %while3A_185 = arith.addi %while3A_176, %while3A_184 : i32
      %while3A_186 = arith.constant 1 : i32
      %while3A_187:3 = scf.for %while3A_198 = %while3A_176 to %while3A_185 step %while3A_186 iter_args(%while3A_199 = %while3A_177, %while3A_200 = %while3A_178, %while3A_201 = %while3A_179) -> (i32, i32, i32)  : i32 {
        %mul3A_202 = arith.constant 16 : i32
        %mul3A_203 = arith.muli %while3A_198, %mul3A_202 : i32
        %get3A = arith.index_cast %mul3A_203 : i32 to index
        %get3A_204 = tpu.vector_load %arg6[%get3A] {strides = array<i32>} : memref<16400xf32, #tpu.memory_space<vmem>>, vector<16xf32>,
        %ge3A_205 = arith.cmpf oge, %get3A_204, %bitcast_convert_type3A_171 : vector<16xf32>
        %convert_element_type3A = arith.extui %ge3A_205 : vector<16xi1> to vector<16xi32>
        %broadcast_in_dim3A_206 = arith.constant true
        %broadcast_in_dim3A_207 = vector.broadcast %broadcast_in_dim3A_206 : i1 to vector<16xi1>
        %masked_cumsum3A = tpu.scan <sum>, %convert_element_type3A masked %broadcast_in_dim3A_207 : vector<16xi32>, vector<16xi1> -> vector<16xi32>
        %ge3A_208 = arith.cmpf oge, %get3A_204, %bitcast_convert_type3A_173 : vector<16xf32>
        %convert_element_type3A_209 = arith.extui %ge3A_208 : vector<16xi1> to vector<16xi32>
        %broadcast_in_dim3A_210 = arith.constant true
        %broadcast_in_dim3A_211 = vector.broadcast %broadcast_in_dim3A_210 : i1 to vector<16xi1>
        %masked_cumsum3A_212 = tpu.scan <sum>, %convert_element_type3A_209 masked %broadcast_in_dim3A_211 : vector<16xi32>, vector<16xi1> -> vector<16xi32>
        %ge3A_213 = arith.cmpf oge, %get3A_204, %bitcast_convert_type3A_175 : vector<16xf32>
        %convert_element_type3A_214 = arith.extui %ge3A_213 : vector<16xi1> to vector<16xi32>
        %broadcast_in_dim3A_215 = arith.constant true
        %broadcast_in_dim3A_216 = vector.broadcast %broadcast_in_dim3A_215 : i1 to vector<16xi1>
        %masked_cumsum3A_217 = tpu.scan <sum>, %convert_element_type3A_214 masked %broadcast_in_dim3A_216 : vector<16xi32>, vector<16xi1> -> vector<16xi32>
        %slice3A = vector.extract_strided_slice %masked_cumsum3A {offsets = [15], sizes = [1], strides = [1]} : vector<16xi32> to vector<1xi32>
        %squeeze3A = vector.extract %slice3A[0] : i32 from vector<1xi32>
        %add3A_218 = arith.addi %while3A_199, %squeeze3A : i32
        %slice3A_219 = vector.extract_strided_slice %masked_cumsum3A_212 {offsets = [15], sizes = [1], strides = [1]} : vector<16xi32> to vector<1xi32>
        %squeeze3A_220 = vector.extract %slice3A_219[0] : i32 from vector<1xi32>
        %add3A_221 = arith.addi %while3A_200, %squeeze3A_220 : i32
        %slice3A_222 = vector.extract_strided_slice %masked_cumsum3A_217 {offsets = [15], sizes = [1], strides = [1]} : vector<16xi32> to vector<1xi32>
        %squeeze3A_223 = vector.extract %slice3A_222[0] : i32 from vector<1xi32>
        %add3A_224 = arith.addi %while3A_201, %squeeze3A_223 : i32
        scf.yield %add3A_218, %add3A_221, %add3A_224 : i32, i32, i32
      }
      %while3A_188 = arith.constant 1 : i32
      %while3A_189:3 = scf.for %while3A_198 = %while3A_185 to %while3A_181 step %while3A_188 iter_args(%while3A_199 = %while3A_187#0, %while3A_200 = %while3A_187#1, %while3A_201 = %while3A_187#2) -> (i32, i32, i32)  : i32 {
        %mul3A_202 = arith.constant 16 : i32
        %mul3A_203 = arith.muli %while3A_198, %mul3A_202 : i32
        %get3A = arith.index_cast %mul3A_203 : i32 to index
        %get3A_204 = tpu.vector_load %arg6[%get3A] {strides = array<i32>} : memref<16400xf32, #tpu.memory_space<vmem>>, vector<16xf32>,
        %ge3A_205 = arith.cmpf oge, %get3A_204, %bitcast_convert_type3A_171 : vector<16xf32>
        %convert_element_type3A = arith.extui %ge3A_205 : vector<16xi1> to vector<16xi32>
        %broadcast_in_dim3A_206 = arith.constant true
        %broadcast_in_dim3A_207 = vector.broadcast %broadcast_in_dim3A_206 : i1 to vector<16xi1>
        %masked_cumsum3A = tpu.scan <sum>, %convert_element_type3A masked %broadcast_in_dim3A_207 : vector<16xi32>, vector<16xi1> -> vector<16xi32>
        %ge3A_208 = arith.cmpf oge, %get3A_204, %bitcast_convert_type3A_173 : vector<16xf32>
        %convert_element_type3A_209 = arith.extui %ge3A_208 : vector<16xi1> to vector<16xi32>
        %broadcast_in_dim3A_210 = arith.constant true
        %broadcast_in_dim3A_211 = vector.broadcast %broadcast_in_dim3A_210 : i1 to vector<16xi1>
        %masked_cumsum3A_212 = tpu.scan <sum>, %convert_element_type3A_209 masked %broadcast_in_dim3A_211 : vector<16xi32>, vector<16xi1> -> vector<16xi32>
        %ge3A_213 = arith.cmpf oge, %get3A_204, %bitcast_convert_type3A_175 : vector<16xf32>
        %convert_element_type3A_214 = arith.extui %ge3A_213 : vector<16xi1> to vector<16xi32>
        %broadcast_in_dim3A_215 = arith.constant true
        %broadcast_in_dim3A_216 = vector.broadcast %broadcast_in_dim3A_215 : i1 to vector<16xi1>
        %masked_cumsum3A_217 = tpu.scan <sum>, %convert_element_type3A_214 masked %broadcast_in_dim3A_216 : vector<16xi32>, vector<16xi1> -> vector<16xi32>
        %slice3A = vector.extract_strided_slice %masked_cumsum3A {offsets = [15], sizes = [1], strides = [1]} : vector<16xi32> to vector<1xi32>
        %squeeze3A = vector.extract %slice3A[0] : i32 from vector<1xi32>
        %add3A_218 = arith.addi %while3A_199, %squeeze3A : i32
        %slice3A_219 = vector.extract_strided_slice %masked_cumsum3A_212 {offsets = [15], sizes = [1], strides = [1]} : vector<16xi32> to vector<1xi32>
        %squeeze3A_220 = vector.extract %slice3A_219[0] : i32 from vector<1xi32>
        %add3A_221 = arith.addi %while3A_200, %squeeze3A_220 : i32
        %slice3A_222 = vector.extract_strided_slice %masked_cumsum3A_217 {offsets = [15], sizes = [1], strides = [1]} : vector<16xi32> to vector<1xi32>
        %squeeze3A_223 = vector.extract %slice3A_222[0] : i32 from vector<1xi32>
        %add3A_224 = arith.addi %while3A_201, %squeeze3A_223 : i32
        scf.yield %add3A_218, %add3A_221, %add3A_224 : i32, i32, i32
      }
      %ge3A = arith.cmpi sge, %while3A_189#0, %min3A_109 : i32
      %ge3A_190 = arith.cmpi sge, %while3A_189#1, %min3A_109 : i32
      %ge3A_191 = arith.cmpi sge, %while3A_189#2, %min3A_109 : i32
      %select_n3A_192 = arith.select %ge3A, %add3A_165, %scan3A_138 : i32
      %select_n3A_193 = arith.select %ge3A_190, %add3A_168, %select_n3A_192 : i32
      %select_n3A_194 = arith.select %ge3A_191, %sub3A_169, %select_n3A_193 : i32
      %select_n3A_195 = arith.select %ge3A, %add3A_168, %add3A_165 : i32
      %select_n3A_196 = arith.select %ge3A_190, %sub3A_169, %select_n3A_195 : i32
      %select_n3A_197 = arith.select %ge3A_191, %scan3A_139, %select_n3A_196 : i32
      scf.yield %select_n3A_194, %select_n3A_197 : i32, i32
    }
    %scan3A_117 = arith.constant 16 : i32
    %broadcast_in_dim3A_118 = vector.broadcast %scan3A_116#0 : i32 to vector<16xi32>
    %bitcast_convert_type3A = tpu.bitcast %broadcast_in_dim3A_118 : vector<16xi32> -> vector<16xf32>
    %scan3A_119 = arith.constant 0 : i32
    %scan3A_120 = arith.constant 0 : i32
    %scan3A_121 = arith.constant 66 : i32
    %scan3A_122 = arith.addi %scan3A_120, %scan3A_121 : i32
    %scan3A_123 = arith.constant 1 : i32
    %scan3A_124 = scf.for %scan3A_137 = %scan3A_120 to %scan3A_122 step %scan3A_123 iter_args(%scan3A_138 = %scan3A_119) -> (i32)  : i32 {
      %mul3A_139 = arith.constant 16 : i32
      %mul3A_140 = arith.muli %scan3A_137, %mul3A_139 : i32
      %swap3A = arith.index_cast %mul3A_140 : i32 to index
      %swap3A_141 = tpu.vector_load %arg8[%swap3A] {strides = array<i32>} : memref<1056xf32, #tpu.memory_space<vmem>>, vector<16xf32>,
      tpu.vector_store %arg8[%swap3A], %broadcast_in_dim3A_1 {strides = array<i32>} : memref<1056xf32, #tpu.memory_space<vmem>>, vector<16xf32>,
      %mul3A_142 = arith.constant 16 : i32
      %mul3A_143 = arith.muli %scan3A_137, %mul3A_142 : i32
      %swap3A_144 = arith.index_cast %mul3A_143 : i32 to index
      %swap3A_145 = tpu.vector_load %arg9[%swap3A_144] {strides = array<i32>} : memref<1056xi32, #tpu.memory_space<vmem>>, vector<16xi32>,
      tpu.vector_store %arg9[%swap3A_144], %broadcast_in_dim3A_3 {strides = array<i32>} : memref<1056xi32, #tpu.memory_space<vmem>>, vector<16xi32>,
      %scan3A_146 = arith.constant 0 : i32
      scf.yield %scan3A_146 : i32
    }
    %scan3A_125 = arith.constant 66 : i32
    %while3A = arith.constant 0 : i32
    %while3A_126 = arith.constant 0 : i32
    %while3A_127 = arith.subi %select_n3A, %while3A : i32
    %while3A_128 = arith.addi %while3A, %while3A_127 : i32
    %while3A_129 = arith.constant 1 : i32
    %while3A_130 = arith.divsi %while3A_127, %while3A_129 : i32
    %while3A_131 = arith.muli %while3A_130, %while3A_129 : i32
    %while3A_132 = arith.addi %while3A, %while3A_131 : i32
    %while3A_133 = arith.constant 1 : i32
    %while3A_134 = scf.for %while3A_137 = %while3A to %while3A_132 step %while3A_133 iter_args(%while3A_138 = %while3A_126) -> (i32)  : i32 {
      %min3A_139 = arith.constant 1024 : i32
      %min3A_140 = arith.minsi %while3A_138, %min3A_139 : i32
      %mul3A_141 = arith.constant 16 : i32
      %mul3A_142 = arith.muli %while3A_137, %mul3A_141 : i32
      %get3A = arith.index_cast %mul3A_142 : i32 to index
      %get3A_143 = tpu.vector_load %arg6[%get3A] {strides = array<i32>} : memref<16400xf32, #tpu.memory_space<vmem>>, vector<16xf32>,
      %mul3A_144 = arith.constant 16 : i32
      %mul3A_145 = arith.muli %while3A_137, %mul3A_144 : i32
      %get3A_146 = arith.index_cast %mul3A_145 : i32 to index
      %get3A_147 = tpu.vector_load %arg7[%get3A_146] {strides = array<i32>} : memref<16400xi32, #tpu.memory_space<vmem>>, vector<16xi32>,
      %ge3A = arith.cmpf oge, %get3A_143, %bitcast_convert_type3A : vector<16xf32>
      %convert_element_type3A = arith.extui %ge3A : vector<16xi1> to vector<16xi32>
      %broadcast_in_dim3A_148 = arith.constant true
      %broadcast_in_dim3A_149 = vector.broadcast %broadcast_in_dim3A_148 : i1 to vector<16xi1>
      %masked_cumsum3A = tpu.scan <sum>, %convert_element_type3A masked %broadcast_in_dim3A_149 : vector<16xi32>, vector<16xi1> -> vector<16xi32>
      %add3A_150 = vector.broadcast %min3A_140 : i32 to vector<16xi32>
      %add3A_151 = arith.addi %add3A_150, %masked_cumsum3A : vector<16xi32>
      %sub3A_152 = arith.constant 1 : i32
      %sub3A_153 = vector.broadcast %sub3A_152 : i32 to vector<16xi32>
      %sub3A_154 = arith.subi %add3A_151, %sub3A_153 : vector<16xi32>
      %add3A_155 = arith.constant 1040 : i32
      %add3A_156 = vector.broadcast %add3A_155 : i32 to vector<16xi32>
      %add3A_157 = arith.addi %add3A_156, %iota3A : vector<16xi32>
      %select_n3A_158 = arith.select %ge3A, %sub3A_154, %add3A_157 : vector<16xi1>, vector<16xi32>
      tpu.vector_store_idx %arg8[%select_n3A_158], %get3A_143 : memref<1056xf32, #tpu.memory_space<vmem>>[vector<16xi32>], vector<16xf32>,
      tpu.vector_store_idx %arg9[%select_n3A_158], %get3A_147 : memref<1056xi32, #tpu.memory_space<vmem>>[vector<16xi32>], vector<16xi32>,
      %slice3A = vector.extract_strided_slice %masked_cumsum3A {offsets = [15], sizes = [1], strides = [1]} : vector<16xi32> to vector<1xi32>
      %squeeze3A = vector.extract %slice3A[0] : i32 from vector<1xi32>
      %add3A_159 = arith.addi %min3A_140, %squeeze3A : i32
      scf.yield %add3A_159 : i32
    }
    %while3A_135 = arith.constant 1 : i32
    %while3A_136 = scf.for %while3A_137 = %while3A_132 to %while3A_128 step %while3A_135 iter_args(%while3A_138 = %while3A_134) -> (i32)  : i32 {
      %min3A_139 = arith.constant 1024 : i32
      %min3A_140 = arith.minsi %while3A_138, %min3A_139 : i32
      %mul3A_141 = arith.constant 16 : i32
      %mul3A_142 = arith.muli %while3A_137, %mul3A_141 : i32
      %get3A = arith.index_cast %mul3A_142 : i32 to index
      %get3A_143 = tpu.vector_load %arg6[%get3A] {strides = array<i32>} : memref<16400xf32, #tpu.memory_space<vmem>>, vector<16xf32>,
      %mul3A_144 = arith.constant 16 : i32
      %mul3A_145 = arith.muli %while3A_137, %mul3A_144 : i32
      %get3A_146 = arith.index_cast %mul3A_145 : i32 to index
      %get3A_147 = tpu.vector_load %arg7[%get3A_146] {strides = array<i32>} : memref<16400xi32, #tpu.memory_space<vmem>>, vector<16xi32>,
      %ge3A = arith.cmpf oge, %get3A_143, %bitcast_convert_type3A : vector<16xf32>
      %convert_element_type3A = arith.extui %ge3A : vector<16xi1> to vector<16xi32>
      %broadcast_in_dim3A_148 = arith.constant true
      %broadcast_in_dim3A_149 = vector.broadcast %broadcast_in_dim3A_148 : i1 to vector<16xi1>
      %masked_cumsum3A = tpu.scan <sum>, %convert_element_type3A masked %broadcast_in_dim3A_149 : vector<16xi32>, vector<16xi1> -> vector<16xi32>
      %add3A_150 = vector.broadcast %min3A_140 : i32 to vector<16xi32>
      %add3A_151 = arith.addi %add3A_150, %masked_cumsum3A : vector<16xi32>
      %sub3A_152 = arith.constant 1 : i32
      %sub3A_153 = vector.broadcast %sub3A_152 : i32 to vector<16xi32>
      %sub3A_154 = arith.subi %add3A_151, %sub3A_153 : vector<16xi32>
      %add3A_155 = arith.constant 1040 : i32
      %add3A_156 = vector.broadcast %add3A_155 : i32 to vector<16xi32>
      %add3A_157 = arith.addi %add3A_156, %iota3A : vector<16xi32>
      %select_n3A_158 = arith.select %ge3A, %sub3A_154, %add3A_157 : vector<16xi1>, vector<16xi32>
      tpu.vector_store_idx %arg8[%select_n3A_158], %get3A_143 : memref<1056xf32, #tpu.memory_space<vmem>>[vector<16xi32>], vector<16xf32>,
      tpu.vector_store_idx %arg9[%select_n3A_158], %get3A_147 : memref<1056xi32, #tpu.memory_space<vmem>>[vector<16xi32>], vector<16xi32>,
      %slice3A = vector.extract_strided_slice %masked_cumsum3A {offsets = [15], sizes = [1], strides = [1]} : vector<16xi32> to vector<1xi32>
      %squeeze3A = vector.extract %slice3A[0] : i32 from vector<1xi32>
      %add3A_159 = arith.addi %min3A_140, %squeeze3A : i32
      scf.yield %add3A_159 : i32
    }
    "tpu.region"() ({
      %run_scoped3A = tpu.sem_alloc : memref<!tpu.dma_semaphore, #tpu.memory_space<semaphore_mem>>
      %dma_start3A = arith.constant 0 : i32
      %dma_start3A_137 = tpu.memref_slice %arg8[%dma_start3A] : memref<1056xf32, #tpu.memory_space<vmem>> -> memref<1024xf32, #tpu.memory_space<vmem>>
      %dma_start3A_138 = arith.constant 0 : i32
      %dma_start3A_139 = tpu.memref_slice %arg3[%add3A, %dma_start3A_138] : memref<32x1024xf32, #tpu.memory_space<hbm>> -> memref<1x1024xf32, #tpu.memory_space<hbm>>
      %dma_start3A_140 = tpu.memref_squeeze %dma_start3A_139 : memref<1x1024xf32, #tpu.memory_space<hbm>> -> memref<1024xf32, #tpu.memory_space<hbm>>
      %dma_start3A_141 = arith.constant 0 : i32
      %dma_start3A_142 = tpu.memref_slice %arg3[%add3A, %dma_start3A_141] : memref<32x1024xf32, #tpu.memory_space<hbm>> -> memref<1x1024xf32, #tpu.memory_space<hbm>>
      %dma_start3A_143 = tpu.memref_squeeze %dma_start3A_142 : memref<1x1024xf32, #tpu.memory_space<hbm>> -> memref<1024xf32, #tpu.memory_space<hbm>>
      %dma_start3A_144 = arith.constant 0 : i32
      %dma_start3A_145 = tpu.memref_slice %arg8[%dma_start3A_144] : memref<1056xf32, #tpu.memory_space<vmem>> -> memref<1024xf32, #tpu.memory_space<vmem>>
      tpu.enqueue_dma source(%dma_start3A_145 : memref<1024xf32, #tpu.memory_space<vmem>>) target(%dma_start3A_143 : memref<1024xf32, #tpu.memory_space<hbm>>) target_semaphore(%run_scoped3A : memref<!tpu.dma_semaphore, #tpu.memory_space<semaphore_mem>>)
      %dma_wait3A = arith.constant 0 : i32
      %dma_wait3A_146 = tpu.memref_slice %arg8[%dma_wait3A] : memref<1056xf32, #tpu.memory_space<vmem>> -> memref<1024xf32, #tpu.memory_space<vmem>>
      %dma_wait3A_147 = arith.constant 0 : i32
      %dma_wait3A_148 = tpu.memref_slice %arg3[%add3A, %dma_wait3A_147] : memref<32x1024xf32, #tpu.memory_space<hbm>> -> memref<1x1024xf32, #tpu.memory_space<hbm>>
      %dma_wait3A_149 = tpu.memref_squeeze %dma_wait3A_148 : memref<1x1024xf32, #tpu.memory_space<hbm>> -> memref<1024xf32, #tpu.memory_space<hbm>>
      %dma_wait3A_150 = arith.constant 0 : i32
      %dma_wait3A_151 = tpu.memref_slice %arg3[%add3A, %dma_wait3A_150] : memref<32x1024xf32, #tpu.memory_space<hbm>> -> memref<1x1024xf32, #tpu.memory_space<hbm>>
      %dma_wait3A_152 = tpu.memref_squeeze %dma_wait3A_151 : memref<1x1024xf32, #tpu.memory_space<hbm>> -> memref<1024xf32, #tpu.memory_space<hbm>>
      %dma_wait3A_153 = arith.constant 0 : i32
      %dma_wait3A_154 = tpu.memref_slice %arg8[%dma_wait3A_153] : memref<1056xf32, #tpu.memory_space<vmem>> -> memref<1024xf32, #tpu.memory_space<vmem>>
      tpu.wait_dma2 semaphore(%run_scoped3A : memref<!tpu.dma_semaphore, #tpu.memory_space<semaphore_mem>>) src(%dma_wait3A_154 : memref<1024xf32, #tpu.memory_space<vmem>>) dst(%dma_wait3A_152 : memref<1024xf32, #tpu.memory_space<hbm>>)
      tpu.yield
    }) : () -> ()
    "tpu.region"() ({
      %run_scoped3A = tpu.sem_alloc : memref<!tpu.dma_semaphore, #tpu.memory_space<semaphore_mem>>
      %dma_start3A = arith.constant 0 : i32
      %dma_start3A_137 = tpu.memref_slice %arg9[%dma_start3A] : memref<1056xi32, #tpu.memory_space<vmem>> -> memref<1024xi32, #tpu.memory_space<vmem>>
      %dma_start3A_138 = arith.constant 0 : i32
      %dma_start3A_139 = tpu.memref_slice %arg4[%add3A, %dma_start3A_138] : memref<32x1024xi32, #tpu.memory_space<hbm>> -> memref<1x1024xi32, #tpu.memory_space<hbm>>
      %dma_start3A_140 = tpu.memref_squeeze %dma_start3A_139 : memref<1x1024xi32, #tpu.memory_space<hbm>> -> memref<1024xi32, #tpu.memory_space<hbm>>
      %dma_start3A_141 = arith.constant 0 : i32
      %dma_start3A_142 = tpu.memref_slice %arg4[%add3A, %dma_start3A_141] : memref<32x1024xi32, #tpu.memory_space<hbm>> -> memref<1x1024xi32, #tpu.memory_space<hbm>>
      %dma_start3A_143 = tpu.memref_squeeze %dma_start3A_142 : memref<1x1024xi32, #tpu.memory_space<hbm>> -> memref<1024xi32, #tpu.memory_space<hbm>>
      %dma_start3A_144 = arith.constant 0 : i32
      %dma_start3A_145 = tpu.memref_slice %arg9[%dma_start3A_144] : memref<1056xi32, #tpu.memory_space<vmem>> -> memref<1024xi32, #tpu.memory_space<vmem>>
      tpu.enqueue_dma source(%dma_start3A_145 : memref<1024xi32, #tpu.memory_space<vmem>>) target(%dma_start3A_143 : memref<1024xi32, #tpu.memory_space<hbm>>) target_semaphore(%run_scoped3A : memref<!tpu.dma_semaphore, #tpu.memory_space<semaphore_mem>>)
      %dma_wait3A = arith.constant 0 : i32
      %dma_wait3A_146 = tpu.memref_slice %arg9[%dma_wait3A] : memref<1056xi32, #tpu.memory_space<vmem>> -> memref<1024xi32, #tpu.memory_space<vmem>>
      %dma_wait3A_147 = arith.constant 0 : i32
      %dma_wait3A_148 = tpu.memref_slice %arg4[%add3A, %dma_wait3A_147] : memref<32x1024xi32, #tpu.memory_space<hbm>> -> memref<1x1024xi32, #tpu.memory_space<hbm>>
      %dma_wait3A_149 = tpu.memref_squeeze %dma_wait3A_148 : memref<1x1024xi32, #tpu.memory_space<hbm>> -> memref<1024xi32, #tpu.memory_space<hbm>>
      %dma_wait3A_150 = arith.constant 0 : i32
      %dma_wait3A_151 = tpu.memref_slice %arg4[%add3A, %dma_wait3A_150] : memref<32x1024xi32, #tpu.memory_space<hbm>> -> memref<1x1024xi32, #tpu.memory_space<hbm>>
      %dma_wait3A_152 = tpu.memref_squeeze %dma_wait3A_151 : memref<1x1024xi32, #tpu.memory_space<hbm>> -> memref<1024xi32, #tpu.memory_space<hbm>>
      %dma_wait3A_153 = arith.constant 0 : i32
      %dma_wait3A_154 = tpu.memref_slice %arg9[%dma_wait3A_153] : memref<1056xi32, #tpu.memory_space<vmem>> -> memref<1024xi32, #tpu.memory_space<vmem>>
      tpu.wait_dma2 semaphore(%run_scoped3A : memref<!tpu.dma_semaphore, #tpu.memory_space<semaphore_mem>>) src(%dma_wait3A_154 : memref<1024xi32, #tpu.memory_space<vmem>>) dst(%dma_wait3A_152 : memref<1024xi32, #tpu.memory_space<hbm>>)
      tpu.yield
    }) : () -> ()
    return
  }
}

#map = affine_map<(d0, d1) -> (0, 0)>
#map1 = affine_map<(d0, d1) -> (0)>
module attributes {stable_mosaic.version = 14 : i64} {
  func.func @_compose_body(%arg0: i32, %arg1: i32, %arg2: memref<262144x16xf32, #tpu.memory_space<hbm>>, %arg3: memref<262144x16xf32, #tpu.memory_space<hbm>>, %arg4: memref<262144x16xf32, #tpu.memory_space<hbm>>, %arg5: memref<2048xi32, #tpu.memory_space<hbm>>, %arg6: memref<32x512xf32, #tpu.memory_space<hbm>>, %arg7: memref<64xi32, #tpu.memory_space<vmem>>, %arg8: memref<6x64xi32, #tpu.memory_space<vmem>>, %arg9: memref<6x64x16xf32, #tpu.memory_space<vmem>>, %arg10: memref<6x64x16xf32, #tpu.memory_space<vmem>>, %arg11: memref<6x64x16xf32, #tpu.memory_space<vmem>>, %arg12: memref<512xf32, #tpu.memory_space<vmem>>, %arg13: memref<!tpu.dma_semaphore, #tpu.memory_space<semaphore_mem>>) attributes {dimension_semantics = [#tpu.dimension_semantics<core_parallel>, #tpu.dimension_semantics<subcore_parallel>], iteration_bounds = array<i64: 2, 16>, scalar_prefetch = 0 : i64, scratch_operands = 7 : i64, tpu.core_type = #tpu.core_type<sc_vector_subcore>, window_params = [{transform_indices = #map}, {transform_indices = #map}, {transform_indices = #map}, {transform_indices = #map1}, {transform_indices = #map}]} {
    %mul3A = arith.constant 16 : i32
    %mul3A_0 = arith.muli %arg0, %mul3A : i32
    %add3A = arith.addi %mul3A_0, %arg1 : i32
    %iota3A = tpu.iota {dimensions = array<i32: 0>} : vector<16xi32>
    %broadcast_in_dim3A = arith.constant 0.000000e+00 : f32
    %broadcast_in_dim3A_1 = vector.broadcast %broadcast_in_dim3A : f32 to vector<16xf32>
    %mul3A_2 = arith.constant 64 : i32
    %mul3A_3 = arith.muli %add3A, %mul3A_2 : i32
    "tpu.region"() ({
      %run_scoped3A = tpu.sem_alloc : memref<!tpu.dma_semaphore, #tpu.memory_space<semaphore_mem>>
      %dma_start3A_2789 = tpu.memref_slice %arg5[%mul3A_3] : memref<2048xi32, #tpu.memory_space<hbm>> -> memref<64xi32, #tpu.memory_space<hbm>>
      %dma_start3A_2790 = tpu.memref_slice %arg5[%mul3A_3] : memref<2048xi32, #tpu.memory_space<hbm>> -> memref<64xi32, #tpu.memory_space<hbm>>
      tpu.enqueue_dma source(%dma_start3A_2790 : memref<64xi32, #tpu.memory_space<hbm>>) target(%arg7 : memref<64xi32, #tpu.memory_space<vmem>>) target_semaphore(%run_scoped3A : memref<!tpu.dma_semaphore, #tpu.memory_space<semaphore_mem>>)
      %dma_wait3A_2791 = tpu.memref_slice %arg5[%mul3A_3] : memref<2048xi32, #tpu.memory_space<hbm>> -> memref<64xi32, #tpu.memory_space<hbm>>
      %dma_wait3A_2792 = tpu.memref_slice %arg5[%mul3A_3] : memref<2048xi32, #tpu.memory_space<hbm>> -> memref<64xi32, #tpu.memory_space<hbm>>
      tpu.wait_dma2 semaphore(%run_scoped3A : memref<!tpu.dma_semaphore, #tpu.memory_space<semaphore_mem>>) src(%dma_wait3A_2792 : memref<64xi32, #tpu.memory_space<hbm>>) dst(%arg7 : memref<64xi32, #tpu.memory_space<vmem>>)
      tpu.yield
    }) : () -> ()
    %get3A = arith.constant 0 : index
    %get3A_4 = tpu.vector_load %arg7[%get3A] {strides = array<i32>} : memref<64xi32, #tpu.memory_space<vmem>>, vector<16xi32>,
    %shift_right_logical3A = arith.constant 11 : i32
    %shift_right_logical3A_5 = vector.broadcast %shift_right_logical3A : i32 to vector<16xi32>
    %shift_right_logical3A_6 = arith.shrui %get3A_4, %shift_right_logical3A_5 : vector<16xi32>
    %and3A = arith.constant 2047 : i32
    %and3A_7 = vector.broadcast %and3A : i32 to vector<16xi32>
    %and3A_8 = arith.andi %get3A_4, %and3A_7 : vector<16xi32>
    %sub3A = arith.constant 1 : i32
    %sub3A_9 = vector.broadcast %sub3A : i32 to vector<16xi32>
    %sub3A_10 = arith.subi %and3A_8, %sub3A_9 : vector<16xi32>
    %add3A_11 = arith.constant -1 : i32
    %add3A_12 = vector.broadcast %add3A_11 : i32 to vector<16xi32>
    %add3A_13 = arith.addi %shift_right_logical3A_6, %add3A_12 : vector<16xi32>
    %mul3A_14 = arith.constant 2048 : i32
    %mul3A_15 = vector.broadcast %mul3A_14 : i32 to vector<16xi32>
    %mul3A_16 = arith.muli %add3A_13, %mul3A_15 : vector<16xi32>
    %add3A_17 = arith.addi %mul3A_16, %sub3A_10 : vector<16xi32>
    %shift_right_logical3A_18 = arith.constant 4 : i32
    %shift_right_logical3A_19 = vector.broadcast %shift_right_logical3A_18 : i32 to vector<16xi32>
    %shift_right_logical3A_20 = arith.shrui %add3A_17, %shift_right_logical3A_19 : vector<16xi32>
    %add3A_21 = arith.constant 1 : i32
    %add3A_22 = vector.broadcast %add3A_21 : i32 to vector<16xi32>
    %add3A_23 = arith.addi %shift_right_logical3A_20, %add3A_22 : vector<16xi32>
    %min3A = arith.constant 262143 : i32
    %min3A_24 = vector.broadcast %min3A : i32 to vector<16xi32>
    %min3A_25 = arith.minsi %add3A_23, %min3A_24 : vector<16xi32>
    %add3A_26 = arith.constant 0 : i32
    %add3A_27 = vector.broadcast %add3A_26 : i32 to vector<16xi32>
    %add3A_28 = arith.addi %add3A_27, %iota3A : vector<16xi32>
    %broadcast_in_dim3A_29 = arith.constant 0 : i32
    %broadcast_in_dim3A_30 = vector.broadcast %broadcast_in_dim3A_29 : i32 to vector<16xi32>
    tpu.vector_store_idx %arg8[%broadcast_in_dim3A_30, %add3A_28], %shift_right_logical3A_20 : memref<6x64xi32, #tpu.memory_space<vmem>>[vector<16xi32>, vector<16xi32>], vector<16xi32>,
    %broadcast_in_dim3A_31 = arith.constant 1 : i32
    %broadcast_in_dim3A_32 = vector.broadcast %broadcast_in_dim3A_31 : i32 to vector<16xi32>
    tpu.vector_store_idx %arg8[%broadcast_in_dim3A_32, %add3A_28], %min3A_25 : memref<6x64xi32, #tpu.memory_space<vmem>>[vector<16xi32>, vector<16xi32>], vector<16xi32>,
    %add3A_33 = arith.constant 0 : i32
    %add3A_34 = vector.broadcast %add3A_33 : i32 to vector<16xi32>
    %add3A_35 = arith.addi %shift_right_logical3A_6, %add3A_34 : vector<16xi32>
    %mul3A_36 = arith.constant 2048 : i32
    %mul3A_37 = vector.broadcast %mul3A_36 : i32 to vector<16xi32>
    %mul3A_38 = arith.muli %add3A_35, %mul3A_37 : vector<16xi32>
    %add3A_39 = arith.addi %mul3A_38, %sub3A_10 : vector<16xi32>
    %shift_right_logical3A_40 = arith.constant 4 : i32
    %shift_right_logical3A_41 = vector.broadcast %shift_right_logical3A_40 : i32 to vector<16xi32>
    %shift_right_logical3A_42 = arith.shrui %add3A_39, %shift_right_logical3A_41 : vector<16xi32>
    %add3A_43 = arith.constant 1 : i32
    %add3A_44 = vector.broadcast %add3A_43 : i32 to vector<16xi32>
    %add3A_45 = arith.addi %shift_right_logical3A_42, %add3A_44 : vector<16xi32>
    %min3A_46 = arith.constant 262143 : i32
    %min3A_47 = vector.broadcast %min3A_46 : i32 to vector<16xi32>
    %min3A_48 = arith.minsi %add3A_45, %min3A_47 : vector<16xi32>
    %add3A_49 = arith.constant 0 : i32
    %add3A_50 = vector.broadcast %add3A_49 : i32 to vector<16xi32>
    %add3A_51 = arith.addi %add3A_50, %iota3A : vector<16xi32>
    %broadcast_in_dim3A_52 = arith.constant 2 : i32
    %broadcast_in_dim3A_53 = vector.broadcast %broadcast_in_dim3A_52 : i32 to vector<16xi32>
    tpu.vector_store_idx %arg8[%broadcast_in_dim3A_53, %add3A_51], %shift_right_logical3A_42 : memref<6x64xi32, #tpu.memory_space<vmem>>[vector<16xi32>, vector<16xi32>], vector<16xi32>,
    %broadcast_in_dim3A_54 = arith.constant 3 : i32
    %broadcast_in_dim3A_55 = vector.broadcast %broadcast_in_dim3A_54 : i32 to vector<16xi32>
    tpu.vector_store_idx %arg8[%broadcast_in_dim3A_55, %add3A_51], %min3A_48 : memref<6x64xi32, #tpu.memory_space<vmem>>[vector<16xi32>, vector<16xi32>], vector<16xi32>,
    %add3A_56 = arith.constant 1 : i32
    %add3A_57 = vector.broadcast %add3A_56 : i32 to vector<16xi32>
    %add3A_58 = arith.addi %shift_right_logical3A_6, %add3A_57 : vector<16xi32>
    %mul3A_59 = arith.constant 2048 : i32
    %mul3A_60 = vector.broadcast %mul3A_59 : i32 to vector<16xi32>
    %mul3A_61 = arith.muli %add3A_58, %mul3A_60 : vector<16xi32>
    %add3A_62 = arith.addi %mul3A_61, %sub3A_10 : vector<16xi32>
    %shift_right_logical3A_63 = arith.constant 4 : i32
    %shift_right_logical3A_64 = vector.broadcast %shift_right_logical3A_63 : i32 to vector<16xi32>
    %shift_right_logical3A_65 = arith.shrui %add3A_62, %shift_right_logical3A_64 : vector<16xi32>
    %add3A_66 = arith.constant 1 : i32
    %add3A_67 = vector.broadcast %add3A_66 : i32 to vector<16xi32>
    %add3A_68 = arith.addi %shift_right_logical3A_65, %add3A_67 : vector<16xi32>
    %min3A_69 = arith.constant 262143 : i32
    %min3A_70 = vector.broadcast %min3A_69 : i32 to vector<16xi32>
    %min3A_71 = arith.minsi %add3A_68, %min3A_70 : vector<16xi32>
    %add3A_72 = arith.constant 0 : i32
    %add3A_73 = vector.broadcast %add3A_72 : i32 to vector<16xi32>
    %add3A_74 = arith.addi %add3A_73, %iota3A : vector<16xi32>
    %broadcast_in_dim3A_75 = arith.constant 4 : i32
    %broadcast_in_dim3A_76 = vector.broadcast %broadcast_in_dim3A_75 : i32 to vector<16xi32>
    tpu.vector_store_idx %arg8[%broadcast_in_dim3A_76, %add3A_74], %shift_right_logical3A_65 : memref<6x64xi32, #tpu.memory_space<vmem>>[vector<16xi32>, vector<16xi32>], vector<16xi32>,
    %broadcast_in_dim3A_77 = arith.constant 5 : i32
    %broadcast_in_dim3A_78 = vector.broadcast %broadcast_in_dim3A_77 : i32 to vector<16xi32>
    tpu.vector_store_idx %arg8[%broadcast_in_dim3A_78, %add3A_74], %min3A_71 : memref<6x64xi32, #tpu.memory_space<vmem>>[vector<16xi32>, vector<16xi32>], vector<16xi32>,
    %get3A_79 = arith.constant 16 : index
    %get3A_80 = tpu.vector_load %arg7[%get3A_79] {strides = array<i32>} : memref<64xi32, #tpu.memory_space<vmem>>, vector<16xi32>,
    %shift_right_logical3A_81 = arith.constant 11 : i32
    %shift_right_logical3A_82 = vector.broadcast %shift_right_logical3A_81 : i32 to vector<16xi32>
    %shift_right_logical3A_83 = arith.shrui %get3A_80, %shift_right_logical3A_82 : vector<16xi32>
    %and3A_84 = arith.constant 2047 : i32
    %and3A_85 = vector.broadcast %and3A_84 : i32 to vector<16xi32>
    %and3A_86 = arith.andi %get3A_80, %and3A_85 : vector<16xi32>
    %sub3A_87 = arith.constant 1 : i32
    %sub3A_88 = vector.broadcast %sub3A_87 : i32 to vector<16xi32>
    %sub3A_89 = arith.subi %and3A_86, %sub3A_88 : vector<16xi32>
    %add3A_90 = arith.constant -1 : i32
    %add3A_91 = vector.broadcast %add3A_90 : i32 to vector<16xi32>
    %add3A_92 = arith.addi %shift_right_logical3A_83, %add3A_91 : vector<16xi32>
    %mul3A_93 = arith.constant 2048 : i32
    %mul3A_94 = vector.broadcast %mul3A_93 : i32 to vector<16xi32>
    %mul3A_95 = arith.muli %add3A_92, %mul3A_94 : vector<16xi32>
    %add3A_96 = arith.addi %mul3A_95, %sub3A_89 : vector<16xi32>
    %shift_right_logical3A_97 = arith.constant 4 : i32
    %shift_right_logical3A_98 = vector.broadcast %shift_right_logical3A_97 : i32 to vector<16xi32>
    %shift_right_logical3A_99 = arith.shrui %add3A_96, %shift_right_logical3A_98 : vector<16xi32>
    %add3A_100 = arith.constant 1 : i32
    %add3A_101 = vector.broadcast %add3A_100 : i32 to vector<16xi32>
    %add3A_102 = arith.addi %shift_right_logical3A_99, %add3A_101 : vector<16xi32>
    %min3A_103 = arith.constant 262143 : i32
    %min3A_104 = vector.broadcast %min3A_103 : i32 to vector<16xi32>
    %min3A_105 = arith.minsi %add3A_102, %min3A_104 : vector<16xi32>
    %add3A_106 = arith.constant 16 : i32
    %add3A_107 = vector.broadcast %add3A_106 : i32 to vector<16xi32>
    %add3A_108 = arith.addi %add3A_107, %iota3A : vector<16xi32>
    %broadcast_in_dim3A_109 = arith.constant 0 : i32
    %broadcast_in_dim3A_110 = vector.broadcast %broadcast_in_dim3A_109 : i32 to vector<16xi32>
    tpu.vector_store_idx %arg8[%broadcast_in_dim3A_110, %add3A_108], %shift_right_logical3A_99 : memref<6x64xi32, #tpu.memory_space<vmem>>[vector<16xi32>, vector<16xi32>], vector<16xi32>,
    %broadcast_in_dim3A_111 = arith.constant 1 : i32
    %broadcast_in_dim3A_112 = vector.broadcast %broadcast_in_dim3A_111 : i32 to vector<16xi32>
    tpu.vector_store_idx %arg8[%broadcast_in_dim3A_112, %add3A_108], %min3A_105 : memref<6x64xi32, #tpu.memory_space<vmem>>[vector<16xi32>, vector<16xi32>], vector<16xi32>,
    %add3A_113 = arith.constant 0 : i32
    %add3A_114 = vector.broadcast %add3A_113 : i32 to vector<16xi32>
    %add3A_115 = arith.addi %shift_right_logical3A_83, %add3A_114 : vector<16xi32>
    %mul3A_116 = arith.constant 2048 : i32
    %mul3A_117 = vector.broadcast %mul3A_116 : i32 to vector<16xi32>
    %mul3A_118 = arith.muli %add3A_115, %mul3A_117 : vector<16xi32>
    %add3A_119 = arith.addi %mul3A_118, %sub3A_89 : vector<16xi32>
    %shift_right_logical3A_120 = arith.constant 4 : i32
    %shift_right_logical3A_121 = vector.broadcast %shift_right_logical3A_120 : i32 to vector<16xi32>
    %shift_right_logical3A_122 = arith.shrui %add3A_119, %shift_right_logical3A_121 : vector<16xi32>
    %add3A_123 = arith.constant 1 : i32
    %add3A_124 = vector.broadcast %add3A_123 : i32 to vector<16xi32>
    %add3A_125 = arith.addi %shift_right_logical3A_122, %add3A_124 : vector<16xi32>
    %min3A_126 = arith.constant 262143 : i32
    %min3A_127 = vector.broadcast %min3A_126 : i32 to vector<16xi32>
    %min3A_128 = arith.minsi %add3A_125, %min3A_127 : vector<16xi32>
    %add3A_129 = arith.constant 16 : i32
    %add3A_130 = vector.broadcast %add3A_129 : i32 to vector<16xi32>
    %add3A_131 = arith.addi %add3A_130, %iota3A : vector<16xi32>
    %broadcast_in_dim3A_132 = arith.constant 2 : i32
    %broadcast_in_dim3A_133 = vector.broadcast %broadcast_in_dim3A_132 : i32 to vector<16xi32>
    tpu.vector_store_idx %arg8[%broadcast_in_dim3A_133, %add3A_131], %shift_right_logical3A_122 : memref<6x64xi32, #tpu.memory_space<vmem>>[vector<16xi32>, vector<16xi32>], vector<16xi32>,
    %broadcast_in_dim3A_134 = arith.constant 3 : i32
    %broadcast_in_dim3A_135 = vector.broadcast %broadcast_in_dim3A_134 : i32 to vector<16xi32>
    tpu.vector_store_idx %arg8[%broadcast_in_dim3A_135, %add3A_131], %min3A_128 : memref<6x64xi32, #tpu.memory_space<vmem>>[vector<16xi32>, vector<16xi32>], vector<16xi32>,
    %add3A_136 = arith.constant 1 : i32
    %add3A_137 = vector.broadcast %add3A_136 : i32 to vector<16xi32>
    %add3A_138 = arith.addi %shift_right_logical3A_83, %add3A_137 : vector<16xi32>
    %mul3A_139 = arith.constant 2048 : i32
    %mul3A_140 = vector.broadcast %mul3A_139 : i32 to vector<16xi32>
    %mul3A_141 = arith.muli %add3A_138, %mul3A_140 : vector<16xi32>
    %add3A_142 = arith.addi %mul3A_141, %sub3A_89 : vector<16xi32>
    %shift_right_logical3A_143 = arith.constant 4 : i32
    %shift_right_logical3A_144 = vector.broadcast %shift_right_logical3A_143 : i32 to vector<16xi32>
    %shift_right_logical3A_145 = arith.shrui %add3A_142, %shift_right_logical3A_144 : vector<16xi32>
    %add3A_146 = arith.constant 1 : i32
    %add3A_147 = vector.broadcast %add3A_146 : i32 to vector<16xi32>
    %add3A_148 = arith.addi %shift_right_logical3A_145, %add3A_147 : vector<16xi32>
    %min3A_149 = arith.constant 262143 : i32
    %min3A_150 = vector.broadcast %min3A_149 : i32 to vector<16xi32>
    %min3A_151 = arith.minsi %add3A_148, %min3A_150 : vector<16xi32>
    %add3A_152 = arith.constant 16 : i32
    %add3A_153 = vector.broadcast %add3A_152 : i32 to vector<16xi32>
    %add3A_154 = arith.addi %add3A_153, %iota3A : vector<16xi32>
    %broadcast_in_dim3A_155 = arith.constant 4 : i32
    %broadcast_in_dim3A_156 = vector.broadcast %broadcast_in_dim3A_155 : i32 to vector<16xi32>
    tpu.vector_store_idx %arg8[%broadcast_in_dim3A_156, %add3A_154], %shift_right_logical3A_145 : memref<6x64xi32, #tpu.memory_space<vmem>>[vector<16xi32>, vector<16xi32>], vector<16xi32>,
    %broadcast_in_dim3A_157 = arith.constant 5 : i32
    %broadcast_in_dim3A_158 = vector.broadcast %broadcast_in_dim3A_157 : i32 to vector<16xi32>
    tpu.vector_store_idx %arg8[%broadcast_in_dim3A_158, %add3A_154], %min3A_151 : memref<6x64xi32, #tpu.memory_space<vmem>>[vector<16xi32>, vector<16xi32>], vector<16xi32>,
    %get3A_159 = arith.constant 32 : index
    %get3A_160 = tpu.vector_load %arg7[%get3A_159] {strides = array<i32>} : memref<64xi32, #tpu.memory_space<vmem>>, vector<16xi32>,
    %shift_right_logical3A_161 = arith.constant 11 : i32
    %shift_right_logical3A_162 = vector.broadcast %shift_right_logical3A_161 : i32 to vector<16xi32>
    %shift_right_logical3A_163 = arith.shrui %get3A_160, %shift_right_logical3A_162 : vector<16xi32>
    %and3A_164 = arith.constant 2047 : i32
    %and3A_165 = vector.broadcast %and3A_164 : i32 to vector<16xi32>
    %and3A_166 = arith.andi %get3A_160, %and3A_165 : vector<16xi32>
    %sub3A_167 = arith.constant 1 : i32
    %sub3A_168 = vector.broadcast %sub3A_167 : i32 to vector<16xi32>
    %sub3A_169 = arith.subi %and3A_166, %sub3A_168 : vector<16xi32>
    %add3A_170 = arith.constant -1 : i32
    %add3A_171 = vector.broadcast %add3A_170 : i32 to vector<16xi32>
    %add3A_172 = arith.addi %shift_right_logical3A_163, %add3A_171 : vector<16xi32>
    %mul3A_173 = arith.constant 2048 : i32
    %mul3A_174 = vector.broadcast %mul3A_173 : i32 to vector<16xi32>
    %mul3A_175 = arith.muli %add3A_172, %mul3A_174 : vector<16xi32>
    %add3A_176 = arith.addi %mul3A_175, %sub3A_169 : vector<16xi32>
    %shift_right_logical3A_177 = arith.constant 4 : i32
    %shift_right_logical3A_178 = vector.broadcast %shift_right_logical3A_177 : i32 to vector<16xi32>
    %shift_right_logical3A_179 = arith.shrui %add3A_176, %shift_right_logical3A_178 : vector<16xi32>
    %add3A_180 = arith.constant 1 : i32
    %add3A_181 = vector.broadcast %add3A_180 : i32 to vector<16xi32>
    %add3A_182 = arith.addi %shift_right_logical3A_179, %add3A_181 : vector<16xi32>
    %min3A_183 = arith.constant 262143 : i32
    %min3A_184 = vector.broadcast %min3A_183 : i32 to vector<16xi32>
    %min3A_185 = arith.minsi %add3A_182, %min3A_184 : vector<16xi32>
    %add3A_186 = arith.constant 32 : i32
    %add3A_187 = vector.broadcast %add3A_186 : i32 to vector<16xi32>
    %add3A_188 = arith.addi %add3A_187, %iota3A : vector<16xi32>
    %broadcast_in_dim3A_189 = arith.constant 0 : i32
    %broadcast_in_dim3A_190 = vector.broadcast %broadcast_in_dim3A_189 : i32 to vector<16xi32>
    tpu.vector_store_idx %arg8[%broadcast_in_dim3A_190, %add3A_188], %shift_right_logical3A_179 : memref<6x64xi32, #tpu.memory_space<vmem>>[vector<16xi32>, vector<16xi32>], vector<16xi32>,
    %broadcast_in_dim3A_191 = arith.constant 1 : i32
    %broadcast_in_dim3A_192 = vector.broadcast %broadcast_in_dim3A_191 : i32 to vector<16xi32>
    tpu.vector_store_idx %arg8[%broadcast_in_dim3A_192, %add3A_188], %min3A_185 : memref<6x64xi32, #tpu.memory_space<vmem>>[vector<16xi32>, vector<16xi32>], vector<16xi32>,
    %add3A_193 = arith.constant 0 : i32
    %add3A_194 = vector.broadcast %add3A_193 : i32 to vector<16xi32>
    %add3A_195 = arith.addi %shift_right_logical3A_163, %add3A_194 : vector<16xi32>
    %mul3A_196 = arith.constant 2048 : i32
    %mul3A_197 = vector.broadcast %mul3A_196 : i32 to vector<16xi32>
    %mul3A_198 = arith.muli %add3A_195, %mul3A_197 : vector<16xi32>
    %add3A_199 = arith.addi %mul3A_198, %sub3A_169 : vector<16xi32>
    %shift_right_logical3A_200 = arith.constant 4 : i32
    %shift_right_logical3A_201 = vector.broadcast %shift_right_logical3A_200 : i32 to vector<16xi32>
    %shift_right_logical3A_202 = arith.shrui %add3A_199, %shift_right_logical3A_201 : vector<16xi32>
    %add3A_203 = arith.constant 1 : i32
    %add3A_204 = vector.broadcast %add3A_203 : i32 to vector<16xi32>
    %add3A_205 = arith.addi %shift_right_logical3A_202, %add3A_204 : vector<16xi32>
    %min3A_206 = arith.constant 262143 : i32
    %min3A_207 = vector.broadcast %min3A_206 : i32 to vector<16xi32>
    %min3A_208 = arith.minsi %add3A_205, %min3A_207 : vector<16xi32>
    %add3A_209 = arith.constant 32 : i32
    %add3A_210 = vector.broadcast %add3A_209 : i32 to vector<16xi32>
    %add3A_211 = arith.addi %add3A_210, %iota3A : vector<16xi32>
    %broadcast_in_dim3A_212 = arith.constant 2 : i32
    %broadcast_in_dim3A_213 = vector.broadcast %broadcast_in_dim3A_212 : i32 to vector<16xi32>
    tpu.vector_store_idx %arg8[%broadcast_in_dim3A_213, %add3A_211], %shift_right_logical3A_202 : memref<6x64xi32, #tpu.memory_space<vmem>>[vector<16xi32>, vector<16xi32>], vector<16xi32>,
    %broadcast_in_dim3A_214 = arith.constant 3 : i32
    %broadcast_in_dim3A_215 = vector.broadcast %broadcast_in_dim3A_214 : i32 to vector<16xi32>
    tpu.vector_store_idx %arg8[%broadcast_in_dim3A_215, %add3A_211], %min3A_208 : memref<6x64xi32, #tpu.memory_space<vmem>>[vector<16xi32>, vector<16xi32>], vector<16xi32>,
    %add3A_216 = arith.constant 1 : i32
    %add3A_217 = vector.broadcast %add3A_216 : i32 to vector<16xi32>
    %add3A_218 = arith.addi %shift_right_logical3A_163, %add3A_217 : vector<16xi32>
    %mul3A_219 = arith.constant 2048 : i32
    %mul3A_220 = vector.broadcast %mul3A_219 : i32 to vector<16xi32>
    %mul3A_221 = arith.muli %add3A_218, %mul3A_220 : vector<16xi32>
    %add3A_222 = arith.addi %mul3A_221, %sub3A_169 : vector<16xi32>
    %shift_right_logical3A_223 = arith.constant 4 : i32
    %shift_right_logical3A_224 = vector.broadcast %shift_right_logical3A_223 : i32 to vector<16xi32>
    %shift_right_logical3A_225 = arith.shrui %add3A_222, %shift_right_logical3A_224 : vector<16xi32>
    %add3A_226 = arith.constant 1 : i32
    %add3A_227 = vector.broadcast %add3A_226 : i32 to vector<16xi32>
    %add3A_228 = arith.addi %shift_right_logical3A_225, %add3A_227 : vector<16xi32>
    %min3A_229 = arith.constant 262143 : i32
    %min3A_230 = vector.broadcast %min3A_229 : i32 to vector<16xi32>
    %min3A_231 = arith.minsi %add3A_228, %min3A_230 : vector<16xi32>
    %add3A_232 = arith.constant 32 : i32
    %add3A_233 = vector.broadcast %add3A_232 : i32 to vector<16xi32>
    %add3A_234 = arith.addi %add3A_233, %iota3A : vector<16xi32>
    %broadcast_in_dim3A_235 = arith.constant 4 : i32
    %broadcast_in_dim3A_236 = vector.broadcast %broadcast_in_dim3A_235 : i32 to vector<16xi32>
    tpu.vector_store_idx %arg8[%broadcast_in_dim3A_236, %add3A_234], %shift_right_logical3A_225 : memref<6x64xi32, #tpu.memory_space<vmem>>[vector<16xi32>, vector<16xi32>], vector<16xi32>,
    %broadcast_in_dim3A_237 = arith.constant 5 : i32
    %broadcast_in_dim3A_238 = vector.broadcast %broadcast_in_dim3A_237 : i32 to vector<16xi32>
    tpu.vector_store_idx %arg8[%broadcast_in_dim3A_238, %add3A_234], %min3A_231 : memref<6x64xi32, #tpu.memory_space<vmem>>[vector<16xi32>, vector<16xi32>], vector<16xi32>,
    %get3A_239 = arith.constant 48 : index
    %get3A_240 = tpu.vector_load %arg7[%get3A_239] {strides = array<i32>} : memref<64xi32, #tpu.memory_space<vmem>>, vector<16xi32>,
    %shift_right_logical3A_241 = arith.constant 11 : i32
    %shift_right_logical3A_242 = vector.broadcast %shift_right_logical3A_241 : i32 to vector<16xi32>
    %shift_right_logical3A_243 = arith.shrui %get3A_240, %shift_right_logical3A_242 : vector<16xi32>
    %and3A_244 = arith.constant 2047 : i32
    %and3A_245 = vector.broadcast %and3A_244 : i32 to vector<16xi32>
    %and3A_246 = arith.andi %get3A_240, %and3A_245 : vector<16xi32>
    %sub3A_247 = arith.constant 1 : i32
    %sub3A_248 = vector.broadcast %sub3A_247 : i32 to vector<16xi32>
    %sub3A_249 = arith.subi %and3A_246, %sub3A_248 : vector<16xi32>
    %add3A_250 = arith.constant -1 : i32
    %add3A_251 = vector.broadcast %add3A_250 : i32 to vector<16xi32>
    %add3A_252 = arith.addi %shift_right_logical3A_243, %add3A_251 : vector<16xi32>
    %mul3A_253 = arith.constant 2048 : i32
    %mul3A_254 = vector.broadcast %mul3A_253 : i32 to vector<16xi32>
    %mul3A_255 = arith.muli %add3A_252, %mul3A_254 : vector<16xi32>
    %add3A_256 = arith.addi %mul3A_255, %sub3A_249 : vector<16xi32>
    %shift_right_logical3A_257 = arith.constant 4 : i32
    %shift_right_logical3A_258 = vector.broadcast %shift_right_logical3A_257 : i32 to vector<16xi32>
    %shift_right_logical3A_259 = arith.shrui %add3A_256, %shift_right_logical3A_258 : vector<16xi32>
    %add3A_260 = arith.constant 1 : i32
    %add3A_261 = vector.broadcast %add3A_260 : i32 to vector<16xi32>
    %add3A_262 = arith.addi %shift_right_logical3A_259, %add3A_261 : vector<16xi32>
    %min3A_263 = arith.constant 262143 : i32
    %min3A_264 = vector.broadcast %min3A_263 : i32 to vector<16xi32>
    %min3A_265 = arith.minsi %add3A_262, %min3A_264 : vector<16xi32>
    %add3A_266 = arith.constant 48 : i32
    %add3A_267 = vector.broadcast %add3A_266 : i32 to vector<16xi32>
    %add3A_268 = arith.addi %add3A_267, %iota3A : vector<16xi32>
    %broadcast_in_dim3A_269 = arith.constant 0 : i32
    %broadcast_in_dim3A_270 = vector.broadcast %broadcast_in_dim3A_269 : i32 to vector<16xi32>
    tpu.vector_store_idx %arg8[%broadcast_in_dim3A_270, %add3A_268], %shift_right_logical3A_259 : memref<6x64xi32, #tpu.memory_space<vmem>>[vector<16xi32>, vector<16xi32>], vector<16xi32>,
    %broadcast_in_dim3A_271 = arith.constant 1 : i32
    %broadcast_in_dim3A_272 = vector.broadcast %broadcast_in_dim3A_271 : i32 to vector<16xi32>
    tpu.vector_store_idx %arg8[%broadcast_in_dim3A_272, %add3A_268], %min3A_265 : memref<6x64xi32, #tpu.memory_space<vmem>>[vector<16xi32>, vector<16xi32>], vector<16xi32>,
    %add3A_273 = arith.constant 0 : i32
    %add3A_274 = vector.broadcast %add3A_273 : i32 to vector<16xi32>
    %add3A_275 = arith.addi %shift_right_logical3A_243, %add3A_274 : vector<16xi32>
    %mul3A_276 = arith.constant 2048 : i32
    %mul3A_277 = vector.broadcast %mul3A_276 : i32 to vector<16xi32>
    %mul3A_278 = arith.muli %add3A_275, %mul3A_277 : vector<16xi32>
    %add3A_279 = arith.addi %mul3A_278, %sub3A_249 : vector<16xi32>
    %shift_right_logical3A_280 = arith.constant 4 : i32
    %shift_right_logical3A_281 = vector.broadcast %shift_right_logical3A_280 : i32 to vector<16xi32>
    %shift_right_logical3A_282 = arith.shrui %add3A_279, %shift_right_logical3A_281 : vector<16xi32>
    %add3A_283 = arith.constant 1 : i32
    %add3A_284 = vector.broadcast %add3A_283 : i32 to vector<16xi32>
    %add3A_285 = arith.addi %shift_right_logical3A_282, %add3A_284 : vector<16xi32>
    %min3A_286 = arith.constant 262143 : i32
    %min3A_287 = vector.broadcast %min3A_286 : i32 to vector<16xi32>
    %min3A_288 = arith.minsi %add3A_285, %min3A_287 : vector<16xi32>
    %add3A_289 = arith.constant 48 : i32
    %add3A_290 = vector.broadcast %add3A_289 : i32 to vector<16xi32>
    %add3A_291 = arith.addi %add3A_290, %iota3A : vector<16xi32>
    %broadcast_in_dim3A_292 = arith.constant 2 : i32
    %broadcast_in_dim3A_293 = vector.broadcast %broadcast_in_dim3A_292 : i32 to vector<16xi32>
    tpu.vector_store_idx %arg8[%broadcast_in_dim3A_293, %add3A_291], %shift_right_logical3A_282 : memref<6x64xi32, #tpu.memory_space<vmem>>[vector<16xi32>, vector<16xi32>], vector<16xi32>,
    %broadcast_in_dim3A_294 = arith.constant 3 : i32
    %broadcast_in_dim3A_295 = vector.broadcast %broadcast_in_dim3A_294 : i32 to vector<16xi32>
    tpu.vector_store_idx %arg8[%broadcast_in_dim3A_295, %add3A_291], %min3A_288 : memref<6x64xi32, #tpu.memory_space<vmem>>[vector<16xi32>, vector<16xi32>], vector<16xi32>,
    %add3A_296 = arith.constant 1 : i32
    %add3A_297 = vector.broadcast %add3A_296 : i32 to vector<16xi32>
    %add3A_298 = arith.addi %shift_right_logical3A_243, %add3A_297 : vector<16xi32>
    %mul3A_299 = arith.constant 2048 : i32
    %mul3A_300 = vector.broadcast %mul3A_299 : i32 to vector<16xi32>
    %mul3A_301 = arith.muli %add3A_298, %mul3A_300 : vector<16xi32>
    %add3A_302 = arith.addi %mul3A_301, %sub3A_249 : vector<16xi32>
    %shift_right_logical3A_303 = arith.constant 4 : i32
    %shift_right_logical3A_304 = vector.broadcast %shift_right_logical3A_303 : i32 to vector<16xi32>
    %shift_right_logical3A_305 = arith.shrui %add3A_302, %shift_right_logical3A_304 : vector<16xi32>
    %add3A_306 = arith.constant 1 : i32
    %add3A_307 = vector.broadcast %add3A_306 : i32 to vector<16xi32>
    %add3A_308 = arith.addi %shift_right_logical3A_305, %add3A_307 : vector<16xi32>
    %min3A_309 = arith.constant 262143 : i32
    %min3A_310 = vector.broadcast %min3A_309 : i32 to vector<16xi32>
    %min3A_311 = arith.minsi %add3A_308, %min3A_310 : vector<16xi32>
    %add3A_312 = arith.constant 48 : i32
    %add3A_313 = vector.broadcast %add3A_312 : i32 to vector<16xi32>
    %add3A_314 = arith.addi %add3A_313, %iota3A : vector<16xi32>
    %broadcast_in_dim3A_315 = arith.constant 4 : i32
    %broadcast_in_dim3A_316 = vector.broadcast %broadcast_in_dim3A_315 : i32 to vector<16xi32>
    tpu.vector_store_idx %arg8[%broadcast_in_dim3A_316, %add3A_314], %shift_right_logical3A_305 : memref<6x64xi32, #tpu.memory_space<vmem>>[vector<16xi32>, vector<16xi32>], vector<16xi32>,
    %broadcast_in_dim3A_317 = arith.constant 5 : i32
    %broadcast_in_dim3A_318 = vector.broadcast %broadcast_in_dim3A_317 : i32 to vector<16xi32>
    tpu.vector_store_idx %arg8[%broadcast_in_dim3A_318, %add3A_314], %min3A_311 : memref<6x64xi32, #tpu.memory_space<vmem>>[vector<16xi32>, vector<16xi32>], vector<16xi32>,
    %dma_start3A = arith.constant 0 : i32
    %dma_start3A_319 = arith.constant 0 : i32
    %dma_start3A_320 = arith.constant 0 : i32
    %dma_start3A_321 = arith.constant 0 : i32
    %dma_start3A_322 = tpu.memref_slice %arg9[%dma_start3A_319, %dma_start3A_320, %dma_start3A_321] : memref<6x64x16xf32, #tpu.memory_space<vmem>> -> memref<1x64x16xf32, #tpu.memory_space<vmem>>
    %dma_start3A_323 = tpu.memref_squeeze %dma_start3A_322 : memref<1x64x16xf32, #tpu.memory_space<vmem>> -> memref<64x16xf32, #tpu.memory_space<vmem>>
    %dma_start3A_324 = arith.constant 0 : i32
    %dma_start3A_325 = tpu.memref_slice %arg8[%dma_start3A, %dma_start3A_324] : memref<6x64xi32, #tpu.memory_space<vmem>> -> memref<1x64xi32, #tpu.memory_space<vmem>>
    %dma_start3A_326 = tpu.memref_squeeze %dma_start3A_325 : memref<1x64xi32, #tpu.memory_space<vmem>> -> memref<64xi32, #tpu.memory_space<vmem>>
    %dma_start3A_327 = arith.constant 0 : i32
    %dma_start3A_328 = arith.constant 0 : i32
    %dma_start3A_329 = tpu.memref_slice %arg2[%dma_start3A_327, %dma_start3A_328] : memref<262144x16xf32, #tpu.memory_space<hbm>> -> memref<262144x16xf32, #tpu.memory_space<hbm>>
    tpu.enqueue_indirect_dma source(%dma_start3A_329 : memref<262144x16xf32, #tpu.memory_space<hbm>>) target(%dma_start3A_323 : memref<64x16xf32, #tpu.memory_space<vmem>>) offsets(%dma_start3A_326 : memref<64xi32, #tpu.memory_space<vmem>>) semaphore(%arg13 : memref<!tpu.dma_semaphore, #tpu.memory_space<semaphore_mem>>)
    %dma_start3A_330 = arith.constant 1 : i32
    %dma_start3A_331 = arith.constant 1 : i32
    %dma_start3A_332 = arith.constant 0 : i32
    %dma_start3A_333 = arith.constant 0 : i32
    %dma_start3A_334 = tpu.memref_slice %arg9[%dma_start3A_331, %dma_start3A_332, %dma_start3A_333] : memref<6x64x16xf32, #tpu.memory_space<vmem>> -> memref<1x64x16xf32, #tpu.memory_space<vmem>>
    %dma_start3A_335 = tpu.memref_squeeze %dma_start3A_334 : memref<1x64x16xf32, #tpu.memory_space<vmem>> -> memref<64x16xf32, #tpu.memory_space<vmem>>
    %dma_start3A_336 = arith.constant 0 : i32
    %dma_start3A_337 = tpu.memref_slice %arg8[%dma_start3A_330, %dma_start3A_336] : memref<6x64xi32, #tpu.memory_space<vmem>> -> memref<1x64xi32, #tpu.memory_space<vmem>>
    %dma_start3A_338 = tpu.memref_squeeze %dma_start3A_337 : memref<1x64xi32, #tpu.memory_space<vmem>> -> memref<64xi32, #tpu.memory_space<vmem>>
    %dma_start3A_339 = arith.constant 0 : i32
    %dma_start3A_340 = arith.constant 0 : i32
    %dma_start3A_341 = tpu.memref_slice %arg2[%dma_start3A_339, %dma_start3A_340] : memref<262144x16xf32, #tpu.memory_space<hbm>> -> memref<262144x16xf32, #tpu.memory_space<hbm>>
    tpu.enqueue_indirect_dma source(%dma_start3A_341 : memref<262144x16xf32, #tpu.memory_space<hbm>>) target(%dma_start3A_335 : memref<64x16xf32, #tpu.memory_space<vmem>>) offsets(%dma_start3A_338 : memref<64xi32, #tpu.memory_space<vmem>>) semaphore(%arg13 : memref<!tpu.dma_semaphore, #tpu.memory_space<semaphore_mem>>)
    %dma_start3A_342 = arith.constant 2 : i32
    %dma_start3A_343 = arith.constant 2 : i32
    %dma_start3A_344 = arith.constant 0 : i32
    %dma_start3A_345 = arith.constant 0 : i32
    %dma_start3A_346 = tpu.memref_slice %arg9[%dma_start3A_343, %dma_start3A_344, %dma_start3A_345] : memref<6x64x16xf32, #tpu.memory_space<vmem>> -> memref<1x64x16xf32, #tpu.memory_space<vmem>>
    %dma_start3A_347 = tpu.memref_squeeze %dma_start3A_346 : memref<1x64x16xf32, #tpu.memory_space<vmem>> -> memref<64x16xf32, #tpu.memory_space<vmem>>
    %dma_start3A_348 = arith.constant 0 : i32
    %dma_start3A_349 = tpu.memref_slice %arg8[%dma_start3A_342, %dma_start3A_348] : memref<6x64xi32, #tpu.memory_space<vmem>> -> memref<1x64xi32, #tpu.memory_space<vmem>>
    %dma_start3A_350 = tpu.memref_squeeze %dma_start3A_349 : memref<1x64xi32, #tpu.memory_space<vmem>> -> memref<64xi32, #tpu.memory_space<vmem>>
    %dma_start3A_351 = arith.constant 0 : i32
    %dma_start3A_352 = arith.constant 0 : i32
    %dma_start3A_353 = tpu.memref_slice %arg2[%dma_start3A_351, %dma_start3A_352] : memref<262144x16xf32, #tpu.memory_space<hbm>> -> memref<262144x16xf32, #tpu.memory_space<hbm>>
    tpu.enqueue_indirect_dma source(%dma_start3A_353 : memref<262144x16xf32, #tpu.memory_space<hbm>>) target(%dma_start3A_347 : memref<64x16xf32, #tpu.memory_space<vmem>>) offsets(%dma_start3A_350 : memref<64xi32, #tpu.memory_space<vmem>>) semaphore(%arg13 : memref<!tpu.dma_semaphore, #tpu.memory_space<semaphore_mem>>)
    %dma_start3A_354 = arith.constant 3 : i32
    %dma_start3A_355 = arith.constant 3 : i32
    %dma_start3A_356 = arith.constant 0 : i32
    %dma_start3A_357 = arith.constant 0 : i32
    %dma_start3A_358 = tpu.memref_slice %arg9[%dma_start3A_355, %dma_start3A_356, %dma_start3A_357] : memref<6x64x16xf32, #tpu.memory_space<vmem>> -> memref<1x64x16xf32, #tpu.memory_space<vmem>>
    %dma_start3A_359 = tpu.memref_squeeze %dma_start3A_358 : memref<1x64x16xf32, #tpu.memory_space<vmem>> -> memref<64x16xf32, #tpu.memory_space<vmem>>
    %dma_start3A_360 = arith.constant 0 : i32
    %dma_start3A_361 = tpu.memref_slice %arg8[%dma_start3A_354, %dma_start3A_360] : memref<6x64xi32, #tpu.memory_space<vmem>> -> memref<1x64xi32, #tpu.memory_space<vmem>>
    %dma_start3A_362 = tpu.memref_squeeze %dma_start3A_361 : memref<1x64xi32, #tpu.memory_space<vmem>> -> memref<64xi32, #tpu.memory_space<vmem>>
    %dma_start3A_363 = arith.constant 0 : i32
    %dma_start3A_364 = arith.constant 0 : i32
    %dma_start3A_365 = tpu.memref_slice %arg2[%dma_start3A_363, %dma_start3A_364] : memref<262144x16xf32, #tpu.memory_space<hbm>> -> memref<262144x16xf32, #tpu.memory_space<hbm>>
    tpu.enqueue_indirect_dma source(%dma_start3A_365 : memref<262144x16xf32, #tpu.memory_space<hbm>>) target(%dma_start3A_359 : memref<64x16xf32, #tpu.memory_space<vmem>>) offsets(%dma_start3A_362 : memref<64xi32, #tpu.memory_space<vmem>>) semaphore(%arg13 : memref<!tpu.dma_semaphore, #tpu.memory_space<semaphore_mem>>)
    %dma_start3A_366 = arith.constant 4 : i32
    %dma_start3A_367 = arith.constant 4 : i32
    %dma_start3A_368 = arith.constant 0 : i32
    %dma_start3A_369 = arith.constant 0 : i32
    %dma_start3A_370 = tpu.memref_slice %arg9[%dma_start3A_367, %dma_start3A_368, %dma_start3A_369] : memref<6x64x16xf32, #tpu.memory_space<vmem>> -> memref<1x64x16xf32, #tpu.memory_space<vmem>>
    %dma_start3A_371 = tpu.memref_squeeze %dma_start3A_370 : memref<1x64x16xf32, #tpu.memory_space<vmem>> -> memref<64x16xf32, #tpu.memory_space<vmem>>
    %dma_start3A_372 = arith.constant 0 : i32
    %dma_start3A_373 = tpu.memref_slice %arg8[%dma_start3A_366, %dma_start3A_372] : memref<6x64xi32, #tpu.memory_space<vmem>> -> memref<1x64xi32, #tpu.memory_space<vmem>>
    %dma_start3A_374 = tpu.memref_squeeze %dma_start3A_373 : memref<1x64xi32, #tpu.memory_space<vmem>> -> memref<64xi32, #tpu.memory_space<vmem>>
    %dma_start3A_375 = arith.constant 0 : i32
    %dma_start3A_376 = arith.constant 0 : i32
    %dma_start3A_377 = tpu.memref_slice %arg2[%dma_start3A_375, %dma_start3A_376] : memref<262144x16xf32, #tpu.memory_space<hbm>> -> memref<262144x16xf32, #tpu.memory_space<hbm>>
    tpu.enqueue_indirect_dma source(%dma_start3A_377 : memref<262144x16xf32, #tpu.memory_space<hbm>>) target(%dma_start3A_371 : memref<64x16xf32, #tpu.memory_space<vmem>>) offsets(%dma_start3A_374 : memref<64xi32, #tpu.memory_space<vmem>>) semaphore(%arg13 : memref<!tpu.dma_semaphore, #tpu.memory_space<semaphore_mem>>)
    %dma_start3A_378 = arith.constant 5 : i32
    %dma_start3A_379 = arith.constant 5 : i32
    %dma_start3A_380 = arith.constant 0 : i32
    %dma_start3A_381 = arith.constant 0 : i32
    %dma_start3A_382 = tpu.memref_slice %arg9[%dma_start3A_379, %dma_start3A_380, %dma_start3A_381] : memref<6x64x16xf32, #tpu.memory_space<vmem>> -> memref<1x64x16xf32, #tpu.memory_space<vmem>>
    %dma_start3A_383 = tpu.memref_squeeze %dma_start3A_382 : memref<1x64x16xf32, #tpu.memory_space<vmem>> -> memref<64x16xf32, #tpu.memory_space<vmem>>
    %dma_start3A_384 = arith.constant 0 : i32
    %dma_start3A_385 = tpu.memref_slice %arg8[%dma_start3A_378, %dma_start3A_384] : memref<6x64xi32, #tpu.memory_space<vmem>> -> memref<1x64xi32, #tpu.memory_space<vmem>>
    %dma_start3A_386 = tpu.memref_squeeze %dma_start3A_385 : memref<1x64xi32, #tpu.memory_space<vmem>> -> memref<64xi32, #tpu.memory_space<vmem>>
    %dma_start3A_387 = arith.constant 0 : i32
    %dma_start3A_388 = arith.constant 0 : i32
    %dma_start3A_389 = tpu.memref_slice %arg2[%dma_start3A_387, %dma_start3A_388] : memref<262144x16xf32, #tpu.memory_space<hbm>> -> memref<262144x16xf32, #tpu.memory_space<hbm>>
    tpu.enqueue_indirect_dma source(%dma_start3A_389 : memref<262144x16xf32, #tpu.memory_space<hbm>>) target(%dma_start3A_383 : memref<64x16xf32, #tpu.memory_space<vmem>>) offsets(%dma_start3A_386 : memref<64xi32, #tpu.memory_space<vmem>>) semaphore(%arg13 : memref<!tpu.dma_semaphore, #tpu.memory_space<semaphore_mem>>)
    %dma_start3A_390 = arith.constant 0 : i32
    %dma_start3A_391 = arith.constant 0 : i32
    %dma_start3A_392 = arith.constant 0 : i32
    %dma_start3A_393 = arith.constant 0 : i32
    %dma_start3A_394 = tpu.memref_slice %arg10[%dma_start3A_391, %dma_start3A_392, %dma_start3A_393] : memref<6x64x16xf32, #tpu.memory_space<vmem>> -> memref<1x64x16xf32, #tpu.memory_space<vmem>>
    %dma_start3A_395 = tpu.memref_squeeze %dma_start3A_394 : memref<1x64x16xf32, #tpu.memory_space<vmem>> -> memref<64x16xf32, #tpu.memory_space<vmem>>
    %dma_start3A_396 = arith.constant 0 : i32
    %dma_start3A_397 = tpu.memref_slice %arg8[%dma_start3A_390, %dma_start3A_396] : memref<6x64xi32, #tpu.memory_space<vmem>> -> memref<1x64xi32, #tpu.memory_space<vmem>>
    %dma_start3A_398 = tpu.memref_squeeze %dma_start3A_397 : memref<1x64xi32, #tpu.memory_space<vmem>> -> memref<64xi32, #tpu.memory_space<vmem>>
    %dma_start3A_399 = arith.constant 0 : i32
    %dma_start3A_400 = arith.constant 0 : i32
    %dma_start3A_401 = tpu.memref_slice %arg3[%dma_start3A_399, %dma_start3A_400] : memref<262144x16xf32, #tpu.memory_space<hbm>> -> memref<262144x16xf32, #tpu.memory_space<hbm>>
    tpu.enqueue_indirect_dma source(%dma_start3A_401 : memref<262144x16xf32, #tpu.memory_space<hbm>>) target(%dma_start3A_395 : memref<64x16xf32, #tpu.memory_space<vmem>>) offsets(%dma_start3A_398 : memref<64xi32, #tpu.memory_space<vmem>>) semaphore(%arg13 : memref<!tpu.dma_semaphore, #tpu.memory_space<semaphore_mem>>)
    %dma_start3A_402 = arith.constant 1 : i32
    %dma_start3A_403 = arith.constant 1 : i32
    %dma_start3A_404 = arith.constant 0 : i32
    %dma_start3A_405 = arith.constant 0 : i32
    %dma_start3A_406 = tpu.memref_slice %arg10[%dma_start3A_403, %dma_start3A_404, %dma_start3A_405] : memref<6x64x16xf32, #tpu.memory_space<vmem>> -> memref<1x64x16xf32, #tpu.memory_space<vmem>>
    %dma_start3A_407 = tpu.memref_squeeze %dma_start3A_406 : memref<1x64x16xf32, #tpu.memory_space<vmem>> -> memref<64x16xf32, #tpu.memory_space<vmem>>
    %dma_start3A_408 = arith.constant 0 : i32
    %dma_start3A_409 = tpu.memref_slice %arg8[%dma_start3A_402, %dma_start3A_408] : memref<6x64xi32, #tpu.memory_space<vmem>> -> memref<1x64xi32, #tpu.memory_space<vmem>>
    %dma_start3A_410 = tpu.memref_squeeze %dma_start3A_409 : memref<1x64xi32, #tpu.memory_space<vmem>> -> memref<64xi32, #tpu.memory_space<vmem>>
    %dma_start3A_411 = arith.constant 0 : i32
    %dma_start3A_412 = arith.constant 0 : i32
    %dma_start3A_413 = tpu.memref_slice %arg3[%dma_start3A_411, %dma_start3A_412] : memref<262144x16xf32, #tpu.memory_space<hbm>> -> memref<262144x16xf32, #tpu.memory_space<hbm>>
    tpu.enqueue_indirect_dma source(%dma_start3A_413 : memref<262144x16xf32, #tpu.memory_space<hbm>>) target(%dma_start3A_407 : memref<64x16xf32, #tpu.memory_space<vmem>>) offsets(%dma_start3A_410 : memref<64xi32, #tpu.memory_space<vmem>>) semaphore(%arg13 : memref<!tpu.dma_semaphore, #tpu.memory_space<semaphore_mem>>)
    %dma_start3A_414 = arith.constant 2 : i32
    %dma_start3A_415 = arith.constant 2 : i32
    %dma_start3A_416 = arith.constant 0 : i32
    %dma_start3A_417 = arith.constant 0 : i32
    %dma_start3A_418 = tpu.memref_slice %arg10[%dma_start3A_415, %dma_start3A_416, %dma_start3A_417] : memref<6x64x16xf32, #tpu.memory_space<vmem>> -> memref<1x64x16xf32, #tpu.memory_space<vmem>>
    %dma_start3A_419 = tpu.memref_squeeze %dma_start3A_418 : memref<1x64x16xf32, #tpu.memory_space<vmem>> -> memref<64x16xf32, #tpu.memory_space<vmem>>
    %dma_start3A_420 = arith.constant 0 : i32
    %dma_start3A_421 = tpu.memref_slice %arg8[%dma_start3A_414, %dma_start3A_420] : memref<6x64xi32, #tpu.memory_space<vmem>> -> memref<1x64xi32, #tpu.memory_space<vmem>>
    %dma_start3A_422 = tpu.memref_squeeze %dma_start3A_421 : memref<1x64xi32, #tpu.memory_space<vmem>> -> memref<64xi32, #tpu.memory_space<vmem>>
    %dma_start3A_423 = arith.constant 0 : i32
    %dma_start3A_424 = arith.constant 0 : i32
    %dma_start3A_425 = tpu.memref_slice %arg3[%dma_start3A_423, %dma_start3A_424] : memref<262144x16xf32, #tpu.memory_space<hbm>> -> memref<262144x16xf32, #tpu.memory_space<hbm>>
    tpu.enqueue_indirect_dma source(%dma_start3A_425 : memref<262144x16xf32, #tpu.memory_space<hbm>>) target(%dma_start3A_419 : memref<64x16xf32, #tpu.memory_space<vmem>>) offsets(%dma_start3A_422 : memref<64xi32, #tpu.memory_space<vmem>>) semaphore(%arg13 : memref<!tpu.dma_semaphore, #tpu.memory_space<semaphore_mem>>)
    %dma_start3A_426 = arith.constant 3 : i32
    %dma_start3A_427 = arith.constant 3 : i32
    %dma_start3A_428 = arith.constant 0 : i32
    %dma_start3A_429 = arith.constant 0 : i32
    %dma_start3A_430 = tpu.memref_slice %arg10[%dma_start3A_427, %dma_start3A_428, %dma_start3A_429] : memref<6x64x16xf32, #tpu.memory_space<vmem>> -> memref<1x64x16xf32, #tpu.memory_space<vmem>>
    %dma_start3A_431 = tpu.memref_squeeze %dma_start3A_430 : memref<1x64x16xf32, #tpu.memory_space<vmem>> -> memref<64x16xf32, #tpu.memory_space<vmem>>
    %dma_start3A_432 = arith.constant 0 : i32
    %dma_start3A_433 = tpu.memref_slice %arg8[%dma_start3A_426, %dma_start3A_432] : memref<6x64xi32, #tpu.memory_space<vmem>> -> memref<1x64xi32, #tpu.memory_space<vmem>>
    %dma_start3A_434 = tpu.memref_squeeze %dma_start3A_433 : memref<1x64xi32, #tpu.memory_space<vmem>> -> memref<64xi32, #tpu.memory_space<vmem>>
    %dma_start3A_435 = arith.constant 0 : i32
    %dma_start3A_436 = arith.constant 0 : i32
    %dma_start3A_437 = tpu.memref_slice %arg3[%dma_start3A_435, %dma_start3A_436] : memref<262144x16xf32, #tpu.memory_space<hbm>> -> memref<262144x16xf32, #tpu.memory_space<hbm>>
    tpu.enqueue_indirect_dma source(%dma_start3A_437 : memref<262144x16xf32, #tpu.memory_space<hbm>>) target(%dma_start3A_431 : memref<64x16xf32, #tpu.memory_space<vmem>>) offsets(%dma_start3A_434 : memref<64xi32, #tpu.memory_space<vmem>>) semaphore(%arg13 : memref<!tpu.dma_semaphore, #tpu.memory_space<semaphore_mem>>)
    %dma_start3A_438 = arith.constant 4 : i32
    %dma_start3A_439 = arith.constant 4 : i32
    %dma_start3A_440 = arith.constant 0 : i32
    %dma_start3A_441 = arith.constant 0 : i32
    %dma_start3A_442 = tpu.memref_slice %arg10[%dma_start3A_439, %dma_start3A_440, %dma_start3A_441] : memref<6x64x16xf32, #tpu.memory_space<vmem>> -> memref<1x64x16xf32, #tpu.memory_space<vmem>>
    %dma_start3A_443 = tpu.memref_squeeze %dma_start3A_442 : memref<1x64x16xf32, #tpu.memory_space<vmem>> -> memref<64x16xf32, #tpu.memory_space<vmem>>
    %dma_start3A_444 = arith.constant 0 : i32
    %dma_start3A_445 = tpu.memref_slice %arg8[%dma_start3A_438, %dma_start3A_444] : memref<6x64xi32, #tpu.memory_space<vmem>> -> memref<1x64xi32, #tpu.memory_space<vmem>>
    %dma_start3A_446 = tpu.memref_squeeze %dma_start3A_445 : memref<1x64xi32, #tpu.memory_space<vmem>> -> memref<64xi32, #tpu.memory_space<vmem>>
    %dma_start3A_447 = arith.constant 0 : i32
    %dma_start3A_448 = arith.constant 0 : i32
    %dma_start3A_449 = tpu.memref_slice %arg3[%dma_start3A_447, %dma_start3A_448] : memref<262144x16xf32, #tpu.memory_space<hbm>> -> memref<262144x16xf32, #tpu.memory_space<hbm>>
    tpu.enqueue_indirect_dma source(%dma_start3A_449 : memref<262144x16xf32, #tpu.memory_space<hbm>>) target(%dma_start3A_443 : memref<64x16xf32, #tpu.memory_space<vmem>>) offsets(%dma_start3A_446 : memref<64xi32, #tpu.memory_space<vmem>>) semaphore(%arg13 : memref<!tpu.dma_semaphore, #tpu.memory_space<semaphore_mem>>)
    %dma_start3A_450 = arith.constant 5 : i32
    %dma_start3A_451 = arith.constant 5 : i32
    %dma_start3A_452 = arith.constant 0 : i32
    %dma_start3A_453 = arith.constant 0 : i32
    %dma_start3A_454 = tpu.memref_slice %arg10[%dma_start3A_451, %dma_start3A_452, %dma_start3A_453] : memref<6x64x16xf32, #tpu.memory_space<vmem>> -> memref<1x64x16xf32, #tpu.memory_space<vmem>>
    %dma_start3A_455 = tpu.memref_squeeze %dma_start3A_454 : memref<1x64x16xf32, #tpu.memory_space<vmem>> -> memref<64x16xf32, #tpu.memory_space<vmem>>
    %dma_start3A_456 = arith.constant 0 : i32
    %dma_start3A_457 = tpu.memref_slice %arg8[%dma_start3A_450, %dma_start3A_456] : memref<6x64xi32, #tpu.memory_space<vmem>> -> memref<1x64xi32, #tpu.memory_space<vmem>>
    %dma_start3A_458 = tpu.memref_squeeze %dma_start3A_457 : memref<1x64xi32, #tpu.memory_space<vmem>> -> memref<64xi32, #tpu.memory_space<vmem>>
    %dma_start3A_459 = arith.constant 0 : i32
    %dma_start3A_460 = arith.constant 0 : i32
    %dma_start3A_461 = tpu.memref_slice %arg3[%dma_start3A_459, %dma_start3A_460] : memref<262144x16xf32, #tpu.memory_space<hbm>> -> memref<262144x16xf32, #tpu.memory_space<hbm>>
    tpu.enqueue_indirect_dma source(%dma_start3A_461 : memref<262144x16xf32, #tpu.memory_space<hbm>>) target(%dma_start3A_455 : memref<64x16xf32, #tpu.memory_space<vmem>>) offsets(%dma_start3A_458 : memref<64xi32, #tpu.memory_space<vmem>>) semaphore(%arg13 : memref<!tpu.dma_semaphore, #tpu.memory_space<semaphore_mem>>)
    %dma_start3A_462 = arith.constant 0 : i32
    %dma_start3A_463 = arith.constant 0 : i32
    %dma_start3A_464 = arith.constant 0 : i32
    %dma_start3A_465 = arith.constant 0 : i32
    %dma_start3A_466 = tpu.memref_slice %arg11[%dma_start3A_463, %dma_start3A_464, %dma_start3A_465] : memref<6x64x16xf32, #tpu.memory_space<vmem>> -> memref<1x64x16xf32, #tpu.memory_space<vmem>>
    %dma_start3A_467 = tpu.memref_squeeze %dma_start3A_466 : memref<1x64x16xf32, #tpu.memory_space<vmem>> -> memref<64x16xf32, #tpu.memory_space<vmem>>
    %dma_start3A_468 = arith.constant 0 : i32
    %dma_start3A_469 = tpu.memref_slice %arg8[%dma_start3A_462, %dma_start3A_468] : memref<6x64xi32, #tpu.memory_space<vmem>> -> memref<1x64xi32, #tpu.memory_space<vmem>>
    %dma_start3A_470 = tpu.memref_squeeze %dma_start3A_469 : memref<1x64xi32, #tpu.memory_space<vmem>> -> memref<64xi32, #tpu.memory_space<vmem>>
    %dma_start3A_471 = arith.constant 0 : i32
    %dma_start3A_472 = arith.constant 0 : i32
    %dma_start3A_473 = tpu.memref_slice %arg4[%dma_start3A_471, %dma_start3A_472] : memref<262144x16xf32, #tpu.memory_space<hbm>> -> memref<262144x16xf32, #tpu.memory_space<hbm>>
    tpu.enqueue_indirect_dma source(%dma_start3A_473 : memref<262144x16xf32, #tpu.memory_space<hbm>>) target(%dma_start3A_467 : memref<64x16xf32, #tpu.memory_space<vmem>>) offsets(%dma_start3A_470 : memref<64xi32, #tpu.memory_space<vmem>>) semaphore(%arg13 : memref<!tpu.dma_semaphore, #tpu.memory_space<semaphore_mem>>)
    %dma_start3A_474 = arith.constant 1 : i32
    %dma_start3A_475 = arith.constant 1 : i32
    %dma_start3A_476 = arith.constant 0 : i32
    %dma_start3A_477 = arith.constant 0 : i32
    %dma_start3A_478 = tpu.memref_slice %arg11[%dma_start3A_475, %dma_start3A_476, %dma_start3A_477] : memref<6x64x16xf32, #tpu.memory_space<vmem>> -> memref<1x64x16xf32, #tpu.memory_space<vmem>>
    %dma_start3A_479 = tpu.memref_squeeze %dma_start3A_478 : memref<1x64x16xf32, #tpu.memory_space<vmem>> -> memref<64x16xf32, #tpu.memory_space<vmem>>
    %dma_start3A_480 = arith.constant 0 : i32
    %dma_start3A_481 = tpu.memref_slice %arg8[%dma_start3A_474, %dma_start3A_480] : memref<6x64xi32, #tpu.memory_space<vmem>> -> memref<1x64xi32, #tpu.memory_space<vmem>>
    %dma_start3A_482 = tpu.memref_squeeze %dma_start3A_481 : memref<1x64xi32, #tpu.memory_space<vmem>> -> memref<64xi32, #tpu.memory_space<vmem>>
    %dma_start3A_483 = arith.constant 0 : i32
    %dma_start3A_484 = arith.constant 0 : i32
    %dma_start3A_485 = tpu.memref_slice %arg4[%dma_start3A_483, %dma_start3A_484] : memref<262144x16xf32, #tpu.memory_space<hbm>> -> memref<262144x16xf32, #tpu.memory_space<hbm>>
    tpu.enqueue_indirect_dma source(%dma_start3A_485 : memref<262144x16xf32, #tpu.memory_space<hbm>>) target(%dma_start3A_479 : memref<64x16xf32, #tpu.memory_space<vmem>>) offsets(%dma_start3A_482 : memref<64xi32, #tpu.memory_space<vmem>>) semaphore(%arg13 : memref<!tpu.dma_semaphore, #tpu.memory_space<semaphore_mem>>)
    %dma_start3A_486 = arith.constant 2 : i32
    %dma_start3A_487 = arith.constant 2 : i32
    %dma_start3A_488 = arith.constant 0 : i32
    %dma_start3A_489 = arith.constant 0 : i32
    %dma_start3A_490 = tpu.memref_slice %arg11[%dma_start3A_487, %dma_start3A_488, %dma_start3A_489] : memref<6x64x16xf32, #tpu.memory_space<vmem>> -> memref<1x64x16xf32, #tpu.memory_space<vmem>>
    %dma_start3A_491 = tpu.memref_squeeze %dma_start3A_490 : memref<1x64x16xf32, #tpu.memory_space<vmem>> -> memref<64x16xf32, #tpu.memory_space<vmem>>
    %dma_start3A_492 = arith.constant 0 : i32
    %dma_start3A_493 = tpu.memref_slice %arg8[%dma_start3A_486, %dma_start3A_492] : memref<6x64xi32, #tpu.memory_space<vmem>> -> memref<1x64xi32, #tpu.memory_space<vmem>>
    %dma_start3A_494 = tpu.memref_squeeze %dma_start3A_493 : memref<1x64xi32, #tpu.memory_space<vmem>> -> memref<64xi32, #tpu.memory_space<vmem>>
    %dma_start3A_495 = arith.constant 0 : i32
    %dma_start3A_496 = arith.constant 0 : i32
    %dma_start3A_497 = tpu.memref_slice %arg4[%dma_start3A_495, %dma_start3A_496] : memref<262144x16xf32, #tpu.memory_space<hbm>> -> memref<262144x16xf32, #tpu.memory_space<hbm>>
    tpu.enqueue_indirect_dma source(%dma_start3A_497 : memref<262144x16xf32, #tpu.memory_space<hbm>>) target(%dma_start3A_491 : memref<64x16xf32, #tpu.memory_space<vmem>>) offsets(%dma_start3A_494 : memref<64xi32, #tpu.memory_space<vmem>>) semaphore(%arg13 : memref<!tpu.dma_semaphore, #tpu.memory_space<semaphore_mem>>)
    %dma_start3A_498 = arith.constant 3 : i32
    %dma_start3A_499 = arith.constant 3 : i32
    %dma_start3A_500 = arith.constant 0 : i32
    %dma_start3A_501 = arith.constant 0 : i32
    %dma_start3A_502 = tpu.memref_slice %arg11[%dma_start3A_499, %dma_start3A_500, %dma_start3A_501] : memref<6x64x16xf32, #tpu.memory_space<vmem>> -> memref<1x64x16xf32, #tpu.memory_space<vmem>>
    %dma_start3A_503 = tpu.memref_squeeze %dma_start3A_502 : memref<1x64x16xf32, #tpu.memory_space<vmem>> -> memref<64x16xf32, #tpu.memory_space<vmem>>
    %dma_start3A_504 = arith.constant 0 : i32
    %dma_start3A_505 = tpu.memref_slice %arg8[%dma_start3A_498, %dma_start3A_504] : memref<6x64xi32, #tpu.memory_space<vmem>> -> memref<1x64xi32, #tpu.memory_space<vmem>>
    %dma_start3A_506 = tpu.memref_squeeze %dma_start3A_505 : memref<1x64xi32, #tpu.memory_space<vmem>> -> memref<64xi32, #tpu.memory_space<vmem>>
    %dma_start3A_507 = arith.constant 0 : i32
    %dma_start3A_508 = arith.constant 0 : i32
    %dma_start3A_509 = tpu.memref_slice %arg4[%dma_start3A_507, %dma_start3A_508] : memref<262144x16xf32, #tpu.memory_space<hbm>> -> memref<262144x16xf32, #tpu.memory_space<hbm>>
    tpu.enqueue_indirect_dma source(%dma_start3A_509 : memref<262144x16xf32, #tpu.memory_space<hbm>>) target(%dma_start3A_503 : memref<64x16xf32, #tpu.memory_space<vmem>>) offsets(%dma_start3A_506 : memref<64xi32, #tpu.memory_space<vmem>>) semaphore(%arg13 : memref<!tpu.dma_semaphore, #tpu.memory_space<semaphore_mem>>)
    %dma_start3A_510 = arith.constant 4 : i32
    %dma_start3A_511 = arith.constant 4 : i32
    %dma_start3A_512 = arith.constant 0 : i32
    %dma_start3A_513 = arith.constant 0 : i32
    %dma_start3A_514 = tpu.memref_slice %arg11[%dma_start3A_511, %dma_start3A_512, %dma_start3A_513] : memref<6x64x16xf32, #tpu.memory_space<vmem>> -> memref<1x64x16xf32, #tpu.memory_space<vmem>>
    %dma_start3A_515 = tpu.memref_squeeze %dma_start3A_514 : memref<1x64x16xf32, #tpu.memory_space<vmem>> -> memref<64x16xf32, #tpu.memory_space<vmem>>
    %dma_start3A_516 = arith.constant 0 : i32
    %dma_start3A_517 = tpu.memref_slice %arg8[%dma_start3A_510, %dma_start3A_516] : memref<6x64xi32, #tpu.memory_space<vmem>> -> memref<1x64xi32, #tpu.memory_space<vmem>>
    %dma_start3A_518 = tpu.memref_squeeze %dma_start3A_517 : memref<1x64xi32, #tpu.memory_space<vmem>> -> memref<64xi32, #tpu.memory_space<vmem>>
    %dma_start3A_519 = arith.constant 0 : i32
    %dma_start3A_520 = arith.constant 0 : i32
    %dma_start3A_521 = tpu.memref_slice %arg4[%dma_start3A_519, %dma_start3A_520] : memref<262144x16xf32, #tpu.memory_space<hbm>> -> memref<262144x16xf32, #tpu.memory_space<hbm>>
    tpu.enqueue_indirect_dma source(%dma_start3A_521 : memref<262144x16xf32, #tpu.memory_space<hbm>>) target(%dma_start3A_515 : memref<64x16xf32, #tpu.memory_space<vmem>>) offsets(%dma_start3A_518 : memref<64xi32, #tpu.memory_space<vmem>>) semaphore(%arg13 : memref<!tpu.dma_semaphore, #tpu.memory_space<semaphore_mem>>)
    %dma_start3A_522 = arith.constant 5 : i32
    %dma_start3A_523 = arith.constant 5 : i32
    %dma_start3A_524 = arith.constant 0 : i32
    %dma_start3A_525 = arith.constant 0 : i32
    %dma_start3A_526 = tpu.memref_slice %arg11[%dma_start3A_523, %dma_start3A_524, %dma_start3A_525] : memref<6x64x16xf32, #tpu.memory_space<vmem>> -> memref<1x64x16xf32, #tpu.memory_space<vmem>>
    %dma_start3A_527 = tpu.memref_squeeze %dma_start3A_526 : memref<1x64x16xf32, #tpu.memory_space<vmem>> -> memref<64x16xf32, #tpu.memory_space<vmem>>
    %dma_start3A_528 = arith.constant 0 : i32
    %dma_start3A_529 = tpu.memref_slice %arg8[%dma_start3A_522, %dma_start3A_528] : memref<6x64xi32, #tpu.memory_space<vmem>> -> memref<1x64xi32, #tpu.memory_space<vmem>>
    %dma_start3A_530 = tpu.memref_squeeze %dma_start3A_529 : memref<1x64xi32, #tpu.memory_space<vmem>> -> memref<64xi32, #tpu.memory_space<vmem>>
    %dma_start3A_531 = arith.constant 0 : i32
    %dma_start3A_532 = arith.constant 0 : i32
    %dma_start3A_533 = tpu.memref_slice %arg4[%dma_start3A_531, %dma_start3A_532] : memref<262144x16xf32, #tpu.memory_space<hbm>> -> memref<262144x16xf32, #tpu.memory_space<hbm>>
    tpu.enqueue_indirect_dma source(%dma_start3A_533 : memref<262144x16xf32, #tpu.memory_space<hbm>>) target(%dma_start3A_527 : memref<64x16xf32, #tpu.memory_space<vmem>>) offsets(%dma_start3A_530 : memref<64xi32, #tpu.memory_space<vmem>>) semaphore(%arg13 : memref<!tpu.dma_semaphore, #tpu.memory_space<semaphore_mem>>)
    %dma_wait3A = arith.constant 0 : i32
    %dma_wait3A_534 = arith.constant 0 : i32
    %dma_wait3A_535 = arith.constant 0 : i32
    %dma_wait3A_536 = arith.constant 0 : i32
    %dma_wait3A_537 = tpu.memref_slice %arg9[%dma_wait3A_534, %dma_wait3A_535, %dma_wait3A_536] : memref<6x64x16xf32, #tpu.memory_space<vmem>> -> memref<1x64x16xf32, #tpu.memory_space<vmem>>
    %dma_wait3A_538 = tpu.memref_squeeze %dma_wait3A_537 : memref<1x64x16xf32, #tpu.memory_space<vmem>> -> memref<64x16xf32, #tpu.memory_space<vmem>>
    %dma_wait3A_539 = arith.constant 0 : i32
    %dma_wait3A_540 = tpu.memref_slice %arg8[%dma_wait3A, %dma_wait3A_539] : memref<6x64xi32, #tpu.memory_space<vmem>> -> memref<1x64xi32, #tpu.memory_space<vmem>>
    %dma_wait3A_541 = tpu.memref_squeeze %dma_wait3A_540 : memref<1x64xi32, #tpu.memory_space<vmem>> -> memref<64xi32, #tpu.memory_space<vmem>>
    %dma_wait3A_542 = arith.constant 0 : i32
    %dma_wait3A_543 = arith.constant 0 : i32
    %dma_wait3A_544 = tpu.memref_slice %arg2[%dma_wait3A_542, %dma_wait3A_543] : memref<262144x16xf32, #tpu.memory_space<hbm>> -> memref<262144x16xf32, #tpu.memory_space<hbm>>
    tpu.wait_indirect_dma semaphore(%arg13 : memref<!tpu.dma_semaphore, #tpu.memory_space<semaphore_mem>>) src(%dma_wait3A_544 : memref<262144x16xf32, #tpu.memory_space<hbm>>) dst(%dma_wait3A_538 : memref<64x16xf32, #tpu.memory_space<vmem>>)
    %dma_wait3A_545 = arith.constant 1 : i32
    %dma_wait3A_546 = arith.constant 1 : i32
    %dma_wait3A_547 = arith.constant 0 : i32
    %dma_wait3A_548 = arith.constant 0 : i32
    %dma_wait3A_549 = tpu.memref_slice %arg9[%dma_wait3A_546, %dma_wait3A_547, %dma_wait3A_548] : memref<6x64x16xf32, #tpu.memory_space<vmem>> -> memref<1x64x16xf32, #tpu.memory_space<vmem>>
    %dma_wait3A_550 = tpu.memref_squeeze %dma_wait3A_549 : memref<1x64x16xf32, #tpu.memory_space<vmem>> -> memref<64x16xf32, #tpu.memory_space<vmem>>
    %dma_wait3A_551 = arith.constant 0 : i32
    %dma_wait3A_552 = tpu.memref_slice %arg8[%dma_wait3A_545, %dma_wait3A_551] : memref<6x64xi32, #tpu.memory_space<vmem>> -> memref<1x64xi32, #tpu.memory_space<vmem>>
    %dma_wait3A_553 = tpu.memref_squeeze %dma_wait3A_552 : memref<1x64xi32, #tpu.memory_space<vmem>> -> memref<64xi32, #tpu.memory_space<vmem>>
    %dma_wait3A_554 = arith.constant 0 : i32
    %dma_wait3A_555 = arith.constant 0 : i32
    %dma_wait3A_556 = tpu.memref_slice %arg2[%dma_wait3A_554, %dma_wait3A_555] : memref<262144x16xf32, #tpu.memory_space<hbm>> -> memref<262144x16xf32, #tpu.memory_space<hbm>>
    tpu.wait_indirect_dma semaphore(%arg13 : memref<!tpu.dma_semaphore, #tpu.memory_space<semaphore_mem>>) src(%dma_wait3A_556 : memref<262144x16xf32, #tpu.memory_space<hbm>>) dst(%dma_wait3A_550 : memref<64x16xf32, #tpu.memory_space<vmem>>)
    %dma_wait3A_557 = arith.constant 2 : i32
    %dma_wait3A_558 = arith.constant 2 : i32
    %dma_wait3A_559 = arith.constant 0 : i32
    %dma_wait3A_560 = arith.constant 0 : i32
    %dma_wait3A_561 = tpu.memref_slice %arg9[%dma_wait3A_558, %dma_wait3A_559, %dma_wait3A_560] : memref<6x64x16xf32, #tpu.memory_space<vmem>> -> memref<1x64x16xf32, #tpu.memory_space<vmem>>
    %dma_wait3A_562 = tpu.memref_squeeze %dma_wait3A_561 : memref<1x64x16xf32, #tpu.memory_space<vmem>> -> memref<64x16xf32, #tpu.memory_space<vmem>>
    %dma_wait3A_563 = arith.constant 0 : i32
    %dma_wait3A_564 = tpu.memref_slice %arg8[%dma_wait3A_557, %dma_wait3A_563] : memref<6x64xi32, #tpu.memory_space<vmem>> -> memref<1x64xi32, #tpu.memory_space<vmem>>
    %dma_wait3A_565 = tpu.memref_squeeze %dma_wait3A_564 : memref<1x64xi32, #tpu.memory_space<vmem>> -> memref<64xi32, #tpu.memory_space<vmem>>
    %dma_wait3A_566 = arith.constant 0 : i32
    %dma_wait3A_567 = arith.constant 0 : i32
    %dma_wait3A_568 = tpu.memref_slice %arg2[%dma_wait3A_566, %dma_wait3A_567] : memref<262144x16xf32, #tpu.memory_space<hbm>> -> memref<262144x16xf32, #tpu.memory_space<hbm>>
    tpu.wait_indirect_dma semaphore(%arg13 : memref<!tpu.dma_semaphore, #tpu.memory_space<semaphore_mem>>) src(%dma_wait3A_568 : memref<262144x16xf32, #tpu.memory_space<hbm>>) dst(%dma_wait3A_562 : memref<64x16xf32, #tpu.memory_space<vmem>>)
    %dma_wait3A_569 = arith.constant 3 : i32
    %dma_wait3A_570 = arith.constant 3 : i32
    %dma_wait3A_571 = arith.constant 0 : i32
    %dma_wait3A_572 = arith.constant 0 : i32
    %dma_wait3A_573 = tpu.memref_slice %arg9[%dma_wait3A_570, %dma_wait3A_571, %dma_wait3A_572] : memref<6x64x16xf32, #tpu.memory_space<vmem>> -> memref<1x64x16xf32, #tpu.memory_space<vmem>>
    %dma_wait3A_574 = tpu.memref_squeeze %dma_wait3A_573 : memref<1x64x16xf32, #tpu.memory_space<vmem>> -> memref<64x16xf32, #tpu.memory_space<vmem>>
    %dma_wait3A_575 = arith.constant 0 : i32
    %dma_wait3A_576 = tpu.memref_slice %arg8[%dma_wait3A_569, %dma_wait3A_575] : memref<6x64xi32, #tpu.memory_space<vmem>> -> memref<1x64xi32, #tpu.memory_space<vmem>>
    %dma_wait3A_577 = tpu.memref_squeeze %dma_wait3A_576 : memref<1x64xi32, #tpu.memory_space<vmem>> -> memref<64xi32, #tpu.memory_space<vmem>>
    %dma_wait3A_578 = arith.constant 0 : i32
    %dma_wait3A_579 = arith.constant 0 : i32
    %dma_wait3A_580 = tpu.memref_slice %arg2[%dma_wait3A_578, %dma_wait3A_579] : memref<262144x16xf32, #tpu.memory_space<hbm>> -> memref<262144x16xf32, #tpu.memory_space<hbm>>
    tpu.wait_indirect_dma semaphore(%arg13 : memref<!tpu.dma_semaphore, #tpu.memory_space<semaphore_mem>>) src(%dma_wait3A_580 : memref<262144x16xf32, #tpu.memory_space<hbm>>) dst(%dma_wait3A_574 : memref<64x16xf32, #tpu.memory_space<vmem>>)
    %dma_wait3A_581 = arith.constant 4 : i32
    %dma_wait3A_582 = arith.constant 4 : i32
    %dma_wait3A_583 = arith.constant 0 : i32
    %dma_wait3A_584 = arith.constant 0 : i32
    %dma_wait3A_585 = tpu.memref_slice %arg9[%dma_wait3A_582, %dma_wait3A_583, %dma_wait3A_584] : memref<6x64x16xf32, #tpu.memory_space<vmem>> -> memref<1x64x16xf32, #tpu.memory_space<vmem>>
    %dma_wait3A_586 = tpu.memref_squeeze %dma_wait3A_585 : memref<1x64x16xf32, #tpu.memory_space<vmem>> -> memref<64x16xf32, #tpu.memory_space<vmem>>
    %dma_wait3A_587 = arith.constant 0 : i32
    %dma_wait3A_588 = tpu.memref_slice %arg8[%dma_wait3A_581, %dma_wait3A_587] : memref<6x64xi32, #tpu.memory_space<vmem>> -> memref<1x64xi32, #tpu.memory_space<vmem>>
    %dma_wait3A_589 = tpu.memref_squeeze %dma_wait3A_588 : memref<1x64xi32, #tpu.memory_space<vmem>> -> memref<64xi32, #tpu.memory_space<vmem>>
    %dma_wait3A_590 = arith.constant 0 : i32
    %dma_wait3A_591 = arith.constant 0 : i32
    %dma_wait3A_592 = tpu.memref_slice %arg2[%dma_wait3A_590, %dma_wait3A_591] : memref<262144x16xf32, #tpu.memory_space<hbm>> -> memref<262144x16xf32, #tpu.memory_space<hbm>>
    tpu.wait_indirect_dma semaphore(%arg13 : memref<!tpu.dma_semaphore, #tpu.memory_space<semaphore_mem>>) src(%dma_wait3A_592 : memref<262144x16xf32, #tpu.memory_space<hbm>>) dst(%dma_wait3A_586 : memref<64x16xf32, #tpu.memory_space<vmem>>)
    %dma_wait3A_593 = arith.constant 5 : i32
    %dma_wait3A_594 = arith.constant 5 : i32
    %dma_wait3A_595 = arith.constant 0 : i32
    %dma_wait3A_596 = arith.constant 0 : i32
    %dma_wait3A_597 = tpu.memref_slice %arg9[%dma_wait3A_594, %dma_wait3A_595, %dma_wait3A_596] : memref<6x64x16xf32, #tpu.memory_space<vmem>> -> memref<1x64x16xf32, #tpu.memory_space<vmem>>
    %dma_wait3A_598 = tpu.memref_squeeze %dma_wait3A_597 : memref<1x64x16xf32, #tpu.memory_space<vmem>> -> memref<64x16xf32, #tpu.memory_space<vmem>>
    %dma_wait3A_599 = arith.constant 0 : i32
    %dma_wait3A_600 = tpu.memref_slice %arg8[%dma_wait3A_593, %dma_wait3A_599] : memref<6x64xi32, #tpu.memory_space<vmem>> -> memref<1x64xi32, #tpu.memory_space<vmem>>
    %dma_wait3A_601 = tpu.memref_squeeze %dma_wait3A_600 : memref<1x64xi32, #tpu.memory_space<vmem>> -> memref<64xi32, #tpu.memory_space<vmem>>
    %dma_wait3A_602 = arith.constant 0 : i32
    %dma_wait3A_603 = arith.constant 0 : i32
    %dma_wait3A_604 = tpu.memref_slice %arg2[%dma_wait3A_602, %dma_wait3A_603] : memref<262144x16xf32, #tpu.memory_space<hbm>> -> memref<262144x16xf32, #tpu.memory_space<hbm>>
    tpu.wait_indirect_dma semaphore(%arg13 : memref<!tpu.dma_semaphore, #tpu.memory_space<semaphore_mem>>) src(%dma_wait3A_604 : memref<262144x16xf32, #tpu.memory_space<hbm>>) dst(%dma_wait3A_598 : memref<64x16xf32, #tpu.memory_space<vmem>>)
    %dma_wait3A_605 = arith.constant 0 : i32
    %dma_wait3A_606 = arith.constant 0 : i32
    %dma_wait3A_607 = arith.constant 0 : i32
    %dma_wait3A_608 = arith.constant 0 : i32
    %dma_wait3A_609 = tpu.memref_slice %arg10[%dma_wait3A_606, %dma_wait3A_607, %dma_wait3A_608] : memref<6x64x16xf32, #tpu.memory_space<vmem>> -> memref<1x64x16xf32, #tpu.memory_space<vmem>>
    %dma_wait3A_610 = tpu.memref_squeeze %dma_wait3A_609 : memref<1x64x16xf32, #tpu.memory_space<vmem>> -> memref<64x16xf32, #tpu.memory_space<vmem>>
    %dma_wait3A_611 = arith.constant 0 : i32
    %dma_wait3A_612 = tpu.memref_slice %arg8[%dma_wait3A_605, %dma_wait3A_611] : memref<6x64xi32, #tpu.memory_space<vmem>> -> memref<1x64xi32, #tpu.memory_space<vmem>>
    %dma_wait3A_613 = tpu.memref_squeeze %dma_wait3A_612 : memref<1x64xi32, #tpu.memory_space<vmem>> -> memref<64xi32, #tpu.memory_space<vmem>>
    %dma_wait3A_614 = arith.constant 0 : i32
    %dma_wait3A_615 = arith.constant 0 : i32
    %dma_wait3A_616 = tpu.memref_slice %arg3[%dma_wait3A_614, %dma_wait3A_615] : memref<262144x16xf32, #tpu.memory_space<hbm>> -> memref<262144x16xf32, #tpu.memory_space<hbm>>
    tpu.wait_indirect_dma semaphore(%arg13 : memref<!tpu.dma_semaphore, #tpu.memory_space<semaphore_mem>>) src(%dma_wait3A_616 : memref<262144x16xf32, #tpu.memory_space<hbm>>) dst(%dma_wait3A_610 : memref<64x16xf32, #tpu.memory_space<vmem>>)
    %dma_wait3A_617 = arith.constant 1 : i32
    %dma_wait3A_618 = arith.constant 1 : i32
    %dma_wait3A_619 = arith.constant 0 : i32
    %dma_wait3A_620 = arith.constant 0 : i32
    %dma_wait3A_621 = tpu.memref_slice %arg10[%dma_wait3A_618, %dma_wait3A_619, %dma_wait3A_620] : memref<6x64x16xf32, #tpu.memory_space<vmem>> -> memref<1x64x16xf32, #tpu.memory_space<vmem>>
    %dma_wait3A_622 = tpu.memref_squeeze %dma_wait3A_621 : memref<1x64x16xf32, #tpu.memory_space<vmem>> -> memref<64x16xf32, #tpu.memory_space<vmem>>
    %dma_wait3A_623 = arith.constant 0 : i32
    %dma_wait3A_624 = tpu.memref_slice %arg8[%dma_wait3A_617, %dma_wait3A_623] : memref<6x64xi32, #tpu.memory_space<vmem>> -> memref<1x64xi32, #tpu.memory_space<vmem>>
    %dma_wait3A_625 = tpu.memref_squeeze %dma_wait3A_624 : memref<1x64xi32, #tpu.memory_space<vmem>> -> memref<64xi32, #tpu.memory_space<vmem>>
    %dma_wait3A_626 = arith.constant 0 : i32
    %dma_wait3A_627 = arith.constant 0 : i32
    %dma_wait3A_628 = tpu.memref_slice %arg3[%dma_wait3A_626, %dma_wait3A_627] : memref<262144x16xf32, #tpu.memory_space<hbm>> -> memref<262144x16xf32, #tpu.memory_space<hbm>>
    tpu.wait_indirect_dma semaphore(%arg13 : memref<!tpu.dma_semaphore, #tpu.memory_space<semaphore_mem>>) src(%dma_wait3A_628 : memref<262144x16xf32, #tpu.memory_space<hbm>>) dst(%dma_wait3A_622 : memref<64x16xf32, #tpu.memory_space<vmem>>)
    %dma_wait3A_629 = arith.constant 2 : i32
    %dma_wait3A_630 = arith.constant 2 : i32
    %dma_wait3A_631 = arith.constant 0 : i32
    %dma_wait3A_632 = arith.constant 0 : i32
    %dma_wait3A_633 = tpu.memref_slice %arg10[%dma_wait3A_630, %dma_wait3A_631, %dma_wait3A_632] : memref<6x64x16xf32, #tpu.memory_space<vmem>> -> memref<1x64x16xf32, #tpu.memory_space<vmem>>
    %dma_wait3A_634 = tpu.memref_squeeze %dma_wait3A_633 : memref<1x64x16xf32, #tpu.memory_space<vmem>> -> memref<64x16xf32, #tpu.memory_space<vmem>>
    %dma_wait3A_635 = arith.constant 0 : i32
    %dma_wait3A_636 = tpu.memref_slice %arg8[%dma_wait3A_629, %dma_wait3A_635] : memref<6x64xi32, #tpu.memory_space<vmem>> -> memref<1x64xi32, #tpu.memory_space<vmem>>
    %dma_wait3A_637 = tpu.memref_squeeze %dma_wait3A_636 : memref<1x64xi32, #tpu.memory_space<vmem>> -> memref<64xi32, #tpu.memory_space<vmem>>
    %dma_wait3A_638 = arith.constant 0 : i32
    %dma_wait3A_639 = arith.constant 0 : i32
    %dma_wait3A_640 = tpu.memref_slice %arg3[%dma_wait3A_638, %dma_wait3A_639] : memref<262144x16xf32, #tpu.memory_space<hbm>> -> memref<262144x16xf32, #tpu.memory_space<hbm>>
    tpu.wait_indirect_dma semaphore(%arg13 : memref<!tpu.dma_semaphore, #tpu.memory_space<semaphore_mem>>) src(%dma_wait3A_640 : memref<262144x16xf32, #tpu.memory_space<hbm>>) dst(%dma_wait3A_634 : memref<64x16xf32, #tpu.memory_space<vmem>>)
    %dma_wait3A_641 = arith.constant 3 : i32
    %dma_wait3A_642 = arith.constant 3 : i32
    %dma_wait3A_643 = arith.constant 0 : i32
    %dma_wait3A_644 = arith.constant 0 : i32
    %dma_wait3A_645 = tpu.memref_slice %arg10[%dma_wait3A_642, %dma_wait3A_643, %dma_wait3A_644] : memref<6x64x16xf32, #tpu.memory_space<vmem>> -> memref<1x64x16xf32, #tpu.memory_space<vmem>>
    %dma_wait3A_646 = tpu.memref_squeeze %dma_wait3A_645 : memref<1x64x16xf32, #tpu.memory_space<vmem>> -> memref<64x16xf32, #tpu.memory_space<vmem>>
    %dma_wait3A_647 = arith.constant 0 : i32
    %dma_wait3A_648 = tpu.memref_slice %arg8[%dma_wait3A_641, %dma_wait3A_647] : memref<6x64xi32, #tpu.memory_space<vmem>> -> memref<1x64xi32, #tpu.memory_space<vmem>>
    %dma_wait3A_649 = tpu.memref_squeeze %dma_wait3A_648 : memref<1x64xi32, #tpu.memory_space<vmem>> -> memref<64xi32, #tpu.memory_space<vmem>>
    %dma_wait3A_650 = arith.constant 0 : i32
    %dma_wait3A_651 = arith.constant 0 : i32
    %dma_wait3A_652 = tpu.memref_slice %arg3[%dma_wait3A_650, %dma_wait3A_651] : memref<262144x16xf32, #tpu.memory_space<hbm>> -> memref<262144x16xf32, #tpu.memory_space<hbm>>
    tpu.wait_indirect_dma semaphore(%arg13 : memref<!tpu.dma_semaphore, #tpu.memory_space<semaphore_mem>>) src(%dma_wait3A_652 : memref<262144x16xf32, #tpu.memory_space<hbm>>) dst(%dma_wait3A_646 : memref<64x16xf32, #tpu.memory_space<vmem>>)
    %dma_wait3A_653 = arith.constant 4 : i32
    %dma_wait3A_654 = arith.constant 4 : i32
    %dma_wait3A_655 = arith.constant 0 : i32
    %dma_wait3A_656 = arith.constant 0 : i32
    %dma_wait3A_657 = tpu.memref_slice %arg10[%dma_wait3A_654, %dma_wait3A_655, %dma_wait3A_656] : memref<6x64x16xf32, #tpu.memory_space<vmem>> -> memref<1x64x16xf32, #tpu.memory_space<vmem>>
    %dma_wait3A_658 = tpu.memref_squeeze %dma_wait3A_657 : memref<1x64x16xf32, #tpu.memory_space<vmem>> -> memref<64x16xf32, #tpu.memory_space<vmem>>
    %dma_wait3A_659 = arith.constant 0 : i32
    %dma_wait3A_660 = tpu.memref_slice %arg8[%dma_wait3A_653, %dma_wait3A_659] : memref<6x64xi32, #tpu.memory_space<vmem>> -> memref<1x64xi32, #tpu.memory_space<vmem>>
    %dma_wait3A_661 = tpu.memref_squeeze %dma_wait3A_660 : memref<1x64xi32, #tpu.memory_space<vmem>> -> memref<64xi32, #tpu.memory_space<vmem>>
    %dma_wait3A_662 = arith.constant 0 : i32
    %dma_wait3A_663 = arith.constant 0 : i32
    %dma_wait3A_664 = tpu.memref_slice %arg3[%dma_wait3A_662, %dma_wait3A_663] : memref<262144x16xf32, #tpu.memory_space<hbm>> -> memref<262144x16xf32, #tpu.memory_space<hbm>>
    tpu.wait_indirect_dma semaphore(%arg13 : memref<!tpu.dma_semaphore, #tpu.memory_space<semaphore_mem>>) src(%dma_wait3A_664 : memref<262144x16xf32, #tpu.memory_space<hbm>>) dst(%dma_wait3A_658 : memref<64x16xf32, #tpu.memory_space<vmem>>)
    %dma_wait3A_665 = arith.constant 5 : i32
    %dma_wait3A_666 = arith.constant 5 : i32
    %dma_wait3A_667 = arith.constant 0 : i32
    %dma_wait3A_668 = arith.constant 0 : i32
    %dma_wait3A_669 = tpu.memref_slice %arg10[%dma_wait3A_666, %dma_wait3A_667, %dma_wait3A_668] : memref<6x64x16xf32, #tpu.memory_space<vmem>> -> memref<1x64x16xf32, #tpu.memory_space<vmem>>
    %dma_wait3A_670 = tpu.memref_squeeze %dma_wait3A_669 : memref<1x64x16xf32, #tpu.memory_space<vmem>> -> memref<64x16xf32, #tpu.memory_space<vmem>>
    %dma_wait3A_671 = arith.constant 0 : i32
    %dma_wait3A_672 = tpu.memref_slice %arg8[%dma_wait3A_665, %dma_wait3A_671] : memref<6x64xi32, #tpu.memory_space<vmem>> -> memref<1x64xi32, #tpu.memory_space<vmem>>
    %dma_wait3A_673 = tpu.memref_squeeze %dma_wait3A_672 : memref<1x64xi32, #tpu.memory_space<vmem>> -> memref<64xi32, #tpu.memory_space<vmem>>
    %dma_wait3A_674 = arith.constant 0 : i32
    %dma_wait3A_675 = arith.constant 0 : i32
    %dma_wait3A_676 = tpu.memref_slice %arg3[%dma_wait3A_674, %dma_wait3A_675] : memref<262144x16xf32, #tpu.memory_space<hbm>> -> memref<262144x16xf32, #tpu.memory_space<hbm>>
    tpu.wait_indirect_dma semaphore(%arg13 : memref<!tpu.dma_semaphore, #tpu.memory_space<semaphore_mem>>) src(%dma_wait3A_676 : memref<262144x16xf32, #tpu.memory_space<hbm>>) dst(%dma_wait3A_670 : memref<64x16xf32, #tpu.memory_space<vmem>>)
    %dma_wait3A_677 = arith.constant 0 : i32
    %dma_wait3A_678 = arith.constant 0 : i32
    %dma_wait3A_679 = arith.constant 0 : i32
    %dma_wait3A_680 = arith.constant 0 : i32
    %dma_wait3A_681 = tpu.memref_slice %arg11[%dma_wait3A_678, %dma_wait3A_679, %dma_wait3A_680] : memref<6x64x16xf32, #tpu.memory_space<vmem>> -> memref<1x64x16xf32, #tpu.memory_space<vmem>>
    %dma_wait3A_682 = tpu.memref_squeeze %dma_wait3A_681 : memref<1x64x16xf32, #tpu.memory_space<vmem>> -> memref<64x16xf32, #tpu.memory_space<vmem>>
    %dma_wait3A_683 = arith.constant 0 : i32
    %dma_wait3A_684 = tpu.memref_slice %arg8[%dma_wait3A_677, %dma_wait3A_683] : memref<6x64xi32, #tpu.memory_space<vmem>> -> memref<1x64xi32, #tpu.memory_space<vmem>>
    %dma_wait3A_685 = tpu.memref_squeeze %dma_wait3A_684 : memref<1x64xi32, #tpu.memory_space<vmem>> -> memref<64xi32, #tpu.memory_space<vmem>>
    %dma_wait3A_686 = arith.constant 0 : i32
    %dma_wait3A_687 = arith.constant 0 : i32
    %dma_wait3A_688 = tpu.memref_slice %arg4[%dma_wait3A_686, %dma_wait3A_687] : memref<262144x16xf32, #tpu.memory_space<hbm>> -> memref<262144x16xf32, #tpu.memory_space<hbm>>
    tpu.wait_indirect_dma semaphore(%arg13 : memref<!tpu.dma_semaphore, #tpu.memory_space<semaphore_mem>>) src(%dma_wait3A_688 : memref<262144x16xf32, #tpu.memory_space<hbm>>) dst(%dma_wait3A_682 : memref<64x16xf32, #tpu.memory_space<vmem>>)
    %dma_wait3A_689 = arith.constant 1 : i32
    %dma_wait3A_690 = arith.constant 1 : i32
    %dma_wait3A_691 = arith.constant 0 : i32
    %dma_wait3A_692 = arith.constant 0 : i32
    %dma_wait3A_693 = tpu.memref_slice %arg11[%dma_wait3A_690, %dma_wait3A_691, %dma_wait3A_692] : memref<6x64x16xf32, #tpu.memory_space<vmem>> -> memref<1x64x16xf32, #tpu.memory_space<vmem>>
    %dma_wait3A_694 = tpu.memref_squeeze %dma_wait3A_693 : memref<1x64x16xf32, #tpu.memory_space<vmem>> -> memref<64x16xf32, #tpu.memory_space<vmem>>
    %dma_wait3A_695 = arith.constant 0 : i32
    %dma_wait3A_696 = tpu.memref_slice %arg8[%dma_wait3A_689, %dma_wait3A_695] : memref<6x64xi32, #tpu.memory_space<vmem>> -> memref<1x64xi32, #tpu.memory_space<vmem>>
    %dma_wait3A_697 = tpu.memref_squeeze %dma_wait3A_696 : memref<1x64xi32, #tpu.memory_space<vmem>> -> memref<64xi32, #tpu.memory_space<vmem>>
    %dma_wait3A_698 = arith.constant 0 : i32
    %dma_wait3A_699 = arith.constant 0 : i32
    %dma_wait3A_700 = tpu.memref_slice %arg4[%dma_wait3A_698, %dma_wait3A_699] : memref<262144x16xf32, #tpu.memory_space<hbm>> -> memref<262144x16xf32, #tpu.memory_space<hbm>>
    tpu.wait_indirect_dma semaphore(%arg13 : memref<!tpu.dma_semaphore, #tpu.memory_space<semaphore_mem>>) src(%dma_wait3A_700 : memref<262144x16xf32, #tpu.memory_space<hbm>>) dst(%dma_wait3A_694 : memref<64x16xf32, #tpu.memory_space<vmem>>)
    %dma_wait3A_701 = arith.constant 2 : i32
    %dma_wait3A_702 = arith.constant 2 : i32
    %dma_wait3A_703 = arith.constant 0 : i32
    %dma_wait3A_704 = arith.constant 0 : i32
    %dma_wait3A_705 = tpu.memref_slice %arg11[%dma_wait3A_702, %dma_wait3A_703, %dma_wait3A_704] : memref<6x64x16xf32, #tpu.memory_space<vmem>> -> memref<1x64x16xf32, #tpu.memory_space<vmem>>
    %dma_wait3A_706 = tpu.memref_squeeze %dma_wait3A_705 : memref<1x64x16xf32, #tpu.memory_space<vmem>> -> memref<64x16xf32, #tpu.memory_space<vmem>>
    %dma_wait3A_707 = arith.constant 0 : i32
    %dma_wait3A_708 = tpu.memref_slice %arg8[%dma_wait3A_701, %dma_wait3A_707] : memref<6x64xi32, #tpu.memory_space<vmem>> -> memref<1x64xi32, #tpu.memory_space<vmem>>
    %dma_wait3A_709 = tpu.memref_squeeze %dma_wait3A_708 : memref<1x64xi32, #tpu.memory_space<vmem>> -> memref<64xi32, #tpu.memory_space<vmem>>
    %dma_wait3A_710 = arith.constant 0 : i32
    %dma_wait3A_711 = arith.constant 0 : i32
    %dma_wait3A_712 = tpu.memref_slice %arg4[%dma_wait3A_710, %dma_wait3A_711] : memref<262144x16xf32, #tpu.memory_space<hbm>> -> memref<262144x16xf32, #tpu.memory_space<hbm>>
    tpu.wait_indirect_dma semaphore(%arg13 : memref<!tpu.dma_semaphore, #tpu.memory_space<semaphore_mem>>) src(%dma_wait3A_712 : memref<262144x16xf32, #tpu.memory_space<hbm>>) dst(%dma_wait3A_706 : memref<64x16xf32, #tpu.memory_space<vmem>>)
    %dma_wait3A_713 = arith.constant 3 : i32
    %dma_wait3A_714 = arith.constant 3 : i32
    %dma_wait3A_715 = arith.constant 0 : i32
    %dma_wait3A_716 = arith.constant 0 : i32
    %dma_wait3A_717 = tpu.memref_slice %arg11[%dma_wait3A_714, %dma_wait3A_715, %dma_wait3A_716] : memref<6x64x16xf32, #tpu.memory_space<vmem>> -> memref<1x64x16xf32, #tpu.memory_space<vmem>>
    %dma_wait3A_718 = tpu.memref_squeeze %dma_wait3A_717 : memref<1x64x16xf32, #tpu.memory_space<vmem>> -> memref<64x16xf32, #tpu.memory_space<vmem>>
    %dma_wait3A_719 = arith.constant 0 : i32
    %dma_wait3A_720 = tpu.memref_slice %arg8[%dma_wait3A_713, %dma_wait3A_719] : memref<6x64xi32, #tpu.memory_space<vmem>> -> memref<1x64xi32, #tpu.memory_space<vmem>>
    %dma_wait3A_721 = tpu.memref_squeeze %dma_wait3A_720 : memref<1x64xi32, #tpu.memory_space<vmem>> -> memref<64xi32, #tpu.memory_space<vmem>>
    %dma_wait3A_722 = arith.constant 0 : i32
    %dma_wait3A_723 = arith.constant 0 : i32
    %dma_wait3A_724 = tpu.memref_slice %arg4[%dma_wait3A_722, %dma_wait3A_723] : memref<262144x16xf32, #tpu.memory_space<hbm>> -> memref<262144x16xf32, #tpu.memory_space<hbm>>
    tpu.wait_indirect_dma semaphore(%arg13 : memref<!tpu.dma_semaphore, #tpu.memory_space<semaphore_mem>>) src(%dma_wait3A_724 : memref<262144x16xf32, #tpu.memory_space<hbm>>) dst(%dma_wait3A_718 : memref<64x16xf32, #tpu.memory_space<vmem>>)
    %dma_wait3A_725 = arith.constant 4 : i32
    %dma_wait3A_726 = arith.constant 4 : i32
    %dma_wait3A_727 = arith.constant 0 : i32
    %dma_wait3A_728 = arith.constant 0 : i32
    %dma_wait3A_729 = tpu.memref_slice %arg11[%dma_wait3A_726, %dma_wait3A_727, %dma_wait3A_728] : memref<6x64x16xf32, #tpu.memory_space<vmem>> -> memref<1x64x16xf32, #tpu.memory_space<vmem>>
    %dma_wait3A_730 = tpu.memref_squeeze %dma_wait3A_729 : memref<1x64x16xf32, #tpu.memory_space<vmem>> -> memref<64x16xf32, #tpu.memory_space<vmem>>
    %dma_wait3A_731 = arith.constant 0 : i32
    %dma_wait3A_732 = tpu.memref_slice %arg8[%dma_wait3A_725, %dma_wait3A_731] : memref<6x64xi32, #tpu.memory_space<vmem>> -> memref<1x64xi32, #tpu.memory_space<vmem>>
    %dma_wait3A_733 = tpu.memref_squeeze %dma_wait3A_732 : memref<1x64xi32, #tpu.memory_space<vmem>> -> memref<64xi32, #tpu.memory_space<vmem>>
    %dma_wait3A_734 = arith.constant 0 : i32
    %dma_wait3A_735 = arith.constant 0 : i32
    %dma_wait3A_736 = tpu.memref_slice %arg4[%dma_wait3A_734, %dma_wait3A_735] : memref<262144x16xf32, #tpu.memory_space<hbm>> -> memref<262144x16xf32, #tpu.memory_space<hbm>>
    tpu.wait_indirect_dma semaphore(%arg13 : memref<!tpu.dma_semaphore, #tpu.memory_space<semaphore_mem>>) src(%dma_wait3A_736 : memref<262144x16xf32, #tpu.memory_space<hbm>>) dst(%dma_wait3A_730 : memref<64x16xf32, #tpu.memory_space<vmem>>)
    %dma_wait3A_737 = arith.constant 5 : i32
    %dma_wait3A_738 = arith.constant 5 : i32
    %dma_wait3A_739 = arith.constant 0 : i32
    %dma_wait3A_740 = arith.constant 0 : i32
    %dma_wait3A_741 = tpu.memref_slice %arg11[%dma_wait3A_738, %dma_wait3A_739, %dma_wait3A_740] : memref<6x64x16xf32, #tpu.memory_space<vmem>> -> memref<1x64x16xf32, #tpu.memory_space<vmem>>
    %dma_wait3A_742 = tpu.memref_squeeze %dma_wait3A_741 : memref<1x64x16xf32, #tpu.memory_space<vmem>> -> memref<64x16xf32, #tpu.memory_space<vmem>>
    %dma_wait3A_743 = arith.constant 0 : i32
    %dma_wait3A_744 = tpu.memref_slice %arg8[%dma_wait3A_737, %dma_wait3A_743] : memref<6x64xi32, #tpu.memory_space<vmem>> -> memref<1x64xi32, #tpu.memory_space<vmem>>
    %dma_wait3A_745 = tpu.memref_squeeze %dma_wait3A_744 : memref<1x64xi32, #tpu.memory_space<vmem>> -> memref<64xi32, #tpu.memory_space<vmem>>
    %dma_wait3A_746 = arith.constant 0 : i32
    %dma_wait3A_747 = arith.constant 0 : i32
    %dma_wait3A_748 = tpu.memref_slice %arg4[%dma_wait3A_746, %dma_wait3A_747] : memref<262144x16xf32, #tpu.memory_space<hbm>> -> memref<262144x16xf32, #tpu.memory_space<hbm>>
    tpu.wait_indirect_dma semaphore(%arg13 : memref<!tpu.dma_semaphore, #tpu.memory_space<semaphore_mem>>) src(%dma_wait3A_748 : memref<262144x16xf32, #tpu.memory_space<hbm>>) dst(%dma_wait3A_742 : memref<64x16xf32, #tpu.memory_space<vmem>>)
    %swap3A = arith.constant 0 : index
    %swap3A_749 = tpu.vector_load %arg12[%swap3A] {strides = array<i32>} : memref<512xf32, #tpu.memory_space<vmem>>, vector<16xf32>,
    tpu.vector_store %arg12[%swap3A], %broadcast_in_dim3A_1 {strides = array<i32>} : memref<512xf32, #tpu.memory_space<vmem>>, vector<16xf32>,
    %swap3A_750 = arith.constant 16 : index
    %swap3A_751 = tpu.vector_load %arg12[%swap3A_750] {strides = array<i32>} : memref<512xf32, #tpu.memory_space<vmem>>, vector<16xf32>,
    tpu.vector_store %arg12[%swap3A_750], %broadcast_in_dim3A_1 {strides = array<i32>} : memref<512xf32, #tpu.memory_space<vmem>>, vector<16xf32>,
    %swap3A_752 = arith.constant 32 : index
    %swap3A_753 = tpu.vector_load %arg12[%swap3A_752] {strides = array<i32>} : memref<512xf32, #tpu.memory_space<vmem>>, vector<16xf32>,
    tpu.vector_store %arg12[%swap3A_752], %broadcast_in_dim3A_1 {strides = array<i32>} : memref<512xf32, #tpu.memory_space<vmem>>, vector<16xf32>,
    %swap3A_754 = arith.constant 48 : index
    %swap3A_755 = tpu.vector_load %arg12[%swap3A_754] {strides = array<i32>} : memref<512xf32, #tpu.memory_space<vmem>>, vector<16xf32>,
    tpu.vector_store %arg12[%swap3A_754], %broadcast_in_dim3A_1 {strides = array<i32>} : memref<512xf32, #tpu.memory_space<vmem>>, vector<16xf32>,
    %swap3A_756 = arith.constant 64 : index
    %swap3A_757 = tpu.vector_load %arg12[%swap3A_756] {strides = array<i32>} : memref<512xf32, #tpu.memory_space<vmem>>, vector<16xf32>,
    tpu.vector_store %arg12[%swap3A_756], %broadcast_in_dim3A_1 {strides = array<i32>} : memref<512xf32, #tpu.memory_space<vmem>>, vector<16xf32>,
    %swap3A_758 = arith.constant 80 : index
    %swap3A_759 = tpu.vector_load %arg12[%swap3A_758] {strides = array<i32>} : memref<512xf32, #tpu.memory_space<vmem>>, vector<16xf32>,
    tpu.vector_store %arg12[%swap3A_758], %broadcast_in_dim3A_1 {strides = array<i32>} : memref<512xf32, #tpu.memory_space<vmem>>, vector<16xf32>,
    %swap3A_760 = arith.constant 96 : index
    %swap3A_761 = tpu.vector_load %arg12[%swap3A_760] {strides = array<i32>} : memref<512xf32, #tpu.memory_space<vmem>>, vector<16xf32>,
    tpu.vector_store %arg12[%swap3A_760], %broadcast_in_dim3A_1 {strides = array<i32>} : memref<512xf32, #tpu.memory_space<vmem>>, vector<16xf32>,
    %swap3A_762 = arith.constant 112 : index
    %swap3A_763 = tpu.vector_load %arg12[%swap3A_762] {strides = array<i32>} : memref<512xf32, #tpu.memory_space<vmem>>, vector<16xf32>,
    tpu.vector_store %arg12[%swap3A_762], %broadcast_in_dim3A_1 {strides = array<i32>} : memref<512xf32, #tpu.memory_space<vmem>>, vector<16xf32>,
    %swap3A_764 = arith.constant 128 : index
    %swap3A_765 = tpu.vector_load %arg12[%swap3A_764] {strides = array<i32>} : memref<512xf32, #tpu.memory_space<vmem>>, vector<16xf32>,
    tpu.vector_store %arg12[%swap3A_764], %broadcast_in_dim3A_1 {strides = array<i32>} : memref<512xf32, #tpu.memory_space<vmem>>, vector<16xf32>,
    %swap3A_766 = arith.constant 144 : index
    %swap3A_767 = tpu.vector_load %arg12[%swap3A_766] {strides = array<i32>} : memref<512xf32, #tpu.memory_space<vmem>>, vector<16xf32>,
    tpu.vector_store %arg12[%swap3A_766], %broadcast_in_dim3A_1 {strides = array<i32>} : memref<512xf32, #tpu.memory_space<vmem>>, vector<16xf32>,
    %swap3A_768 = arith.constant 160 : index
    %swap3A_769 = tpu.vector_load %arg12[%swap3A_768] {strides = array<i32>} : memref<512xf32, #tpu.memory_space<vmem>>, vector<16xf32>,
    tpu.vector_store %arg12[%swap3A_768], %broadcast_in_dim3A_1 {strides = array<i32>} : memref<512xf32, #tpu.memory_space<vmem>>, vector<16xf32>,
    %swap3A_770 = arith.constant 176 : index
    %swap3A_771 = tpu.vector_load %arg12[%swap3A_770] {strides = array<i32>} : memref<512xf32, #tpu.memory_space<vmem>>, vector<16xf32>,
    tpu.vector_store %arg12[%swap3A_770], %broadcast_in_dim3A_1 {strides = array<i32>} : memref<512xf32, #tpu.memory_space<vmem>>, vector<16xf32>,
    %swap3A_772 = arith.constant 192 : index
    %swap3A_773 = tpu.vector_load %arg12[%swap3A_772] {strides = array<i32>} : memref<512xf32, #tpu.memory_space<vmem>>, vector<16xf32>,
    tpu.vector_store %arg12[%swap3A_772], %broadcast_in_dim3A_1 {strides = array<i32>} : memref<512xf32, #tpu.memory_space<vmem>>, vector<16xf32>,
    %swap3A_774 = arith.constant 208 : index
    %swap3A_775 = tpu.vector_load %arg12[%swap3A_774] {strides = array<i32>} : memref<512xf32, #tpu.memory_space<vmem>>, vector<16xf32>,
    tpu.vector_store %arg12[%swap3A_774], %broadcast_in_dim3A_1 {strides = array<i32>} : memref<512xf32, #tpu.memory_space<vmem>>, vector<16xf32>,
    %swap3A_776 = arith.constant 224 : index
    %swap3A_777 = tpu.vector_load %arg12[%swap3A_776] {strides = array<i32>} : memref<512xf32, #tpu.memory_space<vmem>>, vector<16xf32>,
    tpu.vector_store %arg12[%swap3A_776], %broadcast_in_dim3A_1 {strides = array<i32>} : memref<512xf32, #tpu.memory_space<vmem>>, vector<16xf32>,
    %swap3A_778 = arith.constant 240 : index
    %swap3A_779 = tpu.vector_load %arg12[%swap3A_778] {strides = array<i32>} : memref<512xf32, #tpu.memory_space<vmem>>, vector<16xf32>,
    tpu.vector_store %arg12[%swap3A_778], %broadcast_in_dim3A_1 {strides = array<i32>} : memref<512xf32, #tpu.memory_space<vmem>>, vector<16xf32>,
    %swap3A_780 = arith.constant 256 : index
    %swap3A_781 = tpu.vector_load %arg12[%swap3A_780] {strides = array<i32>} : memref<512xf32, #tpu.memory_space<vmem>>, vector<16xf32>,
    tpu.vector_store %arg12[%swap3A_780], %broadcast_in_dim3A_1 {strides = array<i32>} : memref<512xf32, #tpu.memory_space<vmem>>, vector<16xf32>,
    %swap3A_782 = arith.constant 272 : index
    %swap3A_783 = tpu.vector_load %arg12[%swap3A_782] {strides = array<i32>} : memref<512xf32, #tpu.memory_space<vmem>>, vector<16xf32>,
    tpu.vector_store %arg12[%swap3A_782], %broadcast_in_dim3A_1 {strides = array<i32>} : memref<512xf32, #tpu.memory_space<vmem>>, vector<16xf32>,
    %swap3A_784 = arith.constant 288 : index
    %swap3A_785 = tpu.vector_load %arg12[%swap3A_784] {strides = array<i32>} : memref<512xf32, #tpu.memory_space<vmem>>, vector<16xf32>,
    tpu.vector_store %arg12[%swap3A_784], %broadcast_in_dim3A_1 {strides = array<i32>} : memref<512xf32, #tpu.memory_space<vmem>>, vector<16xf32>,
    %swap3A_786 = arith.constant 304 : index
    %swap3A_787 = tpu.vector_load %arg12[%swap3A_786] {strides = array<i32>} : memref<512xf32, #tpu.memory_space<vmem>>, vector<16xf32>,
    tpu.vector_store %arg12[%swap3A_786], %broadcast_in_dim3A_1 {strides = array<i32>} : memref<512xf32, #tpu.memory_space<vmem>>, vector<16xf32>,
    %swap3A_788 = arith.constant 320 : index
    %swap3A_789 = tpu.vector_load %arg12[%swap3A_788] {strides = array<i32>} : memref<512xf32, #tpu.memory_space<vmem>>, vector<16xf32>,
    tpu.vector_store %arg12[%swap3A_788], %broadcast_in_dim3A_1 {strides = array<i32>} : memref<512xf32, #tpu.memory_space<vmem>>, vector<16xf32>,
    %swap3A_790 = arith.constant 336 : index
    %swap3A_791 = tpu.vector_load %arg12[%swap3A_790] {strides = array<i32>} : memref<512xf32, #tpu.memory_space<vmem>>, vector<16xf32>,
    tpu.vector_store %arg12[%swap3A_790], %broadcast_in_dim3A_1 {strides = array<i32>} : memref<512xf32, #tpu.memory_space<vmem>>, vector<16xf32>,
    %swap3A_792 = arith.constant 352 : index
    %swap3A_793 = tpu.vector_load %arg12[%swap3A_792] {strides = array<i32>} : memref<512xf32, #tpu.memory_space<vmem>>, vector<16xf32>,
    tpu.vector_store %arg12[%swap3A_792], %broadcast_in_dim3A_1 {strides = array<i32>} : memref<512xf32, #tpu.memory_space<vmem>>, vector<16xf32>,
    %swap3A_794 = arith.constant 368 : index
    %swap3A_795 = tpu.vector_load %arg12[%swap3A_794] {strides = array<i32>} : memref<512xf32, #tpu.memory_space<vmem>>, vector<16xf32>,
    tpu.vector_store %arg12[%swap3A_794], %broadcast_in_dim3A_1 {strides = array<i32>} : memref<512xf32, #tpu.memory_space<vmem>>, vector<16xf32>,
    %swap3A_796 = arith.constant 384 : index
    %swap3A_797 = tpu.vector_load %arg12[%swap3A_796] {strides = array<i32>} : memref<512xf32, #tpu.memory_space<vmem>>, vector<16xf32>,
    tpu.vector_store %arg12[%swap3A_796], %broadcast_in_dim3A_1 {strides = array<i32>} : memref<512xf32, #tpu.memory_space<vmem>>, vector<16xf32>,
    %swap3A_798 = arith.constant 400 : index
    %swap3A_799 = tpu.vector_load %arg12[%swap3A_798] {strides = array<i32>} : memref<512xf32, #tpu.memory_space<vmem>>, vector<16xf32>,
    tpu.vector_store %arg12[%swap3A_798], %broadcast_in_dim3A_1 {strides = array<i32>} : memref<512xf32, #tpu.memory_space<vmem>>, vector<16xf32>,
    %swap3A_800 = arith.constant 416 : index
    %swap3A_801 = tpu.vector_load %arg12[%swap3A_800] {strides = array<i32>} : memref<512xf32, #tpu.memory_space<vmem>>, vector<16xf32>,
    tpu.vector_store %arg12[%swap3A_800], %broadcast_in_dim3A_1 {strides = array<i32>} : memref<512xf32, #tpu.memory_space<vmem>>, vector<16xf32>,
    %swap3A_802 = arith.constant 432 : index
    %swap3A_803 = tpu.vector_load %arg12[%swap3A_802] {strides = array<i32>} : memref<512xf32, #tpu.memory_space<vmem>>, vector<16xf32>,
    tpu.vector_store %arg12[%swap3A_802], %broadcast_in_dim3A_1 {strides = array<i32>} : memref<512xf32, #tpu.memory_space<vmem>>, vector<16xf32>,
    %swap3A_804 = arith.constant 448 : index
    %swap3A_805 = tpu.vector_load %arg12[%swap3A_804] {strides = array<i32>} : memref<512xf32, #tpu.memory_space<vmem>>, vector<16xf32>,
    tpu.vector_store %arg12[%swap3A_804], %broadcast_in_dim3A_1 {strides = array<i32>} : memref<512xf32, #tpu.memory_space<vmem>>, vector<16xf32>,
    %swap3A_806 = arith.constant 464 : index
    %swap3A_807 = tpu.vector_load %arg12[%swap3A_806] {strides = array<i32>} : memref<512xf32, #tpu.memory_space<vmem>>, vector<16xf32>,
    tpu.vector_store %arg12[%swap3A_806], %broadcast_in_dim3A_1 {strides = array<i32>} : memref<512xf32, #tpu.memory_space<vmem>>, vector<16xf32>,
    %swap3A_808 = arith.constant 480 : index
    %swap3A_809 = tpu.vector_load %arg12[%swap3A_808] {strides = array<i32>} : memref<512xf32, #tpu.memory_space<vmem>>, vector<16xf32>,
    tpu.vector_store %arg12[%swap3A_808], %broadcast_in_dim3A_1 {strides = array<i32>} : memref<512xf32, #tpu.memory_space<vmem>>, vector<16xf32>,
    %swap3A_810 = arith.constant 496 : index
    %swap3A_811 = tpu.vector_load %arg12[%swap3A_810] {strides = array<i32>} : memref<512xf32, #tpu.memory_space<vmem>>, vector<16xf32>,
    tpu.vector_store %arg12[%swap3A_810], %broadcast_in_dim3A_1 {strides = array<i32>} : memref<512xf32, #tpu.memory_space<vmem>>, vector<16xf32>,
    %get3A_812 = arith.constant 0 : index
    %get3A_813 = tpu.vector_load %arg7[%get3A_812] {strides = array<i32>} : memref<64xi32, #tpu.memory_space<vmem>>, vector<16xi32>,
    %shift_right_logical3A_814 = arith.constant 11 : i32
    %shift_right_logical3A_815 = vector.broadcast %shift_right_logical3A_814 : i32 to vector<16xi32>
    %shift_right_logical3A_816 = arith.shrui %get3A_813, %shift_right_logical3A_815 : vector<16xi32>
    %and3A_817 = arith.constant 2047 : i32
    %and3A_818 = vector.broadcast %and3A_817 : i32 to vector<16xi32>
    %and3A_819 = arith.andi %get3A_813, %and3A_818 : vector<16xi32>
    %sub3A_820 = arith.constant 1 : i32
    %sub3A_821 = vector.broadcast %sub3A_820 : i32 to vector<16xi32>
    %sub3A_822 = arith.subi %and3A_819, %sub3A_821 : vector<16xi32>
    %add3A_823 = arith.constant -1 : i32
    %add3A_824 = vector.broadcast %add3A_823 : i32 to vector<16xi32>
    %add3A_825 = arith.addi %shift_right_logical3A_816, %add3A_824 : vector<16xi32>
    %mul3A_826 = arith.constant 2048 : i32
    %mul3A_827 = vector.broadcast %mul3A_826 : i32 to vector<16xi32>
    %mul3A_828 = arith.muli %add3A_825, %mul3A_827 : vector<16xi32>
    %add3A_829 = arith.addi %mul3A_828, %sub3A_822 : vector<16xi32>
    %shift_right_logical3A_830 = arith.constant 4 : i32
    %shift_right_logical3A_831 = vector.broadcast %shift_right_logical3A_830 : i32 to vector<16xi32>
    %shift_right_logical3A_832 = arith.shrui %add3A_829, %shift_right_logical3A_831 : vector<16xi32>
    %add3A_833 = arith.constant 0 : i32
    %add3A_834 = vector.broadcast %add3A_833 : i32 to vector<16xi32>
    %add3A_835 = arith.addi %add3A_829, %add3A_834 : vector<16xi32>
    %shift_right_logical3A_836 = arith.constant 4 : i32
    %shift_right_logical3A_837 = vector.broadcast %shift_right_logical3A_836 : i32 to vector<16xi32>
    %shift_right_logical3A_838 = arith.shrui %add3A_835, %shift_right_logical3A_837 : vector<16xi32>
    %sub3A_839 = arith.subi %shift_right_logical3A_838, %shift_right_logical3A_832 : vector<16xi32>
    %broadcast_in_dim3A_840 = arith.constant 0 : i32
    %broadcast_in_dim3A_841 = vector.broadcast %broadcast_in_dim3A_840 : i32 to vector<16xi32>
    %add3A_842 = arith.addi %broadcast_in_dim3A_841, %sub3A_839 : vector<16xi32>
    %broadcast_in_dim3A_843 = arith.constant 0 : i32
    %broadcast_in_dim3A_844 = vector.broadcast %broadcast_in_dim3A_843 : i32 to vector<16xi32>
    %add3A_845 = arith.addi %broadcast_in_dim3A_844, %iota3A : vector<16xi32>
    %and3A_846 = arith.constant 15 : i32
    %and3A_847 = vector.broadcast %and3A_846 : i32 to vector<16xi32>
    %and3A_848 = arith.andi %add3A_835, %and3A_847 : vector<16xi32>
    %gather3A = tpu.vector_load_idx %arg9[%add3A_842, %add3A_845, %and3A_848] : memref<6x64x16xf32, #tpu.memory_space<vmem>>[vector<16xi32>, vector<16xi32>, vector<16xi32>], vector<16xf32>,
    %add3A_849 = arith.addf %broadcast_in_dim3A_1, %gather3A : vector<16xf32>
    %mul3A_850 = arith.constant -1.000000e+00 : f32
    %mul3A_851 = vector.broadcast %mul3A_850 : f32 to vector<16xf32>
    %mul3A_852 = arith.mulf %mul3A_851, %gather3A : vector<16xf32>
    %add3A_853 = arith.addf %broadcast_in_dim3A_1, %mul3A_852 : vector<16xf32>
    %mul3A_854 = arith.constant -1.000000e+00 : f32
    %mul3A_855 = vector.broadcast %mul3A_854 : f32 to vector<16xf32>
    %mul3A_856 = arith.mulf %mul3A_855, %gather3A : vector<16xf32>
    %add3A_857 = arith.addf %broadcast_in_dim3A_1, %mul3A_856 : vector<16xf32>
    %mul3A_858 = arith.constant -1.000000e+00 : f32
    %mul3A_859 = vector.broadcast %mul3A_858 : f32 to vector<16xf32>
    %mul3A_860 = arith.mulf %mul3A_859, %gather3A : vector<16xf32>
    %add3A_861 = arith.addf %broadcast_in_dim3A_1, %mul3A_860 : vector<16xf32>
    %gather3A_862 = tpu.vector_load_idx %arg10[%add3A_842, %add3A_845, %and3A_848] : memref<6x64x16xf32, #tpu.memory_space<vmem>>[vector<16xi32>, vector<16xi32>, vector<16xi32>], vector<16xf32>,
    %add3A_863 = arith.addf %add3A_849, %gather3A_862 : vector<16xf32>
    %mul3A_864 = arith.constant -1.000000e+00 : f32
    %mul3A_865 = vector.broadcast %mul3A_864 : f32 to vector<16xf32>
    %mul3A_866 = arith.mulf %mul3A_865, %gather3A_862 : vector<16xf32>
    %add3A_867 = arith.addf %add3A_857, %mul3A_866 : vector<16xf32>
    %mul3A_868 = arith.constant -1.000000e+00 : f32
    %mul3A_869 = vector.broadcast %mul3A_868 : f32 to vector<16xf32>
    %mul3A_870 = arith.mulf %mul3A_869, %gather3A_862 : vector<16xf32>
    %add3A_871 = arith.addf %add3A_861, %mul3A_870 : vector<16xf32>
    %gather3A_872 = tpu.vector_load_idx %arg11[%add3A_842, %add3A_845, %and3A_848] : memref<6x64x16xf32, #tpu.memory_space<vmem>>[vector<16xi32>, vector<16xi32>, vector<16xi32>], vector<16xf32>,
    %add3A_873 = arith.addf %add3A_863, %gather3A_872 : vector<16xf32>
    %mul3A_874 = arith.constant 1.000000e+00 : f32
    %mul3A_875 = vector.broadcast %mul3A_874 : f32 to vector<16xf32>
    %mul3A_876 = arith.mulf %mul3A_875, %gather3A_872 : vector<16xf32>
    %add3A_877 = arith.addf %add3A_853, %mul3A_876 : vector<16xf32>
    %mul3A_878 = arith.constant -1.000000e+00 : f32
    %mul3A_879 = vector.broadcast %mul3A_878 : f32 to vector<16xf32>
    %mul3A_880 = arith.mulf %mul3A_879, %gather3A_872 : vector<16xf32>
    %add3A_881 = arith.addf %add3A_867, %mul3A_880 : vector<16xf32>
    %mul3A_882 = arith.constant -1.000000e+00 : f32
    %mul3A_883 = vector.broadcast %mul3A_882 : f32 to vector<16xf32>
    %mul3A_884 = arith.mulf %mul3A_883, %gather3A_872 : vector<16xf32>
    %add3A_885 = arith.addf %add3A_871, %mul3A_884 : vector<16xf32>
    %add3A_886 = arith.constant 1 : i32
    %add3A_887 = vector.broadcast %add3A_886 : i32 to vector<16xi32>
    %add3A_888 = arith.addi %add3A_829, %add3A_887 : vector<16xi32>
    %shift_right_logical3A_889 = arith.constant 4 : i32
    %shift_right_logical3A_890 = vector.broadcast %shift_right_logical3A_889 : i32 to vector<16xi32>
    %shift_right_logical3A_891 = arith.shrui %add3A_888, %shift_right_logical3A_890 : vector<16xi32>
    %sub3A_892 = arith.subi %shift_right_logical3A_891, %shift_right_logical3A_832 : vector<16xi32>
    %broadcast_in_dim3A_893 = arith.constant 0 : i32
    %broadcast_in_dim3A_894 = vector.broadcast %broadcast_in_dim3A_893 : i32 to vector<16xi32>
    %add3A_895 = arith.addi %broadcast_in_dim3A_894, %sub3A_892 : vector<16xi32>
    %broadcast_in_dim3A_896 = arith.constant 0 : i32
    %broadcast_in_dim3A_897 = vector.broadcast %broadcast_in_dim3A_896 : i32 to vector<16xi32>
    %add3A_898 = arith.addi %broadcast_in_dim3A_897, %iota3A : vector<16xi32>
    %and3A_899 = arith.constant 15 : i32
    %and3A_900 = vector.broadcast %and3A_899 : i32 to vector<16xi32>
    %and3A_901 = arith.andi %add3A_888, %and3A_900 : vector<16xi32>
    %gather3A_902 = tpu.vector_load_idx %arg9[%add3A_895, %add3A_898, %and3A_901] : memref<6x64x16xf32, #tpu.memory_space<vmem>>[vector<16xi32>, vector<16xi32>, vector<16xi32>], vector<16xf32>,
    %add3A_903 = arith.addf %add3A_873, %gather3A_902 : vector<16xf32>
    %mul3A_904 = arith.constant -1.000000e+00 : f32
    %mul3A_905 = vector.broadcast %mul3A_904 : f32 to vector<16xf32>
    %mul3A_906 = arith.mulf %mul3A_905, %gather3A_902 : vector<16xf32>
    %add3A_907 = arith.addf %add3A_877, %mul3A_906 : vector<16xf32>
    %mul3A_908 = arith.constant -1.000000e+00 : f32
    %mul3A_909 = vector.broadcast %mul3A_908 : f32 to vector<16xf32>
    %mul3A_910 = arith.mulf %mul3A_909, %gather3A_902 : vector<16xf32>
    %add3A_911 = arith.addf %add3A_881, %mul3A_910 : vector<16xf32>
    %gather3A_912 = tpu.vector_load_idx %arg10[%add3A_895, %add3A_898, %and3A_901] : memref<6x64x16xf32, #tpu.memory_space<vmem>>[vector<16xi32>, vector<16xi32>, vector<16xi32>], vector<16xf32>,
    %add3A_913 = arith.addf %add3A_903, %gather3A_912 : vector<16xf32>
    %mul3A_914 = arith.constant -1.000000e+00 : f32
    %mul3A_915 = vector.broadcast %mul3A_914 : f32 to vector<16xf32>
    %mul3A_916 = arith.mulf %mul3A_915, %gather3A_912 : vector<16xf32>
    %add3A_917 = arith.addf %add3A_911, %mul3A_916 : vector<16xf32>
    %gather3A_918 = tpu.vector_load_idx %arg11[%add3A_895, %add3A_898, %and3A_901] : memref<6x64x16xf32, #tpu.memory_space<vmem>>[vector<16xi32>, vector<16xi32>, vector<16xi32>], vector<16xf32>,
    %add3A_919 = arith.addf %add3A_913, %gather3A_918 : vector<16xf32>
    %mul3A_920 = arith.constant 1.000000e+00 : f32
    %mul3A_921 = vector.broadcast %mul3A_920 : f32 to vector<16xf32>
    %mul3A_922 = arith.mulf %mul3A_921, %gather3A_918 : vector<16xf32>
    %add3A_923 = arith.addf %add3A_907, %mul3A_922 : vector<16xf32>
    %mul3A_924 = arith.constant -1.000000e+00 : f32
    %mul3A_925 = vector.broadcast %mul3A_924 : f32 to vector<16xf32>
    %mul3A_926 = arith.mulf %mul3A_925, %gather3A_918 : vector<16xf32>
    %add3A_927 = arith.addf %add3A_917, %mul3A_926 : vector<16xf32>
    %add3A_928 = arith.constant 2 : i32
    %add3A_929 = vector.broadcast %add3A_928 : i32 to vector<16xi32>
    %add3A_930 = arith.addi %add3A_829, %add3A_929 : vector<16xi32>
    %shift_right_logical3A_931 = arith.constant 4 : i32
    %shift_right_logical3A_932 = vector.broadcast %shift_right_logical3A_931 : i32 to vector<16xi32>
    %shift_right_logical3A_933 = arith.shrui %add3A_930, %shift_right_logical3A_932 : vector<16xi32>
    %sub3A_934 = arith.subi %shift_right_logical3A_933, %shift_right_logical3A_832 : vector<16xi32>
    %broadcast_in_dim3A_935 = arith.constant 0 : i32
    %broadcast_in_dim3A_936 = vector.broadcast %broadcast_in_dim3A_935 : i32 to vector<16xi32>
    %add3A_937 = arith.addi %broadcast_in_dim3A_936, %sub3A_934 : vector<16xi32>
    %broadcast_in_dim3A_938 = arith.constant 0 : i32
    %broadcast_in_dim3A_939 = vector.broadcast %broadcast_in_dim3A_938 : i32 to vector<16xi32>
    %add3A_940 = arith.addi %broadcast_in_dim3A_939, %iota3A : vector<16xi32>
    %and3A_941 = arith.constant 15 : i32
    %and3A_942 = vector.broadcast %and3A_941 : i32 to vector<16xi32>
    %and3A_943 = arith.andi %add3A_930, %and3A_942 : vector<16xi32>
    %gather3A_944 = tpu.vector_load_idx %arg9[%add3A_937, %add3A_940, %and3A_943] : memref<6x64x16xf32, #tpu.memory_space<vmem>>[vector<16xi32>, vector<16xi32>, vector<16xi32>], vector<16xf32>,
    %add3A_945 = arith.addf %add3A_919, %gather3A_944 : vector<16xf32>
    %mul3A_946 = arith.constant -1.000000e+00 : f32
    %mul3A_947 = vector.broadcast %mul3A_946 : f32 to vector<16xf32>
    %mul3A_948 = arith.mulf %mul3A_947, %gather3A_944 : vector<16xf32>
    %add3A_949 = arith.addf %add3A_923, %mul3A_948 : vector<16xf32>
    %mul3A_950 = arith.constant -1.000000e+00 : f32
    %mul3A_951 = vector.broadcast %mul3A_950 : f32 to vector<16xf32>
    %mul3A_952 = arith.mulf %mul3A_951, %gather3A_944 : vector<16xf32>
    %add3A_953 = arith.addf %add3A_927, %mul3A_952 : vector<16xf32>
    %mul3A_954 = arith.constant 1.000000e+00 : f32
    %mul3A_955 = vector.broadcast %mul3A_954 : f32 to vector<16xf32>
    %mul3A_956 = arith.mulf %mul3A_955, %gather3A_944 : vector<16xf32>
    %add3A_957 = arith.addf %add3A_885, %mul3A_956 : vector<16xf32>
    %gather3A_958 = tpu.vector_load_idx %arg10[%add3A_937, %add3A_940, %and3A_943] : memref<6x64x16xf32, #tpu.memory_space<vmem>>[vector<16xi32>, vector<16xi32>, vector<16xi32>], vector<16xf32>,
    %add3A_959 = arith.addf %add3A_945, %gather3A_958 : vector<16xf32>
    %mul3A_960 = arith.constant -1.000000e+00 : f32
    %mul3A_961 = vector.broadcast %mul3A_960 : f32 to vector<16xf32>
    %mul3A_962 = arith.mulf %mul3A_961, %gather3A_958 : vector<16xf32>
    %add3A_963 = arith.addf %add3A_953, %mul3A_962 : vector<16xf32>
    %mul3A_964 = arith.constant 1.000000e+00 : f32
    %mul3A_965 = vector.broadcast %mul3A_964 : f32 to vector<16xf32>
    %mul3A_966 = arith.mulf %mul3A_965, %gather3A_958 : vector<16xf32>
    %add3A_967 = arith.addf %add3A_957, %mul3A_966 : vector<16xf32>
    %gather3A_968 = tpu.vector_load_idx %arg11[%add3A_937, %add3A_940, %and3A_943] : memref<6x64x16xf32, #tpu.memory_space<vmem>>[vector<16xi32>, vector<16xi32>, vector<16xi32>], vector<16xf32>,
    %add3A_969 = arith.addf %add3A_959, %gather3A_968 : vector<16xf32>
    %mul3A_970 = arith.constant 1.000000e+00 : f32
    %mul3A_971 = vector.broadcast %mul3A_970 : f32 to vector<16xf32>
    %mul3A_972 = arith.mulf %mul3A_971, %gather3A_968 : vector<16xf32>
    %add3A_973 = arith.addf %add3A_949, %mul3A_972 : vector<16xf32>
    %mul3A_974 = arith.constant -1.000000e+00 : f32
    %mul3A_975 = vector.broadcast %mul3A_974 : f32 to vector<16xf32>
    %mul3A_976 = arith.mulf %mul3A_975, %gather3A_968 : vector<16xf32>
    %add3A_977 = arith.addf %add3A_963, %mul3A_976 : vector<16xf32>
    %mul3A_978 = arith.constant 1.000000e+00 : f32
    %mul3A_979 = vector.broadcast %mul3A_978 : f32 to vector<16xf32>
    %mul3A_980 = arith.mulf %mul3A_979, %gather3A_968 : vector<16xf32>
    %add3A_981 = arith.addf %add3A_967, %mul3A_980 : vector<16xf32>
    %add3A_982 = arith.constant 0 : i32
    %add3A_983 = vector.broadcast %add3A_982 : i32 to vector<16xi32>
    %add3A_984 = arith.addi %shift_right_logical3A_816, %add3A_983 : vector<16xi32>
    %mul3A_985 = arith.constant 2048 : i32
    %mul3A_986 = vector.broadcast %mul3A_985 : i32 to vector<16xi32>
    %mul3A_987 = arith.muli %add3A_984, %mul3A_986 : vector<16xi32>
    %add3A_988 = arith.addi %mul3A_987, %sub3A_822 : vector<16xi32>
    %shift_right_logical3A_989 = arith.constant 4 : i32
    %shift_right_logical3A_990 = vector.broadcast %shift_right_logical3A_989 : i32 to vector<16xi32>
    %shift_right_logical3A_991 = arith.shrui %add3A_988, %shift_right_logical3A_990 : vector<16xi32>
    %add3A_992 = arith.constant 0 : i32
    %add3A_993 = vector.broadcast %add3A_992 : i32 to vector<16xi32>
    %add3A_994 = arith.addi %add3A_988, %add3A_993 : vector<16xi32>
    %shift_right_logical3A_995 = arith.constant 4 : i32
    %shift_right_logical3A_996 = vector.broadcast %shift_right_logical3A_995 : i32 to vector<16xi32>
    %shift_right_logical3A_997 = arith.shrui %add3A_994, %shift_right_logical3A_996 : vector<16xi32>
    %sub3A_998 = arith.subi %shift_right_logical3A_997, %shift_right_logical3A_991 : vector<16xi32>
    %broadcast_in_dim3A_999 = arith.constant 2 : i32
    %broadcast_in_dim3A_1000 = vector.broadcast %broadcast_in_dim3A_999 : i32 to vector<16xi32>
    %add3A_1001 = arith.addi %broadcast_in_dim3A_1000, %sub3A_998 : vector<16xi32>
    %broadcast_in_dim3A_1002 = arith.constant 0 : i32
    %broadcast_in_dim3A_1003 = vector.broadcast %broadcast_in_dim3A_1002 : i32 to vector<16xi32>
    %add3A_1004 = arith.addi %broadcast_in_dim3A_1003, %iota3A : vector<16xi32>
    %and3A_1005 = arith.constant 15 : i32
    %and3A_1006 = vector.broadcast %and3A_1005 : i32 to vector<16xi32>
    %and3A_1007 = arith.andi %add3A_994, %and3A_1006 : vector<16xi32>
    %gather3A_1008 = tpu.vector_load_idx %arg9[%add3A_1001, %add3A_1004, %and3A_1007] : memref<6x64x16xf32, #tpu.memory_space<vmem>>[vector<16xi32>, vector<16xi32>, vector<16xi32>], vector<16xf32>,
    %add3A_1009 = arith.addf %add3A_969, %gather3A_1008 : vector<16xf32>
    %mul3A_1010 = arith.constant -1.000000e+00 : f32
    %mul3A_1011 = vector.broadcast %mul3A_1010 : f32 to vector<16xf32>
    %mul3A_1012 = arith.mulf %mul3A_1011, %gather3A_1008 : vector<16xf32>
    %add3A_1013 = arith.addf %add3A_973, %mul3A_1012 : vector<16xf32>
    %mul3A_1014 = arith.constant -1.000000e+00 : f32
    %mul3A_1015 = vector.broadcast %mul3A_1014 : f32 to vector<16xf32>
    %mul3A_1016 = arith.mulf %mul3A_1015, %gather3A_1008 : vector<16xf32>
    %add3A_1017 = arith.addf %add3A_981, %mul3A_1016 : vector<16xf32>
    %gather3A_1018 = tpu.vector_load_idx %arg10[%add3A_1001, %add3A_1004, %and3A_1007] : memref<6x64x16xf32, #tpu.memory_space<vmem>>[vector<16xi32>, vector<16xi32>, vector<16xi32>], vector<16xf32>,
    %add3A_1019 = arith.addf %add3A_1009, %gather3A_1018 : vector<16xf32>
    %mul3A_1020 = arith.constant -1.000000e+00 : f32
    %mul3A_1021 = vector.broadcast %mul3A_1020 : f32 to vector<16xf32>
    %mul3A_1022 = arith.mulf %mul3A_1021, %gather3A_1018 : vector<16xf32>
    %add3A_1023 = arith.addf %add3A_1017, %mul3A_1022 : vector<16xf32>
    %gather3A_1024 = tpu.vector_load_idx %arg11[%add3A_1001, %add3A_1004, %and3A_1007] : memref<6x64x16xf32, #tpu.memory_space<vmem>>[vector<16xi32>, vector<16xi32>, vector<16xi32>], vector<16xf32>,
    %add3A_1025 = arith.addf %add3A_1019, %gather3A_1024 : vector<16xf32>
    %mul3A_1026 = arith.constant 1.000000e+00 : f32
    %mul3A_1027 = vector.broadcast %mul3A_1026 : f32 to vector<16xf32>
    %mul3A_1028 = arith.mulf %mul3A_1027, %gather3A_1024 : vector<16xf32>
    %add3A_1029 = arith.addf %add3A_1013, %mul3A_1028 : vector<16xf32>
    %mul3A_1030 = arith.constant -1.000000e+00 : f32
    %mul3A_1031 = vector.broadcast %mul3A_1030 : f32 to vector<16xf32>
    %mul3A_1032 = arith.mulf %mul3A_1031, %gather3A_1024 : vector<16xf32>
    %add3A_1033 = arith.addf %add3A_1023, %mul3A_1032 : vector<16xf32>
    %add3A_1034 = arith.constant 1 : i32
    %add3A_1035 = vector.broadcast %add3A_1034 : i32 to vector<16xi32>
    %add3A_1036 = arith.addi %add3A_988, %add3A_1035 : vector<16xi32>
    %shift_right_logical3A_1037 = arith.constant 4 : i32
    %shift_right_logical3A_1038 = vector.broadcast %shift_right_logical3A_1037 : i32 to vector<16xi32>
    %shift_right_logical3A_1039 = arith.shrui %add3A_1036, %shift_right_logical3A_1038 : vector<16xi32>
    %sub3A_1040 = arith.subi %shift_right_logical3A_1039, %shift_right_logical3A_991 : vector<16xi32>
    %broadcast_in_dim3A_1041 = arith.constant 2 : i32
    %broadcast_in_dim3A_1042 = vector.broadcast %broadcast_in_dim3A_1041 : i32 to vector<16xi32>
    %add3A_1043 = arith.addi %broadcast_in_dim3A_1042, %sub3A_1040 : vector<16xi32>
    %broadcast_in_dim3A_1044 = arith.constant 0 : i32
    %broadcast_in_dim3A_1045 = vector.broadcast %broadcast_in_dim3A_1044 : i32 to vector<16xi32>
    %add3A_1046 = arith.addi %broadcast_in_dim3A_1045, %iota3A : vector<16xi32>
    %and3A_1047 = arith.constant 15 : i32
    %and3A_1048 = vector.broadcast %and3A_1047 : i32 to vector<16xi32>
    %and3A_1049 = arith.andi %add3A_1036, %and3A_1048 : vector<16xi32>
    %gather3A_1050 = tpu.vector_load_idx %arg9[%add3A_1043, %add3A_1046, %and3A_1049] : memref<6x64x16xf32, #tpu.memory_space<vmem>>[vector<16xi32>, vector<16xi32>, vector<16xi32>], vector<16xf32>,
    %add3A_1051 = arith.addf %add3A_1025, %gather3A_1050 : vector<16xf32>
    %mul3A_1052 = arith.constant -1.000000e+00 : f32
    %mul3A_1053 = vector.broadcast %mul3A_1052 : f32 to vector<16xf32>
    %mul3A_1054 = arith.mulf %mul3A_1053, %gather3A_1050 : vector<16xf32>
    %add3A_1055 = arith.addf %add3A_1029, %mul3A_1054 : vector<16xf32>
    %gather3A_1056 = tpu.vector_load_idx %arg10[%add3A_1043, %add3A_1046, %and3A_1049] : memref<6x64x16xf32, #tpu.memory_space<vmem>>[vector<16xi32>, vector<16xi32>, vector<16xi32>], vector<16xf32>,
    %add3A_1057 = arith.addf %add3A_1051, %gather3A_1056 : vector<16xf32>
    %gather3A_1058 = tpu.vector_load_idx %arg11[%add3A_1043, %add3A_1046, %and3A_1049] : memref<6x64x16xf32, #tpu.memory_space<vmem>>[vector<16xi32>, vector<16xi32>, vector<16xi32>], vector<16xf32>,
    %add3A_1059 = arith.addf %add3A_1057, %gather3A_1058 : vector<16xf32>
    %mul3A_1060 = arith.constant 1.000000e+00 : f32
    %mul3A_1061 = vector.broadcast %mul3A_1060 : f32 to vector<16xf32>
    %mul3A_1062 = arith.mulf %mul3A_1061, %gather3A_1058 : vector<16xf32>
    %add3A_1063 = arith.addf %add3A_1055, %mul3A_1062 : vector<16xf32>
    %add3A_1064 = arith.constant 2 : i32
    %add3A_1065 = vector.broadcast %add3A_1064 : i32 to vector<16xi32>
    %add3A_1066 = arith.addi %add3A_988, %add3A_1065 : vector<16xi32>
    %shift_right_logical3A_1067 = arith.constant 4 : i32
    %shift_right_logical3A_1068 = vector.broadcast %shift_right_logical3A_1067 : i32 to vector<16xi32>
    %shift_right_logical3A_1069 = arith.shrui %add3A_1066, %shift_right_logical3A_1068 : vector<16xi32>
    %sub3A_1070 = arith.subi %shift_right_logical3A_1069, %shift_right_logical3A_991 : vector<16xi32>
    %broadcast_in_dim3A_1071 = arith.constant 2 : i32
    %broadcast_in_dim3A_1072 = vector.broadcast %broadcast_in_dim3A_1071 : i32 to vector<16xi32>
    %add3A_1073 = arith.addi %broadcast_in_dim3A_1072, %sub3A_1070 : vector<16xi32>
    %broadcast_in_dim3A_1074 = arith.constant 0 : i32
    %broadcast_in_dim3A_1075 = vector.broadcast %broadcast_in_dim3A_1074 : i32 to vector<16xi32>
    %add3A_1076 = arith.addi %broadcast_in_dim3A_1075, %iota3A : vector<16xi32>
    %and3A_1077 = arith.constant 15 : i32
    %and3A_1078 = vector.broadcast %and3A_1077 : i32 to vector<16xi32>
    %and3A_1079 = arith.andi %add3A_1066, %and3A_1078 : vector<16xi32>
    %gather3A_1080 = tpu.vector_load_idx %arg9[%add3A_1073, %add3A_1076, %and3A_1079] : memref<6x64x16xf32, #tpu.memory_space<vmem>>[vector<16xi32>, vector<16xi32>, vector<16xi32>], vector<16xf32>,
    %add3A_1081 = arith.addf %add3A_1059, %gather3A_1080 : vector<16xf32>
    %mul3A_1082 = arith.constant -1.000000e+00 : f32
    %mul3A_1083 = vector.broadcast %mul3A_1082 : f32 to vector<16xf32>
    %mul3A_1084 = arith.mulf %mul3A_1083, %gather3A_1080 : vector<16xf32>
    %add3A_1085 = arith.addf %add3A_1063, %mul3A_1084 : vector<16xf32>
    %mul3A_1086 = arith.constant 1.000000e+00 : f32
    %mul3A_1087 = vector.broadcast %mul3A_1086 : f32 to vector<16xf32>
    %mul3A_1088 = arith.mulf %mul3A_1087, %gather3A_1080 : vector<16xf32>
    %add3A_1089 = arith.addf %add3A_1033, %mul3A_1088 : vector<16xf32>
    %gather3A_1090 = tpu.vector_load_idx %arg10[%add3A_1073, %add3A_1076, %and3A_1079] : memref<6x64x16xf32, #tpu.memory_space<vmem>>[vector<16xi32>, vector<16xi32>, vector<16xi32>], vector<16xf32>,
    %add3A_1091 = arith.addf %add3A_1081, %gather3A_1090 : vector<16xf32>
    %mul3A_1092 = arith.constant 1.000000e+00 : f32
    %mul3A_1093 = vector.broadcast %mul3A_1092 : f32 to vector<16xf32>
    %mul3A_1094 = arith.mulf %mul3A_1093, %gather3A_1090 : vector<16xf32>
    %add3A_1095 = arith.addf %add3A_1089, %mul3A_1094 : vector<16xf32>
    %gather3A_1096 = tpu.vector_load_idx %arg11[%add3A_1073, %add3A_1076, %and3A_1079] : memref<6x64x16xf32, #tpu.memory_space<vmem>>[vector<16xi32>, vector<16xi32>, vector<16xi32>], vector<16xf32>,
    %add3A_1097 = arith.addf %add3A_1091, %gather3A_1096 : vector<16xf32>
    %mul3A_1098 = arith.constant 1.000000e+00 : f32
    %mul3A_1099 = vector.broadcast %mul3A_1098 : f32 to vector<16xf32>
    %mul3A_1100 = arith.mulf %mul3A_1099, %gather3A_1096 : vector<16xf32>
    %add3A_1101 = arith.addf %add3A_1085, %mul3A_1100 : vector<16xf32>
    %mul3A_1102 = arith.constant 1.000000e+00 : f32
    %mul3A_1103 = vector.broadcast %mul3A_1102 : f32 to vector<16xf32>
    %mul3A_1104 = arith.mulf %mul3A_1103, %gather3A_1096 : vector<16xf32>
    %add3A_1105 = arith.addf %add3A_1095, %mul3A_1104 : vector<16xf32>
    %add3A_1106 = arith.constant 1 : i32
    %add3A_1107 = vector.broadcast %add3A_1106 : i32 to vector<16xi32>
    %add3A_1108 = arith.addi %shift_right_logical3A_816, %add3A_1107 : vector<16xi32>
    %mul3A_1109 = arith.constant 2048 : i32
    %mul3A_1110 = vector.broadcast %mul3A_1109 : i32 to vector<16xi32>
    %mul3A_1111 = arith.muli %add3A_1108, %mul3A_1110 : vector<16xi32>
    %add3A_1112 = arith.addi %mul3A_1111, %sub3A_822 : vector<16xi32>
    %shift_right_logical3A_1113 = arith.constant 4 : i32
    %shift_right_logical3A_1114 = vector.broadcast %shift_right_logical3A_1113 : i32 to vector<16xi32>
    %shift_right_logical3A_1115 = arith.shrui %add3A_1112, %shift_right_logical3A_1114 : vector<16xi32>
    %add3A_1116 = arith.constant 0 : i32
    %add3A_1117 = vector.broadcast %add3A_1116 : i32 to vector<16xi32>
    %add3A_1118 = arith.addi %add3A_1112, %add3A_1117 : vector<16xi32>
    %shift_right_logical3A_1119 = arith.constant 4 : i32
    %shift_right_logical3A_1120 = vector.broadcast %shift_right_logical3A_1119 : i32 to vector<16xi32>
    %shift_right_logical3A_1121 = arith.shrui %add3A_1118, %shift_right_logical3A_1120 : vector<16xi32>
    %sub3A_1122 = arith.subi %shift_right_logical3A_1121, %shift_right_logical3A_1115 : vector<16xi32>
    %broadcast_in_dim3A_1123 = arith.constant 4 : i32
    %broadcast_in_dim3A_1124 = vector.broadcast %broadcast_in_dim3A_1123 : i32 to vector<16xi32>
    %add3A_1125 = arith.addi %broadcast_in_dim3A_1124, %sub3A_1122 : vector<16xi32>
    %broadcast_in_dim3A_1126 = arith.constant 0 : i32
    %broadcast_in_dim3A_1127 = vector.broadcast %broadcast_in_dim3A_1126 : i32 to vector<16xi32>
    %add3A_1128 = arith.addi %broadcast_in_dim3A_1127, %iota3A : vector<16xi32>
    %and3A_1129 = arith.constant 15 : i32
    %and3A_1130 = vector.broadcast %and3A_1129 : i32 to vector<16xi32>
    %and3A_1131 = arith.andi %add3A_1118, %and3A_1130 : vector<16xi32>
    %gather3A_1132 = tpu.vector_load_idx %arg9[%add3A_1125, %add3A_1128, %and3A_1131] : memref<6x64x16xf32, #tpu.memory_space<vmem>>[vector<16xi32>, vector<16xi32>, vector<16xi32>], vector<16xf32>,
    %add3A_1133 = arith.addf %add3A_1097, %gather3A_1132 : vector<16xf32>
    %mul3A_1134 = arith.constant -1.000000e+00 : f32
    %mul3A_1135 = vector.broadcast %mul3A_1134 : f32 to vector<16xf32>
    %mul3A_1136 = arith.mulf %mul3A_1135, %gather3A_1132 : vector<16xf32>
    %add3A_1137 = arith.addf %add3A_1101, %mul3A_1136 : vector<16xf32>
    %mul3A_1138 = arith.constant 1.000000e+00 : f32
    %mul3A_1139 = vector.broadcast %mul3A_1138 : f32 to vector<16xf32>
    %mul3A_1140 = arith.mulf %mul3A_1139, %gather3A_1132 : vector<16xf32>
    %add3A_1141 = arith.addf %add3A_977, %mul3A_1140 : vector<16xf32>
    %mul3A_1142 = arith.constant -1.000000e+00 : f32
    %mul3A_1143 = vector.broadcast %mul3A_1142 : f32 to vector<16xf32>
    %mul3A_1144 = arith.mulf %mul3A_1143, %gather3A_1132 : vector<16xf32>
    %add3A_1145 = arith.addf %add3A_1105, %mul3A_1144 : vector<16xf32>
    %gather3A_1146 = tpu.vector_load_idx %arg10[%add3A_1125, %add3A_1128, %and3A_1131] : memref<6x64x16xf32, #tpu.memory_space<vmem>>[vector<16xi32>, vector<16xi32>, vector<16xi32>], vector<16xf32>,
    %add3A_1147 = arith.addf %add3A_1133, %gather3A_1146 : vector<16xf32>
    %mul3A_1148 = arith.constant 1.000000e+00 : f32
    %mul3A_1149 = vector.broadcast %mul3A_1148 : f32 to vector<16xf32>
    %mul3A_1150 = arith.mulf %mul3A_1149, %gather3A_1146 : vector<16xf32>
    %add3A_1151 = arith.addf %add3A_1141, %mul3A_1150 : vector<16xf32>
    %mul3A_1152 = arith.constant -1.000000e+00 : f32
    %mul3A_1153 = vector.broadcast %mul3A_1152 : f32 to vector<16xf32>
    %mul3A_1154 = arith.mulf %mul3A_1153, %gather3A_1146 : vector<16xf32>
    %add3A_1155 = arith.addf %add3A_1145, %mul3A_1154 : vector<16xf32>
    %gather3A_1156 = tpu.vector_load_idx %arg11[%add3A_1125, %add3A_1128, %and3A_1131] : memref<6x64x16xf32, #tpu.memory_space<vmem>>[vector<16xi32>, vector<16xi32>, vector<16xi32>], vector<16xf32>,
    %add3A_1157 = arith.addf %add3A_1147, %gather3A_1156 : vector<16xf32>
    %mul3A_1158 = arith.constant 1.000000e+00 : f32
    %mul3A_1159 = vector.broadcast %mul3A_1158 : f32 to vector<16xf32>
    %mul3A_1160 = arith.mulf %mul3A_1159, %gather3A_1156 : vector<16xf32>
    %add3A_1161 = arith.addf %add3A_1137, %mul3A_1160 : vector<16xf32>
    %mul3A_1162 = arith.constant 1.000000e+00 : f32
    %mul3A_1163 = vector.broadcast %mul3A_1162 : f32 to vector<16xf32>
    %mul3A_1164 = arith.mulf %mul3A_1163, %gather3A_1156 : vector<16xf32>
    %add3A_1165 = arith.addf %add3A_1151, %mul3A_1164 : vector<16xf32>
    %mul3A_1166 = arith.constant -1.000000e+00 : f32
    %mul3A_1167 = vector.broadcast %mul3A_1166 : f32 to vector<16xf32>
    %mul3A_1168 = arith.mulf %mul3A_1167, %gather3A_1156 : vector<16xf32>
    %add3A_1169 = arith.addf %add3A_1155, %mul3A_1168 : vector<16xf32>
    %add3A_1170 = arith.constant 1 : i32
    %add3A_1171 = vector.broadcast %add3A_1170 : i32 to vector<16xi32>
    %add3A_1172 = arith.addi %add3A_1112, %add3A_1171 : vector<16xi32>
    %shift_right_logical3A_1173 = arith.constant 4 : i32
    %shift_right_logical3A_1174 = vector.broadcast %shift_right_logical3A_1173 : i32 to vector<16xi32>
    %shift_right_logical3A_1175 = arith.shrui %add3A_1172, %shift_right_logical3A_1174 : vector<16xi32>
    %sub3A_1176 = arith.subi %shift_right_logical3A_1175, %shift_right_logical3A_1115 : vector<16xi32>
    %broadcast_in_dim3A_1177 = arith.constant 4 : i32
    %broadcast_in_dim3A_1178 = vector.broadcast %broadcast_in_dim3A_1177 : i32 to vector<16xi32>
    %add3A_1179 = arith.addi %broadcast_in_dim3A_1178, %sub3A_1176 : vector<16xi32>
    %broadcast_in_dim3A_1180 = arith.constant 0 : i32
    %broadcast_in_dim3A_1181 = vector.broadcast %broadcast_in_dim3A_1180 : i32 to vector<16xi32>
    %add3A_1182 = arith.addi %broadcast_in_dim3A_1181, %iota3A : vector<16xi32>
    %and3A_1183 = arith.constant 15 : i32
    %and3A_1184 = vector.broadcast %and3A_1183 : i32 to vector<16xi32>
    %and3A_1185 = arith.andi %add3A_1172, %and3A_1184 : vector<16xi32>
    %gather3A_1186 = tpu.vector_load_idx %arg9[%add3A_1179, %add3A_1182, %and3A_1185] : memref<6x64x16xf32, #tpu.memory_space<vmem>>[vector<16xi32>, vector<16xi32>, vector<16xi32>], vector<16xf32>,
    %add3A_1187 = arith.addf %add3A_1157, %gather3A_1186 : vector<16xf32>
    %mul3A_1188 = arith.constant -1.000000e+00 : f32
    %mul3A_1189 = vector.broadcast %mul3A_1188 : f32 to vector<16xf32>
    %mul3A_1190 = arith.mulf %mul3A_1189, %gather3A_1186 : vector<16xf32>
    %add3A_1191 = arith.addf %add3A_1161, %mul3A_1190 : vector<16xf32>
    %mul3A_1192 = arith.constant 1.000000e+00 : f32
    %mul3A_1193 = vector.broadcast %mul3A_1192 : f32 to vector<16xf32>
    %mul3A_1194 = arith.mulf %mul3A_1193, %gather3A_1186 : vector<16xf32>
    %add3A_1195 = arith.addf %add3A_1165, %mul3A_1194 : vector<16xf32>
    %gather3A_1196 = tpu.vector_load_idx %arg10[%add3A_1179, %add3A_1182, %and3A_1185] : memref<6x64x16xf32, #tpu.memory_space<vmem>>[vector<16xi32>, vector<16xi32>, vector<16xi32>], vector<16xf32>,
    %add3A_1197 = arith.addf %add3A_1187, %gather3A_1196 : vector<16xf32>
    %mul3A_1198 = arith.constant 1.000000e+00 : f32
    %mul3A_1199 = vector.broadcast %mul3A_1198 : f32 to vector<16xf32>
    %mul3A_1200 = arith.mulf %mul3A_1199, %gather3A_1196 : vector<16xf32>
    %add3A_1201 = arith.addf %add3A_1195, %mul3A_1200 : vector<16xf32>
    %gather3A_1202 = tpu.vector_load_idx %arg11[%add3A_1179, %add3A_1182, %and3A_1185] : memref<6x64x16xf32, #tpu.memory_space<vmem>>[vector<16xi32>, vector<16xi32>, vector<16xi32>], vector<16xf32>,
    %add3A_1203 = arith.addf %add3A_1197, %gather3A_1202 : vector<16xf32>
    %mul3A_1204 = arith.constant 1.000000e+00 : f32
    %mul3A_1205 = vector.broadcast %mul3A_1204 : f32 to vector<16xf32>
    %mul3A_1206 = arith.mulf %mul3A_1205, %gather3A_1202 : vector<16xf32>
    %add3A_1207 = arith.addf %add3A_1191, %mul3A_1206 : vector<16xf32>
    %mul3A_1208 = arith.constant 1.000000e+00 : f32
    %mul3A_1209 = vector.broadcast %mul3A_1208 : f32 to vector<16xf32>
    %mul3A_1210 = arith.mulf %mul3A_1209, %gather3A_1202 : vector<16xf32>
    %add3A_1211 = arith.addf %add3A_1201, %mul3A_1210 : vector<16xf32>
    %add3A_1212 = arith.constant 2 : i32
    %add3A_1213 = vector.broadcast %add3A_1212 : i32 to vector<16xi32>
    %add3A_1214 = arith.addi %add3A_1112, %add3A_1213 : vector<16xi32>
    %shift_right_logical3A_1215 = arith.constant 4 : i32
    %shift_right_logical3A_1216 = vector.broadcast %shift_right_logical3A_1215 : i32 to vector<16xi32>
    %shift_right_logical3A_1217 = arith.shrui %add3A_1214, %shift_right_logical3A_1216 : vector<16xi32>
    %sub3A_1218 = arith.subi %shift_right_logical3A_1217, %shift_right_logical3A_1115 : vector<16xi32>
    %broadcast_in_dim3A_1219 = arith.constant 4 : i32
    %broadcast_in_dim3A_1220 = vector.broadcast %broadcast_in_dim3A_1219 : i32 to vector<16xi32>
    %add3A_1221 = arith.addi %broadcast_in_dim3A_1220, %sub3A_1218 : vector<16xi32>
    %broadcast_in_dim3A_1222 = arith.constant 0 : i32
    %broadcast_in_dim3A_1223 = vector.broadcast %broadcast_in_dim3A_1222 : i32 to vector<16xi32>
    %add3A_1224 = arith.addi %broadcast_in_dim3A_1223, %iota3A : vector<16xi32>
    %and3A_1225 = arith.constant 15 : i32
    %and3A_1226 = vector.broadcast %and3A_1225 : i32 to vector<16xi32>
    %and3A_1227 = arith.andi %add3A_1214, %and3A_1226 : vector<16xi32>
    %gather3A_1228 = tpu.vector_load_idx %arg9[%add3A_1221, %add3A_1224, %and3A_1227] : memref<6x64x16xf32, #tpu.memory_space<vmem>>[vector<16xi32>, vector<16xi32>, vector<16xi32>], vector<16xf32>,
    %add3A_1229 = arith.addf %add3A_1203, %gather3A_1228 : vector<16xf32>
    %mul3A_1230 = arith.constant -1.000000e+00 : f32
    %mul3A_1231 = vector.broadcast %mul3A_1230 : f32 to vector<16xf32>
    %mul3A_1232 = arith.mulf %mul3A_1231, %gather3A_1228 : vector<16xf32>
    %add3A_1233 = arith.addf %add3A_1207, %mul3A_1232 : vector<16xf32>
    %mul3A_1234 = arith.constant 1.000000e+00 : f32
    %mul3A_1235 = vector.broadcast %mul3A_1234 : f32 to vector<16xf32>
    %mul3A_1236 = arith.mulf %mul3A_1235, %gather3A_1228 : vector<16xf32>
    %add3A_1237 = arith.addf %add3A_1211, %mul3A_1236 : vector<16xf32>
    %mul3A_1238 = arith.constant 1.000000e+00 : f32
    %mul3A_1239 = vector.broadcast %mul3A_1238 : f32 to vector<16xf32>
    %mul3A_1240 = arith.mulf %mul3A_1239, %gather3A_1228 : vector<16xf32>
    %add3A_1241 = arith.addf %add3A_1169, %mul3A_1240 : vector<16xf32>
    %gather3A_1242 = tpu.vector_load_idx %arg10[%add3A_1221, %add3A_1224, %and3A_1227] : memref<6x64x16xf32, #tpu.memory_space<vmem>>[vector<16xi32>, vector<16xi32>, vector<16xi32>], vector<16xf32>,
    %add3A_1243 = arith.addf %add3A_1229, %gather3A_1242 : vector<16xf32>
    %mul3A_1244 = arith.constant 1.000000e+00 : f32
    %mul3A_1245 = vector.broadcast %mul3A_1244 : f32 to vector<16xf32>
    %mul3A_1246 = arith.mulf %mul3A_1245, %gather3A_1242 : vector<16xf32>
    %add3A_1247 = arith.addf %add3A_1237, %mul3A_1246 : vector<16xf32>
    %mul3A_1248 = arith.constant 1.000000e+00 : f32
    %mul3A_1249 = vector.broadcast %mul3A_1248 : f32 to vector<16xf32>
    %mul3A_1250 = arith.mulf %mul3A_1249, %gather3A_1242 : vector<16xf32>
    %add3A_1251 = arith.addf %add3A_1241, %mul3A_1250 : vector<16xf32>
    %gather3A_1252 = tpu.vector_load_idx %arg11[%add3A_1221, %add3A_1224, %and3A_1227] : memref<6x64x16xf32, #tpu.memory_space<vmem>>[vector<16xi32>, vector<16xi32>, vector<16xi32>], vector<16xf32>,
    %add3A_1253 = arith.addf %add3A_1243, %gather3A_1252 : vector<16xf32>
    %mul3A_1254 = arith.constant 1.000000e+00 : f32
    %mul3A_1255 = vector.broadcast %mul3A_1254 : f32 to vector<16xf32>
    %mul3A_1256 = arith.mulf %mul3A_1255, %gather3A_1252 : vector<16xf32>
    %add3A_1257 = arith.addf %add3A_1233, %mul3A_1256 : vector<16xf32>
    %mul3A_1258 = arith.constant 1.000000e+00 : f32
    %mul3A_1259 = vector.broadcast %mul3A_1258 : f32 to vector<16xf32>
    %mul3A_1260 = arith.mulf %mul3A_1259, %gather3A_1252 : vector<16xf32>
    %add3A_1261 = arith.addf %add3A_1247, %mul3A_1260 : vector<16xf32>
    %mul3A_1262 = arith.constant 1.000000e+00 : f32
    %mul3A_1263 = vector.broadcast %mul3A_1262 : f32 to vector<16xf32>
    %mul3A_1264 = arith.mulf %mul3A_1263, %gather3A_1252 : vector<16xf32>
    %add3A_1265 = arith.addf %add3A_1251, %mul3A_1264 : vector<16xf32>
    %add3A_1266 = arith.constant 9.99999993E-9 : f32
    %add3A_1267 = vector.broadcast %add3A_1266 : f32 to vector<16xf32>
    %add3A_1268 = arith.addf %add3A_1253, %add3A_1267 : vector<16xf32>
    %div3A = arith.divf %add3A_1257, %add3A_1268 : vector<16xf32>
    %mul3A_1269 = arith.constant 4.8828125E-4 : f32
    %mul3A_1270 = vector.broadcast %mul3A_1269 : f32 to vector<16xf32>
    %mul3A_1271 = arith.mulf %div3A, %mul3A_1270 : vector<16xf32>
    %div3A_1272 = arith.divf %add3A_1261, %add3A_1268 : vector<16xf32>
    %convert_element_type3A = arith.sitofp %shift_right_logical3A_816 : vector<16xi32> to vector<16xf32>
    %add3A_1273 = arith.addf %div3A_1272, %convert_element_type3A : vector<16xf32>
    %mul3A_1274 = arith.constant 4.8828125E-4 : f32
    %mul3A_1275 = vector.broadcast %mul3A_1274 : f32 to vector<16xf32>
    %mul3A_1276 = arith.mulf %add3A_1273, %mul3A_1275 : vector<16xf32>
    %div3A_1277 = arith.divf %add3A_1265, %add3A_1268 : vector<16xf32>
    %add3A_1278 = arith.constant 1 : i32
    %add3A_1279 = vector.broadcast %add3A_1278 : i32 to vector<16xi32>
    %add3A_1280 = arith.addi %sub3A_822, %add3A_1279 : vector<16xi32>
    %convert_element_type3A_1281 = arith.sitofp %add3A_1280 : vector<16xi32> to vector<16xf32>
    %add3A_1282 = arith.addf %div3A_1277, %convert_element_type3A_1281 : vector<16xf32>
    %mul3A_1283 = arith.constant 4.8828125E-4 : f32
    %mul3A_1284 = vector.broadcast %mul3A_1283 : f32 to vector<16xf32>
    %mul3A_1285 = arith.mulf %add3A_1282, %mul3A_1284 : vector<16xf32>
    %broadcast_in_dim3A_1286 = arith.constant 0 : i32
    %broadcast_in_dim3A_1287 = vector.broadcast %broadcast_in_dim3A_1286 : i32 to vector<16xi32>
    %add3A_1288 = arith.addi %broadcast_in_dim3A_1287, %iota3A : vector<16xi32>
    %mul3A_1289 = arith.constant 8 : i32
    %mul3A_1290 = vector.broadcast %mul3A_1289 : i32 to vector<16xi32>
    %mul3A_1291 = arith.muli %add3A_1288, %mul3A_1290 : vector<16xi32>
    %add3A_1292 = arith.constant 0 : i32
    %add3A_1293 = vector.broadcast %add3A_1292 : i32 to vector<16xi32>
    %add3A_1294 = arith.addi %mul3A_1291, %add3A_1293 : vector<16xi32>
    tpu.vector_store_idx %arg12[%add3A_1294], %mul3A_1271 : memref<512xf32, #tpu.memory_space<vmem>>[vector<16xi32>], vector<16xf32>,
    %add3A_1295 = arith.constant 2 : i32
    %add3A_1296 = vector.broadcast %add3A_1295 : i32 to vector<16xi32>
    %add3A_1297 = arith.addi %mul3A_1291, %add3A_1296 : vector<16xi32>
    tpu.vector_store_idx %arg12[%add3A_1297], %mul3A_1285 : memref<512xf32, #tpu.memory_space<vmem>>[vector<16xi32>], vector<16xf32>,
    %add3A_1298 = arith.constant 4 : i32
    %add3A_1299 = vector.broadcast %add3A_1298 : i32 to vector<16xi32>
    %add3A_1300 = arith.addi %mul3A_1291, %add3A_1299 : vector<16xi32>
    tpu.vector_store_idx %arg12[%add3A_1300], %mul3A_1271 : memref<512xf32, #tpu.memory_space<vmem>>[vector<16xi32>], vector<16xf32>,
    %add3A_1301 = arith.constant 5 : i32
    %add3A_1302 = vector.broadcast %add3A_1301 : i32 to vector<16xi32>
    %add3A_1303 = arith.addi %mul3A_1291, %add3A_1302 : vector<16xi32>
    tpu.vector_store_idx %arg12[%add3A_1303], %mul3A_1276 : memref<512xf32, #tpu.memory_space<vmem>>[vector<16xi32>], vector<16xf32>,
    %get3A_1304 = arith.constant 16 : index
    %get3A_1305 = tpu.vector_load %arg7[%get3A_1304] {strides = array<i32>} : memref<64xi32, #tpu.memory_space<vmem>>, vector<16xi32>,
    %shift_right_logical3A_1306 = arith.constant 11 : i32
    %shift_right_logical3A_1307 = vector.broadcast %shift_right_logical3A_1306 : i32 to vector<16xi32>
    %shift_right_logical3A_1308 = arith.shrui %get3A_1305, %shift_right_logical3A_1307 : vector<16xi32>
    %and3A_1309 = arith.constant 2047 : i32
    %and3A_1310 = vector.broadcast %and3A_1309 : i32 to vector<16xi32>
    %and3A_1311 = arith.andi %get3A_1305, %and3A_1310 : vector<16xi32>
    %sub3A_1312 = arith.constant 1 : i32
    %sub3A_1313 = vector.broadcast %sub3A_1312 : i32 to vector<16xi32>
    %sub3A_1314 = arith.subi %and3A_1311, %sub3A_1313 : vector<16xi32>
    %add3A_1315 = arith.constant -1 : i32
    %add3A_1316 = vector.broadcast %add3A_1315 : i32 to vector<16xi32>
    %add3A_1317 = arith.addi %shift_right_logical3A_1308, %add3A_1316 : vector<16xi32>
    %mul3A_1318 = arith.constant 2048 : i32
    %mul3A_1319 = vector.broadcast %mul3A_1318 : i32 to vector<16xi32>
    %mul3A_1320 = arith.muli %add3A_1317, %mul3A_1319 : vector<16xi32>
    %add3A_1321 = arith.addi %mul3A_1320, %sub3A_1314 : vector<16xi32>
    %shift_right_logical3A_1322 = arith.constant 4 : i32
    %shift_right_logical3A_1323 = vector.broadcast %shift_right_logical3A_1322 : i32 to vector<16xi32>
    %shift_right_logical3A_1324 = arith.shrui %add3A_1321, %shift_right_logical3A_1323 : vector<16xi32>
    %add3A_1325 = arith.constant 0 : i32
    %add3A_1326 = vector.broadcast %add3A_1325 : i32 to vector<16xi32>
    %add3A_1327 = arith.addi %add3A_1321, %add3A_1326 : vector<16xi32>
    %shift_right_logical3A_1328 = arith.constant 4 : i32
    %shift_right_logical3A_1329 = vector.broadcast %shift_right_logical3A_1328 : i32 to vector<16xi32>
    %shift_right_logical3A_1330 = arith.shrui %add3A_1327, %shift_right_logical3A_1329 : vector<16xi32>
    %sub3A_1331 = arith.subi %shift_right_logical3A_1330, %shift_right_logical3A_1324 : vector<16xi32>
    %broadcast_in_dim3A_1332 = arith.constant 0 : i32
    %broadcast_in_dim3A_1333 = vector.broadcast %broadcast_in_dim3A_1332 : i32 to vector<16xi32>
    %add3A_1334 = arith.addi %broadcast_in_dim3A_1333, %sub3A_1331 : vector<16xi32>
    %broadcast_in_dim3A_1335 = arith.constant 16 : i32
    %broadcast_in_dim3A_1336 = vector.broadcast %broadcast_in_dim3A_1335 : i32 to vector<16xi32>
    %add3A_1337 = arith.addi %broadcast_in_dim3A_1336, %iota3A : vector<16xi32>
    %and3A_1338 = arith.constant 15 : i32
    %and3A_1339 = vector.broadcast %and3A_1338 : i32 to vector<16xi32>
    %and3A_1340 = arith.andi %add3A_1327, %and3A_1339 : vector<16xi32>
    %gather3A_1341 = tpu.vector_load_idx %arg9[%add3A_1334, %add3A_1337, %and3A_1340] : memref<6x64x16xf32, #tpu.memory_space<vmem>>[vector<16xi32>, vector<16xi32>, vector<16xi32>], vector<16xf32>,
    %add3A_1342 = arith.addf %broadcast_in_dim3A_1, %gather3A_1341 : vector<16xf32>
    %mul3A_1343 = arith.constant -1.000000e+00 : f32
    %mul3A_1344 = vector.broadcast %mul3A_1343 : f32 to vector<16xf32>
    %mul3A_1345 = arith.mulf %mul3A_1344, %gather3A_1341 : vector<16xf32>
    %add3A_1346 = arith.addf %broadcast_in_dim3A_1, %mul3A_1345 : vector<16xf32>
    %mul3A_1347 = arith.constant -1.000000e+00 : f32
    %mul3A_1348 = vector.broadcast %mul3A_1347 : f32 to vector<16xf32>
    %mul3A_1349 = arith.mulf %mul3A_1348, %gather3A_1341 : vector<16xf32>
    %add3A_1350 = arith.addf %broadcast_in_dim3A_1, %mul3A_1349 : vector<16xf32>
    %mul3A_1351 = arith.constant -1.000000e+00 : f32
    %mul3A_1352 = vector.broadcast %mul3A_1351 : f32 to vector<16xf32>
    %mul3A_1353 = arith.mulf %mul3A_1352, %gather3A_1341 : vector<16xf32>
    %add3A_1354 = arith.addf %broadcast_in_dim3A_1, %mul3A_1353 : vector<16xf32>
    %gather3A_1355 = tpu.vector_load_idx %arg10[%add3A_1334, %add3A_1337, %and3A_1340] : memref<6x64x16xf32, #tpu.memory_space<vmem>>[vector<16xi32>, vector<16xi32>, vector<16xi32>], vector<16xf32>,
    %add3A_1356 = arith.addf %add3A_1342, %gather3A_1355 : vector<16xf32>
    %mul3A_1357 = arith.constant -1.000000e+00 : f32
    %mul3A_1358 = vector.broadcast %mul3A_1357 : f32 to vector<16xf32>
    %mul3A_1359 = arith.mulf %mul3A_1358, %gather3A_1355 : vector<16xf32>
    %add3A_1360 = arith.addf %add3A_1350, %mul3A_1359 : vector<16xf32>
    %mul3A_1361 = arith.constant -1.000000e+00 : f32
    %mul3A_1362 = vector.broadcast %mul3A_1361 : f32 to vector<16xf32>
    %mul3A_1363 = arith.mulf %mul3A_1362, %gather3A_1355 : vector<16xf32>
    %add3A_1364 = arith.addf %add3A_1354, %mul3A_1363 : vector<16xf32>
    %gather3A_1365 = tpu.vector_load_idx %arg11[%add3A_1334, %add3A_1337, %and3A_1340] : memref<6x64x16xf32, #tpu.memory_space<vmem>>[vector<16xi32>, vector<16xi32>, vector<16xi32>], vector<16xf32>,
    %add3A_1366 = arith.addf %add3A_1356, %gather3A_1365 : vector<16xf32>
    %mul3A_1367 = arith.constant 1.000000e+00 : f32
    %mul3A_1368 = vector.broadcast %mul3A_1367 : f32 to vector<16xf32>
    %mul3A_1369 = arith.mulf %mul3A_1368, %gather3A_1365 : vector<16xf32>
    %add3A_1370 = arith.addf %add3A_1346, %mul3A_1369 : vector<16xf32>
    %mul3A_1371 = arith.constant -1.000000e+00 : f32
    %mul3A_1372 = vector.broadcast %mul3A_1371 : f32 to vector<16xf32>
    %mul3A_1373 = arith.mulf %mul3A_1372, %gather3A_1365 : vector<16xf32>
    %add3A_1374 = arith.addf %add3A_1360, %mul3A_1373 : vector<16xf32>
    %mul3A_1375 = arith.constant -1.000000e+00 : f32
    %mul3A_1376 = vector.broadcast %mul3A_1375 : f32 to vector<16xf32>
    %mul3A_1377 = arith.mulf %mul3A_1376, %gather3A_1365 : vector<16xf32>
    %add3A_1378 = arith.addf %add3A_1364, %mul3A_1377 : vector<16xf32>
    %add3A_1379 = arith.constant 1 : i32
    %add3A_1380 = vector.broadcast %add3A_1379 : i32 to vector<16xi32>
    %add3A_1381 = arith.addi %add3A_1321, %add3A_1380 : vector<16xi32>
    %shift_right_logical3A_1382 = arith.constant 4 : i32
    %shift_right_logical3A_1383 = vector.broadcast %shift_right_logical3A_1382 : i32 to vector<16xi32>
    %shift_right_logical3A_1384 = arith.shrui %add3A_1381, %shift_right_logical3A_1383 : vector<16xi32>
    %sub3A_1385 = arith.subi %shift_right_logical3A_1384, %shift_right_logical3A_1324 : vector<16xi32>
    %broadcast_in_dim3A_1386 = arith.constant 0 : i32
    %broadcast_in_dim3A_1387 = vector.broadcast %broadcast_in_dim3A_1386 : i32 to vector<16xi32>
    %add3A_1388 = arith.addi %broadcast_in_dim3A_1387, %sub3A_1385 : vector<16xi32>
    %broadcast_in_dim3A_1389 = arith.constant 16 : i32
    %broadcast_in_dim3A_1390 = vector.broadcast %broadcast_in_dim3A_1389 : i32 to vector<16xi32>
    %add3A_1391 = arith.addi %broadcast_in_dim3A_1390, %iota3A : vector<16xi32>
    %and3A_1392 = arith.constant 15 : i32
    %and3A_1393 = vector.broadcast %and3A_1392 : i32 to vector<16xi32>
    %and3A_1394 = arith.andi %add3A_1381, %and3A_1393 : vector<16xi32>
    %gather3A_1395 = tpu.vector_load_idx %arg9[%add3A_1388, %add3A_1391, %and3A_1394] : memref<6x64x16xf32, #tpu.memory_space<vmem>>[vector<16xi32>, vector<16xi32>, vector<16xi32>], vector<16xf32>,
    %add3A_1396 = arith.addf %add3A_1366, %gather3A_1395 : vector<16xf32>
    %mul3A_1397 = arith.constant -1.000000e+00 : f32
    %mul3A_1398 = vector.broadcast %mul3A_1397 : f32 to vector<16xf32>
    %mul3A_1399 = arith.mulf %mul3A_1398, %gather3A_1395 : vector<16xf32>
    %add3A_1400 = arith.addf %add3A_1370, %mul3A_1399 : vector<16xf32>
    %mul3A_1401 = arith.constant -1.000000e+00 : f32
    %mul3A_1402 = vector.broadcast %mul3A_1401 : f32 to vector<16xf32>
    %mul3A_1403 = arith.mulf %mul3A_1402, %gather3A_1395 : vector<16xf32>
    %add3A_1404 = arith.addf %add3A_1374, %mul3A_1403 : vector<16xf32>
    %gather3A_1405 = tpu.vector_load_idx %arg10[%add3A_1388, %add3A_1391, %and3A_1394] : memref<6x64x16xf32, #tpu.memory_space<vmem>>[vector<16xi32>, vector<16xi32>, vector<16xi32>], vector<16xf32>,
    %add3A_1406 = arith.addf %add3A_1396, %gather3A_1405 : vector<16xf32>
    %mul3A_1407 = arith.constant -1.000000e+00 : f32
    %mul3A_1408 = vector.broadcast %mul3A_1407 : f32 to vector<16xf32>
    %mul3A_1409 = arith.mulf %mul3A_1408, %gather3A_1405 : vector<16xf32>
    %add3A_1410 = arith.addf %add3A_1404, %mul3A_1409 : vector<16xf32>
    %gather3A_1411 = tpu.vector_load_idx %arg11[%add3A_1388, %add3A_1391, %and3A_1394] : memref<6x64x16xf32, #tpu.memory_space<vmem>>[vector<16xi32>, vector<16xi32>, vector<16xi32>], vector<16xf32>,
    %add3A_1412 = arith.addf %add3A_1406, %gather3A_1411 : vector<16xf32>
    %mul3A_1413 = arith.constant 1.000000e+00 : f32
    %mul3A_1414 = vector.broadcast %mul3A_1413 : f32 to vector<16xf32>
    %mul3A_1415 = arith.mulf %mul3A_1414, %gather3A_1411 : vector<16xf32>
    %add3A_1416 = arith.addf %add3A_1400, %mul3A_1415 : vector<16xf32>
    %mul3A_1417 = arith.constant -1.000000e+00 : f32
    %mul3A_1418 = vector.broadcast %mul3A_1417 : f32 to vector<16xf32>
    %mul3A_1419 = arith.mulf %mul3A_1418, %gather3A_1411 : vector<16xf32>
    %add3A_1420 = arith.addf %add3A_1410, %mul3A_1419 : vector<16xf32>
    %add3A_1421 = arith.constant 2 : i32
    %add3A_1422 = vector.broadcast %add3A_1421 : i32 to vector<16xi32>
    %add3A_1423 = arith.addi %add3A_1321, %add3A_1422 : vector<16xi32>
    %shift_right_logical3A_1424 = arith.constant 4 : i32
    %shift_right_logical3A_1425 = vector.broadcast %shift_right_logical3A_1424 : i32 to vector<16xi32>
    %shift_right_logical3A_1426 = arith.shrui %add3A_1423, %shift_right_logical3A_1425 : vector<16xi32>
    %sub3A_1427 = arith.subi %shift_right_logical3A_1426, %shift_right_logical3A_1324 : vector<16xi32>
    %broadcast_in_dim3A_1428 = arith.constant 0 : i32
    %broadcast_in_dim3A_1429 = vector.broadcast %broadcast_in_dim3A_1428 : i32 to vector<16xi32>
    %add3A_1430 = arith.addi %broadcast_in_dim3A_1429, %sub3A_1427 : vector<16xi32>
    %broadcast_in_dim3A_1431 = arith.constant 16 : i32
    %broadcast_in_dim3A_1432 = vector.broadcast %broadcast_in_dim3A_1431 : i32 to vector<16xi32>
    %add3A_1433 = arith.addi %broadcast_in_dim3A_1432, %iota3A : vector<16xi32>
    %and3A_1434 = arith.constant 15 : i32
    %and3A_1435 = vector.broadcast %and3A_1434 : i32 to vector<16xi32>
    %and3A_1436 = arith.andi %add3A_1423, %and3A_1435 : vector<16xi32>
    %gather3A_1437 = tpu.vector_load_idx %arg9[%add3A_1430, %add3A_1433, %and3A_1436] : memref<6x64x16xf32, #tpu.memory_space<vmem>>[vector<16xi32>, vector<16xi32>, vector<16xi32>], vector<16xf32>,
    %add3A_1438 = arith.addf %add3A_1412, %gather3A_1437 : vector<16xf32>
    %mul3A_1439 = arith.constant -1.000000e+00 : f32
    %mul3A_1440 = vector.broadcast %mul3A_1439 : f32 to vector<16xf32>
    %mul3A_1441 = arith.mulf %mul3A_1440, %gather3A_1437 : vector<16xf32>
    %add3A_1442 = arith.addf %add3A_1416, %mul3A_1441 : vector<16xf32>
    %mul3A_1443 = arith.constant -1.000000e+00 : f32
    %mul3A_1444 = vector.broadcast %mul3A_1443 : f32 to vector<16xf32>
    %mul3A_1445 = arith.mulf %mul3A_1444, %gather3A_1437 : vector<16xf32>
    %add3A_1446 = arith.addf %add3A_1420, %mul3A_1445 : vector<16xf32>
    %mul3A_1447 = arith.constant 1.000000e+00 : f32
    %mul3A_1448 = vector.broadcast %mul3A_1447 : f32 to vector<16xf32>
    %mul3A_1449 = arith.mulf %mul3A_1448, %gather3A_1437 : vector<16xf32>
    %add3A_1450 = arith.addf %add3A_1378, %mul3A_1449 : vector<16xf32>
    %gather3A_1451 = tpu.vector_load_idx %arg10[%add3A_1430, %add3A_1433, %and3A_1436] : memref<6x64x16xf32, #tpu.memory_space<vmem>>[vector<16xi32>, vector<16xi32>, vector<16xi32>], vector<16xf32>,
    %add3A_1452 = arith.addf %add3A_1438, %gather3A_1451 : vector<16xf32>
    %mul3A_1453 = arith.constant -1.000000e+00 : f32
    %mul3A_1454 = vector.broadcast %mul3A_1453 : f32 to vector<16xf32>
    %mul3A_1455 = arith.mulf %mul3A_1454, %gather3A_1451 : vector<16xf32>
    %add3A_1456 = arith.addf %add3A_1446, %mul3A_1455 : vector<16xf32>
    %mul3A_1457 = arith.constant 1.000000e+00 : f32
    %mul3A_1458 = vector.broadcast %mul3A_1457 : f32 to vector<16xf32>
    %mul3A_1459 = arith.mulf %mul3A_1458, %gather3A_1451 : vector<16xf32>
    %add3A_1460 = arith.addf %add3A_1450, %mul3A_1459 : vector<16xf32>
    %gather3A_1461 = tpu.vector_load_idx %arg11[%add3A_1430, %add3A_1433, %and3A_1436] : memref<6x64x16xf32, #tpu.memory_space<vmem>>[vector<16xi32>, vector<16xi32>, vector<16xi32>], vector<16xf32>,
    %add3A_1462 = arith.addf %add3A_1452, %gather3A_1461 : vector<16xf32>
    %mul3A_1463 = arith.constant 1.000000e+00 : f32
    %mul3A_1464 = vector.broadcast %mul3A_1463 : f32 to vector<16xf32>
    %mul3A_1465 = arith.mulf %mul3A_1464, %gather3A_1461 : vector<16xf32>
    %add3A_1466 = arith.addf %add3A_1442, %mul3A_1465 : vector<16xf32>
    %mul3A_1467 = arith.constant -1.000000e+00 : f32
    %mul3A_1468 = vector.broadcast %mul3A_1467 : f32 to vector<16xf32>
    %mul3A_1469 = arith.mulf %mul3A_1468, %gather3A_1461 : vector<16xf32>
    %add3A_1470 = arith.addf %add3A_1456, %mul3A_1469 : vector<16xf32>
    %mul3A_1471 = arith.constant 1.000000e+00 : f32
    %mul3A_1472 = vector.broadcast %mul3A_1471 : f32 to vector<16xf32>
    %mul3A_1473 = arith.mulf %mul3A_1472, %gather3A_1461 : vector<16xf32>
    %add3A_1474 = arith.addf %add3A_1460, %mul3A_1473 : vector<16xf32>
    %add3A_1475 = arith.constant 0 : i32
    %add3A_1476 = vector.broadcast %add3A_1475 : i32 to vector<16xi32>
    %add3A_1477 = arith.addi %shift_right_logical3A_1308, %add3A_1476 : vector<16xi32>
    %mul3A_1478 = arith.constant 2048 : i32
    %mul3A_1479 = vector.broadcast %mul3A_1478 : i32 to vector<16xi32>
    %mul3A_1480 = arith.muli %add3A_1477, %mul3A_1479 : vector<16xi32>
    %add3A_1481 = arith.addi %mul3A_1480, %sub3A_1314 : vector<16xi32>
    %shift_right_logical3A_1482 = arith.constant 4 : i32
    %shift_right_logical3A_1483 = vector.broadcast %shift_right_logical3A_1482 : i32 to vector<16xi32>
    %shift_right_logical3A_1484 = arith.shrui %add3A_1481, %shift_right_logical3A_1483 : vector<16xi32>
    %add3A_1485 = arith.constant 0 : i32
    %add3A_1486 = vector.broadcast %add3A_1485 : i32 to vector<16xi32>
    %add3A_1487 = arith.addi %add3A_1481, %add3A_1486 : vector<16xi32>
    %shift_right_logical3A_1488 = arith.constant 4 : i32
    %shift_right_logical3A_1489 = vector.broadcast %shift_right_logical3A_1488 : i32 to vector<16xi32>
    %shift_right_logical3A_1490 = arith.shrui %add3A_1487, %shift_right_logical3A_1489 : vector<16xi32>
    %sub3A_1491 = arith.subi %shift_right_logical3A_1490, %shift_right_logical3A_1484 : vector<16xi32>
    %broadcast_in_dim3A_1492 = arith.constant 2 : i32
    %broadcast_in_dim3A_1493 = vector.broadcast %broadcast_in_dim3A_1492 : i32 to vector<16xi32>
    %add3A_1494 = arith.addi %broadcast_in_dim3A_1493, %sub3A_1491 : vector<16xi32>
    %broadcast_in_dim3A_1495 = arith.constant 16 : i32
    %broadcast_in_dim3A_1496 = vector.broadcast %broadcast_in_dim3A_1495 : i32 to vector<16xi32>
    %add3A_1497 = arith.addi %broadcast_in_dim3A_1496, %iota3A : vector<16xi32>
    %and3A_1498 = arith.constant 15 : i32
    %and3A_1499 = vector.broadcast %and3A_1498 : i32 to vector<16xi32>
    %and3A_1500 = arith.andi %add3A_1487, %and3A_1499 : vector<16xi32>
    %gather3A_1501 = tpu.vector_load_idx %arg9[%add3A_1494, %add3A_1497, %and3A_1500] : memref<6x64x16xf32, #tpu.memory_space<vmem>>[vector<16xi32>, vector<16xi32>, vector<16xi32>], vector<16xf32>,
    %add3A_1502 = arith.addf %add3A_1462, %gather3A_1501 : vector<16xf32>
    %mul3A_1503 = arith.constant -1.000000e+00 : f32
    %mul3A_1504 = vector.broadcast %mul3A_1503 : f32 to vector<16xf32>
    %mul3A_1505 = arith.mulf %mul3A_1504, %gather3A_1501 : vector<16xf32>
    %add3A_1506 = arith.addf %add3A_1466, %mul3A_1505 : vector<16xf32>
    %mul3A_1507 = arith.constant -1.000000e+00 : f32
    %mul3A_1508 = vector.broadcast %mul3A_1507 : f32 to vector<16xf32>
    %mul3A_1509 = arith.mulf %mul3A_1508, %gather3A_1501 : vector<16xf32>
    %add3A_1510 = arith.addf %add3A_1474, %mul3A_1509 : vector<16xf32>
    %gather3A_1511 = tpu.vector_load_idx %arg10[%add3A_1494, %add3A_1497, %and3A_1500] : memref<6x64x16xf32, #tpu.memory_space<vmem>>[vector<16xi32>, vector<16xi32>, vector<16xi32>], vector<16xf32>,
    %add3A_1512 = arith.addf %add3A_1502, %gather3A_1511 : vector<16xf32>
    %mul3A_1513 = arith.constant -1.000000e+00 : f32
    %mul3A_1514 = vector.broadcast %mul3A_1513 : f32 to vector<16xf32>
    %mul3A_1515 = arith.mulf %mul3A_1514, %gather3A_1511 : vector<16xf32>
    %add3A_1516 = arith.addf %add3A_1510, %mul3A_1515 : vector<16xf32>
    %gather3A_1517 = tpu.vector_load_idx %arg11[%add3A_1494, %add3A_1497, %and3A_1500] : memref<6x64x16xf32, #tpu.memory_space<vmem>>[vector<16xi32>, vector<16xi32>, vector<16xi32>], vector<16xf32>,
    %add3A_1518 = arith.addf %add3A_1512, %gather3A_1517 : vector<16xf32>
    %mul3A_1519 = arith.constant 1.000000e+00 : f32
    %mul3A_1520 = vector.broadcast %mul3A_1519 : f32 to vector<16xf32>
    %mul3A_1521 = arith.mulf %mul3A_1520, %gather3A_1517 : vector<16xf32>
    %add3A_1522 = arith.addf %add3A_1506, %mul3A_1521 : vector<16xf32>
    %mul3A_1523 = arith.constant -1.000000e+00 : f32
    %mul3A_1524 = vector.broadcast %mul3A_1523 : f32 to vector<16xf32>
    %mul3A_1525 = arith.mulf %mul3A_1524, %gather3A_1517 : vector<16xf32>
    %add3A_1526 = arith.addf %add3A_1516, %mul3A_1525 : vector<16xf32>
    %add3A_1527 = arith.constant 1 : i32
    %add3A_1528 = vector.broadcast %add3A_1527 : i32 to vector<16xi32>
    %add3A_1529 = arith.addi %add3A_1481, %add3A_1528 : vector<16xi32>
    %shift_right_logical3A_1530 = arith.constant 4 : i32
    %shift_right_logical3A_1531 = vector.broadcast %shift_right_logical3A_1530 : i32 to vector<16xi32>
    %shift_right_logical3A_1532 = arith.shrui %add3A_1529, %shift_right_logical3A_1531 : vector<16xi32>
    %sub3A_1533 = arith.subi %shift_right_logical3A_1532, %shift_right_logical3A_1484 : vector<16xi32>
    %broadcast_in_dim3A_1534 = arith.constant 2 : i32
    %broadcast_in_dim3A_1535 = vector.broadcast %broadcast_in_dim3A_1534 : i32 to vector<16xi32>
    %add3A_1536 = arith.addi %broadcast_in_dim3A_1535, %sub3A_1533 : vector<16xi32>
    %broadcast_in_dim3A_1537 = arith.constant 16 : i32
    %broadcast_in_dim3A_1538 = vector.broadcast %broadcast_in_dim3A_1537 : i32 to vector<16xi32>
    %add3A_1539 = arith.addi %broadcast_in_dim3A_1538, %iota3A : vector<16xi32>
    %and3A_1540 = arith.constant 15 : i32
    %and3A_1541 = vector.broadcast %and3A_1540 : i32 to vector<16xi32>
    %and3A_1542 = arith.andi %add3A_1529, %and3A_1541 : vector<16xi32>
    %gather3A_1543 = tpu.vector_load_idx %arg9[%add3A_1536, %add3A_1539, %and3A_1542] : memref<6x64x16xf32, #tpu.memory_space<vmem>>[vector<16xi32>, vector<16xi32>, vector<16xi32>], vector<16xf32>,
    %add3A_1544 = arith.addf %add3A_1518, %gather3A_1543 : vector<16xf32>
    %mul3A_1545 = arith.constant -1.000000e+00 : f32
    %mul3A_1546 = vector.broadcast %mul3A_1545 : f32 to vector<16xf32>
    %mul3A_1547 = arith.mulf %mul3A_1546, %gather3A_1543 : vector<16xf32>
    %add3A_1548 = arith.addf %add3A_1522, %mul3A_1547 : vector<16xf32>
    %gather3A_1549 = tpu.vector_load_idx %arg10[%add3A_1536, %add3A_1539, %and3A_1542] : memref<6x64x16xf32, #tpu.memory_space<vmem>>[vector<16xi32>, vector<16xi32>, vector<16xi32>], vector<16xf32>,
    %add3A_1550 = arith.addf %add3A_1544, %gather3A_1549 : vector<16xf32>
    %gather3A_1551 = tpu.vector_load_idx %arg11[%add3A_1536, %add3A_1539, %and3A_1542] : memref<6x64x16xf32, #tpu.memory_space<vmem>>[vector<16xi32>, vector<16xi32>, vector<16xi32>], vector<16xf32>,
    %add3A_1552 = arith.addf %add3A_1550, %gather3A_1551 : vector<16xf32>
    %mul3A_1553 = arith.constant 1.000000e+00 : f32
    %mul3A_1554 = vector.broadcast %mul3A_1553 : f32 to vector<16xf32>
    %mul3A_1555 = arith.mulf %mul3A_1554, %gather3A_1551 : vector<16xf32>
    %add3A_1556 = arith.addf %add3A_1548, %mul3A_1555 : vector<16xf32>
    %add3A_1557 = arith.constant 2 : i32
    %add3A_1558 = vector.broadcast %add3A_1557 : i32 to vector<16xi32>
    %add3A_1559 = arith.addi %add3A_1481, %add3A_1558 : vector<16xi32>
    %shift_right_logical3A_1560 = arith.constant 4 : i32
    %shift_right_logical3A_1561 = vector.broadcast %shift_right_logical3A_1560 : i32 to vector<16xi32>
    %shift_right_logical3A_1562 = arith.shrui %add3A_1559, %shift_right_logical3A_1561 : vector<16xi32>
    %sub3A_1563 = arith.subi %shift_right_logical3A_1562, %shift_right_logical3A_1484 : vector<16xi32>
    %broadcast_in_dim3A_1564 = arith.constant 2 : i32
    %broadcast_in_dim3A_1565 = vector.broadcast %broadcast_in_dim3A_1564 : i32 to vector<16xi32>
    %add3A_1566 = arith.addi %broadcast_in_dim3A_1565, %sub3A_1563 : vector<16xi32>
    %broadcast_in_dim3A_1567 = arith.constant 16 : i32
    %broadcast_in_dim3A_1568 = vector.broadcast %broadcast_in_dim3A_1567 : i32 to vector<16xi32>
    %add3A_1569 = arith.addi %broadcast_in_dim3A_1568, %iota3A : vector<16xi32>
    %and3A_1570 = arith.constant 15 : i32
    %and3A_1571 = vector.broadcast %and3A_1570 : i32 to vector<16xi32>
    %and3A_1572 = arith.andi %add3A_1559, %and3A_1571 : vector<16xi32>
    %gather3A_1573 = tpu.vector_load_idx %arg9[%add3A_1566, %add3A_1569, %and3A_1572] : memref<6x64x16xf32, #tpu.memory_space<vmem>>[vector<16xi32>, vector<16xi32>, vector<16xi32>], vector<16xf32>,
    %add3A_1574 = arith.addf %add3A_1552, %gather3A_1573 : vector<16xf32>
    %mul3A_1575 = arith.constant -1.000000e+00 : f32
    %mul3A_1576 = vector.broadcast %mul3A_1575 : f32 to vector<16xf32>
    %mul3A_1577 = arith.mulf %mul3A_1576, %gather3A_1573 : vector<16xf32>
    %add3A_1578 = arith.addf %add3A_1556, %mul3A_1577 : vector<16xf32>
    %mul3A_1579 = arith.constant 1.000000e+00 : f32
    %mul3A_1580 = vector.broadcast %mul3A_1579 : f32 to vector<16xf32>
    %mul3A_1581 = arith.mulf %mul3A_1580, %gather3A_1573 : vector<16xf32>
    %add3A_1582 = arith.addf %add3A_1526, %mul3A_1581 : vector<16xf32>
    %gather3A_1583 = tpu.vector_load_idx %arg10[%add3A_1566, %add3A_1569, %and3A_1572] : memref<6x64x16xf32, #tpu.memory_space<vmem>>[vector<16xi32>, vector<16xi32>, vector<16xi32>], vector<16xf32>,
    %add3A_1584 = arith.addf %add3A_1574, %gather3A_1583 : vector<16xf32>
    %mul3A_1585 = arith.constant 1.000000e+00 : f32
    %mul3A_1586 = vector.broadcast %mul3A_1585 : f32 to vector<16xf32>
    %mul3A_1587 = arith.mulf %mul3A_1586, %gather3A_1583 : vector<16xf32>
    %add3A_1588 = arith.addf %add3A_1582, %mul3A_1587 : vector<16xf32>
    %gather3A_1589 = tpu.vector_load_idx %arg11[%add3A_1566, %add3A_1569, %and3A_1572] : memref<6x64x16xf32, #tpu.memory_space<vmem>>[vector<16xi32>, vector<16xi32>, vector<16xi32>], vector<16xf32>,
    %add3A_1590 = arith.addf %add3A_1584, %gather3A_1589 : vector<16xf32>
    %mul3A_1591 = arith.constant 1.000000e+00 : f32
    %mul3A_1592 = vector.broadcast %mul3A_1591 : f32 to vector<16xf32>
    %mul3A_1593 = arith.mulf %mul3A_1592, %gather3A_1589 : vector<16xf32>
    %add3A_1594 = arith.addf %add3A_1578, %mul3A_1593 : vector<16xf32>
    %mul3A_1595 = arith.constant 1.000000e+00 : f32
    %mul3A_1596 = vector.broadcast %mul3A_1595 : f32 to vector<16xf32>
    %mul3A_1597 = arith.mulf %mul3A_1596, %gather3A_1589 : vector<16xf32>
    %add3A_1598 = arith.addf %add3A_1588, %mul3A_1597 : vector<16xf32>
    %add3A_1599 = arith.constant 1 : i32
    %add3A_1600 = vector.broadcast %add3A_1599 : i32 to vector<16xi32>
    %add3A_1601 = arith.addi %shift_right_logical3A_1308, %add3A_1600 : vector<16xi32>
    %mul3A_1602 = arith.constant 2048 : i32
    %mul3A_1603 = vector.broadcast %mul3A_1602 : i32 to vector<16xi32>
    %mul3A_1604 = arith.muli %add3A_1601, %mul3A_1603 : vector<16xi32>
    %add3A_1605 = arith.addi %mul3A_1604, %sub3A_1314 : vector<16xi32>
    %shift_right_logical3A_1606 = arith.constant 4 : i32
    %shift_right_logical3A_1607 = vector.broadcast %shift_right_logical3A_1606 : i32 to vector<16xi32>
    %shift_right_logical3A_1608 = arith.shrui %add3A_1605, %shift_right_logical3A_1607 : vector<16xi32>
    %add3A_1609 = arith.constant 0 : i32
    %add3A_1610 = vector.broadcast %add3A_1609 : i32 to vector<16xi32>
    %add3A_1611 = arith.addi %add3A_1605, %add3A_1610 : vector<16xi32>
    %shift_right_logical3A_1612 = arith.constant 4 : i32
    %shift_right_logical3A_1613 = vector.broadcast %shift_right_logical3A_1612 : i32 to vector<16xi32>
    %shift_right_logical3A_1614 = arith.shrui %add3A_1611, %shift_right_logical3A_1613 : vector<16xi32>
    %sub3A_1615 = arith.subi %shift_right_logical3A_1614, %shift_right_logical3A_1608 : vector<16xi32>
    %broadcast_in_dim3A_1616 = arith.constant 4 : i32
    %broadcast_in_dim3A_1617 = vector.broadcast %broadcast_in_dim3A_1616 : i32 to vector<16xi32>
    %add3A_1618 = arith.addi %broadcast_in_dim3A_1617, %sub3A_1615 : vector<16xi32>
    %broadcast_in_dim3A_1619 = arith.constant 16 : i32
    %broadcast_in_dim3A_1620 = vector.broadcast %broadcast_in_dim3A_1619 : i32 to vector<16xi32>
    %add3A_1621 = arith.addi %broadcast_in_dim3A_1620, %iota3A : vector<16xi32>
    %and3A_1622 = arith.constant 15 : i32
    %and3A_1623 = vector.broadcast %and3A_1622 : i32 to vector<16xi32>
    %and3A_1624 = arith.andi %add3A_1611, %and3A_1623 : vector<16xi32>
    %gather3A_1625 = tpu.vector_load_idx %arg9[%add3A_1618, %add3A_1621, %and3A_1624] : memref<6x64x16xf32, #tpu.memory_space<vmem>>[vector<16xi32>, vector<16xi32>, vector<16xi32>], vector<16xf32>,
    %add3A_1626 = arith.addf %add3A_1590, %gather3A_1625 : vector<16xf32>
    %mul3A_1627 = arith.constant -1.000000e+00 : f32
    %mul3A_1628 = vector.broadcast %mul3A_1627 : f32 to vector<16xf32>
    %mul3A_1629 = arith.mulf %mul3A_1628, %gather3A_1625 : vector<16xf32>
    %add3A_1630 = arith.addf %add3A_1594, %mul3A_1629 : vector<16xf32>
    %mul3A_1631 = arith.constant 1.000000e+00 : f32
    %mul3A_1632 = vector.broadcast %mul3A_1631 : f32 to vector<16xf32>
    %mul3A_1633 = arith.mulf %mul3A_1632, %gather3A_1625 : vector<16xf32>
    %add3A_1634 = arith.addf %add3A_1470, %mul3A_1633 : vector<16xf32>
    %mul3A_1635 = arith.constant -1.000000e+00 : f32
    %mul3A_1636 = vector.broadcast %mul3A_1635 : f32 to vector<16xf32>
    %mul3A_1637 = arith.mulf %mul3A_1636, %gather3A_1625 : vector<16xf32>
    %add3A_1638 = arith.addf %add3A_1598, %mul3A_1637 : vector<16xf32>
    %gather3A_1639 = tpu.vector_load_idx %arg10[%add3A_1618, %add3A_1621, %and3A_1624] : memref<6x64x16xf32, #tpu.memory_space<vmem>>[vector<16xi32>, vector<16xi32>, vector<16xi32>], vector<16xf32>,
    %add3A_1640 = arith.addf %add3A_1626, %gather3A_1639 : vector<16xf32>
    %mul3A_1641 = arith.constant 1.000000e+00 : f32
    %mul3A_1642 = vector.broadcast %mul3A_1641 : f32 to vector<16xf32>
    %mul3A_1643 = arith.mulf %mul3A_1642, %gather3A_1639 : vector<16xf32>
    %add3A_1644 = arith.addf %add3A_1634, %mul3A_1643 : vector<16xf32>
    %mul3A_1645 = arith.constant -1.000000e+00 : f32
    %mul3A_1646 = vector.broadcast %mul3A_1645 : f32 to vector<16xf32>
    %mul3A_1647 = arith.mulf %mul3A_1646, %gather3A_1639 : vector<16xf32>
    %add3A_1648 = arith.addf %add3A_1638, %mul3A_1647 : vector<16xf32>
    %gather3A_1649 = tpu.vector_load_idx %arg11[%add3A_1618, %add3A_1621, %and3A_1624] : memref<6x64x16xf32, #tpu.memory_space<vmem>>[vector<16xi32>, vector<16xi32>, vector<16xi32>], vector<16xf32>,
    %add3A_1650 = arith.addf %add3A_1640, %gather3A_1649 : vector<16xf32>
    %mul3A_1651 = arith.constant 1.000000e+00 : f32
    %mul3A_1652 = vector.broadcast %mul3A_1651 : f32 to vector<16xf32>
    %mul3A_1653 = arith.mulf %mul3A_1652, %gather3A_1649 : vector<16xf32>
    %add3A_1654 = arith.addf %add3A_1630, %mul3A_1653 : vector<16xf32>
    %mul3A_1655 = arith.constant 1.000000e+00 : f32
    %mul3A_1656 = vector.broadcast %mul3A_1655 : f32 to vector<16xf32>
    %mul3A_1657 = arith.mulf %mul3A_1656, %gather3A_1649 : vector<16xf32>
    %add3A_1658 = arith.addf %add3A_1644, %mul3A_1657 : vector<16xf32>
    %mul3A_1659 = arith.constant -1.000000e+00 : f32
    %mul3A_1660 = vector.broadcast %mul3A_1659 : f32 to vector<16xf32>
    %mul3A_1661 = arith.mulf %mul3A_1660, %gather3A_1649 : vector<16xf32>
    %add3A_1662 = arith.addf %add3A_1648, %mul3A_1661 : vector<16xf32>
    %add3A_1663 = arith.constant 1 : i32
    %add3A_1664 = vector.broadcast %add3A_1663 : i32 to vector<16xi32>
    %add3A_1665 = arith.addi %add3A_1605, %add3A_1664 : vector<16xi32>
    %shift_right_logical3A_1666 = arith.constant 4 : i32
    %shift_right_logical3A_1667 = vector.broadcast %shift_right_logical3A_1666 : i32 to vector<16xi32>
    %shift_right_logical3A_1668 = arith.shrui %add3A_1665, %shift_right_logical3A_1667 : vector<16xi32>
    %sub3A_1669 = arith.subi %shift_right_logical3A_1668, %shift_right_logical3A_1608 : vector<16xi32>
    %broadcast_in_dim3A_1670 = arith.constant 4 : i32
    %broadcast_in_dim3A_1671 = vector.broadcast %broadcast_in_dim3A_1670 : i32 to vector<16xi32>
    %add3A_1672 = arith.addi %broadcast_in_dim3A_1671, %sub3A_1669 : vector<16xi32>
    %broadcast_in_dim3A_1673 = arith.constant 16 : i32
    %broadcast_in_dim3A_1674 = vector.broadcast %broadcast_in_dim3A_1673 : i32 to vector<16xi32>
    %add3A_1675 = arith.addi %broadcast_in_dim3A_1674, %iota3A : vector<16xi32>
    %and3A_1676 = arith.constant 15 : i32
    %and3A_1677 = vector.broadcast %and3A_1676 : i32 to vector<16xi32>
    %and3A_1678 = arith.andi %add3A_1665, %and3A_1677 : vector<16xi32>
    %gather3A_1679 = tpu.vector_load_idx %arg9[%add3A_1672, %add3A_1675, %and3A_1678] : memref<6x64x16xf32, #tpu.memory_space<vmem>>[vector<16xi32>, vector<16xi32>, vector<16xi32>], vector<16xf32>,
    %add3A_1680 = arith.addf %add3A_1650, %gather3A_1679 : vector<16xf32>
    %mul3A_1681 = arith.constant -1.000000e+00 : f32
    %mul3A_1682 = vector.broadcast %mul3A_1681 : f32 to vector<16xf32>
    %mul3A_1683 = arith.mulf %mul3A_1682, %gather3A_1679 : vector<16xf32>
    %add3A_1684 = arith.addf %add3A_1654, %mul3A_1683 : vector<16xf32>
    %mul3A_1685 = arith.constant 1.000000e+00 : f32
    %mul3A_1686 = vector.broadcast %mul3A_1685 : f32 to vector<16xf32>
    %mul3A_1687 = arith.mulf %mul3A_1686, %gather3A_1679 : vector<16xf32>
    %add3A_1688 = arith.addf %add3A_1658, %mul3A_1687 : vector<16xf32>
    %gather3A_1689 = tpu.vector_load_idx %arg10[%add3A_1672, %add3A_1675, %and3A_1678] : memref<6x64x16xf32, #tpu.memory_space<vmem>>[vector<16xi32>, vector<16xi32>, vector<16xi32>], vector<16xf32>,
    %add3A_1690 = arith.addf %add3A_1680, %gather3A_1689 : vector<16xf32>
    %mul3A_1691 = arith.constant 1.000000e+00 : f32
    %mul3A_1692 = vector.broadcast %mul3A_1691 : f32 to vector<16xf32>
    %mul3A_1693 = arith.mulf %mul3A_1692, %gather3A_1689 : vector<16xf32>
    %add3A_1694 = arith.addf %add3A_1688, %mul3A_1693 : vector<16xf32>
    %gather3A_1695 = tpu.vector_load_idx %arg11[%add3A_1672, %add3A_1675, %and3A_1678] : memref<6x64x16xf32, #tpu.memory_space<vmem>>[vector<16xi32>, vector<16xi32>, vector<16xi32>], vector<16xf32>,
    %add3A_1696 = arith.addf %add3A_1690, %gather3A_1695 : vector<16xf32>
    %mul3A_1697 = arith.constant 1.000000e+00 : f32
    %mul3A_1698 = vector.broadcast %mul3A_1697 : f32 to vector<16xf32>
    %mul3A_1699 = arith.mulf %mul3A_1698, %gather3A_1695 : vector<16xf32>
    %add3A_1700 = arith.addf %add3A_1684, %mul3A_1699 : vector<16xf32>
    %mul3A_1701 = arith.constant 1.000000e+00 : f32
    %mul3A_1702 = vector.broadcast %mul3A_1701 : f32 to vector<16xf32>
    %mul3A_1703 = arith.mulf %mul3A_1702, %gather3A_1695 : vector<16xf32>
    %add3A_1704 = arith.addf %add3A_1694, %mul3A_1703 : vector<16xf32>
    %add3A_1705 = arith.constant 2 : i32
    %add3A_1706 = vector.broadcast %add3A_1705 : i32 to vector<16xi32>
    %add3A_1707 = arith.addi %add3A_1605, %add3A_1706 : vector<16xi32>
    %shift_right_logical3A_1708 = arith.constant 4 : i32
    %shift_right_logical3A_1709 = vector.broadcast %shift_right_logical3A_1708 : i32 to vector<16xi32>
    %shift_right_logical3A_1710 = arith.shrui %add3A_1707, %shift_right_logical3A_1709 : vector<16xi32>
    %sub3A_1711 = arith.subi %shift_right_logical3A_1710, %shift_right_logical3A_1608 : vector<16xi32>
    %broadcast_in_dim3A_1712 = arith.constant 4 : i32
    %broadcast_in_dim3A_1713 = vector.broadcast %broadcast_in_dim3A_1712 : i32 to vector<16xi32>
    %add3A_1714 = arith.addi %broadcast_in_dim3A_1713, %sub3A_1711 : vector<16xi32>
    %broadcast_in_dim3A_1715 = arith.constant 16 : i32
    %broadcast_in_dim3A_1716 = vector.broadcast %broadcast_in_dim3A_1715 : i32 to vector<16xi32>
    %add3A_1717 = arith.addi %broadcast_in_dim3A_1716, %iota3A : vector<16xi32>
    %and3A_1718 = arith.constant 15 : i32
    %and3A_1719 = vector.broadcast %and3A_1718 : i32 to vector<16xi32>
    %and3A_1720 = arith.andi %add3A_1707, %and3A_1719 : vector<16xi32>
    %gather3A_1721 = tpu.vector_load_idx %arg9[%add3A_1714, %add3A_1717, %and3A_1720] : memref<6x64x16xf32, #tpu.memory_space<vmem>>[vector<16xi32>, vector<16xi32>, vector<16xi32>], vector<16xf32>,
    %add3A_1722 = arith.addf %add3A_1696, %gather3A_1721 : vector<16xf32>
    %mul3A_1723 = arith.constant -1.000000e+00 : f32
    %mul3A_1724 = vector.broadcast %mul3A_1723 : f32 to vector<16xf32>
    %mul3A_1725 = arith.mulf %mul3A_1724, %gather3A_1721 : vector<16xf32>
    %add3A_1726 = arith.addf %add3A_1700, %mul3A_1725 : vector<16xf32>
    %mul3A_1727 = arith.constant 1.000000e+00 : f32
    %mul3A_1728 = vector.broadcast %mul3A_1727 : f32 to vector<16xf32>
    %mul3A_1729 = arith.mulf %mul3A_1728, %gather3A_1721 : vector<16xf32>
    %add3A_1730 = arith.addf %add3A_1704, %mul3A_1729 : vector<16xf32>
    %mul3A_1731 = arith.constant 1.000000e+00 : f32
    %mul3A_1732 = vector.broadcast %mul3A_1731 : f32 to vector<16xf32>
    %mul3A_1733 = arith.mulf %mul3A_1732, %gather3A_1721 : vector<16xf32>
    %add3A_1734 = arith.addf %add3A_1662, %mul3A_1733 : vector<16xf32>
    %gather3A_1735 = tpu.vector_load_idx %arg10[%add3A_1714, %add3A_1717, %and3A_1720] : memref<6x64x16xf32, #tpu.memory_space<vmem>>[vector<16xi32>, vector<16xi32>, vector<16xi32>], vector<16xf32>,
    %add3A_1736 = arith.addf %add3A_1722, %gather3A_1735 : vector<16xf32>
    %mul3A_1737 = arith.constant 1.000000e+00 : f32
    %mul3A_1738 = vector.broadcast %mul3A_1737 : f32 to vector<16xf32>
    %mul3A_1739 = arith.mulf %mul3A_1738, %gather3A_1735 : vector<16xf32>
    %add3A_1740 = arith.addf %add3A_1730, %mul3A_1739 : vector<16xf32>
    %mul3A_1741 = arith.constant 1.000000e+00 : f32
    %mul3A_1742 = vector.broadcast %mul3A_1741 : f32 to vector<16xf32>
    %mul3A_1743 = arith.mulf %mul3A_1742, %gather3A_1735 : vector<16xf32>
    %add3A_1744 = arith.addf %add3A_1734, %mul3A_1743 : vector<16xf32>
    %gather3A_1745 = tpu.vector_load_idx %arg11[%add3A_1714, %add3A_1717, %and3A_1720] : memref<6x64x16xf32, #tpu.memory_space<vmem>>[vector<16xi32>, vector<16xi32>, vector<16xi32>], vector<16xf32>,
    %add3A_1746 = arith.addf %add3A_1736, %gather3A_1745 : vector<16xf32>
    %mul3A_1747 = arith.constant 1.000000e+00 : f32
    %mul3A_1748 = vector.broadcast %mul3A_1747 : f32 to vector<16xf32>
    %mul3A_1749 = arith.mulf %mul3A_1748, %gather3A_1745 : vector<16xf32>
    %add3A_1750 = arith.addf %add3A_1726, %mul3A_1749 : vector<16xf32>
    %mul3A_1751 = arith.constant 1.000000e+00 : f32
    %mul3A_1752 = vector.broadcast %mul3A_1751 : f32 to vector<16xf32>
    %mul3A_1753 = arith.mulf %mul3A_1752, %gather3A_1745 : vector<16xf32>
    %add3A_1754 = arith.addf %add3A_1740, %mul3A_1753 : vector<16xf32>
    %mul3A_1755 = arith.constant 1.000000e+00 : f32
    %mul3A_1756 = vector.broadcast %mul3A_1755 : f32 to vector<16xf32>
    %mul3A_1757 = arith.mulf %mul3A_1756, %gather3A_1745 : vector<16xf32>
    %add3A_1758 = arith.addf %add3A_1744, %mul3A_1757 : vector<16xf32>
    %add3A_1759 = arith.constant 9.99999993E-9 : f32
    %add3A_1760 = vector.broadcast %add3A_1759 : f32 to vector<16xf32>
    %add3A_1761 = arith.addf %add3A_1746, %add3A_1760 : vector<16xf32>
    %div3A_1762 = arith.divf %add3A_1750, %add3A_1761 : vector<16xf32>
    %mul3A_1763 = arith.constant 4.8828125E-4 : f32
    %mul3A_1764 = vector.broadcast %mul3A_1763 : f32 to vector<16xf32>
    %mul3A_1765 = arith.mulf %div3A_1762, %mul3A_1764 : vector<16xf32>
    %div3A_1766 = arith.divf %add3A_1754, %add3A_1761 : vector<16xf32>
    %convert_element_type3A_1767 = arith.sitofp %shift_right_logical3A_1308 : vector<16xi32> to vector<16xf32>
    %add3A_1768 = arith.addf %div3A_1766, %convert_element_type3A_1767 : vector<16xf32>
    %mul3A_1769 = arith.constant 4.8828125E-4 : f32
    %mul3A_1770 = vector.broadcast %mul3A_1769 : f32 to vector<16xf32>
    %mul3A_1771 = arith.mulf %add3A_1768, %mul3A_1770 : vector<16xf32>
    %div3A_1772 = arith.divf %add3A_1758, %add3A_1761 : vector<16xf32>
    %add3A_1773 = arith.constant 1 : i32
    %add3A_1774 = vector.broadcast %add3A_1773 : i32 to vector<16xi32>
    %add3A_1775 = arith.addi %sub3A_1314, %add3A_1774 : vector<16xi32>
    %convert_element_type3A_1776 = arith.sitofp %add3A_1775 : vector<16xi32> to vector<16xf32>
    %add3A_1777 = arith.addf %div3A_1772, %convert_element_type3A_1776 : vector<16xf32>
    %mul3A_1778 = arith.constant 4.8828125E-4 : f32
    %mul3A_1779 = vector.broadcast %mul3A_1778 : f32 to vector<16xf32>
    %mul3A_1780 = arith.mulf %add3A_1777, %mul3A_1779 : vector<16xf32>
    %broadcast_in_dim3A_1781 = arith.constant 16 : i32
    %broadcast_in_dim3A_1782 = vector.broadcast %broadcast_in_dim3A_1781 : i32 to vector<16xi32>
    %add3A_1783 = arith.addi %broadcast_in_dim3A_1782, %iota3A : vector<16xi32>
    %mul3A_1784 = arith.constant 8 : i32
    %mul3A_1785 = vector.broadcast %mul3A_1784 : i32 to vector<16xi32>
    %mul3A_1786 = arith.muli %add3A_1783, %mul3A_1785 : vector<16xi32>
    %add3A_1787 = arith.constant 0 : i32
    %add3A_1788 = vector.broadcast %add3A_1787 : i32 to vector<16xi32>
    %add3A_1789 = arith.addi %mul3A_1786, %add3A_1788 : vector<16xi32>
    tpu.vector_store_idx %arg12[%add3A_1789], %mul3A_1765 : memref<512xf32, #tpu.memory_space<vmem>>[vector<16xi32>], vector<16xf32>,
    %add3A_1790 = arith.constant 2 : i32
    %add3A_1791 = vector.broadcast %add3A_1790 : i32 to vector<16xi32>
    %add3A_1792 = arith.addi %mul3A_1786, %add3A_1791 : vector<16xi32>
    tpu.vector_store_idx %arg12[%add3A_1792], %mul3A_1780 : memref<512xf32, #tpu.memory_space<vmem>>[vector<16xi32>], vector<16xf32>,
    %add3A_1793 = arith.constant 4 : i32
    %add3A_1794 = vector.broadcast %add3A_1793 : i32 to vector<16xi32>
    %add3A_1795 = arith.addi %mul3A_1786, %add3A_1794 : vector<16xi32>
    tpu.vector_store_idx %arg12[%add3A_1795], %mul3A_1765 : memref<512xf32, #tpu.memory_space<vmem>>[vector<16xi32>], vector<16xf32>,
    %add3A_1796 = arith.constant 5 : i32
    %add3A_1797 = vector.broadcast %add3A_1796 : i32 to vector<16xi32>
    %add3A_1798 = arith.addi %mul3A_1786, %add3A_1797 : vector<16xi32>
    tpu.vector_store_idx %arg12[%add3A_1798], %mul3A_1771 : memref<512xf32, #tpu.memory_space<vmem>>[vector<16xi32>], vector<16xf32>,
    %get3A_1799 = arith.constant 32 : index
    %get3A_1800 = tpu.vector_load %arg7[%get3A_1799] {strides = array<i32>} : memref<64xi32, #tpu.memory_space<vmem>>, vector<16xi32>,
    %shift_right_logical3A_1801 = arith.constant 11 : i32
    %shift_right_logical3A_1802 = vector.broadcast %shift_right_logical3A_1801 : i32 to vector<16xi32>
    %shift_right_logical3A_1803 = arith.shrui %get3A_1800, %shift_right_logical3A_1802 : vector<16xi32>
    %and3A_1804 = arith.constant 2047 : i32
    %and3A_1805 = vector.broadcast %and3A_1804 : i32 to vector<16xi32>
    %and3A_1806 = arith.andi %get3A_1800, %and3A_1805 : vector<16xi32>
    %sub3A_1807 = arith.constant 1 : i32
    %sub3A_1808 = vector.broadcast %sub3A_1807 : i32 to vector<16xi32>
    %sub3A_1809 = arith.subi %and3A_1806, %sub3A_1808 : vector<16xi32>
    %add3A_1810 = arith.constant -1 : i32
    %add3A_1811 = vector.broadcast %add3A_1810 : i32 to vector<16xi32>
    %add3A_1812 = arith.addi %shift_right_logical3A_1803, %add3A_1811 : vector<16xi32>
    %mul3A_1813 = arith.constant 2048 : i32
    %mul3A_1814 = vector.broadcast %mul3A_1813 : i32 to vector<16xi32>
    %mul3A_1815 = arith.muli %add3A_1812, %mul3A_1814 : vector<16xi32>
    %add3A_1816 = arith.addi %mul3A_1815, %sub3A_1809 : vector<16xi32>
    %shift_right_logical3A_1817 = arith.constant 4 : i32
    %shift_right_logical3A_1818 = vector.broadcast %shift_right_logical3A_1817 : i32 to vector<16xi32>
    %shift_right_logical3A_1819 = arith.shrui %add3A_1816, %shift_right_logical3A_1818 : vector<16xi32>
    %add3A_1820 = arith.constant 0 : i32
    %add3A_1821 = vector.broadcast %add3A_1820 : i32 to vector<16xi32>
    %add3A_1822 = arith.addi %add3A_1816, %add3A_1821 : vector<16xi32>
    %shift_right_logical3A_1823 = arith.constant 4 : i32
    %shift_right_logical3A_1824 = vector.broadcast %shift_right_logical3A_1823 : i32 to vector<16xi32>
    %shift_right_logical3A_1825 = arith.shrui %add3A_1822, %shift_right_logical3A_1824 : vector<16xi32>
    %sub3A_1826 = arith.subi %shift_right_logical3A_1825, %shift_right_logical3A_1819 : vector<16xi32>
    %broadcast_in_dim3A_1827 = arith.constant 0 : i32
    %broadcast_in_dim3A_1828 = vector.broadcast %broadcast_in_dim3A_1827 : i32 to vector<16xi32>
    %add3A_1829 = arith.addi %broadcast_in_dim3A_1828, %sub3A_1826 : vector<16xi32>
    %broadcast_in_dim3A_1830 = arith.constant 32 : i32
    %broadcast_in_dim3A_1831 = vector.broadcast %broadcast_in_dim3A_1830 : i32 to vector<16xi32>
    %add3A_1832 = arith.addi %broadcast_in_dim3A_1831, %iota3A : vector<16xi32>
    %and3A_1833 = arith.constant 15 : i32
    %and3A_1834 = vector.broadcast %and3A_1833 : i32 to vector<16xi32>
    %and3A_1835 = arith.andi %add3A_1822, %and3A_1834 : vector<16xi32>
    %gather3A_1836 = tpu.vector_load_idx %arg9[%add3A_1829, %add3A_1832, %and3A_1835] : memref<6x64x16xf32, #tpu.memory_space<vmem>>[vector<16xi32>, vector<16xi32>, vector<16xi32>], vector<16xf32>,
    %add3A_1837 = arith.addf %broadcast_in_dim3A_1, %gather3A_1836 : vector<16xf32>
    %mul3A_1838 = arith.constant -1.000000e+00 : f32
    %mul3A_1839 = vector.broadcast %mul3A_1838 : f32 to vector<16xf32>
    %mul3A_1840 = arith.mulf %mul3A_1839, %gather3A_1836 : vector<16xf32>
    %add3A_1841 = arith.addf %broadcast_in_dim3A_1, %mul3A_1840 : vector<16xf32>
    %mul3A_1842 = arith.constant -1.000000e+00 : f32
    %mul3A_1843 = vector.broadcast %mul3A_1842 : f32 to vector<16xf32>
    %mul3A_1844 = arith.mulf %mul3A_1843, %gather3A_1836 : vector<16xf32>
    %add3A_1845 = arith.addf %broadcast_in_dim3A_1, %mul3A_1844 : vector<16xf32>
    %mul3A_1846 = arith.constant -1.000000e+00 : f32
    %mul3A_1847 = vector.broadcast %mul3A_1846 : f32 to vector<16xf32>
    %mul3A_1848 = arith.mulf %mul3A_1847, %gather3A_1836 : vector<16xf32>
    %add3A_1849 = arith.addf %broadcast_in_dim3A_1, %mul3A_1848 : vector<16xf32>
    %gather3A_1850 = tpu.vector_load_idx %arg10[%add3A_1829, %add3A_1832, %and3A_1835] : memref<6x64x16xf32, #tpu.memory_space<vmem>>[vector<16xi32>, vector<16xi32>, vector<16xi32>], vector<16xf32>,
    %add3A_1851 = arith.addf %add3A_1837, %gather3A_1850 : vector<16xf32>
    %mul3A_1852 = arith.constant -1.000000e+00 : f32
    %mul3A_1853 = vector.broadcast %mul3A_1852 : f32 to vector<16xf32>
    %mul3A_1854 = arith.mulf %mul3A_1853, %gather3A_1850 : vector<16xf32>
    %add3A_1855 = arith.addf %add3A_1845, %mul3A_1854 : vector<16xf32>
    %mul3A_1856 = arith.constant -1.000000e+00 : f32
    %mul3A_1857 = vector.broadcast %mul3A_1856 : f32 to vector<16xf32>
    %mul3A_1858 = arith.mulf %mul3A_1857, %gather3A_1850 : vector<16xf32>
    %add3A_1859 = arith.addf %add3A_1849, %mul3A_1858 : vector<16xf32>
    %gather3A_1860 = tpu.vector_load_idx %arg11[%add3A_1829, %add3A_1832, %and3A_1835] : memref<6x64x16xf32, #tpu.memory_space<vmem>>[vector<16xi32>, vector<16xi32>, vector<16xi32>], vector<16xf32>,
    %add3A_1861 = arith.addf %add3A_1851, %gather3A_1860 : vector<16xf32>
    %mul3A_1862 = arith.constant 1.000000e+00 : f32
    %mul3A_1863 = vector.broadcast %mul3A_1862 : f32 to vector<16xf32>
    %mul3A_1864 = arith.mulf %mul3A_1863, %gather3A_1860 : vector<16xf32>
    %add3A_1865 = arith.addf %add3A_1841, %mul3A_1864 : vector<16xf32>
    %mul3A_1866 = arith.constant -1.000000e+00 : f32
    %mul3A_1867 = vector.broadcast %mul3A_1866 : f32 to vector<16xf32>
    %mul3A_1868 = arith.mulf %mul3A_1867, %gather3A_1860 : vector<16xf32>
    %add3A_1869 = arith.addf %add3A_1855, %mul3A_1868 : vector<16xf32>
    %mul3A_1870 = arith.constant -1.000000e+00 : f32
    %mul3A_1871 = vector.broadcast %mul3A_1870 : f32 to vector<16xf32>
    %mul3A_1872 = arith.mulf %mul3A_1871, %gather3A_1860 : vector<16xf32>
    %add3A_1873 = arith.addf %add3A_1859, %mul3A_1872 : vector<16xf32>
    %add3A_1874 = arith.constant 1 : i32
    %add3A_1875 = vector.broadcast %add3A_1874 : i32 to vector<16xi32>
    %add3A_1876 = arith.addi %add3A_1816, %add3A_1875 : vector<16xi32>
    %shift_right_logical3A_1877 = arith.constant 4 : i32
    %shift_right_logical3A_1878 = vector.broadcast %shift_right_logical3A_1877 : i32 to vector<16xi32>
    %shift_right_logical3A_1879 = arith.shrui %add3A_1876, %shift_right_logical3A_1878 : vector<16xi32>
    %sub3A_1880 = arith.subi %shift_right_logical3A_1879, %shift_right_logical3A_1819 : vector<16xi32>
    %broadcast_in_dim3A_1881 = arith.constant 0 : i32
    %broadcast_in_dim3A_1882 = vector.broadcast %broadcast_in_dim3A_1881 : i32 to vector<16xi32>
    %add3A_1883 = arith.addi %broadcast_in_dim3A_1882, %sub3A_1880 : vector<16xi32>
    %broadcast_in_dim3A_1884 = arith.constant 32 : i32
    %broadcast_in_dim3A_1885 = vector.broadcast %broadcast_in_dim3A_1884 : i32 to vector<16xi32>
    %add3A_1886 = arith.addi %broadcast_in_dim3A_1885, %iota3A : vector<16xi32>
    %and3A_1887 = arith.constant 15 : i32
    %and3A_1888 = vector.broadcast %and3A_1887 : i32 to vector<16xi32>
    %and3A_1889 = arith.andi %add3A_1876, %and3A_1888 : vector<16xi32>
    %gather3A_1890 = tpu.vector_load_idx %arg9[%add3A_1883, %add3A_1886, %and3A_1889] : memref<6x64x16xf32, #tpu.memory_space<vmem>>[vector<16xi32>, vector<16xi32>, vector<16xi32>], vector<16xf32>,
    %add3A_1891 = arith.addf %add3A_1861, %gather3A_1890 : vector<16xf32>
    %mul3A_1892 = arith.constant -1.000000e+00 : f32
    %mul3A_1893 = vector.broadcast %mul3A_1892 : f32 to vector<16xf32>
    %mul3A_1894 = arith.mulf %mul3A_1893, %gather3A_1890 : vector<16xf32>
    %add3A_1895 = arith.addf %add3A_1865, %mul3A_1894 : vector<16xf32>
    %mul3A_1896 = arith.constant -1.000000e+00 : f32
    %mul3A_1897 = vector.broadcast %mul3A_1896 : f32 to vector<16xf32>
    %mul3A_1898 = arith.mulf %mul3A_1897, %gather3A_1890 : vector<16xf32>
    %add3A_1899 = arith.addf %add3A_1869, %mul3A_1898 : vector<16xf32>
    %gather3A_1900 = tpu.vector_load_idx %arg10[%add3A_1883, %add3A_1886, %and3A_1889] : memref<6x64x16xf32, #tpu.memory_space<vmem>>[vector<16xi32>, vector<16xi32>, vector<16xi32>], vector<16xf32>,
    %add3A_1901 = arith.addf %add3A_1891, %gather3A_1900 : vector<16xf32>
    %mul3A_1902 = arith.constant -1.000000e+00 : f32
    %mul3A_1903 = vector.broadcast %mul3A_1902 : f32 to vector<16xf32>
    %mul3A_1904 = arith.mulf %mul3A_1903, %gather3A_1900 : vector<16xf32>
    %add3A_1905 = arith.addf %add3A_1899, %mul3A_1904 : vector<16xf32>
    %gather3A_1906 = tpu.vector_load_idx %arg11[%add3A_1883, %add3A_1886, %and3A_1889] : memref<6x64x16xf32, #tpu.memory_space<vmem>>[vector<16xi32>, vector<16xi32>, vector<16xi32>], vector<16xf32>,
    %add3A_1907 = arith.addf %add3A_1901, %gather3A_1906 : vector<16xf32>
    %mul3A_1908 = arith.constant 1.000000e+00 : f32
    %mul3A_1909 = vector.broadcast %mul3A_1908 : f32 to vector<16xf32>
    %mul3A_1910 = arith.mulf %mul3A_1909, %gather3A_1906 : vector<16xf32>
    %add3A_1911 = arith.addf %add3A_1895, %mul3A_1910 : vector<16xf32>
    %mul3A_1912 = arith.constant -1.000000e+00 : f32
    %mul3A_1913 = vector.broadcast %mul3A_1912 : f32 to vector<16xf32>
    %mul3A_1914 = arith.mulf %mul3A_1913, %gather3A_1906 : vector<16xf32>
    %add3A_1915 = arith.addf %add3A_1905, %mul3A_1914 : vector<16xf32>
    %add3A_1916 = arith.constant 2 : i32
    %add3A_1917 = vector.broadcast %add3A_1916 : i32 to vector<16xi32>
    %add3A_1918 = arith.addi %add3A_1816, %add3A_1917 : vector<16xi32>
    %shift_right_logical3A_1919 = arith.constant 4 : i32
    %shift_right_logical3A_1920 = vector.broadcast %shift_right_logical3A_1919 : i32 to vector<16xi32>
    %shift_right_logical3A_1921 = arith.shrui %add3A_1918, %shift_right_logical3A_1920 : vector<16xi32>
    %sub3A_1922 = arith.subi %shift_right_logical3A_1921, %shift_right_logical3A_1819 : vector<16xi32>
    %broadcast_in_dim3A_1923 = arith.constant 0 : i32
    %broadcast_in_dim3A_1924 = vector.broadcast %broadcast_in_dim3A_1923 : i32 to vector<16xi32>
    %add3A_1925 = arith.addi %broadcast_in_dim3A_1924, %sub3A_1922 : vector<16xi32>
    %broadcast_in_dim3A_1926 = arith.constant 32 : i32
    %broadcast_in_dim3A_1927 = vector.broadcast %broadcast_in_dim3A_1926 : i32 to vector<16xi32>
    %add3A_1928 = arith.addi %broadcast_in_dim3A_1927, %iota3A : vector<16xi32>
    %and3A_1929 = arith.constant 15 : i32
    %and3A_1930 = vector.broadcast %and3A_1929 : i32 to vector<16xi32>
    %and3A_1931 = arith.andi %add3A_1918, %and3A_1930 : vector<16xi32>
    %gather3A_1932 = tpu.vector_load_idx %arg9[%add3A_1925, %add3A_1928, %and3A_1931] : memref<6x64x16xf32, #tpu.memory_space<vmem>>[vector<16xi32>, vector<16xi32>, vector<16xi32>], vector<16xf32>,
    %add3A_1933 = arith.addf %add3A_1907, %gather3A_1932 : vector<16xf32>
    %mul3A_1934 = arith.constant -1.000000e+00 : f32
    %mul3A_1935 = vector.broadcast %mul3A_1934 : f32 to vector<16xf32>
    %mul3A_1936 = arith.mulf %mul3A_1935, %gather3A_1932 : vector<16xf32>
    %add3A_1937 = arith.addf %add3A_1911, %mul3A_1936 : vector<16xf32>
    %mul3A_1938 = arith.constant -1.000000e+00 : f32
    %mul3A_1939 = vector.broadcast %mul3A_1938 : f32 to vector<16xf32>
    %mul3A_1940 = arith.mulf %mul3A_1939, %gather3A_1932 : vector<16xf32>
    %add3A_1941 = arith.addf %add3A_1915, %mul3A_1940 : vector<16xf32>
    %mul3A_1942 = arith.constant 1.000000e+00 : f32
    %mul3A_1943 = vector.broadcast %mul3A_1942 : f32 to vector<16xf32>
    %mul3A_1944 = arith.mulf %mul3A_1943, %gather3A_1932 : vector<16xf32>
    %add3A_1945 = arith.addf %add3A_1873, %mul3A_1944 : vector<16xf32>
    %gather3A_1946 = tpu.vector_load_idx %arg10[%add3A_1925, %add3A_1928, %and3A_1931] : memref<6x64x16xf32, #tpu.memory_space<vmem>>[vector<16xi32>, vector<16xi32>, vector<16xi32>], vector<16xf32>,
    %add3A_1947 = arith.addf %add3A_1933, %gather3A_1946 : vector<16xf32>
    %mul3A_1948 = arith.constant -1.000000e+00 : f32
    %mul3A_1949 = vector.broadcast %mul3A_1948 : f32 to vector<16xf32>
    %mul3A_1950 = arith.mulf %mul3A_1949, %gather3A_1946 : vector<16xf32>
    %add3A_1951 = arith.addf %add3A_1941, %mul3A_1950 : vector<16xf32>
    %mul3A_1952 = arith.constant 1.000000e+00 : f32
    %mul3A_1953 = vector.broadcast %mul3A_1952 : f32 to vector<16xf32>
    %mul3A_1954 = arith.mulf %mul3A_1953, %gather3A_1946 : vector<16xf32>
    %add3A_1955 = arith.addf %add3A_1945, %mul3A_1954 : vector<16xf32>
    %gather3A_1956 = tpu.vector_load_idx %arg11[%add3A_1925, %add3A_1928, %and3A_1931] : memref<6x64x16xf32, #tpu.memory_space<vmem>>[vector<16xi32>, vector<16xi32>, vector<16xi32>], vector<16xf32>,
    %add3A_1957 = arith.addf %add3A_1947, %gather3A_1956 : vector<16xf32>
    %mul3A_1958 = arith.constant 1.000000e+00 : f32
    %mul3A_1959 = vector.broadcast %mul3A_1958 : f32 to vector<16xf32>
    %mul3A_1960 = arith.mulf %mul3A_1959, %gather3A_1956 : vector<16xf32>
    %add3A_1961 = arith.addf %add3A_1937, %mul3A_1960 : vector<16xf32>
    %mul3A_1962 = arith.constant -1.000000e+00 : f32
    %mul3A_1963 = vector.broadcast %mul3A_1962 : f32 to vector<16xf32>
    %mul3A_1964 = arith.mulf %mul3A_1963, %gather3A_1956 : vector<16xf32>
    %add3A_1965 = arith.addf %add3A_1951, %mul3A_1964 : vector<16xf32>
    %mul3A_1966 = arith.constant 1.000000e+00 : f32
    %mul3A_1967 = vector.broadcast %mul3A_1966 : f32 to vector<16xf32>
    %mul3A_1968 = arith.mulf %mul3A_1967, %gather3A_1956 : vector<16xf32>
    %add3A_1969 = arith.addf %add3A_1955, %mul3A_1968 : vector<16xf32>
    %add3A_1970 = arith.constant 0 : i32
    %add3A_1971 = vector.broadcast %add3A_1970 : i32 to vector<16xi32>
    %add3A_1972 = arith.addi %shift_right_logical3A_1803, %add3A_1971 : vector<16xi32>
    %mul3A_1973 = arith.constant 2048 : i32
    %mul3A_1974 = vector.broadcast %mul3A_1973 : i32 to vector<16xi32>
    %mul3A_1975 = arith.muli %add3A_1972, %mul3A_1974 : vector<16xi32>
    %add3A_1976 = arith.addi %mul3A_1975, %sub3A_1809 : vector<16xi32>
    %shift_right_logical3A_1977 = arith.constant 4 : i32
    %shift_right_logical3A_1978 = vector.broadcast %shift_right_logical3A_1977 : i32 to vector<16xi32>
    %shift_right_logical3A_1979 = arith.shrui %add3A_1976, %shift_right_logical3A_1978 : vector<16xi32>
    %add3A_1980 = arith.constant 0 : i32
    %add3A_1981 = vector.broadcast %add3A_1980 : i32 to vector<16xi32>
    %add3A_1982 = arith.addi %add3A_1976, %add3A_1981 : vector<16xi32>
    %shift_right_logical3A_1983 = arith.constant 4 : i32
    %shift_right_logical3A_1984 = vector.broadcast %shift_right_logical3A_1983 : i32 to vector<16xi32>
    %shift_right_logical3A_1985 = arith.shrui %add3A_1982, %shift_right_logical3A_1984 : vector<16xi32>
    %sub3A_1986 = arith.subi %shift_right_logical3A_1985, %shift_right_logical3A_1979 : vector<16xi32>
    %broadcast_in_dim3A_1987 = arith.constant 2 : i32
    %broadcast_in_dim3A_1988 = vector.broadcast %broadcast_in_dim3A_1987 : i32 to vector<16xi32>
    %add3A_1989 = arith.addi %broadcast_in_dim3A_1988, %sub3A_1986 : vector<16xi32>
    %broadcast_in_dim3A_1990 = arith.constant 32 : i32
    %broadcast_in_dim3A_1991 = vector.broadcast %broadcast_in_dim3A_1990 : i32 to vector<16xi32>
    %add3A_1992 = arith.addi %broadcast_in_dim3A_1991, %iota3A : vector<16xi32>
    %and3A_1993 = arith.constant 15 : i32
    %and3A_1994 = vector.broadcast %and3A_1993 : i32 to vector<16xi32>
    %and3A_1995 = arith.andi %add3A_1982, %and3A_1994 : vector<16xi32>
    %gather3A_1996 = tpu.vector_load_idx %arg9[%add3A_1989, %add3A_1992, %and3A_1995] : memref<6x64x16xf32, #tpu.memory_space<vmem>>[vector<16xi32>, vector<16xi32>, vector<16xi32>], vector<16xf32>,
    %add3A_1997 = arith.addf %add3A_1957, %gather3A_1996 : vector<16xf32>
    %mul3A_1998 = arith.constant -1.000000e+00 : f32
    %mul3A_1999 = vector.broadcast %mul3A_1998 : f32 to vector<16xf32>
    %mul3A_2000 = arith.mulf %mul3A_1999, %gather3A_1996 : vector<16xf32>
    %add3A_2001 = arith.addf %add3A_1961, %mul3A_2000 : vector<16xf32>
    %mul3A_2002 = arith.constant -1.000000e+00 : f32
    %mul3A_2003 = vector.broadcast %mul3A_2002 : f32 to vector<16xf32>
    %mul3A_2004 = arith.mulf %mul3A_2003, %gather3A_1996 : vector<16xf32>
    %add3A_2005 = arith.addf %add3A_1969, %mul3A_2004 : vector<16xf32>
    %gather3A_2006 = tpu.vector_load_idx %arg10[%add3A_1989, %add3A_1992, %and3A_1995] : memref<6x64x16xf32, #tpu.memory_space<vmem>>[vector<16xi32>, vector<16xi32>, vector<16xi32>], vector<16xf32>,
    %add3A_2007 = arith.addf %add3A_1997, %gather3A_2006 : vector<16xf32>
    %mul3A_2008 = arith.constant -1.000000e+00 : f32
    %mul3A_2009 = vector.broadcast %mul3A_2008 : f32 to vector<16xf32>
    %mul3A_2010 = arith.mulf %mul3A_2009, %gather3A_2006 : vector<16xf32>
    %add3A_2011 = arith.addf %add3A_2005, %mul3A_2010 : vector<16xf32>
    %gather3A_2012 = tpu.vector_load_idx %arg11[%add3A_1989, %add3A_1992, %and3A_1995] : memref<6x64x16xf32, #tpu.memory_space<vmem>>[vector<16xi32>, vector<16xi32>, vector<16xi32>], vector<16xf32>,
    %add3A_2013 = arith.addf %add3A_2007, %gather3A_2012 : vector<16xf32>
    %mul3A_2014 = arith.constant 1.000000e+00 : f32
    %mul3A_2015 = vector.broadcast %mul3A_2014 : f32 to vector<16xf32>
    %mul3A_2016 = arith.mulf %mul3A_2015, %gather3A_2012 : vector<16xf32>
    %add3A_2017 = arith.addf %add3A_2001, %mul3A_2016 : vector<16xf32>
    %mul3A_2018 = arith.constant -1.000000e+00 : f32
    %mul3A_2019 = vector.broadcast %mul3A_2018 : f32 to vector<16xf32>
    %mul3A_2020 = arith.mulf %mul3A_2019, %gather3A_2012 : vector<16xf32>
    %add3A_2021 = arith.addf %add3A_2011, %mul3A_2020 : vector<16xf32>
    %add3A_2022 = arith.constant 1 : i32
    %add3A_2023 = vector.broadcast %add3A_2022 : i32 to vector<16xi32>
    %add3A_2024 = arith.addi %add3A_1976, %add3A_2023 : vector<16xi32>
    %shift_right_logical3A_2025 = arith.constant 4 : i32
    %shift_right_logical3A_2026 = vector.broadcast %shift_right_logical3A_2025 : i32 to vector<16xi32>
    %shift_right_logical3A_2027 = arith.shrui %add3A_2024, %shift_right_logical3A_2026 : vector<16xi32>
    %sub3A_2028 = arith.subi %shift_right_logical3A_2027, %shift_right_logical3A_1979 : vector<16xi32>
    %broadcast_in_dim3A_2029 = arith.constant 2 : i32
    %broadcast_in_dim3A_2030 = vector.broadcast %broadcast_in_dim3A_2029 : i32 to vector<16xi32>
    %add3A_2031 = arith.addi %broadcast_in_dim3A_2030, %sub3A_2028 : vector<16xi32>
    %broadcast_in_dim3A_2032 = arith.constant 32 : i32
    %broadcast_in_dim3A_2033 = vector.broadcast %broadcast_in_dim3A_2032 : i32 to vector<16xi32>
    %add3A_2034 = arith.addi %broadcast_in_dim3A_2033, %iota3A : vector<16xi32>
    %and3A_2035 = arith.constant 15 : i32
    %and3A_2036 = vector.broadcast %and3A_2035 : i32 to vector<16xi32>
    %and3A_2037 = arith.andi %add3A_2024, %and3A_2036 : vector<16xi32>
    %gather3A_2038 = tpu.vector_load_idx %arg9[%add3A_2031, %add3A_2034, %and3A_2037] : memref<6x64x16xf32, #tpu.memory_space<vmem>>[vector<16xi32>, vector<16xi32>, vector<16xi32>], vector<16xf32>,
    %add3A_2039 = arith.addf %add3A_2013, %gather3A_2038 : vector<16xf32>
    %mul3A_2040 = arith.constant -1.000000e+00 : f32
    %mul3A_2041 = vector.broadcast %mul3A_2040 : f32 to vector<16xf32>
    %mul3A_2042 = arith.mulf %mul3A_2041, %gather3A_2038 : vector<16xf32>
    %add3A_2043 = arith.addf %add3A_2017, %mul3A_2042 : vector<16xf32>
    %gather3A_2044 = tpu.vector_load_idx %arg10[%add3A_2031, %add3A_2034, %and3A_2037] : memref<6x64x16xf32, #tpu.memory_space<vmem>>[vector<16xi32>, vector<16xi32>, vector<16xi32>], vector<16xf32>,
    %add3A_2045 = arith.addf %add3A_2039, %gather3A_2044 : vector<16xf32>
    %gather3A_2046 = tpu.vector_load_idx %arg11[%add3A_2031, %add3A_2034, %and3A_2037] : memref<6x64x16xf32, #tpu.memory_space<vmem>>[vector<16xi32>, vector<16xi32>, vector<16xi32>], vector<16xf32>,
    %add3A_2047 = arith.addf %add3A_2045, %gather3A_2046 : vector<16xf32>
    %mul3A_2048 = arith.constant 1.000000e+00 : f32
    %mul3A_2049 = vector.broadcast %mul3A_2048 : f32 to vector<16xf32>
    %mul3A_2050 = arith.mulf %mul3A_2049, %gather3A_2046 : vector<16xf32>
    %add3A_2051 = arith.addf %add3A_2043, %mul3A_2050 : vector<16xf32>
    %add3A_2052 = arith.constant 2 : i32
    %add3A_2053 = vector.broadcast %add3A_2052 : i32 to vector<16xi32>
    %add3A_2054 = arith.addi %add3A_1976, %add3A_2053 : vector<16xi32>
    %shift_right_logical3A_2055 = arith.constant 4 : i32
    %shift_right_logical3A_2056 = vector.broadcast %shift_right_logical3A_2055 : i32 to vector<16xi32>
    %shift_right_logical3A_2057 = arith.shrui %add3A_2054, %shift_right_logical3A_2056 : vector<16xi32>
    %sub3A_2058 = arith.subi %shift_right_logical3A_2057, %shift_right_logical3A_1979 : vector<16xi32>
    %broadcast_in_dim3A_2059 = arith.constant 2 : i32
    %broadcast_in_dim3A_2060 = vector.broadcast %broadcast_in_dim3A_2059 : i32 to vector<16xi32>
    %add3A_2061 = arith.addi %broadcast_in_dim3A_2060, %sub3A_2058 : vector<16xi32>
    %broadcast_in_dim3A_2062 = arith.constant 32 : i32
    %broadcast_in_dim3A_2063 = vector.broadcast %broadcast_in_dim3A_2062 : i32 to vector<16xi32>
    %add3A_2064 = arith.addi %broadcast_in_dim3A_2063, %iota3A : vector<16xi32>
    %and3A_2065 = arith.constant 15 : i32
    %and3A_2066 = vector.broadcast %and3A_2065 : i32 to vector<16xi32>
    %and3A_2067 = arith.andi %add3A_2054, %and3A_2066 : vector<16xi32>
    %gather3A_2068 = tpu.vector_load_idx %arg9[%add3A_2061, %add3A_2064, %and3A_2067] : memref<6x64x16xf32, #tpu.memory_space<vmem>>[vector<16xi32>, vector<16xi32>, vector<16xi32>], vector<16xf32>,
    %add3A_2069 = arith.addf %add3A_2047, %gather3A_2068 : vector<16xf32>
    %mul3A_2070 = arith.constant -1.000000e+00 : f32
    %mul3A_2071 = vector.broadcast %mul3A_2070 : f32 to vector<16xf32>
    %mul3A_2072 = arith.mulf %mul3A_2071, %gather3A_2068 : vector<16xf32>
    %add3A_2073 = arith.addf %add3A_2051, %mul3A_2072 : vector<16xf32>
    %mul3A_2074 = arith.constant 1.000000e+00 : f32
    %mul3A_2075 = vector.broadcast %mul3A_2074 : f32 to vector<16xf32>
    %mul3A_2076 = arith.mulf %mul3A_2075, %gather3A_2068 : vector<16xf32>
    %add3A_2077 = arith.addf %add3A_2021, %mul3A_2076 : vector<16xf32>
    %gather3A_2078 = tpu.vector_load_idx %arg10[%add3A_2061, %add3A_2064, %and3A_2067] : memref<6x64x16xf32, #tpu.memory_space<vmem>>[vector<16xi32>, vector<16xi32>, vector<16xi32>], vector<16xf32>,
    %add3A_2079 = arith.addf %add3A_2069, %gather3A_2078 : vector<16xf32>
    %mul3A_2080 = arith.constant 1.000000e+00 : f32
    %mul3A_2081 = vector.broadcast %mul3A_2080 : f32 to vector<16xf32>
    %mul3A_2082 = arith.mulf %mul3A_2081, %gather3A_2078 : vector<16xf32>
    %add3A_2083 = arith.addf %add3A_2077, %mul3A_2082 : vector<16xf32>
    %gather3A_2084 = tpu.vector_load_idx %arg11[%add3A_2061, %add3A_2064, %and3A_2067] : memref<6x64x16xf32, #tpu.memory_space<vmem>>[vector<16xi32>, vector<16xi32>, vector<16xi32>], vector<16xf32>,
    %add3A_2085 = arith.addf %add3A_2079, %gather3A_2084 : vector<16xf32>
    %mul3A_2086 = arith.constant 1.000000e+00 : f32
    %mul3A_2087 = vector.broadcast %mul3A_2086 : f32 to vector<16xf32>
    %mul3A_2088 = arith.mulf %mul3A_2087, %gather3A_2084 : vector<16xf32>
    %add3A_2089 = arith.addf %add3A_2073, %mul3A_2088 : vector<16xf32>
    %mul3A_2090 = arith.constant 1.000000e+00 : f32
    %mul3A_2091 = vector.broadcast %mul3A_2090 : f32 to vector<16xf32>
    %mul3A_2092 = arith.mulf %mul3A_2091, %gather3A_2084 : vector<16xf32>
    %add3A_2093 = arith.addf %add3A_2083, %mul3A_2092 : vector<16xf32>
    %add3A_2094 = arith.constant 1 : i32
    %add3A_2095 = vector.broadcast %add3A_2094 : i32 to vector<16xi32>
    %add3A_2096 = arith.addi %shift_right_logical3A_1803, %add3A_2095 : vector<16xi32>
    %mul3A_2097 = arith.constant 2048 : i32
    %mul3A_2098 = vector.broadcast %mul3A_2097 : i32 to vector<16xi32>
    %mul3A_2099 = arith.muli %add3A_2096, %mul3A_2098 : vector<16xi32>
    %add3A_2100 = arith.addi %mul3A_2099, %sub3A_1809 : vector<16xi32>
    %shift_right_logical3A_2101 = arith.constant 4 : i32
    %shift_right_logical3A_2102 = vector.broadcast %shift_right_logical3A_2101 : i32 to vector<16xi32>
    %shift_right_logical3A_2103 = arith.shrui %add3A_2100, %shift_right_logical3A_2102 : vector<16xi32>
    %add3A_2104 = arith.constant 0 : i32
    %add3A_2105 = vector.broadcast %add3A_2104 : i32 to vector<16xi32>
    %add3A_2106 = arith.addi %add3A_2100, %add3A_2105 : vector<16xi32>
    %shift_right_logical3A_2107 = arith.constant 4 : i32
    %shift_right_logical3A_2108 = vector.broadcast %shift_right_logical3A_2107 : i32 to vector<16xi32>
    %shift_right_logical3A_2109 = arith.shrui %add3A_2106, %shift_right_logical3A_2108 : vector<16xi32>
    %sub3A_2110 = arith.subi %shift_right_logical3A_2109, %shift_right_logical3A_2103 : vector<16xi32>
    %broadcast_in_dim3A_2111 = arith.constant 4 : i32
    %broadcast_in_dim3A_2112 = vector.broadcast %broadcast_in_dim3A_2111 : i32 to vector<16xi32>
    %add3A_2113 = arith.addi %broadcast_in_dim3A_2112, %sub3A_2110 : vector<16xi32>
    %broadcast_in_dim3A_2114 = arith.constant 32 : i32
    %broadcast_in_dim3A_2115 = vector.broadcast %broadcast_in_dim3A_2114 : i32 to vector<16xi32>
    %add3A_2116 = arith.addi %broadcast_in_dim3A_2115, %iota3A : vector<16xi32>
    %and3A_2117 = arith.constant 15 : i32
    %and3A_2118 = vector.broadcast %and3A_2117 : i32 to vector<16xi32>
    %and3A_2119 = arith.andi %add3A_2106, %and3A_2118 : vector<16xi32>
    %gather3A_2120 = tpu.vector_load_idx %arg9[%add3A_2113, %add3A_2116, %and3A_2119] : memref<6x64x16xf32, #tpu.memory_space<vmem>>[vector<16xi32>, vector<16xi32>, vector<16xi32>], vector<16xf32>,
    %add3A_2121 = arith.addf %add3A_2085, %gather3A_2120 : vector<16xf32>
    %mul3A_2122 = arith.constant -1.000000e+00 : f32
    %mul3A_2123 = vector.broadcast %mul3A_2122 : f32 to vector<16xf32>
    %mul3A_2124 = arith.mulf %mul3A_2123, %gather3A_2120 : vector<16xf32>
    %add3A_2125 = arith.addf %add3A_2089, %mul3A_2124 : vector<16xf32>
    %mul3A_2126 = arith.constant 1.000000e+00 : f32
    %mul3A_2127 = vector.broadcast %mul3A_2126 : f32 to vector<16xf32>
    %mul3A_2128 = arith.mulf %mul3A_2127, %gather3A_2120 : vector<16xf32>
    %add3A_2129 = arith.addf %add3A_1965, %mul3A_2128 : vector<16xf32>
    %mul3A_2130 = arith.constant -1.000000e+00 : f32
    %mul3A_2131 = vector.broadcast %mul3A_2130 : f32 to vector<16xf32>
    %mul3A_2132 = arith.mulf %mul3A_2131, %gather3A_2120 : vector<16xf32>
    %add3A_2133 = arith.addf %add3A_2093, %mul3A_2132 : vector<16xf32>
    %gather3A_2134 = tpu.vector_load_idx %arg10[%add3A_2113, %add3A_2116, %and3A_2119] : memref<6x64x16xf32, #tpu.memory_space<vmem>>[vector<16xi32>, vector<16xi32>, vector<16xi32>], vector<16xf32>,
    %add3A_2135 = arith.addf %add3A_2121, %gather3A_2134 : vector<16xf32>
    %mul3A_2136 = arith.constant 1.000000e+00 : f32
    %mul3A_2137 = vector.broadcast %mul3A_2136 : f32 to vector<16xf32>
    %mul3A_2138 = arith.mulf %mul3A_2137, %gather3A_2134 : vector<16xf32>
    %add3A_2139 = arith.addf %add3A_2129, %mul3A_2138 : vector<16xf32>
    %mul3A_2140 = arith.constant -1.000000e+00 : f32
    %mul3A_2141 = vector.broadcast %mul3A_2140 : f32 to vector<16xf32>
    %mul3A_2142 = arith.mulf %mul3A_2141, %gather3A_2134 : vector<16xf32>
    %add3A_2143 = arith.addf %add3A_2133, %mul3A_2142 : vector<16xf32>
    %gather3A_2144 = tpu.vector_load_idx %arg11[%add3A_2113, %add3A_2116, %and3A_2119] : memref<6x64x16xf32, #tpu.memory_space<vmem>>[vector<16xi32>, vector<16xi32>, vector<16xi32>], vector<16xf32>,
    %add3A_2145 = arith.addf %add3A_2135, %gather3A_2144 : vector<16xf32>
    %mul3A_2146 = arith.constant 1.000000e+00 : f32
    %mul3A_2147 = vector.broadcast %mul3A_2146 : f32 to vector<16xf32>
    %mul3A_2148 = arith.mulf %mul3A_2147, %gather3A_2144 : vector<16xf32>
    %add3A_2149 = arith.addf %add3A_2125, %mul3A_2148 : vector<16xf32>
    %mul3A_2150 = arith.constant 1.000000e+00 : f32
    %mul3A_2151 = vector.broadcast %mul3A_2150 : f32 to vector<16xf32>
    %mul3A_2152 = arith.mulf %mul3A_2151, %gather3A_2144 : vector<16xf32>
    %add3A_2153 = arith.addf %add3A_2139, %mul3A_2152 : vector<16xf32>
    %mul3A_2154 = arith.constant -1.000000e+00 : f32
    %mul3A_2155 = vector.broadcast %mul3A_2154 : f32 to vector<16xf32>
    %mul3A_2156 = arith.mulf %mul3A_2155, %gather3A_2144 : vector<16xf32>
    %add3A_2157 = arith.addf %add3A_2143, %mul3A_2156 : vector<16xf32>
    %add3A_2158 = arith.constant 1 : i32
    %add3A_2159 = vector.broadcast %add3A_2158 : i32 to vector<16xi32>
    %add3A_2160 = arith.addi %add3A_2100, %add3A_2159 : vector<16xi32>
    %shift_right_logical3A_2161 = arith.constant 4 : i32
    %shift_right_logical3A_2162 = vector.broadcast %shift_right_logical3A_2161 : i32 to vector<16xi32>
    %shift_right_logical3A_2163 = arith.shrui %add3A_2160, %shift_right_logical3A_2162 : vector<16xi32>
    %sub3A_2164 = arith.subi %shift_right_logical3A_2163, %shift_right_logical3A_2103 : vector<16xi32>
    %broadcast_in_dim3A_2165 = arith.constant 4 : i32
    %broadcast_in_dim3A_2166 = vector.broadcast %broadcast_in_dim3A_2165 : i32 to vector<16xi32>
    %add3A_2167 = arith.addi %broadcast_in_dim3A_2166, %sub3A_2164 : vector<16xi32>
    %broadcast_in_dim3A_2168 = arith.constant 32 : i32
    %broadcast_in_dim3A_2169 = vector.broadcast %broadcast_in_dim3A_2168 : i32 to vector<16xi32>
    %add3A_2170 = arith.addi %broadcast_in_dim3A_2169, %iota3A : vector<16xi32>
    %and3A_2171 = arith.constant 15 : i32
    %and3A_2172 = vector.broadcast %and3A_2171 : i32 to vector<16xi32>
    %and3A_2173 = arith.andi %add3A_2160, %and3A_2172 : vector<16xi32>
    %gather3A_2174 = tpu.vector_load_idx %arg9[%add3A_2167, %add3A_2170, %and3A_2173] : memref<6x64x16xf32, #tpu.memory_space<vmem>>[vector<16xi32>, vector<16xi32>, vector<16xi32>], vector<16xf32>,
    %add3A_2175 = arith.addf %add3A_2145, %gather3A_2174 : vector<16xf32>
    %mul3A_2176 = arith.constant -1.000000e+00 : f32
    %mul3A_2177 = vector.broadcast %mul3A_2176 : f32 to vector<16xf32>
    %mul3A_2178 = arith.mulf %mul3A_2177, %gather3A_2174 : vector<16xf32>
    %add3A_2179 = arith.addf %add3A_2149, %mul3A_2178 : vector<16xf32>
    %mul3A_2180 = arith.constant 1.000000e+00 : f32
    %mul3A_2181 = vector.broadcast %mul3A_2180 : f32 to vector<16xf32>
    %mul3A_2182 = arith.mulf %mul3A_2181, %gather3A_2174 : vector<16xf32>
    %add3A_2183 = arith.addf %add3A_2153, %mul3A_2182 : vector<16xf32>
    %gather3A_2184 = tpu.vector_load_idx %arg10[%add3A_2167, %add3A_2170, %and3A_2173] : memref<6x64x16xf32, #tpu.memory_space<vmem>>[vector<16xi32>, vector<16xi32>, vector<16xi32>], vector<16xf32>,
    %add3A_2185 = arith.addf %add3A_2175, %gather3A_2184 : vector<16xf32>
    %mul3A_2186 = arith.constant 1.000000e+00 : f32
    %mul3A_2187 = vector.broadcast %mul3A_2186 : f32 to vector<16xf32>
    %mul3A_2188 = arith.mulf %mul3A_2187, %gather3A_2184 : vector<16xf32>
    %add3A_2189 = arith.addf %add3A_2183, %mul3A_2188 : vector<16xf32>
    %gather3A_2190 = tpu.vector_load_idx %arg11[%add3A_2167, %add3A_2170, %and3A_2173] : memref<6x64x16xf32, #tpu.memory_space<vmem>>[vector<16xi32>, vector<16xi32>, vector<16xi32>], vector<16xf32>,
    %add3A_2191 = arith.addf %add3A_2185, %gather3A_2190 : vector<16xf32>
    %mul3A_2192 = arith.constant 1.000000e+00 : f32
    %mul3A_2193 = vector.broadcast %mul3A_2192 : f32 to vector<16xf32>
    %mul3A_2194 = arith.mulf %mul3A_2193, %gather3A_2190 : vector<16xf32>
    %add3A_2195 = arith.addf %add3A_2179, %mul3A_2194 : vector<16xf32>
    %mul3A_2196 = arith.constant 1.000000e+00 : f32
    %mul3A_2197 = vector.broadcast %mul3A_2196 : f32 to vector<16xf32>
    %mul3A_2198 = arith.mulf %mul3A_2197, %gather3A_2190 : vector<16xf32>
    %add3A_2199 = arith.addf %add3A_2189, %mul3A_2198 : vector<16xf32>
    %add3A_2200 = arith.constant 2 : i32
    %add3A_2201 = vector.broadcast %add3A_2200 : i32 to vector<16xi32>
    %add3A_2202 = arith.addi %add3A_2100, %add3A_2201 : vector<16xi32>
    %shift_right_logical3A_2203 = arith.constant 4 : i32
    %shift_right_logical3A_2204 = vector.broadcast %shift_right_logical3A_2203 : i32 to vector<16xi32>
    %shift_right_logical3A_2205 = arith.shrui %add3A_2202, %shift_right_logical3A_2204 : vector<16xi32>
    %sub3A_2206 = arith.subi %shift_right_logical3A_2205, %shift_right_logical3A_2103 : vector<16xi32>
    %broadcast_in_dim3A_2207 = arith.constant 4 : i32
    %broadcast_in_dim3A_2208 = vector.broadcast %broadcast_in_dim3A_2207 : i32 to vector<16xi32>
    %add3A_2209 = arith.addi %broadcast_in_dim3A_2208, %sub3A_2206 : vector<16xi32>
    %broadcast_in_dim3A_2210 = arith.constant 32 : i32
    %broadcast_in_dim3A_2211 = vector.broadcast %broadcast_in_dim3A_2210 : i32 to vector<16xi32>
    %add3A_2212 = arith.addi %broadcast_in_dim3A_2211, %iota3A : vector<16xi32>
    %and3A_2213 = arith.constant 15 : i32
    %and3A_2214 = vector.broadcast %and3A_2213 : i32 to vector<16xi32>
    %and3A_2215 = arith.andi %add3A_2202, %and3A_2214 : vector<16xi32>
    %gather3A_2216 = tpu.vector_load_idx %arg9[%add3A_2209, %add3A_2212, %and3A_2215] : memref<6x64x16xf32, #tpu.memory_space<vmem>>[vector<16xi32>, vector<16xi32>, vector<16xi32>], vector<16xf32>,
    %add3A_2217 = arith.addf %add3A_2191, %gather3A_2216 : vector<16xf32>
    %mul3A_2218 = arith.constant -1.000000e+00 : f32
    %mul3A_2219 = vector.broadcast %mul3A_2218 : f32 to vector<16xf32>
    %mul3A_2220 = arith.mulf %mul3A_2219, %gather3A_2216 : vector<16xf32>
    %add3A_2221 = arith.addf %add3A_2195, %mul3A_2220 : vector<16xf32>
    %mul3A_2222 = arith.constant 1.000000e+00 : f32
    %mul3A_2223 = vector.broadcast %mul3A_2222 : f32 to vector<16xf32>
    %mul3A_2224 = arith.mulf %mul3A_2223, %gather3A_2216 : vector<16xf32>
    %add3A_2225 = arith.addf %add3A_2199, %mul3A_2224 : vector<16xf32>
    %mul3A_2226 = arith.constant 1.000000e+00 : f32
    %mul3A_2227 = vector.broadcast %mul3A_2226 : f32 to vector<16xf32>
    %mul3A_2228 = arith.mulf %mul3A_2227, %gather3A_2216 : vector<16xf32>
    %add3A_2229 = arith.addf %add3A_2157, %mul3A_2228 : vector<16xf32>
    %gather3A_2230 = tpu.vector_load_idx %arg10[%add3A_2209, %add3A_2212, %and3A_2215] : memref<6x64x16xf32, #tpu.memory_space<vmem>>[vector<16xi32>, vector<16xi32>, vector<16xi32>], vector<16xf32>,
    %add3A_2231 = arith.addf %add3A_2217, %gather3A_2230 : vector<16xf32>
    %mul3A_2232 = arith.constant 1.000000e+00 : f32
    %mul3A_2233 = vector.broadcast %mul3A_2232 : f32 to vector<16xf32>
    %mul3A_2234 = arith.mulf %mul3A_2233, %gather3A_2230 : vector<16xf32>
    %add3A_2235 = arith.addf %add3A_2225, %mul3A_2234 : vector<16xf32>
    %mul3A_2236 = arith.constant 1.000000e+00 : f32
    %mul3A_2237 = vector.broadcast %mul3A_2236 : f32 to vector<16xf32>
    %mul3A_2238 = arith.mulf %mul3A_2237, %gather3A_2230 : vector<16xf32>
    %add3A_2239 = arith.addf %add3A_2229, %mul3A_2238 : vector<16xf32>
    %gather3A_2240 = tpu.vector_load_idx %arg11[%add3A_2209, %add3A_2212, %and3A_2215] : memref<6x64x16xf32, #tpu.memory_space<vmem>>[vector<16xi32>, vector<16xi32>, vector<16xi32>], vector<16xf32>,
    %add3A_2241 = arith.addf %add3A_2231, %gather3A_2240 : vector<16xf32>
    %mul3A_2242 = arith.constant 1.000000e+00 : f32
    %mul3A_2243 = vector.broadcast %mul3A_2242 : f32 to vector<16xf32>
    %mul3A_2244 = arith.mulf %mul3A_2243, %gather3A_2240 : vector<16xf32>
    %add3A_2245 = arith.addf %add3A_2221, %mul3A_2244 : vector<16xf32>
    %mul3A_2246 = arith.constant 1.000000e+00 : f32
    %mul3A_2247 = vector.broadcast %mul3A_2246 : f32 to vector<16xf32>
    %mul3A_2248 = arith.mulf %mul3A_2247, %gather3A_2240 : vector<16xf32>
    %add3A_2249 = arith.addf %add3A_2235, %mul3A_2248 : vector<16xf32>
    %mul3A_2250 = arith.constant 1.000000e+00 : f32
    %mul3A_2251 = vector.broadcast %mul3A_2250 : f32 to vector<16xf32>
    %mul3A_2252 = arith.mulf %mul3A_2251, %gather3A_2240 : vector<16xf32>
    %add3A_2253 = arith.addf %add3A_2239, %mul3A_2252 : vector<16xf32>
    %add3A_2254 = arith.constant 9.99999993E-9 : f32
    %add3A_2255 = vector.broadcast %add3A_2254 : f32 to vector<16xf32>
    %add3A_2256 = arith.addf %add3A_2241, %add3A_2255 : vector<16xf32>
    %div3A_2257 = arith.divf %add3A_2245, %add3A_2256 : vector<16xf32>
    %mul3A_2258 = arith.constant 4.8828125E-4 : f32
    %mul3A_2259 = vector.broadcast %mul3A_2258 : f32 to vector<16xf32>
    %mul3A_2260 = arith.mulf %div3A_2257, %mul3A_2259 : vector<16xf32>
    %div3A_2261 = arith.divf %add3A_2249, %add3A_2256 : vector<16xf32>
    %convert_element_type3A_2262 = arith.sitofp %shift_right_logical3A_1803 : vector<16xi32> to vector<16xf32>
    %add3A_2263 = arith.addf %div3A_2261, %convert_element_type3A_2262 : vector<16xf32>
    %mul3A_2264 = arith.constant 4.8828125E-4 : f32
    %mul3A_2265 = vector.broadcast %mul3A_2264 : f32 to vector<16xf32>
    %mul3A_2266 = arith.mulf %add3A_2263, %mul3A_2265 : vector<16xf32>
    %div3A_2267 = arith.divf %add3A_2253, %add3A_2256 : vector<16xf32>
    %add3A_2268 = arith.constant 1 : i32
    %add3A_2269 = vector.broadcast %add3A_2268 : i32 to vector<16xi32>
    %add3A_2270 = arith.addi %sub3A_1809, %add3A_2269 : vector<16xi32>
    %convert_element_type3A_2271 = arith.sitofp %add3A_2270 : vector<16xi32> to vector<16xf32>
    %add3A_2272 = arith.addf %div3A_2267, %convert_element_type3A_2271 : vector<16xf32>
    %mul3A_2273 = arith.constant 4.8828125E-4 : f32
    %mul3A_2274 = vector.broadcast %mul3A_2273 : f32 to vector<16xf32>
    %mul3A_2275 = arith.mulf %add3A_2272, %mul3A_2274 : vector<16xf32>
    %broadcast_in_dim3A_2276 = arith.constant 32 : i32
    %broadcast_in_dim3A_2277 = vector.broadcast %broadcast_in_dim3A_2276 : i32 to vector<16xi32>
    %add3A_2278 = arith.addi %broadcast_in_dim3A_2277, %iota3A : vector<16xi32>
    %mul3A_2279 = arith.constant 8 : i32
    %mul3A_2280 = vector.broadcast %mul3A_2279 : i32 to vector<16xi32>
    %mul3A_2281 = arith.muli %add3A_2278, %mul3A_2280 : vector<16xi32>
    %add3A_2282 = arith.constant 0 : i32
    %add3A_2283 = vector.broadcast %add3A_2282 : i32 to vector<16xi32>
    %add3A_2284 = arith.addi %mul3A_2281, %add3A_2283 : vector<16xi32>
    tpu.vector_store_idx %arg12[%add3A_2284], %mul3A_2260 : memref<512xf32, #tpu.memory_space<vmem>>[vector<16xi32>], vector<16xf32>,
    %add3A_2285 = arith.constant 2 : i32
    %add3A_2286 = vector.broadcast %add3A_2285 : i32 to vector<16xi32>
    %add3A_2287 = arith.addi %mul3A_2281, %add3A_2286 : vector<16xi32>
    tpu.vector_store_idx %arg12[%add3A_2287], %mul3A_2275 : memref<512xf32, #tpu.memory_space<vmem>>[vector<16xi32>], vector<16xf32>,
    %add3A_2288 = arith.constant 4 : i32
    %add3A_2289 = vector.broadcast %add3A_2288 : i32 to vector<16xi32>
    %add3A_2290 = arith.addi %mul3A_2281, %add3A_2289 : vector<16xi32>
    tpu.vector_store_idx %arg12[%add3A_2290], %mul3A_2260 : memref<512xf32, #tpu.memory_space<vmem>>[vector<16xi32>], vector<16xf32>,
    %add3A_2291 = arith.constant 5 : i32
    %add3A_2292 = vector.broadcast %add3A_2291 : i32 to vector<16xi32>
    %add3A_2293 = arith.addi %mul3A_2281, %add3A_2292 : vector<16xi32>
    tpu.vector_store_idx %arg12[%add3A_2293], %mul3A_2266 : memref<512xf32, #tpu.memory_space<vmem>>[vector<16xi32>], vector<16xf32>,
    %get3A_2294 = arith.constant 48 : index
    %get3A_2295 = tpu.vector_load %arg7[%get3A_2294] {strides = array<i32>} : memref<64xi32, #tpu.memory_space<vmem>>, vector<16xi32>,
    %shift_right_logical3A_2296 = arith.constant 11 : i32
    %shift_right_logical3A_2297 = vector.broadcast %shift_right_logical3A_2296 : i32 to vector<16xi32>
    %shift_right_logical3A_2298 = arith.shrui %get3A_2295, %shift_right_logical3A_2297 : vector<16xi32>
    %and3A_2299 = arith.constant 2047 : i32
    %and3A_2300 = vector.broadcast %and3A_2299 : i32 to vector<16xi32>
    %and3A_2301 = arith.andi %get3A_2295, %and3A_2300 : vector<16xi32>
    %sub3A_2302 = arith.constant 1 : i32
    %sub3A_2303 = vector.broadcast %sub3A_2302 : i32 to vector<16xi32>
    %sub3A_2304 = arith.subi %and3A_2301, %sub3A_2303 : vector<16xi32>
    %add3A_2305 = arith.constant -1 : i32
    %add3A_2306 = vector.broadcast %add3A_2305 : i32 to vector<16xi32>
    %add3A_2307 = arith.addi %shift_right_logical3A_2298, %add3A_2306 : vector<16xi32>
    %mul3A_2308 = arith.constant 2048 : i32
    %mul3A_2309 = vector.broadcast %mul3A_2308 : i32 to vector<16xi32>
    %mul3A_2310 = arith.muli %add3A_2307, %mul3A_2309 : vector<16xi32>
    %add3A_2311 = arith.addi %mul3A_2310, %sub3A_2304 : vector<16xi32>
    %shift_right_logical3A_2312 = arith.constant 4 : i32
    %shift_right_logical3A_2313 = vector.broadcast %shift_right_logical3A_2312 : i32 to vector<16xi32>
    %shift_right_logical3A_2314 = arith.shrui %add3A_2311, %shift_right_logical3A_2313 : vector<16xi32>
    %add3A_2315 = arith.constant 0 : i32
    %add3A_2316 = vector.broadcast %add3A_2315 : i32 to vector<16xi32>
    %add3A_2317 = arith.addi %add3A_2311, %add3A_2316 : vector<16xi32>
    %shift_right_logical3A_2318 = arith.constant 4 : i32
    %shift_right_logical3A_2319 = vector.broadcast %shift_right_logical3A_2318 : i32 to vector<16xi32>
    %shift_right_logical3A_2320 = arith.shrui %add3A_2317, %shift_right_logical3A_2319 : vector<16xi32>
    %sub3A_2321 = arith.subi %shift_right_logical3A_2320, %shift_right_logical3A_2314 : vector<16xi32>
    %broadcast_in_dim3A_2322 = arith.constant 0 : i32
    %broadcast_in_dim3A_2323 = vector.broadcast %broadcast_in_dim3A_2322 : i32 to vector<16xi32>
    %add3A_2324 = arith.addi %broadcast_in_dim3A_2323, %sub3A_2321 : vector<16xi32>
    %broadcast_in_dim3A_2325 = arith.constant 48 : i32
    %broadcast_in_dim3A_2326 = vector.broadcast %broadcast_in_dim3A_2325 : i32 to vector<16xi32>
    %add3A_2327 = arith.addi %broadcast_in_dim3A_2326, %iota3A : vector<16xi32>
    %and3A_2328 = arith.constant 15 : i32
    %and3A_2329 = vector.broadcast %and3A_2328 : i32 to vector<16xi32>
    %and3A_2330 = arith.andi %add3A_2317, %and3A_2329 : vector<16xi32>
    %gather3A_2331 = tpu.vector_load_idx %arg9[%add3A_2324, %add3A_2327, %and3A_2330] : memref<6x64x16xf32, #tpu.memory_space<vmem>>[vector<16xi32>, vector<16xi32>, vector<16xi32>], vector<16xf32>,
    %add3A_2332 = arith.addf %broadcast_in_dim3A_1, %gather3A_2331 : vector<16xf32>
    %mul3A_2333 = arith.constant -1.000000e+00 : f32
    %mul3A_2334 = vector.broadcast %mul3A_2333 : f32 to vector<16xf32>
    %mul3A_2335 = arith.mulf %mul3A_2334, %gather3A_2331 : vector<16xf32>
    %add3A_2336 = arith.addf %broadcast_in_dim3A_1, %mul3A_2335 : vector<16xf32>
    %mul3A_2337 = arith.constant -1.000000e+00 : f32
    %mul3A_2338 = vector.broadcast %mul3A_2337 : f32 to vector<16xf32>
    %mul3A_2339 = arith.mulf %mul3A_2338, %gather3A_2331 : vector<16xf32>
    %add3A_2340 = arith.addf %broadcast_in_dim3A_1, %mul3A_2339 : vector<16xf32>
    %mul3A_2341 = arith.constant -1.000000e+00 : f32
    %mul3A_2342 = vector.broadcast %mul3A_2341 : f32 to vector<16xf32>
    %mul3A_2343 = arith.mulf %mul3A_2342, %gather3A_2331 : vector<16xf32>
    %add3A_2344 = arith.addf %broadcast_in_dim3A_1, %mul3A_2343 : vector<16xf32>
    %gather3A_2345 = tpu.vector_load_idx %arg10[%add3A_2324, %add3A_2327, %and3A_2330] : memref<6x64x16xf32, #tpu.memory_space<vmem>>[vector<16xi32>, vector<16xi32>, vector<16xi32>], vector<16xf32>,
    %add3A_2346 = arith.addf %add3A_2332, %gather3A_2345 : vector<16xf32>
    %mul3A_2347 = arith.constant -1.000000e+00 : f32
    %mul3A_2348 = vector.broadcast %mul3A_2347 : f32 to vector<16xf32>
    %mul3A_2349 = arith.mulf %mul3A_2348, %gather3A_2345 : vector<16xf32>
    %add3A_2350 = arith.addf %add3A_2340, %mul3A_2349 : vector<16xf32>
    %mul3A_2351 = arith.constant -1.000000e+00 : f32
    %mul3A_2352 = vector.broadcast %mul3A_2351 : f32 to vector<16xf32>
    %mul3A_2353 = arith.mulf %mul3A_2352, %gather3A_2345 : vector<16xf32>
    %add3A_2354 = arith.addf %add3A_2344, %mul3A_2353 : vector<16xf32>
    %gather3A_2355 = tpu.vector_load_idx %arg11[%add3A_2324, %add3A_2327, %and3A_2330] : memref<6x64x16xf32, #tpu.memory_space<vmem>>[vector<16xi32>, vector<16xi32>, vector<16xi32>], vector<16xf32>,
    %add3A_2356 = arith.addf %add3A_2346, %gather3A_2355 : vector<16xf32>
    %mul3A_2357 = arith.constant 1.000000e+00 : f32
    %mul3A_2358 = vector.broadcast %mul3A_2357 : f32 to vector<16xf32>
    %mul3A_2359 = arith.mulf %mul3A_2358, %gather3A_2355 : vector<16xf32>
    %add3A_2360 = arith.addf %add3A_2336, %mul3A_2359 : vector<16xf32>
    %mul3A_2361 = arith.constant -1.000000e+00 : f32
    %mul3A_2362 = vector.broadcast %mul3A_2361 : f32 to vector<16xf32>
    %mul3A_2363 = arith.mulf %mul3A_2362, %gather3A_2355 : vector<16xf32>
    %add3A_2364 = arith.addf %add3A_2350, %mul3A_2363 : vector<16xf32>
    %mul3A_2365 = arith.constant -1.000000e+00 : f32
    %mul3A_2366 = vector.broadcast %mul3A_2365 : f32 to vector<16xf32>
    %mul3A_2367 = arith.mulf %mul3A_2366, %gather3A_2355 : vector<16xf32>
    %add3A_2368 = arith.addf %add3A_2354, %mul3A_2367 : vector<16xf32>
    %add3A_2369 = arith.constant 1 : i32
    %add3A_2370 = vector.broadcast %add3A_2369 : i32 to vector<16xi32>
    %add3A_2371 = arith.addi %add3A_2311, %add3A_2370 : vector<16xi32>
    %shift_right_logical3A_2372 = arith.constant 4 : i32
    %shift_right_logical3A_2373 = vector.broadcast %shift_right_logical3A_2372 : i32 to vector<16xi32>
    %shift_right_logical3A_2374 = arith.shrui %add3A_2371, %shift_right_logical3A_2373 : vector<16xi32>
    %sub3A_2375 = arith.subi %shift_right_logical3A_2374, %shift_right_logical3A_2314 : vector<16xi32>
    %broadcast_in_dim3A_2376 = arith.constant 0 : i32
    %broadcast_in_dim3A_2377 = vector.broadcast %broadcast_in_dim3A_2376 : i32 to vector<16xi32>
    %add3A_2378 = arith.addi %broadcast_in_dim3A_2377, %sub3A_2375 : vector<16xi32>
    %broadcast_in_dim3A_2379 = arith.constant 48 : i32
    %broadcast_in_dim3A_2380 = vector.broadcast %broadcast_in_dim3A_2379 : i32 to vector<16xi32>
    %add3A_2381 = arith.addi %broadcast_in_dim3A_2380, %iota3A : vector<16xi32>
    %and3A_2382 = arith.constant 15 : i32
    %and3A_2383 = vector.broadcast %and3A_2382 : i32 to vector<16xi32>
    %and3A_2384 = arith.andi %add3A_2371, %and3A_2383 : vector<16xi32>
    %gather3A_2385 = tpu.vector_load_idx %arg9[%add3A_2378, %add3A_2381, %and3A_2384] : memref<6x64x16xf32, #tpu.memory_space<vmem>>[vector<16xi32>, vector<16xi32>, vector<16xi32>], vector<16xf32>,
    %add3A_2386 = arith.addf %add3A_2356, %gather3A_2385 : vector<16xf32>
    %mul3A_2387 = arith.constant -1.000000e+00 : f32
    %mul3A_2388 = vector.broadcast %mul3A_2387 : f32 to vector<16xf32>
    %mul3A_2389 = arith.mulf %mul3A_2388, %gather3A_2385 : vector<16xf32>
    %add3A_2390 = arith.addf %add3A_2360, %mul3A_2389 : vector<16xf32>
    %mul3A_2391 = arith.constant -1.000000e+00 : f32
    %mul3A_2392 = vector.broadcast %mul3A_2391 : f32 to vector<16xf32>
    %mul3A_2393 = arith.mulf %mul3A_2392, %gather3A_2385 : vector<16xf32>
    %add3A_2394 = arith.addf %add3A_2364, %mul3A_2393 : vector<16xf32>
    %gather3A_2395 = tpu.vector_load_idx %arg10[%add3A_2378, %add3A_2381, %and3A_2384] : memref<6x64x16xf32, #tpu.memory_space<vmem>>[vector<16xi32>, vector<16xi32>, vector<16xi32>], vector<16xf32>,
    %add3A_2396 = arith.addf %add3A_2386, %gather3A_2395 : vector<16xf32>
    %mul3A_2397 = arith.constant -1.000000e+00 : f32
    %mul3A_2398 = vector.broadcast %mul3A_2397 : f32 to vector<16xf32>
    %mul3A_2399 = arith.mulf %mul3A_2398, %gather3A_2395 : vector<16xf32>
    %add3A_2400 = arith.addf %add3A_2394, %mul3A_2399 : vector<16xf32>
    %gather3A_2401 = tpu.vector_load_idx %arg11[%add3A_2378, %add3A_2381, %and3A_2384] : memref<6x64x16xf32, #tpu.memory_space<vmem>>[vector<16xi32>, vector<16xi32>, vector<16xi32>], vector<16xf32>,
    %add3A_2402 = arith.addf %add3A_2396, %gather3A_2401 : vector<16xf32>
    %mul3A_2403 = arith.constant 1.000000e+00 : f32
    %mul3A_2404 = vector.broadcast %mul3A_2403 : f32 to vector<16xf32>
    %mul3A_2405 = arith.mulf %mul3A_2404, %gather3A_2401 : vector<16xf32>
    %add3A_2406 = arith.addf %add3A_2390, %mul3A_2405 : vector<16xf32>
    %mul3A_2407 = arith.constant -1.000000e+00 : f32
    %mul3A_2408 = vector.broadcast %mul3A_2407 : f32 to vector<16xf32>
    %mul3A_2409 = arith.mulf %mul3A_2408, %gather3A_2401 : vector<16xf32>
    %add3A_2410 = arith.addf %add3A_2400, %mul3A_2409 : vector<16xf32>
    %add3A_2411 = arith.constant 2 : i32
    %add3A_2412 = vector.broadcast %add3A_2411 : i32 to vector<16xi32>
    %add3A_2413 = arith.addi %add3A_2311, %add3A_2412 : vector<16xi32>
    %shift_right_logical3A_2414 = arith.constant 4 : i32
    %shift_right_logical3A_2415 = vector.broadcast %shift_right_logical3A_2414 : i32 to vector<16xi32>
    %shift_right_logical3A_2416 = arith.shrui %add3A_2413, %shift_right_logical3A_2415 : vector<16xi32>
    %sub3A_2417 = arith.subi %shift_right_logical3A_2416, %shift_right_logical3A_2314 : vector<16xi32>
    %broadcast_in_dim3A_2418 = arith.constant 0 : i32
    %broadcast_in_dim3A_2419 = vector.broadcast %broadcast_in_dim3A_2418 : i32 to vector<16xi32>
    %add3A_2420 = arith.addi %broadcast_in_dim3A_2419, %sub3A_2417 : vector<16xi32>
    %broadcast_in_dim3A_2421 = arith.constant 48 : i32
    %broadcast_in_dim3A_2422 = vector.broadcast %broadcast_in_dim3A_2421 : i32 to vector<16xi32>
    %add3A_2423 = arith.addi %broadcast_in_dim3A_2422, %iota3A : vector<16xi32>
    %and3A_2424 = arith.constant 15 : i32
    %and3A_2425 = vector.broadcast %and3A_2424 : i32 to vector<16xi32>
    %and3A_2426 = arith.andi %add3A_2413, %and3A_2425 : vector<16xi32>
    %gather3A_2427 = tpu.vector_load_idx %arg9[%add3A_2420, %add3A_2423, %and3A_2426] : memref<6x64x16xf32, #tpu.memory_space<vmem>>[vector<16xi32>, vector<16xi32>, vector<16xi32>], vector<16xf32>,
    %add3A_2428 = arith.addf %add3A_2402, %gather3A_2427 : vector<16xf32>
    %mul3A_2429 = arith.constant -1.000000e+00 : f32
    %mul3A_2430 = vector.broadcast %mul3A_2429 : f32 to vector<16xf32>
    %mul3A_2431 = arith.mulf %mul3A_2430, %gather3A_2427 : vector<16xf32>
    %add3A_2432 = arith.addf %add3A_2406, %mul3A_2431 : vector<16xf32>
    %mul3A_2433 = arith.constant -1.000000e+00 : f32
    %mul3A_2434 = vector.broadcast %mul3A_2433 : f32 to vector<16xf32>
    %mul3A_2435 = arith.mulf %mul3A_2434, %gather3A_2427 : vector<16xf32>
    %add3A_2436 = arith.addf %add3A_2410, %mul3A_2435 : vector<16xf32>
    %mul3A_2437 = arith.constant 1.000000e+00 : f32
    %mul3A_2438 = vector.broadcast %mul3A_2437 : f32 to vector<16xf32>
    %mul3A_2439 = arith.mulf %mul3A_2438, %gather3A_2427 : vector<16xf32>
    %add3A_2440 = arith.addf %add3A_2368, %mul3A_2439 : vector<16xf32>
    %gather3A_2441 = tpu.vector_load_idx %arg10[%add3A_2420, %add3A_2423, %and3A_2426] : memref<6x64x16xf32, #tpu.memory_space<vmem>>[vector<16xi32>, vector<16xi32>, vector<16xi32>], vector<16xf32>,
    %add3A_2442 = arith.addf %add3A_2428, %gather3A_2441 : vector<16xf32>
    %mul3A_2443 = arith.constant -1.000000e+00 : f32
    %mul3A_2444 = vector.broadcast %mul3A_2443 : f32 to vector<16xf32>
    %mul3A_2445 = arith.mulf %mul3A_2444, %gather3A_2441 : vector<16xf32>
    %add3A_2446 = arith.addf %add3A_2436, %mul3A_2445 : vector<16xf32>
    %mul3A_2447 = arith.constant 1.000000e+00 : f32
    %mul3A_2448 = vector.broadcast %mul3A_2447 : f32 to vector<16xf32>
    %mul3A_2449 = arith.mulf %mul3A_2448, %gather3A_2441 : vector<16xf32>
    %add3A_2450 = arith.addf %add3A_2440, %mul3A_2449 : vector<16xf32>
    %gather3A_2451 = tpu.vector_load_idx %arg11[%add3A_2420, %add3A_2423, %and3A_2426] : memref<6x64x16xf32, #tpu.memory_space<vmem>>[vector<16xi32>, vector<16xi32>, vector<16xi32>], vector<16xf32>,
    %add3A_2452 = arith.addf %add3A_2442, %gather3A_2451 : vector<16xf32>
    %mul3A_2453 = arith.constant 1.000000e+00 : f32
    %mul3A_2454 = vector.broadcast %mul3A_2453 : f32 to vector<16xf32>
    %mul3A_2455 = arith.mulf %mul3A_2454, %gather3A_2451 : vector<16xf32>
    %add3A_2456 = arith.addf %add3A_2432, %mul3A_2455 : vector<16xf32>
    %mul3A_2457 = arith.constant -1.000000e+00 : f32
    %mul3A_2458 = vector.broadcast %mul3A_2457 : f32 to vector<16xf32>
    %mul3A_2459 = arith.mulf %mul3A_2458, %gather3A_2451 : vector<16xf32>
    %add3A_2460 = arith.addf %add3A_2446, %mul3A_2459 : vector<16xf32>
    %mul3A_2461 = arith.constant 1.000000e+00 : f32
    %mul3A_2462 = vector.broadcast %mul3A_2461 : f32 to vector<16xf32>
    %mul3A_2463 = arith.mulf %mul3A_2462, %gather3A_2451 : vector<16xf32>
    %add3A_2464 = arith.addf %add3A_2450, %mul3A_2463 : vector<16xf32>
    %add3A_2465 = arith.constant 0 : i32
    %add3A_2466 = vector.broadcast %add3A_2465 : i32 to vector<16xi32>
    %add3A_2467 = arith.addi %shift_right_logical3A_2298, %add3A_2466 : vector<16xi32>
    %mul3A_2468 = arith.constant 2048 : i32
    %mul3A_2469 = vector.broadcast %mul3A_2468 : i32 to vector<16xi32>
    %mul3A_2470 = arith.muli %add3A_2467, %mul3A_2469 : vector<16xi32>
    %add3A_2471 = arith.addi %mul3A_2470, %sub3A_2304 : vector<16xi32>
    %shift_right_logical3A_2472 = arith.constant 4 : i32
    %shift_right_logical3A_2473 = vector.broadcast %shift_right_logical3A_2472 : i32 to vector<16xi32>
    %shift_right_logical3A_2474 = arith.shrui %add3A_2471, %shift_right_logical3A_2473 : vector<16xi32>
    %add3A_2475 = arith.constant 0 : i32
    %add3A_2476 = vector.broadcast %add3A_2475 : i32 to vector<16xi32>
    %add3A_2477 = arith.addi %add3A_2471, %add3A_2476 : vector<16xi32>
    %shift_right_logical3A_2478 = arith.constant 4 : i32
    %shift_right_logical3A_2479 = vector.broadcast %shift_right_logical3A_2478 : i32 to vector<16xi32>
    %shift_right_logical3A_2480 = arith.shrui %add3A_2477, %shift_right_logical3A_2479 : vector<16xi32>
    %sub3A_2481 = arith.subi %shift_right_logical3A_2480, %shift_right_logical3A_2474 : vector<16xi32>
    %broadcast_in_dim3A_2482 = arith.constant 2 : i32
    %broadcast_in_dim3A_2483 = vector.broadcast %broadcast_in_dim3A_2482 : i32 to vector<16xi32>
    %add3A_2484 = arith.addi %broadcast_in_dim3A_2483, %sub3A_2481 : vector<16xi32>
    %broadcast_in_dim3A_2485 = arith.constant 48 : i32
    %broadcast_in_dim3A_2486 = vector.broadcast %broadcast_in_dim3A_2485 : i32 to vector<16xi32>
    %add3A_2487 = arith.addi %broadcast_in_dim3A_2486, %iota3A : vector<16xi32>
    %and3A_2488 = arith.constant 15 : i32
    %and3A_2489 = vector.broadcast %and3A_2488 : i32 to vector<16xi32>
    %and3A_2490 = arith.andi %add3A_2477, %and3A_2489 : vector<16xi32>
    %gather3A_2491 = tpu.vector_load_idx %arg9[%add3A_2484, %add3A_2487, %and3A_2490] : memref<6x64x16xf32, #tpu.memory_space<vmem>>[vector<16xi32>, vector<16xi32>, vector<16xi32>], vector<16xf32>,
    %add3A_2492 = arith.addf %add3A_2452, %gather3A_2491 : vector<16xf32>
    %mul3A_2493 = arith.constant -1.000000e+00 : f32
    %mul3A_2494 = vector.broadcast %mul3A_2493 : f32 to vector<16xf32>
    %mul3A_2495 = arith.mulf %mul3A_2494, %gather3A_2491 : vector<16xf32>
    %add3A_2496 = arith.addf %add3A_2456, %mul3A_2495 : vector<16xf32>
    %mul3A_2497 = arith.constant -1.000000e+00 : f32
    %mul3A_2498 = vector.broadcast %mul3A_2497 : f32 to vector<16xf32>
    %mul3A_2499 = arith.mulf %mul3A_2498, %gather3A_2491 : vector<16xf32>
    %add3A_2500 = arith.addf %add3A_2464, %mul3A_2499 : vector<16xf32>
    %gather3A_2501 = tpu.vector_load_idx %arg10[%add3A_2484, %add3A_2487, %and3A_2490] : memref<6x64x16xf32, #tpu.memory_space<vmem>>[vector<16xi32>, vector<16xi32>, vector<16xi32>], vector<16xf32>,
    %add3A_2502 = arith.addf %add3A_2492, %gather3A_2501 : vector<16xf32>
    %mul3A_2503 = arith.constant -1.000000e+00 : f32
    %mul3A_2504 = vector.broadcast %mul3A_2503 : f32 to vector<16xf32>
    %mul3A_2505 = arith.mulf %mul3A_2504, %gather3A_2501 : vector<16xf32>
    %add3A_2506 = arith.addf %add3A_2500, %mul3A_2505 : vector<16xf32>
    %gather3A_2507 = tpu.vector_load_idx %arg11[%add3A_2484, %add3A_2487, %and3A_2490] : memref<6x64x16xf32, #tpu.memory_space<vmem>>[vector<16xi32>, vector<16xi32>, vector<16xi32>], vector<16xf32>,
    %add3A_2508 = arith.addf %add3A_2502, %gather3A_2507 : vector<16xf32>
    %mul3A_2509 = arith.constant 1.000000e+00 : f32
    %mul3A_2510 = vector.broadcast %mul3A_2509 : f32 to vector<16xf32>
    %mul3A_2511 = arith.mulf %mul3A_2510, %gather3A_2507 : vector<16xf32>
    %add3A_2512 = arith.addf %add3A_2496, %mul3A_2511 : vector<16xf32>
    %mul3A_2513 = arith.constant -1.000000e+00 : f32
    %mul3A_2514 = vector.broadcast %mul3A_2513 : f32 to vector<16xf32>
    %mul3A_2515 = arith.mulf %mul3A_2514, %gather3A_2507 : vector<16xf32>
    %add3A_2516 = arith.addf %add3A_2506, %mul3A_2515 : vector<16xf32>
    %add3A_2517 = arith.constant 1 : i32
    %add3A_2518 = vector.broadcast %add3A_2517 : i32 to vector<16xi32>
    %add3A_2519 = arith.addi %add3A_2471, %add3A_2518 : vector<16xi32>
    %shift_right_logical3A_2520 = arith.constant 4 : i32
    %shift_right_logical3A_2521 = vector.broadcast %shift_right_logical3A_2520 : i32 to vector<16xi32>
    %shift_right_logical3A_2522 = arith.shrui %add3A_2519, %shift_right_logical3A_2521 : vector<16xi32>
    %sub3A_2523 = arith.subi %shift_right_logical3A_2522, %shift_right_logical3A_2474 : vector<16xi32>
    %broadcast_in_dim3A_2524 = arith.constant 2 : i32
    %broadcast_in_dim3A_2525 = vector.broadcast %broadcast_in_dim3A_2524 : i32 to vector<16xi32>
    %add3A_2526 = arith.addi %broadcast_in_dim3A_2525, %sub3A_2523 : vector<16xi32>
    %broadcast_in_dim3A_2527 = arith.constant 48 : i32
    %broadcast_in_dim3A_2528 = vector.broadcast %broadcast_in_dim3A_2527 : i32 to vector<16xi32>
    %add3A_2529 = arith.addi %broadcast_in_dim3A_2528, %iota3A : vector<16xi32>
    %and3A_2530 = arith.constant 15 : i32
    %and3A_2531 = vector.broadcast %and3A_2530 : i32 to vector<16xi32>
    %and3A_2532 = arith.andi %add3A_2519, %and3A_2531 : vector<16xi32>
    %gather3A_2533 = tpu.vector_load_idx %arg9[%add3A_2526, %add3A_2529, %and3A_2532] : memref<6x64x16xf32, #tpu.memory_space<vmem>>[vector<16xi32>, vector<16xi32>, vector<16xi32>], vector<16xf32>,
    %add3A_2534 = arith.addf %add3A_2508, %gather3A_2533 : vector<16xf32>
    %mul3A_2535 = arith.constant -1.000000e+00 : f32
    %mul3A_2536 = vector.broadcast %mul3A_2535 : f32 to vector<16xf32>
    %mul3A_2537 = arith.mulf %mul3A_2536, %gather3A_2533 : vector<16xf32>
    %add3A_2538 = arith.addf %add3A_2512, %mul3A_2537 : vector<16xf32>
    %gather3A_2539 = tpu.vector_load_idx %arg10[%add3A_2526, %add3A_2529, %and3A_2532] : memref<6x64x16xf32, #tpu.memory_space<vmem>>[vector<16xi32>, vector<16xi32>, vector<16xi32>], vector<16xf32>,
    %add3A_2540 = arith.addf %add3A_2534, %gather3A_2539 : vector<16xf32>
    %gather3A_2541 = tpu.vector_load_idx %arg11[%add3A_2526, %add3A_2529, %and3A_2532] : memref<6x64x16xf32, #tpu.memory_space<vmem>>[vector<16xi32>, vector<16xi32>, vector<16xi32>], vector<16xf32>,
    %add3A_2542 = arith.addf %add3A_2540, %gather3A_2541 : vector<16xf32>
    %mul3A_2543 = arith.constant 1.000000e+00 : f32
    %mul3A_2544 = vector.broadcast %mul3A_2543 : f32 to vector<16xf32>
    %mul3A_2545 = arith.mulf %mul3A_2544, %gather3A_2541 : vector<16xf32>
    %add3A_2546 = arith.addf %add3A_2538, %mul3A_2545 : vector<16xf32>
    %add3A_2547 = arith.constant 2 : i32
    %add3A_2548 = vector.broadcast %add3A_2547 : i32 to vector<16xi32>
    %add3A_2549 = arith.addi %add3A_2471, %add3A_2548 : vector<16xi32>
    %shift_right_logical3A_2550 = arith.constant 4 : i32
    %shift_right_logical3A_2551 = vector.broadcast %shift_right_logical3A_2550 : i32 to vector<16xi32>
    %shift_right_logical3A_2552 = arith.shrui %add3A_2549, %shift_right_logical3A_2551 : vector<16xi32>
    %sub3A_2553 = arith.subi %shift_right_logical3A_2552, %shift_right_logical3A_2474 : vector<16xi32>
    %broadcast_in_dim3A_2554 = arith.constant 2 : i32
    %broadcast_in_dim3A_2555 = vector.broadcast %broadcast_in_dim3A_2554 : i32 to vector<16xi32>
    %add3A_2556 = arith.addi %broadcast_in_dim3A_2555, %sub3A_2553 : vector<16xi32>
    %broadcast_in_dim3A_2557 = arith.constant 48 : i32
    %broadcast_in_dim3A_2558 = vector.broadcast %broadcast_in_dim3A_2557 : i32 to vector<16xi32>
    %add3A_2559 = arith.addi %broadcast_in_dim3A_2558, %iota3A : vector<16xi32>
    %and3A_2560 = arith.constant 15 : i32
    %and3A_2561 = vector.broadcast %and3A_2560 : i32 to vector<16xi32>
    %and3A_2562 = arith.andi %add3A_2549, %and3A_2561 : vector<16xi32>
    %gather3A_2563 = tpu.vector_load_idx %arg9[%add3A_2556, %add3A_2559, %and3A_2562] : memref<6x64x16xf32, #tpu.memory_space<vmem>>[vector<16xi32>, vector<16xi32>, vector<16xi32>], vector<16xf32>,
    %add3A_2564 = arith.addf %add3A_2542, %gather3A_2563 : vector<16xf32>
    %mul3A_2565 = arith.constant -1.000000e+00 : f32
    %mul3A_2566 = vector.broadcast %mul3A_2565 : f32 to vector<16xf32>
    %mul3A_2567 = arith.mulf %mul3A_2566, %gather3A_2563 : vector<16xf32>
    %add3A_2568 = arith.addf %add3A_2546, %mul3A_2567 : vector<16xf32>
    %mul3A_2569 = arith.constant 1.000000e+00 : f32
    %mul3A_2570 = vector.broadcast %mul3A_2569 : f32 to vector<16xf32>
    %mul3A_2571 = arith.mulf %mul3A_2570, %gather3A_2563 : vector<16xf32>
    %add3A_2572 = arith.addf %add3A_2516, %mul3A_2571 : vector<16xf32>
    %gather3A_2573 = tpu.vector_load_idx %arg10[%add3A_2556, %add3A_2559, %and3A_2562] : memref<6x64x16xf32, #tpu.memory_space<vmem>>[vector<16xi32>, vector<16xi32>, vector<16xi32>], vector<16xf32>,
    %add3A_2574 = arith.addf %add3A_2564, %gather3A_2573 : vector<16xf32>
    %mul3A_2575 = arith.constant 1.000000e+00 : f32
    %mul3A_2576 = vector.broadcast %mul3A_2575 : f32 to vector<16xf32>
    %mul3A_2577 = arith.mulf %mul3A_2576, %gather3A_2573 : vector<16xf32>
    %add3A_2578 = arith.addf %add3A_2572, %mul3A_2577 : vector<16xf32>
    %gather3A_2579 = tpu.vector_load_idx %arg11[%add3A_2556, %add3A_2559, %and3A_2562] : memref<6x64x16xf32, #tpu.memory_space<vmem>>[vector<16xi32>, vector<16xi32>, vector<16xi32>], vector<16xf32>,
    %add3A_2580 = arith.addf %add3A_2574, %gather3A_2579 : vector<16xf32>
    %mul3A_2581 = arith.constant 1.000000e+00 : f32
    %mul3A_2582 = vector.broadcast %mul3A_2581 : f32 to vector<16xf32>
    %mul3A_2583 = arith.mulf %mul3A_2582, %gather3A_2579 : vector<16xf32>
    %add3A_2584 = arith.addf %add3A_2568, %mul3A_2583 : vector<16xf32>
    %mul3A_2585 = arith.constant 1.000000e+00 : f32
    %mul3A_2586 = vector.broadcast %mul3A_2585 : f32 to vector<16xf32>
    %mul3A_2587 = arith.mulf %mul3A_2586, %gather3A_2579 : vector<16xf32>
    %add3A_2588 = arith.addf %add3A_2578, %mul3A_2587 : vector<16xf32>
    %add3A_2589 = arith.constant 1 : i32
    %add3A_2590 = vector.broadcast %add3A_2589 : i32 to vector<16xi32>
    %add3A_2591 = arith.addi %shift_right_logical3A_2298, %add3A_2590 : vector<16xi32>
    %mul3A_2592 = arith.constant 2048 : i32
    %mul3A_2593 = vector.broadcast %mul3A_2592 : i32 to vector<16xi32>
    %mul3A_2594 = arith.muli %add3A_2591, %mul3A_2593 : vector<16xi32>
    %add3A_2595 = arith.addi %mul3A_2594, %sub3A_2304 : vector<16xi32>
    %shift_right_logical3A_2596 = arith.constant 4 : i32
    %shift_right_logical3A_2597 = vector.broadcast %shift_right_logical3A_2596 : i32 to vector<16xi32>
    %shift_right_logical3A_2598 = arith.shrui %add3A_2595, %shift_right_logical3A_2597 : vector<16xi32>
    %add3A_2599 = arith.constant 0 : i32
    %add3A_2600 = vector.broadcast %add3A_2599 : i32 to vector<16xi32>
    %add3A_2601 = arith.addi %add3A_2595, %add3A_2600 : vector<16xi32>
    %shift_right_logical3A_2602 = arith.constant 4 : i32
    %shift_right_logical3A_2603 = vector.broadcast %shift_right_logical3A_2602 : i32 to vector<16xi32>
    %shift_right_logical3A_2604 = arith.shrui %add3A_2601, %shift_right_logical3A_2603 : vector<16xi32>
    %sub3A_2605 = arith.subi %shift_right_logical3A_2604, %shift_right_logical3A_2598 : vector<16xi32>
    %broadcast_in_dim3A_2606 = arith.constant 4 : i32
    %broadcast_in_dim3A_2607 = vector.broadcast %broadcast_in_dim3A_2606 : i32 to vector<16xi32>
    %add3A_2608 = arith.addi %broadcast_in_dim3A_2607, %sub3A_2605 : vector<16xi32>
    %broadcast_in_dim3A_2609 = arith.constant 48 : i32
    %broadcast_in_dim3A_2610 = vector.broadcast %broadcast_in_dim3A_2609 : i32 to vector<16xi32>
    %add3A_2611 = arith.addi %broadcast_in_dim3A_2610, %iota3A : vector<16xi32>
    %and3A_2612 = arith.constant 15 : i32
    %and3A_2613 = vector.broadcast %and3A_2612 : i32 to vector<16xi32>
    %and3A_2614 = arith.andi %add3A_2601, %and3A_2613 : vector<16xi32>
    %gather3A_2615 = tpu.vector_load_idx %arg9[%add3A_2608, %add3A_2611, %and3A_2614] : memref<6x64x16xf32, #tpu.memory_space<vmem>>[vector<16xi32>, vector<16xi32>, vector<16xi32>], vector<16xf32>,
    %add3A_2616 = arith.addf %add3A_2580, %gather3A_2615 : vector<16xf32>
    %mul3A_2617 = arith.constant -1.000000e+00 : f32
    %mul3A_2618 = vector.broadcast %mul3A_2617 : f32 to vector<16xf32>
    %mul3A_2619 = arith.mulf %mul3A_2618, %gather3A_2615 : vector<16xf32>
    %add3A_2620 = arith.addf %add3A_2584, %mul3A_2619 : vector<16xf32>
    %mul3A_2621 = arith.constant 1.000000e+00 : f32
    %mul3A_2622 = vector.broadcast %mul3A_2621 : f32 to vector<16xf32>
    %mul3A_2623 = arith.mulf %mul3A_2622, %gather3A_2615 : vector<16xf32>
    %add3A_2624 = arith.addf %add3A_2460, %mul3A_2623 : vector<16xf32>
    %mul3A_2625 = arith.constant -1.000000e+00 : f32
    %mul3A_2626 = vector.broadcast %mul3A_2625 : f32 to vector<16xf32>
    %mul3A_2627 = arith.mulf %mul3A_2626, %gather3A_2615 : vector<16xf32>
    %add3A_2628 = arith.addf %add3A_2588, %mul3A_2627 : vector<16xf32>
    %gather3A_2629 = tpu.vector_load_idx %arg10[%add3A_2608, %add3A_2611, %and3A_2614] : memref<6x64x16xf32, #tpu.memory_space<vmem>>[vector<16xi32>, vector<16xi32>, vector<16xi32>], vector<16xf32>,
    %add3A_2630 = arith.addf %add3A_2616, %gather3A_2629 : vector<16xf32>
    %mul3A_2631 = arith.constant 1.000000e+00 : f32
    %mul3A_2632 = vector.broadcast %mul3A_2631 : f32 to vector<16xf32>
    %mul3A_2633 = arith.mulf %mul3A_2632, %gather3A_2629 : vector<16xf32>
    %add3A_2634 = arith.addf %add3A_2624, %mul3A_2633 : vector<16xf32>
    %mul3A_2635 = arith.constant -1.000000e+00 : f32
    %mul3A_2636 = vector.broadcast %mul3A_2635 : f32 to vector<16xf32>
    %mul3A_2637 = arith.mulf %mul3A_2636, %gather3A_2629 : vector<16xf32>
    %add3A_2638 = arith.addf %add3A_2628, %mul3A_2637 : vector<16xf32>
    %gather3A_2639 = tpu.vector_load_idx %arg11[%add3A_2608, %add3A_2611, %and3A_2614] : memref<6x64x16xf32, #tpu.memory_space<vmem>>[vector<16xi32>, vector<16xi32>, vector<16xi32>], vector<16xf32>,
    %add3A_2640 = arith.addf %add3A_2630, %gather3A_2639 : vector<16xf32>
    %mul3A_2641 = arith.constant 1.000000e+00 : f32
    %mul3A_2642 = vector.broadcast %mul3A_2641 : f32 to vector<16xf32>
    %mul3A_2643 = arith.mulf %mul3A_2642, %gather3A_2639 : vector<16xf32>
    %add3A_2644 = arith.addf %add3A_2620, %mul3A_2643 : vector<16xf32>
    %mul3A_2645 = arith.constant 1.000000e+00 : f32
    %mul3A_2646 = vector.broadcast %mul3A_2645 : f32 to vector<16xf32>
    %mul3A_2647 = arith.mulf %mul3A_2646, %gather3A_2639 : vector<16xf32>
    %add3A_2648 = arith.addf %add3A_2634, %mul3A_2647 : vector<16xf32>
    %mul3A_2649 = arith.constant -1.000000e+00 : f32
    %mul3A_2650 = vector.broadcast %mul3A_2649 : f32 to vector<16xf32>
    %mul3A_2651 = arith.mulf %mul3A_2650, %gather3A_2639 : vector<16xf32>
    %add3A_2652 = arith.addf %add3A_2638, %mul3A_2651 : vector<16xf32>
    %add3A_2653 = arith.constant 1 : i32
    %add3A_2654 = vector.broadcast %add3A_2653 : i32 to vector<16xi32>
    %add3A_2655 = arith.addi %add3A_2595, %add3A_2654 : vector<16xi32>
    %shift_right_logical3A_2656 = arith.constant 4 : i32
    %shift_right_logical3A_2657 = vector.broadcast %shift_right_logical3A_2656 : i32 to vector<16xi32>
    %shift_right_logical3A_2658 = arith.shrui %add3A_2655, %shift_right_logical3A_2657 : vector<16xi32>
    %sub3A_2659 = arith.subi %shift_right_logical3A_2658, %shift_right_logical3A_2598 : vector<16xi32>
    %broadcast_in_dim3A_2660 = arith.constant 4 : i32
    %broadcast_in_dim3A_2661 = vector.broadcast %broadcast_in_dim3A_2660 : i32 to vector<16xi32>
    %add3A_2662 = arith.addi %broadcast_in_dim3A_2661, %sub3A_2659 : vector<16xi32>
    %broadcast_in_dim3A_2663 = arith.constant 48 : i32
    %broadcast_in_dim3A_2664 = vector.broadcast %broadcast_in_dim3A_2663 : i32 to vector<16xi32>
    %add3A_2665 = arith.addi %broadcast_in_dim3A_2664, %iota3A : vector<16xi32>
    %and3A_2666 = arith.constant 15 : i32
    %and3A_2667 = vector.broadcast %and3A_2666 : i32 to vector<16xi32>
    %and3A_2668 = arith.andi %add3A_2655, %and3A_2667 : vector<16xi32>
    %gather3A_2669 = tpu.vector_load_idx %arg9[%add3A_2662, %add3A_2665, %and3A_2668] : memref<6x64x16xf32, #tpu.memory_space<vmem>>[vector<16xi32>, vector<16xi32>, vector<16xi32>], vector<16xf32>,
    %add3A_2670 = arith.addf %add3A_2640, %gather3A_2669 : vector<16xf32>
    %mul3A_2671 = arith.constant -1.000000e+00 : f32
    %mul3A_2672 = vector.broadcast %mul3A_2671 : f32 to vector<16xf32>
    %mul3A_2673 = arith.mulf %mul3A_2672, %gather3A_2669 : vector<16xf32>
    %add3A_2674 = arith.addf %add3A_2644, %mul3A_2673 : vector<16xf32>
    %mul3A_2675 = arith.constant 1.000000e+00 : f32
    %mul3A_2676 = vector.broadcast %mul3A_2675 : f32 to vector<16xf32>
    %mul3A_2677 = arith.mulf %mul3A_2676, %gather3A_2669 : vector<16xf32>
    %add3A_2678 = arith.addf %add3A_2648, %mul3A_2677 : vector<16xf32>
    %gather3A_2679 = tpu.vector_load_idx %arg10[%add3A_2662, %add3A_2665, %and3A_2668] : memref<6x64x16xf32, #tpu.memory_space<vmem>>[vector<16xi32>, vector<16xi32>, vector<16xi32>], vector<16xf32>,
    %add3A_2680 = arith.addf %add3A_2670, %gather3A_2679 : vector<16xf32>
    %mul3A_2681 = arith.constant 1.000000e+00 : f32
    %mul3A_2682 = vector.broadcast %mul3A_2681 : f32 to vector<16xf32>
    %mul3A_2683 = arith.mulf %mul3A_2682, %gather3A_2679 : vector<16xf32>
    %add3A_2684 = arith.addf %add3A_2678, %mul3A_2683 : vector<16xf32>
    %gather3A_2685 = tpu.vector_load_idx %arg11[%add3A_2662, %add3A_2665, %and3A_2668] : memref<6x64x16xf32, #tpu.memory_space<vmem>>[vector<16xi32>, vector<16xi32>, vector<16xi32>], vector<16xf32>,
    %add3A_2686 = arith.addf %add3A_2680, %gather3A_2685 : vector<16xf32>
    %mul3A_2687 = arith.constant 1.000000e+00 : f32
    %mul3A_2688 = vector.broadcast %mul3A_2687 : f32 to vector<16xf32>
    %mul3A_2689 = arith.mulf %mul3A_2688, %gather3A_2685 : vector<16xf32>
    %add3A_2690 = arith.addf %add3A_2674, %mul3A_2689 : vector<16xf32>
    %mul3A_2691 = arith.constant 1.000000e+00 : f32
    %mul3A_2692 = vector.broadcast %mul3A_2691 : f32 to vector<16xf32>
    %mul3A_2693 = arith.mulf %mul3A_2692, %gather3A_2685 : vector<16xf32>
    %add3A_2694 = arith.addf %add3A_2684, %mul3A_2693 : vector<16xf32>
    %add3A_2695 = arith.constant 2 : i32
    %add3A_2696 = vector.broadcast %add3A_2695 : i32 to vector<16xi32>
    %add3A_2697 = arith.addi %add3A_2595, %add3A_2696 : vector<16xi32>
    %shift_right_logical3A_2698 = arith.constant 4 : i32
    %shift_right_logical3A_2699 = vector.broadcast %shift_right_logical3A_2698 : i32 to vector<16xi32>
    %shift_right_logical3A_2700 = arith.shrui %add3A_2697, %shift_right_logical3A_2699 : vector<16xi32>
    %sub3A_2701 = arith.subi %shift_right_logical3A_2700, %shift_right_logical3A_2598 : vector<16xi32>
    %broadcast_in_dim3A_2702 = arith.constant 4 : i32
    %broadcast_in_dim3A_2703 = vector.broadcast %broadcast_in_dim3A_2702 : i32 to vector<16xi32>
    %add3A_2704 = arith.addi %broadcast_in_dim3A_2703, %sub3A_2701 : vector<16xi32>
    %broadcast_in_dim3A_2705 = arith.constant 48 : i32
    %broadcast_in_dim3A_2706 = vector.broadcast %broadcast_in_dim3A_2705 : i32 to vector<16xi32>
    %add3A_2707 = arith.addi %broadcast_in_dim3A_2706, %iota3A : vector<16xi32>
    %and3A_2708 = arith.constant 15 : i32
    %and3A_2709 = vector.broadcast %and3A_2708 : i32 to vector<16xi32>
    %and3A_2710 = arith.andi %add3A_2697, %and3A_2709 : vector<16xi32>
    %gather3A_2711 = tpu.vector_load_idx %arg9[%add3A_2704, %add3A_2707, %and3A_2710] : memref<6x64x16xf32, #tpu.memory_space<vmem>>[vector<16xi32>, vector<16xi32>, vector<16xi32>], vector<16xf32>,
    %add3A_2712 = arith.addf %add3A_2686, %gather3A_2711 : vector<16xf32>
    %mul3A_2713 = arith.constant -1.000000e+00 : f32
    %mul3A_2714 = vector.broadcast %mul3A_2713 : f32 to vector<16xf32>
    %mul3A_2715 = arith.mulf %mul3A_2714, %gather3A_2711 : vector<16xf32>
    %add3A_2716 = arith.addf %add3A_2690, %mul3A_2715 : vector<16xf32>
    %mul3A_2717 = arith.constant 1.000000e+00 : f32
    %mul3A_2718 = vector.broadcast %mul3A_2717 : f32 to vector<16xf32>
    %mul3A_2719 = arith.mulf %mul3A_2718, %gather3A_2711 : vector<16xf32>
    %add3A_2720 = arith.addf %add3A_2694, %mul3A_2719 : vector<16xf32>
    %mul3A_2721 = arith.constant 1.000000e+00 : f32
    %mul3A_2722 = vector.broadcast %mul3A_2721 : f32 to vector<16xf32>
    %mul3A_2723 = arith.mulf %mul3A_2722, %gather3A_2711 : vector<16xf32>
    %add3A_2724 = arith.addf %add3A_2652, %mul3A_2723 : vector<16xf32>
    %gather3A_2725 = tpu.vector_load_idx %arg10[%add3A_2704, %add3A_2707, %and3A_2710] : memref<6x64x16xf32, #tpu.memory_space<vmem>>[vector<16xi32>, vector<16xi32>, vector<16xi32>], vector<16xf32>,
    %add3A_2726 = arith.addf %add3A_2712, %gather3A_2725 : vector<16xf32>
    %mul3A_2727 = arith.constant 1.000000e+00 : f32
    %mul3A_2728 = vector.broadcast %mul3A_2727 : f32 to vector<16xf32>
    %mul3A_2729 = arith.mulf %mul3A_2728, %gather3A_2725 : vector<16xf32>
    %add3A_2730 = arith.addf %add3A_2720, %mul3A_2729 : vector<16xf32>
    %mul3A_2731 = arith.constant 1.000000e+00 : f32
    %mul3A_2732 = vector.broadcast %mul3A_2731 : f32 to vector<16xf32>
    %mul3A_2733 = arith.mulf %mul3A_2732, %gather3A_2725 : vector<16xf32>
    %add3A_2734 = arith.addf %add3A_2724, %mul3A_2733 : vector<16xf32>
    %gather3A_2735 = tpu.vector_load_idx %arg11[%add3A_2704, %add3A_2707, %and3A_2710] : memref<6x64x16xf32, #tpu.memory_space<vmem>>[vector<16xi32>, vector<16xi32>, vector<16xi32>], vector<16xf32>,
    %add3A_2736 = arith.addf %add3A_2726, %gather3A_2735 : vector<16xf32>
    %mul3A_2737 = arith.constant 1.000000e+00 : f32
    %mul3A_2738 = vector.broadcast %mul3A_2737 : f32 to vector<16xf32>
    %mul3A_2739 = arith.mulf %mul3A_2738, %gather3A_2735 : vector<16xf32>
    %add3A_2740 = arith.addf %add3A_2716, %mul3A_2739 : vector<16xf32>
    %mul3A_2741 = arith.constant 1.000000e+00 : f32
    %mul3A_2742 = vector.broadcast %mul3A_2741 : f32 to vector<16xf32>
    %mul3A_2743 = arith.mulf %mul3A_2742, %gather3A_2735 : vector<16xf32>
    %add3A_2744 = arith.addf %add3A_2730, %mul3A_2743 : vector<16xf32>
    %mul3A_2745 = arith.constant 1.000000e+00 : f32
    %mul3A_2746 = vector.broadcast %mul3A_2745 : f32 to vector<16xf32>
    %mul3A_2747 = arith.mulf %mul3A_2746, %gather3A_2735 : vector<16xf32>
    %add3A_2748 = arith.addf %add3A_2734, %mul3A_2747 : vector<16xf32>
    %add3A_2749 = arith.constant 9.99999993E-9 : f32
    %add3A_2750 = vector.broadcast %add3A_2749 : f32 to vector<16xf32>
    %add3A_2751 = arith.addf %add3A_2736, %add3A_2750 : vector<16xf32>
    %div3A_2752 = arith.divf %add3A_2740, %add3A_2751 : vector<16xf32>
    %mul3A_2753 = arith.constant 4.8828125E-4 : f32
    %mul3A_2754 = vector.broadcast %mul3A_2753 : f32 to vector<16xf32>
    %mul3A_2755 = arith.mulf %div3A_2752, %mul3A_2754 : vector<16xf32>
    %div3A_2756 = arith.divf %add3A_2744, %add3A_2751 : vector<16xf32>
    %convert_element_type3A_2757 = arith.sitofp %shift_right_logical3A_2298 : vector<16xi32> to vector<16xf32>
    %add3A_2758 = arith.addf %div3A_2756, %convert_element_type3A_2757 : vector<16xf32>
    %mul3A_2759 = arith.constant 4.8828125E-4 : f32
    %mul3A_2760 = vector.broadcast %mul3A_2759 : f32 to vector<16xf32>
    %mul3A_2761 = arith.mulf %add3A_2758, %mul3A_2760 : vector<16xf32>
    %div3A_2762 = arith.divf %add3A_2748, %add3A_2751 : vector<16xf32>
    %add3A_2763 = arith.constant 1 : i32
    %add3A_2764 = vector.broadcast %add3A_2763 : i32 to vector<16xi32>
    %add3A_2765 = arith.addi %sub3A_2304, %add3A_2764 : vector<16xi32>
    %convert_element_type3A_2766 = arith.sitofp %add3A_2765 : vector<16xi32> to vector<16xf32>
    %add3A_2767 = arith.addf %div3A_2762, %convert_element_type3A_2766 : vector<16xf32>
    %mul3A_2768 = arith.constant 4.8828125E-4 : f32
    %mul3A_2769 = vector.broadcast %mul3A_2768 : f32 to vector<16xf32>
    %mul3A_2770 = arith.mulf %add3A_2767, %mul3A_2769 : vector<16xf32>
    %broadcast_in_dim3A_2771 = arith.constant 48 : i32
    %broadcast_in_dim3A_2772 = vector.broadcast %broadcast_in_dim3A_2771 : i32 to vector<16xi32>
    %add3A_2773 = arith.addi %broadcast_in_dim3A_2772, %iota3A : vector<16xi32>
    %mul3A_2774 = arith.constant 8 : i32
    %mul3A_2775 = vector.broadcast %mul3A_2774 : i32 to vector<16xi32>
    %mul3A_2776 = arith.muli %add3A_2773, %mul3A_2775 : vector<16xi32>
    %add3A_2777 = arith.constant 0 : i32
    %add3A_2778 = vector.broadcast %add3A_2777 : i32 to vector<16xi32>
    %add3A_2779 = arith.addi %mul3A_2776, %add3A_2778 : vector<16xi32>
    tpu.vector_store_idx %arg12[%add3A_2779], %mul3A_2755 : memref<512xf32, #tpu.memory_space<vmem>>[vector<16xi32>], vector<16xf32>,
    %add3A_2780 = arith.constant 2 : i32
    %add3A_2781 = vector.broadcast %add3A_2780 : i32 to vector<16xi32>
    %add3A_2782 = arith.addi %mul3A_2776, %add3A_2781 : vector<16xi32>
    tpu.vector_store_idx %arg12[%add3A_2782], %mul3A_2770 : memref<512xf32, #tpu.memory_space<vmem>>[vector<16xi32>], vector<16xf32>,
    %add3A_2783 = arith.constant 4 : i32
    %add3A_2784 = vector.broadcast %add3A_2783 : i32 to vector<16xi32>
    %add3A_2785 = arith.addi %mul3A_2776, %add3A_2784 : vector<16xi32>
    tpu.vector_store_idx %arg12[%add3A_2785], %mul3A_2755 : memref<512xf32, #tpu.memory_space<vmem>>[vector<16xi32>], vector<16xf32>,
    %add3A_2786 = arith.constant 5 : i32
    %add3A_2787 = vector.broadcast %add3A_2786 : i32 to vector<16xi32>
    %add3A_2788 = arith.addi %mul3A_2776, %add3A_2787 : vector<16xi32>
    tpu.vector_store_idx %arg12[%add3A_2788], %mul3A_2761 : memref<512xf32, #tpu.memory_space<vmem>>[vector<16xi32>], vector<16xf32>,
    "tpu.region"() ({
      %run_scoped3A = tpu.sem_alloc : memref<!tpu.dma_semaphore, #tpu.memory_space<semaphore_mem>>
      %dma_start3A_2789 = arith.constant 0 : i32
      %dma_start3A_2790 = tpu.memref_slice %arg6[%add3A, %dma_start3A_2789] : memref<32x512xf32, #tpu.memory_space<hbm>> -> memref<1x512xf32, #tpu.memory_space<hbm>>
      %dma_start3A_2791 = tpu.memref_squeeze %dma_start3A_2790 : memref<1x512xf32, #tpu.memory_space<hbm>> -> memref<512xf32, #tpu.memory_space<hbm>>
      %dma_start3A_2792 = arith.constant 0 : i32
      %dma_start3A_2793 = tpu.memref_slice %arg6[%add3A, %dma_start3A_2792] : memref<32x512xf32, #tpu.memory_space<hbm>> -> memref<1x512xf32, #tpu.memory_space<hbm>>
      %dma_start3A_2794 = tpu.memref_squeeze %dma_start3A_2793 : memref<1x512xf32, #tpu.memory_space<hbm>> -> memref<512xf32, #tpu.memory_space<hbm>>
      tpu.enqueue_dma source(%arg12 : memref<512xf32, #tpu.memory_space<vmem>>) target(%dma_start3A_2794 : memref<512xf32, #tpu.memory_space<hbm>>) target_semaphore(%run_scoped3A : memref<!tpu.dma_semaphore, #tpu.memory_space<semaphore_mem>>)
      %dma_wait3A_2795 = arith.constant 0 : i32
      %dma_wait3A_2796 = tpu.memref_slice %arg6[%add3A, %dma_wait3A_2795] : memref<32x512xf32, #tpu.memory_space<hbm>> -> memref<1x512xf32, #tpu.memory_space<hbm>>
      %dma_wait3A_2797 = tpu.memref_squeeze %dma_wait3A_2796 : memref<1x512xf32, #tpu.memory_space<hbm>> -> memref<512xf32, #tpu.memory_space<hbm>>
      %dma_wait3A_2798 = arith.constant 0 : i32
      %dma_wait3A_2799 = tpu.memref_slice %arg6[%add3A, %dma_wait3A_2798] : memref<32x512xf32, #tpu.memory_space<hbm>> -> memref<1x512xf32, #tpu.memory_space<hbm>>
      %dma_wait3A_2800 = tpu.memref_squeeze %dma_wait3A_2799 : memref<1x512xf32, #tpu.memory_space<hbm>> -> memref<512xf32, #tpu.memory_space<hbm>>
      tpu.wait_dma2 semaphore(%run_scoped3A : memref<!tpu.dma_semaphore, #tpu.memory_space<semaphore_mem>>) src(%arg12 : memref<512xf32, #tpu.memory_space<vmem>>) dst(%dma_wait3A_2800 : memref<512xf32, #tpu.memory_space<hbm>>)
      tpu.yield
    }) : () -> ()
    return
  }
}

module attributes {stable_mosaic.version = 14 : i64} {
  func.func @_nms_body(%arg0: i32, %arg1: memref<64x2048xf32, #tpu.memory_space<vmem>>, %arg2: memref<64x2048xf32, #tpu.memory_space<vmem>>, %arg3: memref<64x2048xf32, #tpu.memory_space<vmem>>, %arg4: memref<1x1x2048xf32, #tpu.memory_space<vmem>>, %arg5: memref<1x1x2048xf32, #tpu.memory_space<vmem>>, %arg6: memref<1x1x2048xf32, #tpu.memory_space<vmem>>, %arg7: memref<1x1x2048xf32, #tpu.memory_space<vmem>>, %arg8: memref<1x1x2048xf32, #tpu.memory_space<vmem>>, %arg9: memref<1x1x2048xf32, #tpu.memory_space<vmem>>, %arg10: memref<64x2048xf32, #tpu.memory_space<vmem>>) attributes {dimension_semantics = [#tpu.dimension_semantics<arbitrary>], iteration_bounds = array<i64: 32>, scalar_prefetch = 0 : i64, scratch_operands = 0 : i64, tpu.core_type = #tpu.core_type<tc>, window_params = [{transform_indices = @transform_0, window_bounds = array<i64: 64, 2048>}, {transform_indices = @transform_1, window_bounds = array<i64: 64, 2048>}, {transform_indices = @transform_2, window_bounds = array<i64: 64, 2048>}, {transform_indices = @transform_3, window_bounds = array<i64: 1, 1, 2048>}, {transform_indices = @transform_4, window_bounds = array<i64: 1, 1, 2048>}, {transform_indices = @transform_5, window_bounds = array<i64: 1, 1, 2048>}, {transform_indices = @transform_6, window_bounds = array<i64: 1, 1, 2048>}, {transform_indices = @transform_7, window_bounds = array<i64: 1, 1, 2048>}, {transform_indices = @transform_8, window_bounds = array<i64: 1, 1, 2048>}, {transform_indices = @transform_9, window_bounds = array<i64: 64, 2048>}]} {
    %get3A = arith.constant 0 : index
    %get3A_0 = arith.constant 0 : index
    %get3A_1 = vector.load %arg2[%get3A, %get3A_0] : memref<64x2048xf32, #tpu.memory_space<vmem>>, vector<64x2048xf32>
    %get3A_2 = arith.constant 0 : index
    %get3A_3 = arith.constant 0 : index
    %get3A_4 = arith.constant 0 : index
    %get3A_5 = vector.load %arg4[%get3A_2, %get3A_3, %get3A_4] : memref<1x1x2048xf32, #tpu.memory_space<vmem>>, vector<1x1x2048xf32>
    %get3A_6 = vector.shape_cast %get3A_5 : vector<1x1x2048xf32> to vector<1x2048xf32>
    %get3A_7 = arith.constant 0 : index
    %get3A_8 = arith.constant 0 : index
    %get3A_9 = vector.load %arg1[%get3A_7, %get3A_8] : memref<64x2048xf32, #tpu.memory_space<vmem>>, vector<64x2048xf32>
    %get3A_10 = arith.constant 0 : index
    %get3A_11 = arith.constant 0 : index
    %get3A_12 = arith.constant 0 : index
    %get3A_13 = vector.load %arg7[%get3A_10, %get3A_11, %get3A_12] : memref<1x1x2048xf32, #tpu.memory_space<vmem>>, vector<1x1x2048xf32>
    %get3A_14 = vector.shape_cast %get3A_13 : vector<1x1x2048xf32> to vector<1x2048xf32>
    %concatenate3A = tpu.concatenate %get3A_6, %get3A_9, %get3A_14 in 0 : vector<1x2048xf32>, vector<64x2048xf32>, vector<1x2048xf32> -> vector<66x2048xf32>
    %slice3A = vector.extract_strided_slice %concatenate3A {offsets = [0, 0], sizes = [64, 2048], strides = [1, 1]} : vector<66x2048xf32> to vector<64x2048xf32>
    %slice3A_15 = vector.extract_strided_slice %slice3A {offsets = [0, 2047], sizes = [64, 1], strides = [1, 1]} : vector<64x2048xf32> to vector<64x1xf32>
    %slice3A_16 = vector.extract_strided_slice %slice3A {offsets = [0, 0], sizes = [64, 2047], strides = [1, 1]} : vector<64x2048xf32> to vector<64x2047xf32>
    %concatenate3A_17 = tpu.concatenate %slice3A_15, %slice3A_16 in 1 : vector<64x1xf32>, vector<64x2047xf32> -> vector<64x2048xf32>
    %max3A = arith.maximumf %concatenate3A_17, %slice3A : vector<64x2048xf32>
    %slice3A_18 = vector.extract_strided_slice %slice3A {offsets = [0, 1], sizes = [64, 2047], strides = [1, 1]} : vector<64x2048xf32> to vector<64x2047xf32>
    %slice3A_19 = vector.extract_strided_slice %slice3A {offsets = [0, 0], sizes = [64, 1], strides = [1, 1]} : vector<64x2048xf32> to vector<64x1xf32>
    %concatenate3A_20 = tpu.concatenate %slice3A_18, %slice3A_19 in 1 : vector<64x2047xf32>, vector<64x1xf32> -> vector<64x2048xf32>
    %max3A_21 = arith.maximumf %max3A, %concatenate3A_20 : vector<64x2048xf32>
    %slice3A_22 = vector.extract_strided_slice %concatenate3A {offsets = [1, 0], sizes = [64, 2048], strides = [1, 1]} : vector<66x2048xf32> to vector<64x2048xf32>
    %slice3A_23 = vector.extract_strided_slice %slice3A_22 {offsets = [0, 2047], sizes = [64, 1], strides = [1, 1]} : vector<64x2048xf32> to vector<64x1xf32>
    %slice3A_24 = vector.extract_strided_slice %slice3A_22 {offsets = [0, 0], sizes = [64, 2047], strides = [1, 1]} : vector<64x2048xf32> to vector<64x2047xf32>
    %concatenate3A_25 = tpu.concatenate %slice3A_23, %slice3A_24 in 1 : vector<64x1xf32>, vector<64x2047xf32> -> vector<64x2048xf32>
    %max3A_26 = arith.maximumf %max3A_21, %concatenate3A_25 : vector<64x2048xf32>
    %max3A_27 = arith.maximumf %max3A_26, %slice3A_22 : vector<64x2048xf32>
    %slice3A_28 = vector.extract_strided_slice %slice3A_22 {offsets = [0, 1], sizes = [64, 2047], strides = [1, 1]} : vector<64x2048xf32> to vector<64x2047xf32>
    %slice3A_29 = vector.extract_strided_slice %slice3A_22 {offsets = [0, 0], sizes = [64, 1], strides = [1, 1]} : vector<64x2048xf32> to vector<64x1xf32>
    %concatenate3A_30 = tpu.concatenate %slice3A_28, %slice3A_29 in 1 : vector<64x2047xf32>, vector<64x1xf32> -> vector<64x2048xf32>
    %max3A_31 = arith.maximumf %max3A_27, %concatenate3A_30 : vector<64x2048xf32>
    %slice3A_32 = vector.extract_strided_slice %concatenate3A {offsets = [2, 0], sizes = [64, 2048], strides = [1, 1]} : vector<66x2048xf32> to vector<64x2048xf32>
    %slice3A_33 = vector.extract_strided_slice %slice3A_32 {offsets = [0, 2047], sizes = [64, 1], strides = [1, 1]} : vector<64x2048xf32> to vector<64x1xf32>
    %slice3A_34 = vector.extract_strided_slice %slice3A_32 {offsets = [0, 0], sizes = [64, 2047], strides = [1, 1]} : vector<64x2048xf32> to vector<64x2047xf32>
    %concatenate3A_35 = tpu.concatenate %slice3A_33, %slice3A_34 in 1 : vector<64x1xf32>, vector<64x2047xf32> -> vector<64x2048xf32>
    %max3A_36 = arith.maximumf %max3A_31, %concatenate3A_35 : vector<64x2048xf32>
    %max3A_37 = arith.maximumf %max3A_36, %slice3A_32 : vector<64x2048xf32>
    %slice3A_38 = vector.extract_strided_slice %slice3A_32 {offsets = [0, 1], sizes = [64, 2047], strides = [1, 1]} : vector<64x2048xf32> to vector<64x2047xf32>
    %slice3A_39 = vector.extract_strided_slice %slice3A_32 {offsets = [0, 0], sizes = [64, 1], strides = [1, 1]} : vector<64x2048xf32> to vector<64x1xf32>
    %concatenate3A_40 = tpu.concatenate %slice3A_38, %slice3A_39 in 1 : vector<64x2047xf32>, vector<64x1xf32> -> vector<64x2048xf32>
    %max3A_41 = arith.maximumf %max3A_37, %concatenate3A_40 : vector<64x2048xf32>
    %get3A_42 = arith.constant 0 : index
    %get3A_43 = arith.constant 0 : index
    %get3A_44 = arith.constant 0 : index
    %get3A_45 = vector.load %arg5[%get3A_42, %get3A_43, %get3A_44] : memref<1x1x2048xf32, #tpu.memory_space<vmem>>, vector<1x1x2048xf32>
    %get3A_46 = vector.shape_cast %get3A_45 : vector<1x1x2048xf32> to vector<1x2048xf32>
    %get3A_47 = arith.constant 0 : index
    %get3A_48 = arith.constant 0 : index
    %get3A_49 = vector.load %arg2[%get3A_47, %get3A_48] : memref<64x2048xf32, #tpu.memory_space<vmem>>, vector<64x2048xf32>
    %get3A_50 = arith.constant 0 : index
    %get3A_51 = arith.constant 0 : index
    %get3A_52 = arith.constant 0 : index
    %get3A_53 = vector.load %arg8[%get3A_50, %get3A_51, %get3A_52] : memref<1x1x2048xf32, #tpu.memory_space<vmem>>, vector<1x1x2048xf32>
    %get3A_54 = vector.shape_cast %get3A_53 : vector<1x1x2048xf32> to vector<1x2048xf32>
    %concatenate3A_55 = tpu.concatenate %get3A_46, %get3A_49, %get3A_54 in 0 : vector<1x2048xf32>, vector<64x2048xf32>, vector<1x2048xf32> -> vector<66x2048xf32>
    %slice3A_56 = vector.extract_strided_slice %concatenate3A_55 {offsets = [0, 0], sizes = [64, 2048], strides = [1, 1]} : vector<66x2048xf32> to vector<64x2048xf32>
    %slice3A_57 = vector.extract_strided_slice %slice3A_56 {offsets = [0, 2047], sizes = [64, 1], strides = [1, 1]} : vector<64x2048xf32> to vector<64x1xf32>
    %slice3A_58 = vector.extract_strided_slice %slice3A_56 {offsets = [0, 0], sizes = [64, 2047], strides = [1, 1]} : vector<64x2048xf32> to vector<64x2047xf32>
    %concatenate3A_59 = tpu.concatenate %slice3A_57, %slice3A_58 in 1 : vector<64x1xf32>, vector<64x2047xf32> -> vector<64x2048xf32>
    %max3A_60 = arith.maximumf %max3A_41, %concatenate3A_59 : vector<64x2048xf32>
    %max3A_61 = arith.maximumf %max3A_60, %slice3A_56 : vector<64x2048xf32>
    %slice3A_62 = vector.extract_strided_slice %slice3A_56 {offsets = [0, 1], sizes = [64, 2047], strides = [1, 1]} : vector<64x2048xf32> to vector<64x2047xf32>
    %slice3A_63 = vector.extract_strided_slice %slice3A_56 {offsets = [0, 0], sizes = [64, 1], strides = [1, 1]} : vector<64x2048xf32> to vector<64x1xf32>
    %concatenate3A_64 = tpu.concatenate %slice3A_62, %slice3A_63 in 1 : vector<64x2047xf32>, vector<64x1xf32> -> vector<64x2048xf32>
    %max3A_65 = arith.maximumf %max3A_61, %concatenate3A_64 : vector<64x2048xf32>
    %slice3A_66 = vector.extract_strided_slice %concatenate3A_55 {offsets = [1, 0], sizes = [64, 2048], strides = [1, 1]} : vector<66x2048xf32> to vector<64x2048xf32>
    %slice3A_67 = vector.extract_strided_slice %slice3A_66 {offsets = [0, 2047], sizes = [64, 1], strides = [1, 1]} : vector<64x2048xf32> to vector<64x1xf32>
    %slice3A_68 = vector.extract_strided_slice %slice3A_66 {offsets = [0, 0], sizes = [64, 2047], strides = [1, 1]} : vector<64x2048xf32> to vector<64x2047xf32>
    %concatenate3A_69 = tpu.concatenate %slice3A_67, %slice3A_68 in 1 : vector<64x1xf32>, vector<64x2047xf32> -> vector<64x2048xf32>
    %max3A_70 = arith.maximumf %max3A_65, %concatenate3A_69 : vector<64x2048xf32>
    %max3A_71 = arith.maximumf %max3A_70, %slice3A_66 : vector<64x2048xf32>
    %slice3A_72 = vector.extract_strided_slice %slice3A_66 {offsets = [0, 1], sizes = [64, 2047], strides = [1, 1]} : vector<64x2048xf32> to vector<64x2047xf32>
    %slice3A_73 = vector.extract_strided_slice %slice3A_66 {offsets = [0, 0], sizes = [64, 1], strides = [1, 1]} : vector<64x2048xf32> to vector<64x1xf32>
    %concatenate3A_74 = tpu.concatenate %slice3A_72, %slice3A_73 in 1 : vector<64x2047xf32>, vector<64x1xf32> -> vector<64x2048xf32>
    %max3A_75 = arith.maximumf %max3A_71, %concatenate3A_74 : vector<64x2048xf32>
    %slice3A_76 = vector.extract_strided_slice %concatenate3A_55 {offsets = [2, 0], sizes = [64, 2048], strides = [1, 1]} : vector<66x2048xf32> to vector<64x2048xf32>
    %slice3A_77 = vector.extract_strided_slice %slice3A_76 {offsets = [0, 2047], sizes = [64, 1], strides = [1, 1]} : vector<64x2048xf32> to vector<64x1xf32>
    %slice3A_78 = vector.extract_strided_slice %slice3A_76 {offsets = [0, 0], sizes = [64, 2047], strides = [1, 1]} : vector<64x2048xf32> to vector<64x2047xf32>
    %concatenate3A_79 = tpu.concatenate %slice3A_77, %slice3A_78 in 1 : vector<64x1xf32>, vector<64x2047xf32> -> vector<64x2048xf32>
    %max3A_80 = arith.maximumf %max3A_75, %concatenate3A_79 : vector<64x2048xf32>
    %max3A_81 = arith.maximumf %max3A_80, %slice3A_76 : vector<64x2048xf32>
    %slice3A_82 = vector.extract_strided_slice %slice3A_76 {offsets = [0, 1], sizes = [64, 2047], strides = [1, 1]} : vector<64x2048xf32> to vector<64x2047xf32>
    %slice3A_83 = vector.extract_strided_slice %slice3A_76 {offsets = [0, 0], sizes = [64, 1], strides = [1, 1]} : vector<64x2048xf32> to vector<64x1xf32>
    %concatenate3A_84 = tpu.concatenate %slice3A_82, %slice3A_83 in 1 : vector<64x2047xf32>, vector<64x1xf32> -> vector<64x2048xf32>
    %max3A_85 = arith.maximumf %max3A_81, %concatenate3A_84 : vector<64x2048xf32>
    %get3A_86 = arith.constant 0 : index
    %get3A_87 = arith.constant 0 : index
    %get3A_88 = arith.constant 0 : index
    %get3A_89 = vector.load %arg6[%get3A_86, %get3A_87, %get3A_88] : memref<1x1x2048xf32, #tpu.memory_space<vmem>>, vector<1x1x2048xf32>
    %get3A_90 = vector.shape_cast %get3A_89 : vector<1x1x2048xf32> to vector<1x2048xf32>
    %get3A_91 = arith.constant 0 : index
    %get3A_92 = arith.constant 0 : index
    %get3A_93 = vector.load %arg3[%get3A_91, %get3A_92] : memref<64x2048xf32, #tpu.memory_space<vmem>>, vector<64x2048xf32>
    %get3A_94 = arith.constant 0 : index
    %get3A_95 = arith.constant 0 : index
    %get3A_96 = arith.constant 0 : index
    %get3A_97 = vector.load %arg9[%get3A_94, %get3A_95, %get3A_96] : memref<1x1x2048xf32, #tpu.memory_space<vmem>>, vector<1x1x2048xf32>
    %get3A_98 = vector.shape_cast %get3A_97 : vector<1x1x2048xf32> to vector<1x2048xf32>
    %concatenate3A_99 = tpu.concatenate %get3A_90, %get3A_93, %get3A_98 in 0 : vector<1x2048xf32>, vector<64x2048xf32>, vector<1x2048xf32> -> vector<66x2048xf32>
    %slice3A_100 = vector.extract_strided_slice %concatenate3A_99 {offsets = [0, 0], sizes = [64, 2048], strides = [1, 1]} : vector<66x2048xf32> to vector<64x2048xf32>
    %slice3A_101 = vector.extract_strided_slice %slice3A_100 {offsets = [0, 2047], sizes = [64, 1], strides = [1, 1]} : vector<64x2048xf32> to vector<64x1xf32>
    %slice3A_102 = vector.extract_strided_slice %slice3A_100 {offsets = [0, 0], sizes = [64, 2047], strides = [1, 1]} : vector<64x2048xf32> to vector<64x2047xf32>
    %concatenate3A_103 = tpu.concatenate %slice3A_101, %slice3A_102 in 1 : vector<64x1xf32>, vector<64x2047xf32> -> vector<64x2048xf32>
    %max3A_104 = arith.maximumf %max3A_85, %concatenate3A_103 : vector<64x2048xf32>
    %max3A_105 = arith.maximumf %max3A_104, %slice3A_100 : vector<64x2048xf32>
    %slice3A_106 = vector.extract_strided_slice %slice3A_100 {offsets = [0, 1], sizes = [64, 2047], strides = [1, 1]} : vector<64x2048xf32> to vector<64x2047xf32>
    %slice3A_107 = vector.extract_strided_slice %slice3A_100 {offsets = [0, 0], sizes = [64, 1], strides = [1, 1]} : vector<64x2048xf32> to vector<64x1xf32>
    %concatenate3A_108 = tpu.concatenate %slice3A_106, %slice3A_107 in 1 : vector<64x2047xf32>, vector<64x1xf32> -> vector<64x2048xf32>
    %max3A_109 = arith.maximumf %max3A_105, %concatenate3A_108 : vector<64x2048xf32>
    %slice3A_110 = vector.extract_strided_slice %concatenate3A_99 {offsets = [1, 0], sizes = [64, 2048], strides = [1, 1]} : vector<66x2048xf32> to vector<64x2048xf32>
    %slice3A_111 = vector.extract_strided_slice %slice3A_110 {offsets = [0, 2047], sizes = [64, 1], strides = [1, 1]} : vector<64x2048xf32> to vector<64x1xf32>
    %slice3A_112 = vector.extract_strided_slice %slice3A_110 {offsets = [0, 0], sizes = [64, 2047], strides = [1, 1]} : vector<64x2048xf32> to vector<64x2047xf32>
    %concatenate3A_113 = tpu.concatenate %slice3A_111, %slice3A_112 in 1 : vector<64x1xf32>, vector<64x2047xf32> -> vector<64x2048xf32>
    %max3A_114 = arith.maximumf %max3A_109, %concatenate3A_113 : vector<64x2048xf32>
    %max3A_115 = arith.maximumf %max3A_114, %slice3A_110 : vector<64x2048xf32>
    %slice3A_116 = vector.extract_strided_slice %slice3A_110 {offsets = [0, 1], sizes = [64, 2047], strides = [1, 1]} : vector<64x2048xf32> to vector<64x2047xf32>
    %slice3A_117 = vector.extract_strided_slice %slice3A_110 {offsets = [0, 0], sizes = [64, 1], strides = [1, 1]} : vector<64x2048xf32> to vector<64x1xf32>
    %concatenate3A_118 = tpu.concatenate %slice3A_116, %slice3A_117 in 1 : vector<64x2047xf32>, vector<64x1xf32> -> vector<64x2048xf32>
    %max3A_119 = arith.maximumf %max3A_115, %concatenate3A_118 : vector<64x2048xf32>
    %slice3A_120 = vector.extract_strided_slice %concatenate3A_99 {offsets = [2, 0], sizes = [64, 2048], strides = [1, 1]} : vector<66x2048xf32> to vector<64x2048xf32>
    %slice3A_121 = vector.extract_strided_slice %slice3A_120 {offsets = [0, 2047], sizes = [64, 1], strides = [1, 1]} : vector<64x2048xf32> to vector<64x1xf32>
    %slice3A_122 = vector.extract_strided_slice %slice3A_120 {offsets = [0, 0], sizes = [64, 2047], strides = [1, 1]} : vector<64x2048xf32> to vector<64x2047xf32>
    %concatenate3A_123 = tpu.concatenate %slice3A_121, %slice3A_122 in 1 : vector<64x1xf32>, vector<64x2047xf32> -> vector<64x2048xf32>
    %max3A_124 = arith.maximumf %max3A_119, %concatenate3A_123 : vector<64x2048xf32>
    %max3A_125 = arith.maximumf %max3A_124, %slice3A_120 : vector<64x2048xf32>
    %slice3A_126 = vector.extract_strided_slice %slice3A_120 {offsets = [0, 1], sizes = [64, 2047], strides = [1, 1]} : vector<64x2048xf32> to vector<64x2047xf32>
    %slice3A_127 = vector.extract_strided_slice %slice3A_120 {offsets = [0, 0], sizes = [64, 1], strides = [1, 1]} : vector<64x2048xf32> to vector<64x1xf32>
    %concatenate3A_128 = tpu.concatenate %slice3A_126, %slice3A_127 in 1 : vector<64x2047xf32>, vector<64x1xf32> -> vector<64x2048xf32>
    %max3A_129 = arith.maximumf %max3A_125, %concatenate3A_128 : vector<64x2048xf32>
    %iota3A = tpu.iota {dimensions = array<i32: 1>} : vector<64x2048xi32>
    %iota3A_130 = tpu.iota {dimensions = array<i32: 0>} : vector<64x2048xi32>
    %mul3A = arith.constant 64 : i32
    %mul3A_131 = arith.muli %arg0, %mul3A : i32
    %add3A = vector.broadcast %mul3A_131 : i32 to vector<64x2048xi32>
    %add3A_132 = arith.addi %iota3A_130, %add3A : vector<64x2048xi32>
    %sub3A = arith.subf %get3A_1, %max3A_129 : vector<64x2048xf32>
    %add3A_133 = arith.constant 9.99999974E-6 : f32
    %add3A_134 = vector.broadcast %add3A_133 : f32 to vector<64x2048xf32>
    %add3A_135 = arith.addf %sub3A, %add3A_134 : vector<64x2048xf32>
    %gt3A = arith.constant 0.000000e+00 : f32
    %gt3A_136 = vector.broadcast %gt3A : f32 to vector<64x2048xf32>
    %gt3A_137 = arith.cmpf ogt, %add3A_135, %gt3A_136 : vector<64x2048xf32>
    %gt3A_138 = arith.constant 0 : i32
    %gt3A_139 = vector.broadcast %gt3A_138 : i32 to vector<64x2048xi32>
    %gt3A_140 = arith.cmpi sgt, %iota3A, %gt3A_139 : vector<64x2048xi32>
    %lt3A = arith.constant 2047 : i32
    %lt3A_141 = vector.broadcast %lt3A : i32 to vector<64x2048xi32>
    %lt3A_142 = arith.cmpi slt, %iota3A, %lt3A_141 : vector<64x2048xi32>
    %and3A = arith.andi %gt3A_140, %lt3A_142 : vector<64x2048xi1>
    %and3A_143 = arith.andi %gt3A_137, %and3A : vector<64x2048xi1>
    %gt3A_144 = arith.constant 0 : i32
    %gt3A_145 = vector.broadcast %gt3A_144 : i32 to vector<64x2048xi32>
    %gt3A_146 = arith.cmpi sgt, %add3A_132, %gt3A_145 : vector<64x2048xi32>
    %lt3A_147 = arith.constant 2047 : i32
    %lt3A_148 = vector.broadcast %lt3A_147 : i32 to vector<64x2048xi32>
    %lt3A_149 = arith.cmpi slt, %add3A_132, %lt3A_148 : vector<64x2048xi32>
    %and3A_150 = arith.andi %gt3A_146, %lt3A_149 : vector<64x2048xi1>
    %and3A_151 = arith.andi %and3A_143, %and3A_150 : vector<64x2048xi1>
    %jit3A = arith.constant 0.000000e+00 : f32
    %broadcast_in_dim3A = vector.broadcast %jit3A : f32 to vector<64x2048xf32>
    %select_n3A = arith.select %and3A_151, %get3A_1, %broadcast_in_dim3A : vector<64x2048xi1>, vector<64x2048xf32>
    %swap3A = arith.constant 0 : index
    %swap3A_152 = arith.constant 0 : index
    %swap3A_153 = vector.load %arg10[%swap3A, %swap3A_152] : memref<64x2048xf32, #tpu.memory_space<vmem>>, vector<64x2048xf32>
    tpu.vector_store %arg10[%swap3A, %swap3A_152], %select_n3A {strides = array<i32>} : memref<64x2048xf32, #tpu.memory_space<vmem>>, vector<64x2048xf32>,
    return
  }
  func.func @transform_0(%arg0: i32) -> (i32, i32) {
    %c0_i32 = arith.constant 0 : i32
    %c0_i32_0 = arith.constant 0 : i32
    return %arg0, %c0_i32 : i32, i32
  }
  func.func @transform_1(%arg0: i32) -> (i32, i32) {
    %c0_i32 = arith.constant 0 : i32
    %c0_i32_0 = arith.constant 0 : i32
    return %arg0, %c0_i32 : i32, i32
  }
  func.func @transform_2(%arg0: i32) -> (i32, i32) {
    %c0_i32 = arith.constant 0 : i32
    %c0_i32_0 = arith.constant 0 : i32
    return %arg0, %c0_i32 : i32, i32
  }
  func.func @transform_3(%arg0: i32) -> (i32, i32, i32) {
    %c0_i32 = arith.constant 0 : i32
    %c0_i32_0 = arith.constant 0 : i32
    %c0_i32_1 = arith.constant 0 : i32
    return %arg0, %c0_i32, %c0_i32_0 : i32, i32, i32
  }
  func.func @transform_4(%arg0: i32) -> (i32, i32, i32) {
    %c0_i32 = arith.constant 0 : i32
    %c0_i32_0 = arith.constant 0 : i32
    %c0_i32_1 = arith.constant 0 : i32
    return %arg0, %c0_i32, %c0_i32_0 : i32, i32, i32
  }
  func.func @transform_5(%arg0: i32) -> (i32, i32, i32) {
    %c0_i32 = arith.constant 0 : i32
    %c0_i32_0 = arith.constant 0 : i32
    %c0_i32_1 = arith.constant 0 : i32
    return %arg0, %c0_i32, %c0_i32_0 : i32, i32, i32
  }
  func.func @transform_6(%arg0: i32) -> (i32, i32, i32) {
    %c0_i32 = arith.constant 0 : i32
    %c0_i32_0 = arith.constant 0 : i32
    %c0_i32_1 = arith.constant 0 : i32
    return %arg0, %c0_i32, %c0_i32_0 : i32, i32, i32
  }
  func.func @transform_7(%arg0: i32) -> (i32, i32, i32) {
    %c0_i32 = arith.constant 0 : i32
    %c0_i32_0 = arith.constant 0 : i32
    %c0_i32_1 = arith.constant 0 : i32
    return %arg0, %c0_i32, %c0_i32_0 : i32, i32, i32
  }
  func.func @transform_8(%arg0: i32) -> (i32, i32, i32) {
    %c0_i32 = arith.constant 0 : i32
    %c0_i32_0 = arith.constant 0 : i32
    %c0_i32_1 = arith.constant 0 : i32
    return %arg0, %c0_i32, %c0_i32_0 : i32, i32, i32
  }
  func.func @transform_9(%arg0: i32) -> (i32, i32) {
    %c0_i32 = arith.constant 0 : i32
    %c0_i32_0 = arith.constant 0 : i32
    return %arg0, %c0_i32 : i32, i32
  }
}

</mosaic_0001>

<sc_bundles>
// kernel: _run.5.cloned.1.call-start
scs
__scs_entry_jumppad:
0x0: {  	(pc) =	sbr.rel $0x88, $3  }
0x1: {  	(tag) =	ssettag $0x0;
	lr =	simm.s32 $0x1  }
0x2: {  	[smem:$0x3F9E] =	sst lr;
	_ =	strace $0xD0000000  }
0x3: {  	_ = 	snop  }
0x4: {  	_ = 	snop  }
0x5: {  	_ = 	snop  }
0x6: {  	_ = 	snop  }
0x7: {  	_ = 	snop  }
__scs_overlays_trampoline_lowered:
0x8: {  	[smem:$0x3FAD] =	sst s0  }
0x9: {  	[smem:$0x3FAE] =	sst s1  }
0xa: {  	[smem:$0x3FAF] =	sst s2  }
0xb: {  	[smem:$0x3FB0] =	sst s3  }
0xc: {  	[smem:$0x3FB1] =	sst s4  }
0xd: {  	[smem:$0x3FB2] =	sst s5  }
0xe: {  	[smem:$0x3FB3] =	sst s6  }
0xf: {  	[smem:$0x3FB4] =	sst s7  }
0x10: {  	[smem:$0x3FB5] =	sst s8  }
0x11: {  	[smem:$0x3FB6] =	sst s9;
	s0 =	simm.s32 @!p0 $0x0  }
0x12: {  	s1 =	sld [smem:$0x3F9C];
	s0 =	simm.s32 @p0 $0x1  }
0x13: {  	[smem:$0x3FB7] =	sst s0;
	s0 =	simm.s32 @!p1 $0x0  }
0x14: {  	s2 =	sld [smem:$0x3F9B];
	s0 =	simm.s32 @p1 $0x1  }
0x15: {  	[smem:$0x3FB8] =	sst s0;
	s0 =	simm.s32 @!p2 $0x0  }
0x16: {  	s3 =	sld [smem:$0x3FDB];
	s0 =	simm.s32 @p2 $0x1  }
0x17: {  	s4 =	simm.s32 $0x1BF5;
	[smem:$0x3FBA] =	sst s0  }
0x18: {  	s0 =	sld [smem:$0x3F9D];
	_ =	swait.ge [sflag:s4], $0x0  }
0x19: {  	s7 =	sld [smem:$0x3F9E]  }
0x1a: {  	s8 =	sadd.s32 $0xFFFFE003, lr  }
0x1b: {  	s9 =	sadd.s32 $0xFFFFFEF7, lr;
	s5 =	simm.s32 $0xFFFFFFFF;
	p2 =	slt.u32 s8, $0xFFFFF086  }
0x1c: {  	p1 =	slt.u32 s9, $0xF7A;
	s5 =	simm.s32 @!p2 $0x0  }
0x1d: {  	s5 =	simm.s32 @p1 $0x1;
	p0 =	seq.s32 s7, s2  }
0x1e: {  	s7 =	smul.u32 @!p0 $0xF7A, s2;
	p2 =	seq.s32 @!p0 s5, $0x0  }
0x1f: {  	s9 =	smul.u32 $0xF7A, s1;
	s8 =	simm.s32 @!p0 $0x1BF5;
	p2 =	por !p2, p0  }
0x20: {  	[sflag:s8] =	ssyncset.s32 @!p0 $0xFFFFF086;
	s6 =	sadd.s32 @!p0 s3, s7;
	s7 =	simm.s32 @!p0 $0x108  }
0x21: {  	s3 =	sadd.s32 s3, s9;
	s6 =	sadd.s32 @!p0 $0x88, s6;
	s7 =	simm.s32 @p2 $0x1082  }
0x22: {  	[simem:s7], [sflag:s8] =	dma.local @!p0 [hbm:s6], $0xF7A  }
0x23: {  	s9 =	sor.u32 $0xD0000000, s2;
	s6 =	simm.s32 $0x108;
	_ =	swait.ge @!p0 [sflag:s8], $0x0  }
0x24: {  	s3 =	sadd.s32 $0x88, s3;
	s6 =	simm.s32 @!p1 $0x1082;
	[sflag:s4] =	ssyncset.s32 $0xFFFFF086  }
0x25: {  	[simem:s6], [sflag:s4] =	dma.local [hbm:s3], $0xF7A  }
0x26: {  	[smem:$0x3F9E] =	sst s1;
	(tag) =	ssettag s2;
	_ =	strace s9  }
0x27: {  	s1 =	sld [smem:$0x3FAE]  }
0x28: {  	s2 =	sld [smem:$0x3FAF]  }
0x29: {  	s4 =	sld [smem:$0x3FB1]  }
0x2a: {  	p0 =	seq.s32 s5, $0x0;
	s5 =	sld [smem:$0x3FB2]  }
0x2b: {  	s6 =	sld [smem:$0x3FB3]  }
0x2c: {  	s7 =	sld [smem:$0x3FB4]  }
0x2d: {  	s3 =	simm.s32 $0x108;
	s8 =	sld [smem:$0x3FB5]  }
0x2e: {  	s3 =	simm.s32 @!p0 $0x1082;
	s9 =	sld [smem:$0x3FB6]  }
0x2f: {  	lr =	sadd.s32 s0, s3;
	s0 =	sld [smem:$0x3FAD]  }
0x30: {  	s3 =	sld [smem:$0x3FB0]  }
0x31: {  	[smem:$0x3FB9] =	sst s10  }
0x32: {  	s10 =	sld [smem:$0x3FB7];
	_ =	sdelay $0x3  }
0x33: {  	p0 =	seq.s32 s10, $0x1;
	s10 =	sld [smem:$0x3FB9];
	_ =	sdelay $0x3  }
0x34: {  	[smem:$0x3FB9] =	sst s10  }
0x35: {  	s10 =	sld [smem:$0x3FB8];
	_ =	sdelay $0x3  }
0x36: {  	p1 =	seq.s32 s10, $0x1;
	s10 =	sld [smem:$0x3FB9];
	_ =	sdelay $0x3  }
0x37: {  	[smem:$0x3FB9] =	sst s10  }
0x38: {  	s10 =	sld [smem:$0x3FBA]  }
0x39: {  	_ = 	snop;
	(pc) =	sbr.ind lr, $3  }
0x3a: {  	_ = 	snop  }
0x3b: {  	_ = 	snop  }
0x3c: {  	p2 =	seq.s32 s10, $0x1;
	s10 =	sld [smem:$0x3FB9]  }
0x3d: {  	_ =	shalt  }
0x3e: {  	_ =	shalt  }
0x3f: {  	_ =	shalt  }
0x40: {  	_ =	shalt  }
0x41: {  	_ =	shalt  }
0x42: {  	_ =	shalt  }
0x43: {  	_ =	shalt  }
0x44: {  	_ =	shalt  }
0x45: {  	_ =	shalt  }
0x46: {  	_ =	shalt  }
0x47: {  	_ =	shalt  }
0x48: {  	_ =	shalt  }
0x49: {  	_ =	shalt  }
0x4a: {  	_ =	shalt  }
0x4b: {  	_ =	shalt  }
0x4c: {  	_ =	shalt  }
0x4d: {  	_ =	shalt  }
0x4e: {  	_ =	shalt  }
0x4f: {  	_ =	shalt  }
0x50: {  	_ =	shalt  }
0x51: {  	_ =	shalt  }
0x52: {  	_ =	shalt  }
0x53: {  	_ =	shalt  }
0x54: {  	_ =	shalt  }
0x55: {  	_ =	shalt  }
0x56: {  	_ =	shalt  }
0x57: {  	_ =	shalt  }
0x58: {  	_ =	shalt  }
0x59: {  	_ =	shalt  }
0x5a: {  	_ =	shalt  }
0x5b: {  	_ =	shalt  }
0x5c: {  	_ =	shalt  }
0x5d: {  	_ =	shalt  }
0x5e: {  	_ =	shalt  }
0x5f: {  	_ =	shalt  }
0x60: {  	_ =	shalt  }
0x61: {  	_ =	shalt  }
0x62: {  	_ =	shalt  }
0x63: {  	_ =	shalt  }
0x64: {  	_ =	shalt  }
0x65: {  	_ =	shalt  }
0x66: {  	_ =	shalt  }
0x67: {  	_ =	shalt  }
0x68: {  	_ =	shalt  }
0x69: {  	_ =	shalt  }
0x6a: {  	_ =	shalt  }
0x6b: {  	_ =	shalt  }
0x6c: {  	_ =	shalt  }
0x6d: {  	_ =	shalt  }
0x6e: {  	_ =	shalt  }
0x6f: {  	_ =	shalt  }
0x70: {  	_ =	shalt  }
0x71: {  	_ =	shalt  }
0x72: {  	_ =	shalt  }
0x73: {  	_ =	shalt  }
0x74: {  	_ =	shalt  }
0x75: {  	_ =	shalt  }
0x76: {  	_ =	shalt  }
0x77: {  	_ =	shalt  }
0x78: {  	_ =	shalt  }
0x79: {  	_ =	shalt  }
0x7a: {  	_ =	shalt  }
0x7b: {  	_ =	shalt  }
0x7c: {  	_ =	shalt  }
0x7d: {  	_ =	shalt  }
0x7e: {  	_ =	shalt  }
0x7f: {  	_ =	shalt  }
0x80: {  	_ =	shalt  }
0x81: {  	_ =	shalt  }
0x82: {  	_ =	shalt  }
0x83: {  	_ =	shalt  }
0x84: {  	_ =	shalt  }
0x85: {  	_ =	shalt  }
0x86: {  	_ =	shalt  }
0x87: {  	_ =	shalt  }
.Lfunc_end0:
.L_simem_size_0:
called_computation.1_lowered:
.L_overlay_start_0:
0x88: {  	s2 =	sld [smem:$0x3FD9]  }
0x89: {  	s3 =	sld [smem:$0x3FFE];
	_ =	sdelay $0x1  }
0x8a: {  	s1 =	srdreg.scid  }
0x8b: {  	s0 =	sand.u32 $0x1, s1  }
0x8c: {  	s16 =	sshll.u32 s0, $0xA;
	s2 =	sadd.s32 s3, s2  }
0x8d: {  	s2 =	sadd.s32 s2, s16  }
0x8e: {  	[smem:$0x3FC5] =	sst s2  }
0x8f: {  	_ = 	snop  }
0x90: {  	(tm) =	ssettm $0x1  }
0x91: {  	s17 =	sld [smem:$0x3FFB];
	_ =	sdelay $0x3  }
0x92: {  	_ =	strace s17  }
0x93: {  	s2 =	sld [smem:$0x3FFC];
	_ =	sdelay $0x3  }
0x94: {  	_ =	strace s2  }
0x95: {  	s2 =	sld [smem:$0x3FFD];
	_ =	sdelay $0x3  }
0x96: {  	_ =	strace s2  }
0x97: {  	_ =	strace $0x8FFFFFFF  }
0x98: {  	s18 =	sld [smem:$0x3FDB];
	_ =	sdelay $0x1  }
0x99: {  	s19 =	simm.s32 $_scs_section_size  }
0x9a: {  	s4 =	simm.s32 $_size__tile_overlayer_lowered;
	s5 =	simm.s32 $_tile_overlayer_lowered  }
0x9b: {  	s22 =	simm.s32 $0x1BFF;
	s21 =	sshll.u32 s5, $0x1;
	s2 =	sadd.s32 s19, s18  }
0x9c: {  	s6 =	simm.s32 $0x0;
	s20 =	sshll.u32 s4, $0x1;
	s4 =	sadd.s32 s21, s2  }
0x9d: {  	[timem:s6], [sflag:s22] =	dma.local [hbm:s4], s20  }
0x9e: {  	_ =	swait.ge [sflag:s22], s20  }
0x9f: {  	s3 =	ssub.s32 $0x0, s20;
	[sflag:s22] =	ssyncset.done $0x0  }
0xa0: {  	[sflag:s22] =	ssyncadd.s32 s3;
	_ =	sdelay $0x1  }
0xa1: {  	s23 =	simm.s32 $0x1B8B  }
0xa2: {  	_ =	swait.ge [sflag:s23], $0x1  }
0xa3: {  	[sflag:s23] =	ssyncset.done $0x0  }
0xa4: {  	s25 =	simm.s32 $0x1B8E;
	s24 =	sld [smem:$0x3FFE];
	[sflag:s23] =	ssyncadd.s32 $0xFFFFFFFF  }
0xa5: {  	s26 =	simm.s32 $execute0_lowered;
	[smem:$0x3FD2] =	sst s25  }
0xa6: {  	s4 =	sshll.u32 s26, $0x1;
	_ =	strace $0x80000046;
	[dreg:$0x1] =	wrdreg $0xFFFFFFFF  }
0xa7: {  	s28 =	simm.s32 $_size_execute0_lowered;
	s2 =	sadd.s32 s2, s4;
	[dreg:$0x0] =	wrdreg $0x0  }
0xa8: {  	s4 =	sshll.u32 s28, $0x1;
	[dreg:$0x2] =	wrdreg s2  }
0xa9: {  	[dreg:$0x3] =	wrdreg s4  }
0xaa: {  	[dreg:$0x4] =	wrdreg $0xC0  }
0xab: {  	_ =	task [dreg:s6], $0x5FFFF  }
0xac: {  	[dreg:$0x1] =	wrdreg $0xFFFFFFFF  }
0xad: {  	[dreg:$0x0] =	wrdreg $0x60  }
0xae: {  	[dreg:$0x2] =	wrdreg s24  }
0xaf: {  	[dreg:$0x3] =	wrdreg $0x9  }
0xb0: {  	_ =	task.clear_ibuf [dreg:s6], $0x4FFFF;
	_ =	strace $0x90000046  }
0xb1: {  	s29 =	simm.s32 $0x9;
	_ =	strace $0x80000048  }
0xb2: {  	_ =	swait.ge [sflag:s29], $0x1  }
0xb3: {  	[sflag:s29] =	ssyncadd.s32 $0xFFFFFFFF  }
0xb4: {  	_ =	strace $0x90000048  }
0xb5: {  	_ =	sfence  }
0xb6: {  	s30 =	sld [smem:$0x0];
	_ =	sdelay $0x2  }
0xb7: {  	s31 =	sshll.u32 s1, $0xD;
	s1 =	sshrl.u32 s1, $0x2  }
0xb8: {  	s3 =	sand.u32 $0x4000, s31;
	s1 =	sadd.s32 s1, s30  }
0xb9: {  	s0 =	sor.u32 s3, s0;
	s1 =	sshll.u32 s1, $0x11  }
0xba: {  	s0 =	sor.u32 s1, s0  }
0xbb: {  	s0 =	sadd.s32 $0x8F2B, s0  }
0xbc: {  	[sflag:s0] =	ssyncadd.remote.s32 $0x1  }
0xbd: {  	_ =	sfence.sel $0xFFFF  }
0xbe: {  	[dreg:$0x0] =	wrdreg $0xFFFFFFFF;
	(pc) =	sbr.abs _section_cstart, $3  }
0xbf: {  	[dreg:$0x1] =	wrdreg $0xFFFFFFFF  }
0xc0: {  	_ =	task.clear_ibuf [dreg:s6], $0x2FFFF;
	_ =	strace $0x9FFFFFFF  }
0xc1: {  	(tm) =	ssettm $0x7FFFFFFF  }
tec
execute0_lowered:
.L_overlay_start_1:
0x0: {  	(tag) =	ssettag $0x1  }
0x1: {  	s0 =	srdreg.scid  }
0x2: {  	s1 =	rddreg [dreg:$0x0];
	s2 =	simm.s32 $0x0;
	s0 =	sand.u32 $0x1, s0  }
0x3: {  	s4 =	stileid.u32;
	[smem:$0x7FF] =	sst s2;
	s3 =	sshll.u32 s0, $0x4  }
0x4: {  	s6 =	sadd.s32 $0x1000, s1;
	s0 =	ssub.s32 $0x2, s0;
	s5 =	sor.u32 s4, s3  }
0x5: {  	s4 =	sshll.u32 s4, $0x4;
	s7 =	sshrl.u32 s0, $0x1;
	s3 =	sshll.u32 s5, $0x7  }
0x6: {  	_ =	strace $0x80000047;
	s0 =	ssub.s32 s0, s7;
	s3 =	sor.u32 s4, s3  }
0x7: {  	s4 =	sand.u32 $0xC70, s3;
	s3 =	sshll.u32 s5, $0x6;
	s5 =	sshll.u32 s5, $0xE  }
0x8: {  	s1 =	sadd.s32 s4, s1;
	s4 =	sor.u32 $0x8, s3;
	s5 =	sadd.s32 s6, s5  }
0x9: {  	s7 =	sor.u32 $0x10, s3;
	s8 =	sor.u32 $0x18, s3;
	s9 =	sor.u32 $0x20, s3  }
0xa: {  	s13 =	sor.u32 $0x28, s3;
	s14 =	sor.u32 $0x30, s3;
	s15 =	sor.u32 $0x38, s3  }
0xb: {  	s21 =	sshll.u32 s4, $0x8;
	[dreg:$0x2] =	wrdreg s5;
	s23 =	sshll.u32 s7, $0x8  }
0xc: {  	s24 =	sshll.u32 s8, $0x8;
	s10 =	sshll.u32 s9, $0x8;
	s31 =	sadd.s32 $0x81000, s1  }
0xd: {  	s26 =	sshll.u32 s13, $0x8;
	s1 =	sadd.s32 $0x82000, s1;
	[dreg:$0xa] =	wrdreg s31  }
0xe: {  	s28 =	sshll.u32 s14, $0x8;
	s22 =	sadd.s32 s6, s21;
	[dreg:$0xb] =	wrdreg s1  }
0xf: {  	s29 =	sshll.u32 s15, $0x8;
	s5 =	sadd.s32 s6, s23;
	[dreg:$0x3] =	wrdreg s22  }
0x10: {  	s25 =	sadd.s32 s6, s10;
	s30 =	sadd.s32 s6, s29;
	[dreg:$0x4] =	wrdreg s5  }
.Ltmp0:
0x11: {  	s21 =	smax.u32 s0, $0x1;
	[dreg:$0x6] =	wrdreg s25;
	(pc) =	sbr.rel .LBB2_1-.Ltmp0, $4  }
0x12: {  	s23 =	simm.s32 $0x4000;
	s5 =	sadd.s32 s6, s24;
	[dreg:$0x9] =	wrdreg s30  }
0x13: {  	s22 =	simm.s32 $0x1;
	[dreg:$0x5] =	wrdreg s5;
	s5 =	sadd.s32 s6, s26  }
0x14: {  	v0 =	vimm.f32 $-1.000000000e+00;
	v1 =	vlaneseq.u32;
	s24 =	simm.s32 $0x8080;
	[dreg:$0x7] =	wrdreg s5;
	s5 =	sadd.s32 s6, s28  }
0x15: {  	v2 =	vimm.s32 $0x0;
	v3 =	vor.u32 $0x4000, v1;
	v4 =	vor.u32 $0x410, v1;
	s25 =	simm.s32 $0xC100;
	s26 =	simm.s32 $0xC580;
	[dreg:$0x8] =	wrdreg s5  }
.LBB2_39:
0x16: {  	s6 =	simm.s32 $0x8080  }
.LBB2_43:
0x17: {  	(xrf0) =	vadd.scan.msk.s32 $0xffff, v7;
	_ =	sdelay $0x5  }
0x18: {  	v6, _, _ =	vpop (xrf0)  }
0x19: {  	s5 =	sadd.s32 @p0 s5, s12;
	(v2sf) =	vpush v6, $0xF  }
0x1a: {  	s1 =	smov.u32 @p0 s5  }
0x1b: {  	p1 =	slt.s32 s1, $0x400  }
0x1c: {  	s1 =	simm.s32 @!p1 $0x400  }
0x1d: {  	v7 =	vmov s1  }
0x1e: {  	v7 =	vadd.s32 $0xFFFFFFFF, v7  }
0x1f: {  	v7 =	vbroadcast v7, $0x0;
	_ =	sdelay $0x1  }
0x20: {  	s1 =	sadd.s32 @p0 $0x10, s6;
	v6 =	vadd.s32 v6, v7  }
0x21: {  	s0 =	smov.u32 @p0 s1;
	v6 =	vsel vm0, v6, v4  }
0x22: {  	v7 =	vld [tilespmem:s0+$0x0];
	_ =	sdelay $0x3  }
0x23: {  	[tilespmem:v6+s25+$0x0] =	vst.idx.msk $0xffff, v5  }
0x24: {  	[tilespmem:v6+s26+$0x0] =	vst.idx.msk $0xffff, v7;
	s31 =	spop (v2sf)  }
.LBB2_44:
0x25: {  	s0 =	rddreg [dreg:$0xa];
	s1 =	simm.s32 $0x80;
	s5 =	simm.s32 $0x400  }
0x26: {  	[hbm4b:s0+s1] =	stream.strided.scatter [tilespmem:s25], [sflag:$0x1], $0x400, s5, s1, $0x38;
	[tilespmem:$0xCA00] =	vst v63  }
0x27: {  	s2 =	sadd.s32 $0x1, s2;
	_ =	swait.ge [sflag:s22], $0x400  }
0x28: {  	p0 =	sne.s32 s2, s21;
	[sflag:s22] =	ssyncset.done $0x0  }
.Ltmp1:
0x29: {  	s31 =	rddreg [dreg:$0xb];
	[sflag:s22] =	ssyncadd.s32 $0xFFFFFC00;
	(pc) =	sbr.rel @!p0 .LBB2_45-.Ltmp1, $4  }
0x2a: {  	[hbm4b:s31+s1] =	stream.strided.scatter [tilespmem:s26], [sflag:$0x1], $0x400, s5, s1, $0x38;
	[tilespmem:$0xCA00] =	vst v63  }
0x2b: {  	_ =	swait.ge [sflag:s22], $0x400  }
0x2c: {  	[sflag:s22] =	ssyncset.done $0x0  }
0x2d: {  	[sflag:s22] =	ssyncadd.s32 $0xFFFFFC00  }
.LBB2_1:
0x2e: {  	s0 =	simm.s32 $0x40;
	s1 =	simm.s32 $0x0  }
.LBB2_2:
0x2f: {  	p0 =	sne.s32 s0, $0x10000;
	[tilespmem:s1+$0x4000] =	vst v0;
	s1 =	smov.u32 s0;
	s0 =	sadd.s32 $0x40, s0  }
.Ltmp2:
0x30: {  	(pc) =	sbr.rel @p0 .LBB2_2-.Ltmp2, $2  }
0x31: {  	_ =	sdelay $0x2  }
0x32: {  	s1 =	sshra.s32 s1, $0x2  }
0x33: {  	[tilespmem:s1+$0x4000] =	vst v0;
	s0 =	simm.s32 $0x0;
	s28 =	rddreg [dreg:$0x2]  }
0x34: {  	[tilespmem:s0], [sflag:$0x1] =	stream.linear.gather [hbm4b:s28+s0], $0x4000, $0x38;
	[tilespmem:$0xCA00] =	vst v63  }
0x35: {  	s29 =	sand.u32 $0x3C00, s0;
	s5 =	sand.u32 $0x380, s0;
	_ =	swait.ge [sflag:s22], $0x4000  }
0x36: {  	s6 =	sand.u32 $0x70, s0;
	s1 =	sor.u32 s5, s29;
	[sflag:s22] =	ssyncset.done $0x0  }
0x37: {  	s1 =	sor.u32 s6, s1;
	[sflag:s22] =	ssyncadd.s32 $0xFFFFC000  }
0x38: {  	v7 =	vld [tilespmem:s1+$0x0];
	_ =	sdelay $0x4  }
0x39: {  	vm0 =	vgt.f32 v7, $0.0e+00  }
0x3a: {  	v5 =	vsel vm0, $0x1, v2  }
0x3b: {  	(xrf0) =	vadd.scan.msk.s32 $0xffff, v5  }
0x3c: {  	p0 =	por $0x1, $0x1;
	s1 =	simm.s32 $0x0  }
0x3d: {  	s1 =	simm.s32 @!p0 $0x3FE0  }
0x3e: {  	v5 =	vmov s1  }
0x3f: {  	v5 =	vadd.s32 $0xFFFFFFFF, v5  }
0x40: {  	v5 =	vbroadcast v5, $0x0  }
0x41: {  	v6, _, _ =	vpop (xrf0)  }
0x42: {  	v5 =	vadd.s32 v6, v5;
	(v2sf) =	vpush v6, $0xF  }
0x43: {  	v5 =	vsel vm0, v5, v3;
	_ =	sdelay $0x1  }
0x44: {  	s30 =	sadd.s32 $0x0, s3  }
0x45: {  	s10 =	simm.s32 $0x2;
	s31 =	sand.u32 $0x7F0, s0;
	s5 =	sshll.u32 s30, $0xB  }
0x46: {  	s16 =	sor.u32 s31, s5;
	s6 =	simm.s32 $0x80;
	s1 =	simm.s32 $0x1  }
0x47: {  	s5 =	simm.s32 $0x10;
	s11 =	sand.u32 $0x3C00, s6;
	s12 =	sand.u32 $0x380, s1;
	v6 =	vor.u32 s16, v1;
	[tilespmem:v5+s23+$0x0] =	vst.idx.msk $0xffff, v7  }
.LBB2_4:
0x48: {  	p0 =	sne.s32 s10, $0x3FF;
	s16 =	sand.u32 $0x70, s5;
	s11 =	sor.u32 s12, s11;
	[tilespmem:v5+s24+$0x0] =	vst.idx.msk $0xffff, v6  }
0x49: {  	s11 =	sor.u32 s16, s11  }
0x4a: {  	v7 =	vld [tilespmem:s11+$0x0];
	_ =	sdelay $0x4  }
0x4b: {  	vm0 =	vgt.f32 v7, $0.0e+00  }
0x4c: {  	v5 =	vsel vm0, $0x1, v2;
	s11 =	spop (v2sf)  }
0x4d: {  	(xrf0) =	vadd.scan.msk.s32 $0xffff, v5;
	s0 =	sadd.s32 s0, s11  }
0x4e: {  	p1 =	slt.s32 s0, $0x3FE0;
	s11 =	smov.u32 s0  }
0x4f: {  	s11 =	simm.s32 @!p1 $0x3FE0  }
0x50: {  	v5 =	vmov s11  }
0x51: {  	v5 =	vadd.s32 $0xFFFFFFFF, v5  }
0x52: {  	v5 =	vbroadcast v5, $0x0  }
0x53: {  	v6, _, _ =	vpop (xrf0)  }
0x54: {  	v5 =	vadd.s32 v6, v5;
	(v2sf) =	vpush v6, $0xF  }
0x55: {  	v5 =	vsel vm0, v5, v3  }
.Ltmp3:
0x56: {  	s11 =	sshrl.u32 s1, $0x7;
	s1 =	smov.u32 s10;
	(pc) =	sbr.rel @p0 .LBB2_4-.Ltmp3, $4  }
0x57: {  	s11 =	sadd.s32 s3, s11  }
0x58: {  	s12 =	sand.u32 $0x7F0, s5;
	s11 =	sshll.u32 s11, $0xB  }
0x59: {  	s5 =	sadd.s32 $0x10, s5;
	s6 =	sadd.s32 $0x80, s6;
	s16 =	sor.u32 s12, s11  }
0x5a: {  	s10 =	sadd.s32 $0x1, s10;
	s11 =	sand.u32 $0x3C00, s6;
	s12 =	sand.u32 $0x380, s1;
	v6 =	vor.u32 s16, v1;
	[tilespmem:v5+s23+$0x0] =	vst.idx.msk $0xffff, v7  }
0x5b: {  	_ =	sdelay $0x2  }
0x5c: {  	s6 =	sand.u32 $0x70, s5;
	s10 =	sor.u32 s12, s11  }
0x5d: {  	[tilespmem:v5+s24+$0x0] =	vst.idx.msk $0xffff, v6;
	s6 =	sor.u32 s6, s10  }
0x5e: {  	v5 =	vld [tilespmem:s6+$0x0];
	_ =	sdelay $0x4  }
0x5f: {  	vm0 =	vgt.f32 v5, $0.0e+00  }
0x60: {  	v6 =	vsel vm0, $0x1, v2  }
0x61: {  	(xrf0) =	vadd.scan.msk.s32 $0xffff, v6;
	_ =	sdelay $0x4  }
0x62: {  	s16 =	spop (v2sf)  }
0x63: {  	s0 =	sadd.s32 s0, s16;
	v6, _, _ =	vpop (xrf0)  }
0x64: {  	p0 =	slt.s32 s0, $0x3FE0;
	s6 =	smov.u32 s0;
	(v2sf) =	vpush v6, $0xF  }
0x65: {  	s6 =	simm.s32 @!p0 $0x3FE0  }
0x66: {  	v7 =	vmov s6  }
0x67: {  	v7 =	vadd.s32 $0xFFFFFFFF, v7  }
0x68: {  	v7 =	vbroadcast v7, $0x0;
	_ =	sdelay $0x1  }
0x69: {  	v6 =	vadd.s32 v6, v7  }
0x6a: {  	v6 =	vsel vm0, v6, v3  }
0x6b: {  	s1 =	sshrl.u32 s1, $0x7  }
0x6c: {  	s1 =	sadd.s32 s3, s1  }
0x6d: {  	s17 =	sand.u32 $0x7F0, s5;
	s1 =	sshll.u32 s1, $0xB  }
0x6e: {  	s1 =	sor.u32 s17, s1  }
0x6f: {  	v7 =	vor.u32 s1, v1;
	[tilespmem:v6+s23+$0x0] =	vst.idx.msk $0xffff, v5  }
0x70: {  	s19 =	simm.s32 $0x0;
	s20 =	rddreg [dreg:$0x3];
	[tilespmem:v6+s24+$0x0] =	vst.idx.msk $0xffff, v7  }
0x71: {  	[tilespmem:s19], [sflag:$0x1] =	stream.linear.gather [hbm4b:s20+s19], $0x4000, $0x38;
	[tilespmem:$0xCA00] =	vst v63  }
0x72: {  	s18 =	spop (v2sf)  }
0x73: {  	s28 =	sand.u32 $0x3C00, s19;
	s29 =	sand.u32 $0x380, s19;
	_ =	swait.ge [sflag:s22], $0x4000  }
0x74: {  	s30 =	sand.u32 $0x70, s19;
	s6 =	sor.u32 s29, s28;
	[sflag:s22] =	ssyncset.done $0x0  }
0x75: {  	s6 =	sor.u32 s30, s6;
	[sflag:s22] =	ssyncadd.s32 $0xFFFFC000  }
0x76: {  	v7 =	vld [tilespmem:s6+$0x0];
	_ =	sdelay $0x4  }
0x77: {  	vm15 =	vgt.f32 v7, $0.0e+00  }
0x78: {  	v5 =	vsel vm15, $0x1, v2  }
0x79: {  	s0 =	sadd.s32 s0, s18;
	(xrf0) =	vadd.scan.msk.s32 $0xffff, v5  }
0x7a: {  	p0 =	slt.s32 s0, $0x3FE0;
	s1 =	smov.u32 s0  }
0x7b: {  	s1 =	simm.s32 @!p0 $0x3FE0  }
0x7c: {  	v5 =	vmov s1  }
0x7d: {  	v5 =	vadd.s32 $0xFFFFFFFF, v5  }
0x7e: {  	v5 =	vbroadcast v5, $0x0  }
0x7f: {  	v6, _, _ =	vpop (xrf0)  }
0x80: {  	v5 =	vadd.s32 v6, v5;
	(v2sf) =	vpush v6, $0xF  }
0x81: {  	v5 =	vsel vm15, v5, v3;
	_ =	sdelay $0x1  }
0x82: {  	s31 =	sadd.s32 $0x0, s4  }
0x83: {  	s5 =	sand.u32 $0x7F0, s19;
	s10 =	simm.s32 $0x2;
	s6 =	sshll.u32 s31, $0xB  }
0x84: {  	s16 =	sor.u32 s5, s6;
	s6 =	simm.s32 $0x80;
	s1 =	simm.s32 $0x1  }
0x85: {  	s5 =	simm.s32 $0x10;
	s11 =	sand.u32 $0x3C00, s6;
	s12 =	sand.u32 $0x380, s1;
	v6 =	vor.u32 s16, v1;
	[tilespmem:v5+s23+$0x0] =	vst.idx.msk $0xffff, v7  }
.LBB2_6:
0x86: {  	p0 =	sne.s32 s10, $0x3FF;
	s16 =	sand.u32 $0x70, s5;
	s11 =	sor.u32 s12, s11;
	[tilespmem:v5+s24+$0x0] =	vst.idx.msk $0xffff, v6  }
0x87: {  	s11 =	sor.u32 s16, s11  }
0x88: {  	v7 =	vld [tilespmem:s11+$0x0];
	_ =	sdelay $0x4  }
0x89: {  	vm0 =	vgt.f32 v7, $0.0e+00  }
0x8a: {  	v5 =	vsel vm0, $0x1, v2;
	s11 =	spop (v2sf)  }
0x8b: {  	(xrf0) =	vadd.scan.msk.s32 $0xffff, v5;
	s0 =	sadd.s32 s0, s11  }
0x8c: {  	p1 =	slt.s32 s0, $0x3FE0;
	s11 =	smov.u32 s0  }
0x8d: {  	s11 =	simm.s32 @!p1 $0x3FE0  }
0x8e: {  	v5 =	vmov s11  }
0x8f: {  	v5 =	vadd.s32 $0xFFFFFFFF, v5  }
0x90: {  	v5 =	vbroadcast v5, $0x0  }
0x91: {  	v6, _, _ =	vpop (xrf0)  }
0x92: {  	v5 =	vadd.s32 v6, v5;
	(v2sf) =	vpush v6, $0xF  }
0x93: {  	v5 =	vsel vm0, v5, v3  }
.Ltmp4:
0x94: {  	s11 =	sshrl.u32 s1, $0x7;
	s1 =	smov.u32 s10;
	(pc) =	sbr.rel @p0 .LBB2_6-.Ltmp4, $4  }
0x95: {  	s11 =	sadd.s32 s4, s11  }
0x96: {  	s12 =	sand.u32 $0x7F0, s5;
	s11 =	sshll.u32 s11, $0xB  }
0x97: {  	s5 =	sadd.s32 $0x10, s5;
	s6 =	sadd.s32 $0x80, s6;
	s16 =	sor.u32 s12, s11  }
0x98: {  	s10 =	sadd.s32 $0x1, s10;
	s11 =	sand.u32 $0x3C00, s6;
	s12 =	sand.u32 $0x380, s1;
	v6 =	vor.u32 s16, v1;
	[tilespmem:v5+s23+$0x0] =	vst.idx.msk $0xffff, v7  }
0x99: {  	_ =	sdelay $0x2  }
0x9a: {  	s6 =	sand.u32 $0x70, s5;
	s10 =	sor.u32 s12, s11  }
0x9b: {  	[tilespmem:v5+s24+$0x0] =	vst.idx.msk $0xffff, v6;
	s6 =	sor.u32 s6, s10  }
0x9c: {  	v5 =	vld [tilespmem:s6+$0x0];
	_ =	sdelay $0x4  }
0x9d: {  	vm0 =	vgt.f32 v5, $0.0e+00  }
0x9e: {  	v6 =	vsel vm0, $0x1, v2  }
0x9f: {  	(xrf0) =	vadd.scan.msk.s32 $0xffff, v6;
	_ =	sdelay $0x4  }
0xa0: {  	s16 =	spop (v2sf)  }
0xa1: {  	s0 =	sadd.s32 s0, s16;
	v6, _, _ =	vpop (xrf0)  }
0xa2: {  	p0 =	slt.s32 s0, $0x3FE0;
	s6 =	smov.u32 s0;
	(v2sf) =	vpush v6, $0xF  }
0xa3: {  	s6 =	simm.s32 @!p0 $0x3FE0  }
0xa4: {  	v7 =	vmov s6  }
0xa5: {  	v7 =	vadd.s32 $0xFFFFFFFF, v7  }
0xa6: {  	v7 =	vbroadcast v7, $0x0;
	_ =	sdelay $0x1  }
0xa7: {  	v6 =	vadd.s32 v6, v7  }
0xa8: {  	v6 =	vsel vm0, v6, v3  }
0xa9: {  	s1 =	sshrl.u32 s1, $0x7  }
0xaa: {  	s1 =	sadd.s32 s4, s1  }
0xab: {  	s17 =	sand.u32 $0x7F0, s5;
	s1 =	sshll.u32 s1, $0xB  }
0xac: {  	s1 =	sor.u32 s17, s1  }
0xad: {  	v7 =	vor.u32 s1, v1;
	[tilespmem:v6+s23+$0x0] =	vst.idx.msk $0xffff, v5  }
0xae: {  	s19 =	simm.s32 $0x0;
	s20 =	rddreg [dreg:$0x4];
	[tilespmem:v6+s24+$0x0] =	vst.idx.msk $0xffff, v7  }
0xaf: {  	[tilespmem:s19], [sflag:$0x1] =	stream.linear.gather [hbm4b:s20+s19], $0x4000, $0x38;
	[tilespmem:$0xCA00] =	vst v63  }
0xb0: {  	s18 =	spop (v2sf)  }
0xb1: {  	s28 =	sand.u32 $0x3C00, s19;
	s29 =	sand.u32 $0x380, s19;
	_ =	swait.ge [sflag:s22], $0x4000  }
0xb2: {  	s30 =	sand.u32 $0x70, s19;
	s6 =	sor.u32 s29, s28;
	[sflag:s22] =	ssyncset.done $0x0  }
0xb3: {  	s6 =	sor.u32 s30, s6;
	[sflag:s22] =	ssyncadd.s32 $0xFFFFC000  }
0xb4: {  	v7 =	vld [tilespmem:s6+$0x0];
	_ =	sdelay $0x4  }
0xb5: {  	vm15 =	vgt.f32 v7, $0.0e+00  }
0xb6: {  	v5 =	vsel vm15, $0x1, v2  }
0xb7: {  	s0 =	sadd.s32 s0, s18;
	(xrf0) =	vadd.scan.msk.s32 $0xffff, v5  }
0xb8: {  	p0 =	slt.s32 s0, $0x3FE0;
	s1 =	smov.u32 s0  }
0xb9: {  	s1 =	simm.s32 @!p0 $0x3FE0  }
0xba: {  	v5 =	vmov s1  }
0xbb: {  	v5 =	vadd.s32 $0xFFFFFFFF, v5  }
0xbc: {  	v5 =	vbroadcast v5, $0x0  }
0xbd: {  	v6, _, _ =	vpop (xrf0)  }
0xbe: {  	v5 =	vadd.s32 v6, v5;
	(v2sf) =	vpush v6, $0xF  }
0xbf: {  	v5 =	vsel vm15, v5, v3;
	_ =	sdelay $0x1  }
0xc0: {  	s31 =	sadd.s32 $0x0, s7  }
0xc1: {  	s5 =	sand.u32 $0x7F0, s19;
	s10 =	simm.s32 $0x2;
	s6 =	sshll.u32 s31, $0xB  }
0xc2: {  	s16 =	sor.u32 s5, s6;
	s6 =	simm.s32 $0x80;
	s1 =	simm.s32 $0x1  }
0xc3: {  	s5 =	simm.s32 $0x10;
	s11 =	sand.u32 $0x3C00, s6;
	s12 =	sand.u32 $0x380, s1;
	v6 =	vor.u32 s16, v1;
	[tilespmem:v5+s23+$0x0] =	vst.idx.msk $0xffff, v7  }
.LBB2_8:
0xc4: {  	p0 =	sne.s32 s10, $0x3FF;
	s16 =	sand.u32 $0x70, s5;
	s11 =	sor.u32 s12, s11;
	[tilespmem:v5+s24+$0x0] =	vst.idx.msk $0xffff, v6  }
0xc5: {  	s11 =	sor.u32 s16, s11  }
0xc6: {  	v7 =	vld [tilespmem:s11+$0x0];
	_ =	sdelay $0x4  }
0xc7: {  	vm0 =	vgt.f32 v7, $0.0e+00  }
0xc8: {  	v5 =	vsel vm0, $0x1, v2;
	s11 =	spop (v2sf)  }
0xc9: {  	(xrf0) =	vadd.scan.msk.s32 $0xffff, v5;
	s0 =	sadd.s32 s0, s11  }
0xca: {  	p1 =	slt.s32 s0, $0x3FE0;
	s11 =	smov.u32 s0  }
0xcb: {  	s11 =	simm.s32 @!p1 $0x3FE0  }
0xcc: {  	v5 =	vmov s11  }
0xcd: {  	v5 =	vadd.s32 $0xFFFFFFFF, v5  }
0xce: {  	v5 =	vbroadcast v5, $0x0  }
0xcf: {  	v6, _, _ =	vpop (xrf0)  }
0xd0: {  	v5 =	vadd.s32 v6, v5;
	(v2sf) =	vpush v6, $0xF  }
0xd1: {  	v5 =	vsel vm0, v5, v3  }
.Ltmp5:
0xd2: {  	s11 =	sshrl.u32 s1, $0x7;
	s1 =	smov.u32 s10;
	(pc) =	sbr.rel @p0 .LBB2_8-.Ltmp5, $4  }
0xd3: {  	s11 =	sadd.s32 s7, s11  }
0xd4: {  	s12 =	sand.u32 $0x7F0, s5;
	s11 =	sshll.u32 s11, $0xB  }
0xd5: {  	s5 =	sadd.s32 $0x10, s5;
	s6 =	sadd.s32 $0x80, s6;
	s16 =	sor.u32 s12, s11  }
0xd6: {  	s10 =	sadd.s32 $0x1, s10;
	s11 =	sand.u32 $0x3C00, s6;
	s12 =	sand.u32 $0x380, s1;
	v6 =	vor.u32 s16, v1;
	[tilespmem:v5+s23+$0x0] =	vst.idx.msk $0xffff, v7  }
0xd7: {  	_ =	sdelay $0x2  }
0xd8: {  	s6 =	sand.u32 $0x70, s5;
	s10 =	sor.u32 s12, s11  }
0xd9: {  	[tilespmem:v5+s24+$0x0] =	vst.idx.msk $0xffff, v6;
	s6 =	sor.u32 s6, s10  }
0xda: {  	v5 =	vld [tilespmem:s6+$0x0];
	_ =	sdelay $0x4  }
0xdb: {  	vm0 =	vgt.f32 v5, $0.0e+00  }
0xdc: {  	v6 =	vsel vm0, $0x1, v2  }
0xdd: {  	(xrf0) =	vadd.scan.msk.s32 $0xffff, v6;
	_ =	sdelay $0x4  }
0xde: {  	s16 =	spop (v2sf)  }
0xdf: {  	s0 =	sadd.s32 s0, s16;
	v6, _, _ =	vpop (xrf0)  }
0xe0: {  	p0 =	slt.s32 s0, $0x3FE0;
	s6 =	smov.u32 s0;
	(v2sf) =	vpush v6, $0xF  }
0xe1: {  	s6 =	simm.s32 @!p0 $0x3FE0  }
0xe2: {  	v7 =	vmov s6  }
0xe3: {  	v7 =	vadd.s32 $0xFFFFFFFF, v7  }
0xe4: {  	v7 =	vbroadcast v7, $0x0;
	_ =	sdelay $0x1  }
0xe5: {  	v6 =	vadd.s32 v6, v7  }
0xe6: {  	v6 =	vsel vm0, v6, v3  }
0xe7: {  	s1 =	sshrl.u32 s1, $0x7  }
0xe8: {  	s1 =	sadd.s32 s7, s1  }
0xe9: {  	s17 =	sand.u32 $0x7F0, s5;
	s1 =	sshll.u32 s1, $0xB  }
0xea: {  	s1 =	sor.u32 s17, s1  }
0xeb: {  	v7 =	vor.u32 s1, v1;
	[tilespmem:v6+s23+$0x0] =	vst.idx.msk $0xffff, v5  }
0xec: {  	s19 =	simm.s32 $0x0;
	s20 =	rddreg [dreg:$0x5];
	[tilespmem:v6+s24+$0x0] =	vst.idx.msk $0xffff, v7  }
0xed: {  	[tilespmem:s19], [sflag:$0x1] =	stream.linear.gather [hbm4b:s20+s19], $0x4000, $0x38;
	[tilespmem:$0xCA00] =	vst v63  }
0xee: {  	s18 =	spop (v2sf)  }
0xef: {  	s28 =	sand.u32 $0x3C00, s19;
	s29 =	sand.u32 $0x380, s19;
	_ =	swait.ge [sflag:s22], $0x4000  }
0xf0: {  	s30 =	sand.u32 $0x70, s19;
	s6 =	sor.u32 s29, s28;
	[sflag:s22] =	ssyncset.done $0x0  }
0xf1: {  	s6 =	sor.u32 s30, s6;
	[sflag:s22] =	ssyncadd.s32 $0xFFFFC000  }
0xf2: {  	v7 =	vld [tilespmem:s6+$0x0];
	_ =	sdelay $0x4  }
0xf3: {  	vm15 =	vgt.f32 v7, $0.0e+00  }
0xf4: {  	v5 =	vsel vm15, $0x1, v2  }
0xf5: {  	s0 =	sadd.s32 s0, s18;
	(xrf0) =	vadd.scan.msk.s32 $0xffff, v5  }
0xf6: {  	p0 =	slt.s32 s0, $0x3FE0;
	s1 =	smov.u32 s0  }
0xf7: {  	s1 =	simm.s32 @!p0 $0x3FE0  }
0xf8: {  	v5 =	vmov s1  }
0xf9: {  	v5 =	vadd.s32 $0xFFFFFFFF, v5  }
0xfa: {  	v5 =	vbroadcast v5, $0x0  }
0xfb: {  	v6, _, _ =	vpop (xrf0)  }
0xfc: {  	v5 =	vadd.s32 v6, v5;
	(v2sf) =	vpush v6, $0xF  }
0xfd: {  	v5 =	vsel vm15, v5, v3;
	_ =	sdelay $0x1  }
0xfe: {  	s31 =	sadd.s32 $0x0, s8  }
0xff: {  	s5 =	sand.u32 $0x7F0, s19;
	s10 =	simm.s32 $0x2;
	s6 =	sshll.u32 s31, $0xB  }
0x100: {  	s16 =	sor.u32 s5, s6;
	s6 =	simm.s32 $0x80;
	s1 =	simm.s32 $0x1  }
0x101: {  	s5 =	simm.s32 $0x10;
	s11 =	sand.u32 $0x3C00, s6;
	s12 =	sand.u32 $0x380, s1;
	v6 =	vor.u32 s16, v1;
	[tilespmem:v5+s23+$0x0] =	vst.idx.msk $0xffff, v7  }
.LBB2_10:
0x102: {  	p0 =	sne.s32 s10, $0x3FF;
	s16 =	sand.u32 $0x70, s5;
	s11 =	sor.u32 s12, s11;
	[tilespmem:v5+s24+$0x0] =	vst.idx.msk $0xffff, v6  }
0x103: {  	s11 =	sor.u32 s16, s11  }
0x104: {  	v7 =	vld [tilespmem:s11+$0x0];
	_ =	sdelay $0x4  }
0x105: {  	vm0 =	vgt.f32 v7, $0.0e+00  }
0x106: {  	v5 =	vsel vm0, $0x1, v2;
	s11 =	spop (v2sf)  }
0x107: {  	(xrf0) =	vadd.scan.msk.s32 $0xffff, v5;
	s0 =	sadd.s32 s0, s11  }
0x108: {  	p1 =	slt.s32 s0, $0x3FE0;
	s11 =	smov.u32 s0  }
0x109: {  	s11 =	simm.s32 @!p1 $0x3FE0  }
0x10a: {  	v5 =	vmov s11  }
0x10b: {  	v5 =	vadd.s32 $0xFFFFFFFF, v5  }
0x10c: {  	v5 =	vbroadcast v5, $0x0  }
0x10d: {  	v6, _, _ =	vpop (xrf0)  }
0x10e: {  	v5 =	vadd.s32 v6, v5;
	(v2sf) =	vpush v6, $0xF  }
0x10f: {  	v5 =	vsel vm0, v5, v3  }
.Ltmp6:
0x110: {  	s11 =	sshrl.u32 s1, $0x7;
	s1 =	smov.u32 s10;
	(pc) =	sbr.rel @p0 .LBB2_10-.Ltmp6, $4  }
0x111: {  	s11 =	sadd.s32 s8, s11  }
0x112: {  	s12 =	sand.u32 $0x7F0, s5;
	s11 =	sshll.u32 s11, $0xB  }
0x113: {  	s5 =	sadd.s32 $0x10, s5;
	s6 =	sadd.s32 $0x80, s6;
	s16 =	sor.u32 s12, s11  }
0x114: {  	s10 =	sadd.s32 $0x1, s10;
	s11 =	sand.u32 $0x3C00, s6;
	s12 =	sand.u32 $0x380, s1;
	v6 =	vor.u32 s16, v1;
	[tilespmem:v5+s23+$0x0] =	vst.idx.msk $0xffff, v7  }
0x115: {  	_ =	sdelay $0x2  }
0x116: {  	s6 =	sand.u32 $0x70, s5;
	s10 =	sor.u32 s12, s11  }
0x117: {  	[tilespmem:v5+s24+$0x0] =	vst.idx.msk $0xffff, v6;
	s6 =	sor.u32 s6, s10  }
0x118: {  	v5 =	vld [tilespmem:s6+$0x0];
	_ =	sdelay $0x4  }
0x119: {  	vm0 =	vgt.f32 v5, $0.0e+00  }
0x11a: {  	v6 =	vsel vm0, $0x1, v2  }
0x11b: {  	(xrf0) =	vadd.scan.msk.s32 $0xffff, v6;
	_ =	sdelay $0x4  }
0x11c: {  	s16 =	spop (v2sf)  }
0x11d: {  	s0 =	sadd.s32 s0, s16;
	v6, _, _ =	vpop (xrf0)  }
0x11e: {  	p0 =	slt.s32 s0, $0x3FE0;
	s6 =	smov.u32 s0;
	(v2sf) =	vpush v6, $0xF  }
0x11f: {  	s6 =	simm.s32 @!p0 $0x3FE0  }
0x120: {  	v7 =	vmov s6  }
0x121: {  	v7 =	vadd.s32 $0xFFFFFFFF, v7  }
0x122: {  	v7 =	vbroadcast v7, $0x0;
	_ =	sdelay $0x1  }
0x123: {  	v6 =	vadd.s32 v6, v7  }
0x124: {  	v6 =	vsel vm0, v6, v3  }
0x125: {  	s1 =	sshrl.u32 s1, $0x7  }
0x126: {  	s1 =	sadd.s32 s8, s1  }
0x127: {  	s17 =	sand.u32 $0x7F0, s5;
	s1 =	sshll.u32 s1, $0xB  }
0x128: {  	s1 =	sor.u32 s17, s1  }
0x129: {  	v7 =	vor.u32 s1, v1;
	[tilespmem:v6+s23+$0x0] =	vst.idx.msk $0xffff, v5  }
0x12a: {  	s19 =	simm.s32 $0x0;
	s20 =	rddreg [dreg:$0x6];
	[tilespmem:v6+s24+$0x0] =	vst.idx.msk $0xffff, v7  }
0x12b: {  	[tilespmem:s19], [sflag:$0x1] =	stream.linear.gather [hbm4b:s20+s19], $0x4000, $0x38;
	[tilespmem:$0xCA00] =	vst v63  }
0x12c: {  	s18 =	spop (v2sf)  }
0x12d: {  	s28 =	sand.u32 $0x3C00, s19;
	s29 =	sand.u32 $0x380, s19;
	_ =	swait.ge [sflag:s22], $0x4000  }
0x12e: {  	s30 =	sand.u32 $0x70, s19;
	s6 =	sor.u32 s29, s28;
	[sflag:s22] =	ssyncset.done $0x0  }
0x12f: {  	s6 =	sor.u32 s30, s6;
	[sflag:s22] =	ssyncadd.s32 $0xFFFFC000  }
0x130: {  	v7 =	vld [tilespmem:s6+$0x0];
	_ =	sdelay $0x4  }
0x131: {  	vm15 =	vgt.f32 v7, $0.0e+00  }
0x132: {  	v5 =	vsel vm15, $0x1, v2  }
0x133: {  	s0 =	sadd.s32 s0, s18;
	(xrf0) =	vadd.scan.msk.s32 $0xffff, v5  }
0x134: {  	p0 =	slt.s32 s0, $0x3FE0;
	s1 =	smov.u32 s0  }
0x135: {  	s1 =	simm.s32 @!p0 $0x3FE0  }
0x136: {  	v5 =	vmov s1  }
0x137: {  	v5 =	vadd.s32 $0xFFFFFFFF, v5  }
0x138: {  	v5 =	vbroadcast v5, $0x0  }
0x139: {  	v6, _, _ =	vpop (xrf0)  }
0x13a: {  	v5 =	vadd.s32 v6, v5;
	(v2sf) =	vpush v6, $0xF  }
0x13b: {  	v5 =	vsel vm15, v5, v3;
	_ =	sdelay $0x1  }
0x13c: {  	s31 =	sadd.s32 $0x0, s9  }
0x13d: {  	s5 =	sand.u32 $0x7F0, s19;
	s10 =	simm.s32 $0x2;
	s6 =	sshll.u32 s31, $0xB  }
0x13e: {  	s16 =	sor.u32 s5, s6;
	s6 =	simm.s32 $0x80;
	s1 =	simm.s32 $0x1  }
0x13f: {  	s5 =	simm.s32 $0x10;
	s11 =	sand.u32 $0x3C00, s6;
	s12 =	sand.u32 $0x380, s1;
	v6 =	vor.u32 s16, v1;
	[tilespmem:v5+s23+$0x0] =	vst.idx.msk $0xffff, v7  }
.LBB2_12:
0x140: {  	p0 =	sne.s32 s10, $0x3FF;
	s16 =	sand.u32 $0x70, s5;
	s11 =	sor.u32 s12, s11;
	[tilespmem:v5+s24+$0x0] =	vst.idx.msk $0xffff, v6  }
0x141: {  	s11 =	sor.u32 s16, s11  }
0x142: {  	v7 =	vld [tilespmem:s11+$0x0];
	_ =	sdelay $0x4  }
0x143: {  	vm0 =	vgt.f32 v7, $0.0e+00  }
0x144: {  	v5 =	vsel vm0, $0x1, v2;
	s11 =	spop (v2sf)  }
0x145: {  	(xrf0) =	vadd.scan.msk.s32 $0xffff, v5;
	s0 =	sadd.s32 s0, s11  }
0x146: {  	p1 =	slt.s32 s0, $0x3FE0;
	s11 =	smov.u32 s0  }
0x147: {  	s11 =	simm.s32 @!p1 $0x3FE0  }
0x148: {  	v5 =	vmov s11  }
0x149: {  	v5 =	vadd.s32 $0xFFFFFFFF, v5  }
0x14a: {  	v5 =	vbroadcast v5, $0x0  }
0x14b: {  	v6, _, _ =	vpop (xrf0)  }
0x14c: {  	v5 =	vadd.s32 v6, v5;
	(v2sf) =	vpush v6, $0xF  }
0x14d: {  	v5 =	vsel vm0, v5, v3  }
.Ltmp7:
0x14e: {  	s11 =	sshrl.u32 s1, $0x7;
	s1 =	smov.u32 s10;
	(pc) =	sbr.rel @p0 .LBB2_12-.Ltmp7, $4  }
0x14f: {  	s11 =	sadd.s32 s9, s11  }
0x150: {  	s12 =	sand.u32 $0x7F0, s5;
	s11 =	sshll.u32 s11, $0xB  }
0x151: {  	s5 =	sadd.s32 $0x10, s5;
	s6 =	sadd.s32 $0x80, s6;
	s16 =	sor.u32 s12, s11  }
0x152: {  	s10 =	sadd.s32 $0x1, s10;
	s11 =	sand.u32 $0x3C00, s6;
	s12 =	sand.u32 $0x380, s1;
	v6 =	vor.u32 s16, v1;
	[tilespmem:v5+s23+$0x0] =	vst.idx.msk $0xffff, v7  }
0x153: {  	_ =	sdelay $0x2  }
0x154: {  	s6 =	sand.u32 $0x70, s5;
	s10 =	sor.u32 s12, s11  }
0x155: {  	[tilespmem:v5+s24+$0x0] =	vst.idx.msk $0xffff, v6;
	s6 =	sor.u32 s6, s10  }
0x156: {  	v5 =	vld [tilespmem:s6+$0x0];
	_ =	sdelay $0x4  }
0x157: {  	vm0 =	vgt.f32 v5, $0.0e+00  }
0x158: {  	v6 =	vsel vm0, $0x1, v2  }
0x159: {  	(xrf0) =	vadd.scan.msk.s32 $0xffff, v6;
	_ =	sdelay $0x4  }
0x15a: {  	s16 =	spop (v2sf)  }
0x15b: {  	s0 =	sadd.s32 s0, s16;
	v6, _, _ =	vpop (xrf0)  }
0x15c: {  	p0 =	slt.s32 s0, $0x3FE0;
	s6 =	smov.u32 s0;
	(v2sf) =	vpush v6, $0xF  }
0x15d: {  	s6 =	simm.s32 @!p0 $0x3FE0  }
0x15e: {  	v7 =	vmov s6  }
0x15f: {  	v7 =	vadd.s32 $0xFFFFFFFF, v7  }
0x160: {  	v7 =	vbroadcast v7, $0x0;
	_ =	sdelay $0x1  }
0x161: {  	v6 =	vadd.s32 v6, v7  }
0x162: {  	v6 =	vsel vm0, v6, v3  }
0x163: {  	s1 =	sshrl.u32 s1, $0x7  }
0x164: {  	s1 =	sadd.s32 s9, s1  }
0x165: {  	s17 =	sand.u32 $0x7F0, s5;
	s1 =	sshll.u32 s1, $0xB  }
0x166: {  	s1 =	sor.u32 s17, s1  }
0x167: {  	v7 =	vor.u32 s1, v1;
	[tilespmem:v6+s23+$0x0] =	vst.idx.msk $0xffff, v5  }
0x168: {  	s19 =	simm.s32 $0x0;
	s20 =	rddreg [dreg:$0x7];
	[tilespmem:v6+s24+$0x0] =	vst.idx.msk $0xffff, v7  }
0x169: {  	[tilespmem:s19], [sflag:$0x1] =	stream.linear.gather [hbm4b:s20+s19], $0x4000, $0x38;
	[tilespmem:$0xCA00] =	vst v63  }
0x16a: {  	s18 =	spop (v2sf)  }
0x16b: {  	s28 =	sand.u32 $0x3C00, s19;
	s29 =	sand.u32 $0x380, s19;
	_ =	swait.ge [sflag:s22], $0x4000  }
0x16c: {  	s30 =	sand.u32 $0x70, s19;
	s6 =	sor.u32 s29, s28;
	[sflag:s22] =	ssyncset.done $0x0  }
0x16d: {  	s6 =	sor.u32 s30, s6;
	[sflag:s22] =	ssyncadd.s32 $0xFFFFC000  }
0x16e: {  	v7 =	vld [tilespmem:s6+$0x0];
	_ =	sdelay $0x4  }
0x16f: {  	vm15 =	vgt.f32 v7, $0.0e+00  }
0x170: {  	v5 =	vsel vm15, $0x1, v2  }
0x171: {  	s0 =	sadd.s32 s0, s18;
	(xrf0) =	vadd.scan.msk.s32 $0xffff, v5  }
0x172: {  	p0 =	slt.s32 s0, $0x3FE0;
	s1 =	smov.u32 s0  }
0x173: {  	s1 =	simm.s32 @!p0 $0x3FE0  }
0x174: {  	v5 =	vmov s1  }
0x175: {  	v5 =	vadd.s32 $0xFFFFFFFF, v5  }
0x176: {  	v5 =	vbroadcast v5, $0x0  }
0x177: {  	v6, _, _ =	vpop (xrf0)  }
0x178: {  	v5 =	vadd.s32 v6, v5;
	(v2sf) =	vpush v6, $0xF  }
0x179: {  	v5 =	vsel vm15, v5, v3;
	_ =	sdelay $0x1  }
0x17a: {  	s31 =	sadd.s32 $0x0, s13  }
0x17b: {  	s5 =	sand.u32 $0x7F0, s19;
	s10 =	simm.s32 $0x2;
	s6 =	sshll.u32 s31, $0xB  }
0x17c: {  	s16 =	sor.u32 s5, s6;
	s6 =	simm.s32 $0x80;
	s1 =	simm.s32 $0x1  }
0x17d: {  	s5 =	simm.s32 $0x10;
	s11 =	sand.u32 $0x3C00, s6;
	s12 =	sand.u32 $0x380, s1;
	v6 =	vor.u32 s16, v1;
	[tilespmem:v5+s23+$0x0] =	vst.idx.msk $0xffff, v7  }
.LBB2_14:
0x17e: {  	p0 =	sne.s32 s10, $0x3FF;
	s16 =	sand.u32 $0x70, s5;
	s11 =	sor.u32 s12, s11;
	[tilespmem:v5+s24+$0x0] =	vst.idx.msk $0xffff, v6  }
0x17f: {  	s11 =	sor.u32 s16, s11  }
0x180: {  	v7 =	vld [tilespmem:s11+$0x0];
	_ =	sdelay $0x4  }
0x181: {  	vm0 =	vgt.f32 v7, $0.0e+00  }
0x182: {  	v5 =	vsel vm0, $0x1, v2;
	s11 =	spop (v2sf)  }
0x183: {  	(xrf0) =	vadd.scan.msk.s32 $0xffff, v5;
	s0 =	sadd.s32 s0, s11  }
0x184: {  	p1 =	slt.s32 s0, $0x3FE0;
	s11 =	smov.u32 s0  }
0x185: {  	s11 =	simm.s32 @!p1 $0x3FE0  }
0x186: {  	v5 =	vmov s11  }
0x187: {  	v5 =	vadd.s32 $0xFFFFFFFF, v5  }
0x188: {  	v5 =	vbroadcast v5, $0x0  }
0x189: {  	v6, _, _ =	vpop (xrf0)  }
0x18a: {  	v5 =	vadd.s32 v6, v5;
	(v2sf) =	vpush v6, $0xF  }
0x18b: {  	v5 =	vsel vm0, v5, v3  }
.Ltmp8:
0x18c: {  	s11 =	sshrl.u32 s1, $0x7;
	s1 =	smov.u32 s10;
	(pc) =	sbr.rel @p0 .LBB2_14-.Ltmp8, $4  }
0x18d: {  	s11 =	sadd.s32 s13, s11  }
0x18e: {  	s12 =	sand.u32 $0x7F0, s5;
	s11 =	sshll.u32 s11, $0xB  }
0x18f: {  	s5 =	sadd.s32 $0x10, s5;
	s6 =	sadd.s32 $0x80, s6;
	s16 =	sor.u32 s12, s11  }
0x190: {  	s10 =	sadd.s32 $0x1, s10;
	s11 =	sand.u32 $0x3C00, s6;
	s12 =	sand.u32 $0x380, s1;
	v6 =	vor.u32 s16, v1;
	[tilespmem:v5+s23+$0x0] =	vst.idx.msk $0xffff, v7  }
0x191: {  	_ =	sdelay $0x2  }
0x192: {  	s6 =	sand.u32 $0x70, s5;
	s10 =	sor.u32 s12, s11  }
0x193: {  	[tilespmem:v5+s24+$0x0] =	vst.idx.msk $0xffff, v6;
	s6 =	sor.u32 s6, s10  }
0x194: {  	v5 =	vld [tilespmem:s6+$0x0];
	_ =	sdelay $0x4  }
0x195: {  	vm0 =	vgt.f32 v5, $0.0e+00  }
0x196: {  	v6 =	vsel vm0, $0x1, v2  }
0x197: {  	(xrf0) =	vadd.scan.msk.s32 $0xffff, v6;
	_ =	sdelay $0x4  }
0x198: {  	s16 =	spop (v2sf)  }
0x199: {  	s0 =	sadd.s32 s0, s16;
	v6, _, _ =	vpop (xrf0)  }
0x19a: {  	p0 =	slt.s32 s0, $0x3FE0;
	s6 =	smov.u32 s0;
	(v2sf) =	vpush v6, $0xF  }
0x19b: {  	s6 =	simm.s32 @!p0 $0x3FE0  }
0x19c: {  	v7 =	vmov s6  }
0x19d: {  	v7 =	vadd.s32 $0xFFFFFFFF, v7  }
0x19e: {  	v7 =	vbroadcast v7, $0x0;
	_ =	sdelay $0x1  }
0x19f: {  	v6 =	vadd.s32 v6, v7  }
0x1a0: {  	v6 =	vsel vm0, v6, v3  }
0x1a1: {  	s1 =	sshrl.u32 s1, $0x7  }
0x1a2: {  	s1 =	sadd.s32 s13, s1  }
0x1a3: {  	s17 =	sand.u32 $0x7F0, s5;
	s1 =	sshll.u32 s1, $0xB  }
0x1a4: {  	s1 =	sor.u32 s17, s1  }
0x1a5: {  	v7 =	vor.u32 s1, v1;
	[tilespmem:v6+s23+$0x0] =	vst.idx.msk $0xffff, v5  }
0x1a6: {  	s19 =	simm.s32 $0x0;
	s20 =	rddreg [dreg:$0x8];
	[tilespmem:v6+s24+$0x0] =	vst.idx.msk $0xffff, v7  }
0x1a7: {  	[tilespmem:s19], [sflag:$0x1] =	stream.linear.gather [hbm4b:s20+s19], $0x4000, $0x38;
	[tilespmem:$0xCA00] =	vst v63  }
0x1a8: {  	s18 =	spop (v2sf)  }
0x1a9: {  	s28 =	sand.u32 $0x3C00, s19;
	s29 =	sand.u32 $0x380, s19;
	_ =	swait.ge [sflag:s22], $0x4000  }
0x1aa: {  	s30 =	sand.u32 $0x70, s19;
	s6 =	sor.u32 s29, s28;
	[sflag:s22] =	ssyncset.done $0x0  }
0x1ab: {  	s6 =	sor.u32 s30, s6;
	[sflag:s22] =	ssyncadd.s32 $0xFFFFC000  }
0x1ac: {  	v7 =	vld [tilespmem:s6+$0x0];
	_ =	sdelay $0x4  }
0x1ad: {  	vm15 =	vgt.f32 v7, $0.0e+00  }
0x1ae: {  	v5 =	vsel vm15, $0x1, v2  }
0x1af: {  	s0 =	sadd.s32 s0, s18;
	(xrf0) =	vadd.scan.msk.s32 $0xffff, v5  }
0x1b0: {  	p0 =	slt.s32 s0, $0x3FE0;
	s1 =	smov.u32 s0  }
0x1b1: {  	s1 =	simm.s32 @!p0 $0x3FE0  }
0x1b2: {  	v5 =	vmov s1  }
0x1b3: {  	v5 =	vadd.s32 $0xFFFFFFFF, v5  }
0x1b4: {  	v5 =	vbroadcast v5, $0x0  }
0x1b5: {  	v6, _, _ =	vpop (xrf0)  }
0x1b6: {  	v5 =	vadd.s32 v6, v5;
	(v2sf) =	vpush v6, $0xF  }
0x1b7: {  	v5 =	vsel vm15, v5, v3;
	_ =	sdelay $0x1  }
0x1b8: {  	s31 =	sadd.s32 $0x0, s14  }
0x1b9: {  	s5 =	sand.u32 $0x7F0, s19;
	s10 =	simm.s32 $0x2;
	s6 =	sshll.u32 s31, $0xB  }
0x1ba: {  	s16 =	sor.u32 s5, s6;
	s6 =	simm.s32 $0x80;
	s1 =	simm.s32 $0x1  }
0x1bb: {  	s5 =	simm.s32 $0x10;
	s11 =	sand.u32 $0x3C00, s6;
	s12 =	sand.u32 $0x380, s1;
	v6 =	vor.u32 s16, v1;
	[tilespmem:v5+s23+$0x0] =	vst.idx.msk $0xffff, v7  }
.LBB2_16:
0x1bc: {  	p0 =	sne.s32 s10, $0x3FF;
	s16 =	sand.u32 $0x70, s5;
	s11 =	sor.u32 s12, s11;
	[tilespmem:v5+s24+$0x0] =	vst.idx.msk $0xffff, v6  }
0x1bd: {  	s11 =	sor.u32 s16, s11  }
0x1be: {  	v7 =	vld [tilespmem:s11+$0x0];
	_ =	sdelay $0x4  }
0x1bf: {  	vm0 =	vgt.f32 v7, $0.0e+00  }
0x1c0: {  	v5 =	vsel vm0, $0x1, v2;
	s11 =	spop (v2sf)  }
0x1c1: {  	(xrf0) =	vadd.scan.msk.s32 $0xffff, v5;
	s0 =	sadd.s32 s0, s11  }
0x1c2: {  	p1 =	slt.s32 s0, $0x3FE0;
	s11 =	smov.u32 s0  }
0x1c3: {  	s11 =	simm.s32 @!p1 $0x3FE0  }
0x1c4: {  	v5 =	vmov s11  }
0x1c5: {  	v5 =	vadd.s32 $0xFFFFFFFF, v5  }
0x1c6: {  	v5 =	vbroadcast v5, $0x0  }
0x1c7: {  	v6, _, _ =	vpop (xrf0)  }
0x1c8: {  	v5 =	vadd.s32 v6, v5;
	(v2sf) =	vpush v6, $0xF  }
0x1c9: {  	v5 =	vsel vm0, v5, v3  }
.Ltmp9:
0x1ca: {  	s11 =	sshrl.u32 s1, $0x7;
	s1 =	smov.u32 s10;
	(pc) =	sbr.rel @p0 .LBB2_16-.Ltmp9, $4  }
0x1cb: {  	s11 =	sadd.s32 s14, s11  }
0x1cc: {  	s12 =	sand.u32 $0x7F0, s5;
	s11 =	sshll.u32 s11, $0xB  }
0x1cd: {  	s5 =	sadd.s32 $0x10, s5;
	s6 =	sadd.s32 $0x80, s6;
	s16 =	sor.u32 s12, s11  }
0x1ce: {  	s10 =	sadd.s32 $0x1, s10;
	s11 =	sand.u32 $0x3C00, s6;
	s12 =	sand.u32 $0x380, s1;
	v6 =	vor.u32 s16, v1;
	[tilespmem:v5+s23+$0x0] =	vst.idx.msk $0xffff, v7  }
0x1cf: {  	_ =	sdelay $0x2  }
0x1d0: {  	s6 =	sand.u32 $0x70, s5;
	s10 =	sor.u32 s12, s11  }
0x1d1: {  	[tilespmem:v5+s24+$0x0] =	vst.idx.msk $0xffff, v6;
	s6 =	sor.u32 s6, s10  }
0x1d2: {  	v5 =	vld [tilespmem:s6+$0x0];
	_ =	sdelay $0x4  }
0x1d3: {  	vm0 =	vgt.f32 v5, $0.0e+00  }
0x1d4: {  	v6 =	vsel vm0, $0x1, v2  }
0x1d5: {  	(xrf0) =	vadd.scan.msk.s32 $0xffff, v6;
	_ =	sdelay $0x4  }
0x1d6: {  	s16 =	spop (v2sf)  }
0x1d7: {  	s0 =	sadd.s32 s0, s16;
	v6, _, _ =	vpop (xrf0)  }
0x1d8: {  	p0 =	slt.s32 s0, $0x3FE0;
	s6 =	smov.u32 s0;
	(v2sf) =	vpush v6, $0xF  }
0x1d9: {  	s6 =	simm.s32 @!p0 $0x3FE0  }
0x1da: {  	v7 =	vmov s6  }
0x1db: {  	v7 =	vadd.s32 $0xFFFFFFFF, v7  }
0x1dc: {  	v7 =	vbroadcast v7, $0x0;
	_ =	sdelay $0x1  }
0x1dd: {  	v6 =	vadd.s32 v6, v7  }
0x1de: {  	v6 =	vsel vm0, v6, v3  }
0x1df: {  	s1 =	sshrl.u32 s1, $0x7  }
0x1e0: {  	s1 =	sadd.s32 s14, s1  }
0x1e1: {  	s17 =	sand.u32 $0x7F0, s5;
	s1 =	sshll.u32 s1, $0xB  }
0x1e2: {  	s1 =	sor.u32 s17, s1  }
0x1e3: {  	v7 =	vor.u32 s1, v1;
	[tilespmem:v6+s23+$0x0] =	vst.idx.msk $0xffff, v5  }
0x1e4: {  	s19 =	simm.s32 $0x0;
	s20 =	rddreg [dreg:$0x9];
	[tilespmem:v6+s24+$0x0] =	vst.idx.msk $0xffff, v7  }
0x1e5: {  	[tilespmem:s19], [sflag:$0x1] =	stream.linear.gather [hbm4b:s20+s19], $0x4000, $0x38;
	[tilespmem:$0xCA00] =	vst v63  }
0x1e6: {  	s18 =	spop (v2sf)  }
0x1e7: {  	s28 =	sand.u32 $0x3C00, s19;
	s29 =	sand.u32 $0x380, s19;
	_ =	swait.ge [sflag:s22], $0x4000  }
0x1e8: {  	s30 =	sand.u32 $0x70, s19;
	s5 =	sor.u32 s29, s28;
	[sflag:s22] =	ssyncset.done $0x0  }
0x1e9: {  	s5 =	sor.u32 s30, s5;
	[sflag:s22] =	ssyncadd.s32 $0xFFFFC000  }
0x1ea: {  	v7 =	vld [tilespmem:s5+$0x0];
	_ =	sdelay $0x4  }
0x1eb: {  	vm15 =	vgt.f32 v7, $0.0e+00  }
0x1ec: {  	v5 =	vsel vm15, $0x1, v2  }
0x1ed: {  	s0 =	sadd.s32 s0, s18;
	(xrf0) =	vadd.scan.msk.s32 $0xffff, v5  }
0x1ee: {  	p0 =	slt.s32 s0, $0x3FE0;
	s1 =	smov.u32 s0  }
0x1ef: {  	s1 =	simm.s32 @!p0 $0x3FE0  }
0x1f0: {  	v5 =	vmov s1  }
0x1f1: {  	v5 =	vadd.s32 $0xFFFFFFFF, v5  }
0x1f2: {  	v5 =	vbroadcast v5, $0x0  }
0x1f3: {  	v6, _, _ =	vpop (xrf0)  }
0x1f4: {  	v5 =	vadd.s32 v6, v5;
	(v2sf) =	vpush v6, $0xF  }
0x1f5: {  	v5 =	vsel vm15, v5, v3;
	_ =	sdelay $0x1  }
0x1f6: {  	s31 =	sadd.s32 $0x0, s15  }
0x1f7: {  	s10 =	simm.s32 $0x2;
	s6 =	sand.u32 $0x7F0, s19;
	s1 =	sshll.u32 s31, $0xB  }
0x1f8: {  	s5 =	simm.s32 $0x1;
	s16 =	sor.u32 s6, s1;
	s6 =	simm.s32 $0x80  }
0x1f9: {  	s12 =	sand.u32 $0x380, s5;
	s1 =	simm.s32 $0x10;
	s11 =	sand.u32 $0x3C00, s6;
	v6 =	vor.u32 s16, v1;
	[tilespmem:v5+s23+$0x0] =	vst.idx.msk $0xffff, v7  }
.LBB2_18:
0x1fa: {  	p0 =	sne.s32 s10, $0x3FF;
	s16 =	sand.u32 $0x70, s1;
	s11 =	sor.u32 s12, s11;
	[tilespmem:v5+s24+$0x0] =	vst.idx.msk $0xffff, v6  }
0x1fb: {  	s11 =	sor.u32 s16, s11  }
0x1fc: {  	v7 =	vld [tilespmem:s11+$0x0];
	_ =	sdelay $0x4  }
0x1fd: {  	vm0 =	vgt.f32 v7, $0.0e+00  }
0x1fe: {  	v5 =	vsel vm0, $0x1, v2;
	s11 =	spop (v2sf)  }
0x1ff: {  	(xrf0) =	vadd.scan.msk.s32 $0xffff, v5;
	s0 =	sadd.s32 s0, s11  }
0x200: {  	p1 =	slt.s32 s0, $0x3FE0;
	s11 =	smov.u32 s0  }
0x201: {  	s11 =	simm.s32 @!p1 $0x3FE0  }
0x202: {  	v5 =	vmov s11  }
0x203: {  	v5 =	vadd.s32 $0xFFFFFFFF, v5  }
0x204: {  	v5 =	vbroadcast v5, $0x0  }
0x205: {  	v6, _, _ =	vpop (xrf0)  }
0x206: {  	v5 =	vadd.s32 v6, v5;
	(v2sf) =	vpush v6, $0xF  }
0x207: {  	v5 =	vsel vm0, v5, v3  }
.Ltmp10:
0x208: {  	s11 =	sshrl.u32 s5, $0x7;
	s5 =	smov.u32 s10;
	(pc) =	sbr.rel @p0 .LBB2_18-.Ltmp10, $4  }
0x209: {  	s11 =	sadd.s32 s15, s11  }
0x20a: {  	s12 =	sand.u32 $0x7F0, s1;
	s11 =	sshll.u32 s11, $0xB  }
0x20b: {  	s1 =	sadd.s32 $0x10, s1;
	s6 =	sadd.s32 $0x80, s6;
	s16 =	sor.u32 s12, s11  }
0x20c: {  	s10 =	sadd.s32 $0x1, s10;
	s11 =	sand.u32 $0x3C00, s6;
	s12 =	sand.u32 $0x380, s5;
	v6 =	vor.u32 s16, v1;
	[tilespmem:v5+s23+$0x0] =	vst.idx.msk $0xffff, v7  }
0x20d: {  	_ =	sdelay $0x2  }
0x20e: {  	s6 =	sand.u32 $0x70, s1;
	s10 =	sor.u32 s12, s11  }
0x20f: {  	[tilespmem:v5+s24+$0x0] =	vst.idx.msk $0xffff, v6;
	s6 =	sor.u32 s6, s10  }
0x210: {  	v5 =	vld [tilespmem:s6+$0x0];
	_ =	sdelay $0x4  }
0x211: {  	vm0 =	vgt.f32 v5, $0.0e+00  }
0x212: {  	v6 =	vsel vm0, $0x1, v2  }
0x213: {  	(xrf0) =	vadd.scan.msk.s32 $0xffff, v6;
	_ =	sdelay $0x5  }
0x214: {  	v6, _, _ =	vpop (xrf0)  }
0x215: {  	(v2sf) =	vpush v6, $0xF;
	_ =	sdelay $0x8  }
0x216: {  	s17 =	spop (v2sf)  }
0x217: {  	s0 =	sadd.s32 s0, s17  }
0x218: {  	p0 =	slt.s32 s0, $0x3FE0;
	s6 =	smov.u32 s0  }
0x219: {  	s6 =	simm.s32 @!p0 $0x3FE0  }
0x21a: {  	v7 =	vmov s6  }
0x21b: {  	v7 =	vadd.s32 $0xFFFFFFFF, v7  }
0x21c: {  	s5 =	sshrl.u32 s5, $0x7;
	v7 =	vbroadcast v7, $0x0;
	s18 =	spop (v2sf)  }
0x21d: {  	s5 =	sadd.s32 s15, s5;
	s0 =	sadd.s32 s0, s18  }
0x21e: {  	s19 =	sand.u32 $0x7F0, s1;
	s5 =	sshll.u32 s5, $0xB;
	v6 =	vadd.s32 v6, v7;
	s6 =	sadd.s32 $0xF, s0  }
0x21f: {  	s1 =	sor.u32 s19, s5;
	v6 =	vsel vm0, v6, v3;
	s20 =	sand.u32 $0xF, s6  }
0x220: {  	s28 =	sshra.s32 s6, $0x1F;
	p6 =	slt.s32 s6, $0x1;
	p1 =	sne.s32 s20, $0x0  }
.Ltmp11:
0x221: {  	s29 =	sshrl.u32 s28, $0x1C;
	p0 =	por !p6, !p1;
	(pc) =	sbr.rel .LBB2_20-.Ltmp11, $4  }
0x222: {  	s5 =	sadd.s32 s29, s6;
	s6 =	simm.s32 $0x1;
	p0 =	por !p0, !p0  }
0x223: {  	s31 =	simm.s32 $0x0;
	s5 =	sshra.s32 s5, $0x4;
	s6 =	simm.s32 @!p0 $0x0  }
0x224: {  	v7 =	vor.u32 s1, v1;
	s1 =	simm.s32 $0x3F800000;
	[tilespmem:v6+s23+$0x0] =	vst.idx.msk $0xffff, v5;
	p0 =	slt.s32 s0, $0x3E0;
	s30 =	ssub.s32 s5, s6  }
0x225: {  	[tilespmem:v6+s24+$0x0] =	vst.idx.msk $0xffff, v7;
	s0 =	simm.s32 @!p0 $0x3E0;
	s5 =	simm.s32 $0x0;
	p0 =	slt.s32 s30, $0x1  }
.LBB2_22:
0x226: {  	s11 =	simm.s32 $0x0;
	s12 =	simm.s32 $0x0;
	s16 =	simm.s32 $0x0  }
.LBB2_33:
0x227: {  	v5 =	vsel vm2, $0x1, v2  }
0x228: {  	(xrf0) =	vadd.scan.msk.s32 $0xffff, v5;
	v5 =	vsel vm1, $0x1, v2  }
0x229: {  	v6 =	vsel vm0, $0x1, v2  }
0x22a: {  	v7, _, _ =	vpop @p1 (xrf0);
	(v2sf) =	vpush @p2 v8, $0xF;
	(xrf0) =	vadd.scan.msk.s32 $0xffff, v5  }
0x22b: {  	v5, _, _ =	vpop @p1 (xrf0);
	(xrf0) =	vadd.scan.msk.s32 $0xffff, v6  }
0x22c: {  	(v2sf) =	vpush @p1 v7, $0xF;
	v6, _, _ =	vpop @p1 (xrf0)  }
0x22d: {  	(v2sf) =	vpush @p1 v5, $0xF;
	v5 =	vpsel p1, v6, v9;
	_ =	sdelay $0x1  }
0x22e: {  	s17 =	spop @p4 (v2sf);
	v6, _, _ =	vpop (xrf0);
	(v2sf) =	vpush @p1 v5, $0xF  }
0x22f: {  	s11 =	sadd.s32 @p4 s11, s29;
	s18 =	spop @p4 (v2sf);
	s12 =	sadd.s32 @p4 s12, s17;
	(v2sf) =	vpush v6, $0xF;
	v5, _, _ =	vpop (xrf0)  }
0x230: {  	s17 =	spop @p3 (v2sf);
	s16 =	sadd.s32 @p4 s16, s18;
	s18 =	simm.s32 $0x0;
	v6, _, _ =	vpop (xrf0);
	(v2sf) =	vpush v5, $0xF  }
0x231: {  	s18 =	smov.u32 @p4 s11;
	s11 =	simm.s32 $0x0;
	s19 =	spop @p3 (v2sf);
	(v2sf) =	vpush v6, $0xF  }
0x232: {  	s17 =	smov.u32 @p3 s17;
	s11 =	smov.u32 @p4 s12;
	s12 =	simm.s32 $0x0  }
0x233: {  	s17 =	sadd.s32 @p3 s18, s17;
	s12 =	smov.u32 @p4 s16  }
0x234: {  	s11 =	sadd.s32 @p3 s11, s19;
	s19 =	simm.s32 $0x0;
	s16 =	spop @p3 (v2sf)  }
0x235: {  	s19 =	smov.u32 @p3 s11;
	s11 =	simm.s32 $0x0;
	s18 =	spop @p2 (v2sf)  }
0x236: {  	s12 =	sadd.s32 @p3 s12, s16;
	s16 =	smov.u32 @p2 s18;
	s18 =	simm.s32 $0x0  }
0x237: {  	s11 =	smov.u32 @p3 s12;
	s18 =	smov.u32 @p3 s17;
	s12 =	spop @p2 (v2sf)  }
0x238: {  	s16 =	sadd.s32 @p2 s18, s16;
	s17 =	spop @p2 (v2sf)  }
0x239: {  	s12 =	sadd.s32 @p2 s19, s12;
	s11 =	sadd.s32 @p2 s11, s17;
	s17 =	simm.s32 $0x0  }
0x23a: {  	s18 =	spop @p1 (v2sf);
	s17 =	smov.u32 @p2 s16;
	s16 =	simm.s32 $0x0  }
0x23b: {  	s18 =	smov.u32 @p1 s18;
	s16 =	smov.u32 @p2 s12;
	s12 =	simm.s32 $0x0  }
0x23c: {  	s12 =	smov.u32 @p2 s11;
	s11 =	sadd.s32 @p1 s17, s18;
	s19 =	spop @p1 (v2sf)  }
0x23d: {  	s16 =	sadd.s32 @p1 s16, s19;
	s19 =	simm.s32 $0x0;
	s17 =	spop @p1 (v2sf)  }
0x23e: {  	s18 =	spop (v2sf);
	s12 =	sadd.s32 @p1 s12, s17;
	s17 =	simm.s32 $0x0  }
0x23f: {  	s17 =	smov.u32 @p1 s16;
	s16 =	simm.s32 $0x0;
	s29 =	spop (v2sf)  }
0x240: {  	s19 =	smov.u32 @p1 s11;
	s16 =	smov.u32 @p1 s12;
	s20 =	spop (v2sf)  }
0x241: {  	s11 =	sadd.s32 s19, s18;
	s12 =	sadd.s32 s17, s29;
	s16 =	sadd.s32 s16, s20  }
.LBB2_34:
0x242: {  	p1 =	slt.s32 s12, s0;
	s12 =	smov.u32 s28  }
0x243: {  	p2 =	slt.s32 s16, s0;
	s16 =	smov.u32 s10;
	s5 =	sadd.s32 $0x1, s5  }
0x244: {  	s12 =	smov.u32 @p1 s31;
	s10 =	smov.u32 @p1 s28;
	p1 =	seq.s32 s5, $0x10  }
.Ltmp12:
0x245: {  	_ = 	snop;
	(pc) =	sbr.rel @p1 .LBB2_35-.Ltmp12, $4  }
0x246: {  	_ = 	snop  }
0x247: {  	p3 =	slt.s32 s11, s0  }
0x248: {  	s31 =	smov.u32 s6;
	s16 =	smov.u32 @p2 s12;
	s6 =	smov.u32 @p2 s10  }
0x249: {  	s31 =	smov.u32 @p3 s16;
	s1 =	smov.u32 @p3 s6  }
.LBB2_20:
0x24a: {  	s6 =	ssub.s32 s1, s31;
	p1 =	sne.s32 s1, s31;
	s10 =	simm.s32 $0x1  }
0x24b: {  	s11 =	sshra.s32 s6, $0x1F;
	s10 =	simm.s32 @!p1 $0x0  }
0x24c: {  	s12 =	sand.u32 $0x3, s6;
	s10 =	sor.u32 s10, s11  }
0x24d: {  	p2 =	sne.s32 s12, $0x0;
	s29 =	sshrl.u32 s11, $0x1E;
	p6 =	sne.s32 s10, $0x1  }
0x24e: {  	s6 =	sadd.s32 s29, s6;
	p1 =	por !p2, !p6  }
.Ltmp13:
0x24f: {  	s10 =	simm.s32 $0x1;
	p1 =	por !p1, !p1;
	(pc) =	sbr.rel @p0 .LBB2_34-.Ltmp13, $4  }
0x250: {  	s6 =	sshra.s32 s6, $0x2;
	s10 =	simm.s32 @!p1 $0x0  }
0x251: {  	s16 =	simm.s32 $0x0;
	s6 =	ssub.s32 s6, s10  }
0x252: {  	s12 =	simm.s32 $0x0;
	s11 =	simm.s32 $0x0;
	s10 =	sshll.u32 s6, $0x1  }
0x253: {  	s28 =	sadd.s32 s31, s6;
	s6 =	ssub.s32 s1, s6;
	s10 =	sadd.s32 s31, s10  }
0x254: {  	s11 =	simm.s32 $0x4000  }
0x255: {  	p5 =	sne.s32 s30, $0x1;
	v8 =	vld [tilespmem:s11+$0x0]  }
.Ltmp14:
0x256: {  	v5 =	vmov s28;
	(pc) =	sbr.rel @!p5 .LBB2_22-.Ltmp14, $4  }
0x257: {  	v6 =	vmov s10;
	v7 =	vmov s6;
	v5 =	vbroadcast v5, $0x0  }
0x258: {  	v6 =	vbroadcast v6, $0x0;
	v7 =	vbroadcast v7, $0x0  }
0x259: {  	s12 =	simm.s32 $0x4010;
	p1 =	por $0x0, $0x0;
	p2 =	por $0x0, $0x0  }
0x25a: {  	p3 =	por $0x0, $0x0;
	p4 =	por $0x0, $0x0;
	s11 =	sadd.s32 $0xFFFFFFFF, s30;
	vm1 =	vge.f32 v8, v5;
	vm0 =	vge.f32 v8, v6;
	vm2 =	vge.f32 v8, v7  }
0x25b: {  	v8 =	vld [tilespmem:s12+$0x0];
	p5 =	sne.s32 s11, $0x1  }
.Ltmp15:
0x25c: {  	_ = 	snop;
	(pc) =	sbr.rel @!p5 .LBB2_24-.Ltmp15, $4  }
0x25d: {  	v9 =	vsel vm2, $0x1, v2  }
0x25e: {  	v10 =	vsel vm1, $0x1, v2;
	(xrf0) =	vadd.scan.msk.s32 $0xffff, v9  }
0x25f: {  	v63 =	vsel vm0, $0x1, v2;
	(xrf0) =	vadd.scan.msk.s32 $0xffff, v10  }
0x260: {  	s11 =	sadd.s32 $0xFFFFFFFF, s11;
	s12 =	simm.s32 $0x4020;
	p1 =	por $0x1, $0x1;
	(xrf0) =	vadd.scan.msk.s32 $0xffff, v63;
	vm1 =	vge.f32 v8, v5;
	vm0 =	vge.f32 v8, v6;
	vm2 =	vge.f32 v8, v7  }
0x261: {  	_ =	sdelay $0x2  }
0x262: {  	v10, _, _ =	vpop (xrf0)  }
0x263: {  	(v2sf) =	vpush v10, $0xF;
	v10, _, _ =	vpop (xrf0)  }
0x264: {  	(v2sf) =	vpush v10, $0xF;
	_ =	sdelay $0x7  }
0x265: {  	v9 =	vld [tilespmem:s12+$0x0];
	p5 =	sne.s32 s11, $0x1  }
.Ltmp16:
0x266: {  	v8 =	vsel vm2, $0x1, v2;
	(pc) =	sbr.rel @!p5 .LBB2_26-.Ltmp16, $3  }
0x267: {  	(xrf0) =	vadd.scan.msk.s32 $0xffff, v8;
	v8 =	vsel vm1, $0x1, v2;
	_ =	sdelay $0x1  }
0x268: {  	v11 =	vsel vm0, $0x1, v2;
	(xrf0) =	vadd.scan.msk.s32 $0xffff, v8  }
0x269: {  	s11 =	sadd.s32 $0xFFFFFFFF, s11;
	s12 =	simm.s32 $0x4030;
	p2 =	por $0x1, $0x1;
	(xrf0) =	vadd.scan.msk.s32 $0xffff, v11;
	vm1 =	vge.f32 v9, v5;
	vm0 =	vge.f32 v9, v6;
	vm2 =	vge.f32 v9, v7;
	v8, _, _ =	vpop (xrf0)  }
0x26a: {  	_ = 	snop  }
0x26b: {  	v9 =	vsel vm2, $0x1, v2;
	_ =	sdelay $0x1  }
0x26c: {  	(v2sf) =	vpush v8, $0xF;
	v8, _, _ =	vpop (xrf0)  }
0x26d: {  	(xrf0) =	vadd.scan.msk.s32 $0xffff, v9;
	(v2sf) =	vpush v8, $0xF;
	v9, _, _ =	vpop (xrf0)  }
0x26e: {  	(v2sf) =	vpush v9, $0xF;
	_ =	sdelay $0x2  }
0x26f: {  	v10 =	vld [tilespmem:s12+$0x0];
	p5 =	sne.s32 s11, $0x1  }
.Ltmp17:
0x270: {  	_ = 	snop;
	(pc) =	sbr.rel @!p5 .LBB2_28-.Ltmp17, $4  }
0x271: {  	_ = 	snop  }
0x272: {  	v11 =	vsel vm1, $0x1, v2  }
0x273: {  	v8 =	vsel vm0, $0x1, v2;
	(xrf0) =	vadd.scan.msk.s32 $0xffff, v11  }
0x274: {  	s11 =	sadd.s32 $0xFFFFFFFF, s11;
	s12 =	simm.s32 $0x4040;
	p3 =	por $0x1, $0x1;
	(xrf0) =	vadd.scan.msk.s32 $0xffff, v8;
	v9, _, _ =	vpop (xrf0);
	vm1 =	vge.f32 v10, v5;
	vm0 =	vge.f32 v10, v6;
	vm2 =	vge.f32 v10, v7  }
0x275: {  	_ =	sdelay $0x2  }
0x276: {  	v11, _, _ =	vpop (xrf0);
	(v2sf) =	vpush v9, $0xF  }
0x277: {  	(v2sf) =	vpush v11, $0xF;
	v11, _, _ =	vpop (xrf0)  }
0x278: {  	(v2sf) =	vpush v11, $0xF;
	_ =	sdelay $0x2  }
0x279: {  	v10 =	vld [tilespmem:s12+$0x0];
	v8 =	vsel vm2, $0x1, v2;
	p5 =	sne.s32 s11, $0x1  }
.Ltmp18:
0x27a: {  	(xrf0) =	vadd.scan.msk.s32 $0xffff, v8;
	v8 =	vsel vm1, $0x1, v2;
	(pc) =	sbr.rel @!p5 .LBB2_30-.Ltmp18, $4  }
0x27b: {  	v12 =	vsel vm0, $0x1, v2;
	(xrf0) =	vadd.scan.msk.s32 $0xffff, v8  }
0x27c: {  	s17 =	sadd.s32 $0xFFFFFFFF, s11;
	(xrf0) =	vadd.scan.msk.s32 $0xffff, v12  }
0x27d: {  	s18 =	simm.s32 $0x4050;
	s29 =	spop (v2sf);
	p4 =	por $0x1, $0x1  }
0x27e: {  	s11 =	simm.s32 $0x0;
	s12 =	simm.s32 $0x0;
	s16 =	simm.s32 $0x0;
	v8, _, _ =	vpop (xrf0);
	vm1 =	vge.f32 v10, v5;
	vm0 =	vge.f32 v10, v6;
	vm2 =	vge.f32 v10, v7  }
.LBB2_31:
0x27f: {  	v10 =	vld [tilespmem:s18+$0x0];
	p5 =	sne.s32 s17, $0x1;
	s17 =	sadd.s32 $0xFFFFFFFF, s17;
	v15 =	vsel vm1, $0x1, v2;
	v12 =	vsel vm0, $0x1, v2;
	v14 =	vsel vm2, $0x1, v2;
	s11 =	sadd.s32 s11, s29  }
.Ltmp19:
0x280: {  	(xrf0) =	vadd.scan.msk.s32 $0xffff, v14;
	v13, _, _ =	vpop (xrf0);
	(v2sf) =	vpush v8, $0xF;
	s29 =	spop (v2sf);
	(pc) =	sbr.rel @p5 .LBB2_31-.Ltmp19, $4  }
0x281: {  	(xrf0) =	vadd.scan.msk.s32 $0xffff, v15;
	v11, _, _ =	vpop (xrf0);
	(v2sf) =	vpush v13, $0xF;
	s12 =	sadd.s32 s12, s29  }
0x282: {  	(xrf0) =	vadd.scan.msk.s32 $0xffff, v12;
	v8, _, _ =	vpop (xrf0)  }
0x283: {  	(v2sf) =	vpush v11, $0xF;
	s19 =	spop (v2sf);
	_ =	sdelay $0x1  }
0x284: {  	s18 =	sadd.s32 $0x10, s18;
	vm1 =	vge.f32 v10, v5;
	vm0 =	vge.f32 v10, v6;
	vm2 =	vge.f32 v10, v7;
	s29 =	spop (v2sf);
	s16 =	sadd.s32 s16, s19  }
.Ltmp20:
0x285: {  	(pc) =	sbr.rel .LBB2_33-.Ltmp20, $1  }
0x286: {  	_ =	sdelay $0x3  }
.LBB2_24:
.Ltmp21:
0x287: {  	(pc) =	sbr.rel .LBB2_33-.Ltmp21, $2  }
0x288: {  	_ =	sdelay $0x2  }
0x289: {  	s11 =	simm.s32 $0x0;
	s12 =	simm.s32 $0x0;
	s16 =	simm.s32 $0x0  }
.LBB2_26:
.Ltmp22:
0x28a: {  	(pc) =	sbr.rel .LBB2_33-.Ltmp22, $2  }
0x28b: {  	_ =	sdelay $0x2  }
0x28c: {  	s11 =	simm.s32 $0x0;
	s12 =	simm.s32 $0x0;
	s16 =	simm.s32 $0x0  }
.LBB2_28:
.Ltmp23:
0x28d: {  	(pc) =	sbr.rel .LBB2_33-.Ltmp23, $2  }
0x28e: {  	_ =	sdelay $0x3  }
0x28f: {  	s11 =	simm.s32 $0x0;
	v8 =	vmov v9;
	s12 =	simm.s32 $0x0;
	s16 =	simm.s32 $0x0  }
.LBB2_30:
.Ltmp24:
0x290: {  	(pc) =	sbr.rel .LBB2_33-.Ltmp24, $2  }
0x291: {  	_ =	sdelay $0x2  }
0x292: {  	s11 =	simm.s32 $0x0;
	s12 =	simm.s32 $0x0;
	s16 =	simm.s32 $0x0  }
.LBB2_35:
0x293: {  	s0 =	simm.s32 $0x40;
	s1 =	simm.s32 $0x0  }
.LBB2_36:
0x294: {  	p0 =	seq.s32 s0, $0x1040;
	[tilespmem:s1+$0xC100] =	vst v0;
	s5 =	smov.u32 s0;
	s0 =	sadd.s32 $0x40, s0  }
.Ltmp25:
0x295: {  	[tilespmem:s1+$0xC580] =	vst v2;
	(pc) =	sbr.rel @!p0 .LBB2_36-.Ltmp25, $2  }
0x296: {  	_ =	sdelay $0x2  }
0x297: {  	s1 =	sshra.s32 s5, $0x2  }
0x298: {  	p0 =	sgt.s32 s30, $0x0  }
.Ltmp26:
0x299: {  	_ = 	snop;
	(pc) =	sbr.rel @!p0 .LBB2_44-.Ltmp26, $3  }
0x29a: {  	_ =	sdelay $0x1  }
0x29b: {  	[tilespmem:s1+$0xC100] =	vst v0  }
0x29c: {  	[tilespmem:s1+$0xC580] =	vst v2  }
0x29d: {  	v5 =	vmov s31;
	s5 =	simm.s32 $0x4000  }
0x29e: {  	v6 =	vbroadcast v5, $0x0;
	v5 =	vld [tilespmem:s5+$0x0]  }
0x29f: {  	p1 =	sne.s32 s30, $0x1  }
.Ltmp27:
0x2a0: {  	_ = 	snop;
	(pc) =	sbr.rel @!p1 .LBB2_39-.Ltmp27, $3  }
0x2a1: {  	_ =	sdelay $0x1  }
0x2a2: {  	s1 =	simm.s32 $0x0;
	vm0 =	vge.f32 v5, v6  }
0x2a3: {  	s0 =	simm.s32 $0x8080;
	s6 =	sadd.s32 $0xFFFFFFFF, s30;
	p0 =	por $0x0, $0x0;
	v7 =	vsel vm0, $0x1, v2  }
0x2a4: {  	(xrf0) =	vadd.scan.msk.s32 $0xffff, v7;
	_ =	sdelay $0x1  }
0x2a5: {  	p0 =	por $0x1, $0x1;
	s5 =	simm.s32 $0x0  }
0x2a6: {  	s5 =	simm.s32 @!p0 $0x400  }
0x2a7: {  	v7 =	vmov s5  }
0x2a8: {  	v7 =	vadd.s32 $0xFFFFFFFF, v7  }
0x2a9: {  	v7 =	vbroadcast v7, $0x0;
	v8, _, _ =	vpop (xrf0)  }
0x2aa: {  	(v2sf) =	vpush v8, $0xF  }
0x2ab: {  	v7 =	vadd.s32 v8, v7  }
0x2ac: {  	v7 =	vsel vm0, v7, v4  }
0x2ad: {  	v8 =	vld [tilespmem:s0+$0x0];
	_ =	sdelay $0x3  }
0x2ae: {  	[tilespmem:v7+s25+$0x0] =	vst.idx.msk $0xffff, v5  }
0x2af: {  	s10 =	simm.s32 $0x4010;
	[tilespmem:v7+s26+$0x0] =	vst.idx.msk $0xffff, v8  }
0x2b0: {  	v5 =	vld [tilespmem:s10+$0x0]  }
0x2b1: {  	p1 =	sne.s32 s6, $0x1  }
.Ltmp28:
0x2b2: {  	_ = 	snop;
	(pc) =	sbr.rel @!p1 .LBB2_41-.Ltmp28, $3  }
0x2b3: {  	_ =	sdelay $0x1  }
0x2b4: {  	s11 =	sadd.s32 $0xFFFFFFFF, s6;
	vm0 =	vge.f32 v5, v6  }
0x2b5: {  	s6 =	simm.s32 $0x8080;
	p0 =	por $0x1, $0x1;
	v7 =	vsel vm0, $0x1, v2;
	s12 =	spop (v2sf)  }
.LBB2_42:
0x2b6: {  	p1 =	sne.s32 s11, $0x1;
	(xrf0) =	vadd.scan.msk.s32 $0xffff, v7;
	s5 =	sadd.s32 s5, s12;
	s6 =	sadd.s32 $0x10, s6  }
0x2b7: {  	s11 =	sadd.s32 $0xFFFFFFFF, s11;
	p2 =	slt.s32 s5, $0x400;
	_ =	sdelay $0x1  }
0x2b8: {  	s5 =	simm.s32 @!p2 $0x400  }
0x2b9: {  	v7 =	vmov s5  }
0x2ba: {  	v7 =	vadd.s32 $0xFFFFFFFF, v7  }
0x2bb: {  	v7 =	vbroadcast v7, $0x0;
	v8, _, _ =	vpop (xrf0)  }
0x2bc: {  	(v2sf) =	vpush v8, $0xF  }
0x2bd: {  	v7 =	vadd.s32 v8, v7  }
0x2be: {  	v7 =	vsel vm0, v7, v4  }
0x2bf: {  	v8 =	vld [tilespmem:s6+$0x0];
	_ =	sdelay $0x3  }
0x2c0: {  	[tilespmem:v7+s25+$0x0] =	vst.idx.msk $0xffff, v5  }
0x2c1: {  	s10 =	sadd.s32 $0x10, s10;
	[tilespmem:v7+s26+$0x0] =	vst.idx.msk $0xffff, v8  }
0x2c2: {  	v5 =	vld [tilespmem:s10+$0x0];
	_ =	sdelay $0x1  }
.Ltmp29:
0x2c3: {  	(pc) =	sbr.rel @p1 .LBB2_42-.Ltmp29, $3  }
0x2c4: {  	_ =	sdelay $0x1  }
0x2c5: {  	vm0 =	vge.f32 v5, v6  }
0x2c6: {  	v7 =	vsel vm0, $0x1, v2;
	s12 =	spop (v2sf)  }
.Ltmp30:
0x2c7: {  	_ = 	snop;
	(pc) =	sbr.rel .LBB2_43-.Ltmp30, $1  }
0x2c8: {  	_ =	sdelay $0x3  }
.LBB2_41:
.Ltmp31:
0x2c9: {  	(pc) =	sbr.rel .LBB2_43-.Ltmp31, $2  }
0x2ca: {  	_ =	sdelay $0x2  }
0x2cb: {  	s6 =	simm.s32 $0x8080  }
.LBB2_45:
0x2cc: {  	_ =	sfence.sel $0x180000  }
0x2cd: {  	[bflag:$0x0] =	sbarrier.arrive $0xFFFF  }
0x2ce: {  	_ =	strace $0x90000047  }
0x2cf: {  	s0 =	stileid.u32;
	[bflag:$0x2] =	sbarrier.arrive $0xFFFF  }
0x2d0: {  	p0 =	sne.s32 s0, $0x0;
	s0 =	rddreg [dreg:$0x1]  }
0x2d1: {  	s0 =	sadd.s32 @!p0 $0x100000, s0  }
0x2d2: {  	[sflag:s0] =	ssyncadd.tile.s32 @!p0 $0x1;
	_ =	shalt  }
.Lfunc_end2:
_tile_overlayer_lowered:
.L_overlay_start_2:
0x2d3: {  	(tag) =	ssettag $0x2  }
0x2d4: {  	s0 =	rddreg [dreg:$0x0];
	s2 =	stileid.u32  }
0x2d5: {  	s1 =	rddreg [dreg:$0x1];
	p0 =	sne.s32 s2, $0x0  }
0x2d6: {  	s3 =	rddreg [dreg:$0x2];
	[bflag:$0x3] =	sbarrier.arrive $0xFFFF;
	s2 =	simm.s32 @!p0 $0x1C01  }
0x2d7: {  	[timem:s3], [sflag:s2] =	dma.local @!p0 [hbm:s0], s1  }
0x2d8: {  	s0 =	simm.s32 @!p0 $0x1  }
0x2d9: {  	_ =	swait.ge @!p0 [sflag:s0], s1  }
0x2da: {  	s1 =	ssub.s32 @!p0 $0x0, s1;
	[sflag:s0] =	ssyncset.done @!p0 $0x0  }
0x2db: {  	[sflag:s0] =	ssyncadd.s32 @!p0 s1  }
0x2dc: {  	[bflag:$0x3] =	sbarrier.arrive $0xFFFF  }
0x2dd: {  	_ =	shalt  }

// kernel: _run.8.cloned.1.call-start
scs
__scs_entry_jumppad:
0x0: {  	(pc) =	sbr.rel $0x88, $3  }
0x1: {  	(tag) =	ssettag $0x0;
	lr =	simm.s32 $0x1  }
0x2: {  	[smem:$0x3F9E] =	sst lr;
	_ =	strace $0xD0000000  }
0x3: {  	_ = 	snop  }
0x4: {  	_ = 	snop  }
0x5: {  	_ = 	snop  }
0x6: {  	_ = 	snop  }
0x7: {  	_ = 	snop  }
__scs_overlays_trampoline_lowered:
0x8: {  	[smem:$0x3FAD] =	sst s0  }
0x9: {  	[smem:$0x3FAE] =	sst s1  }
0xa: {  	[smem:$0x3FAF] =	sst s2  }
0xb: {  	[smem:$0x3FB0] =	sst s3  }
0xc: {  	[smem:$0x3FB1] =	sst s4  }
0xd: {  	[smem:$0x3FB2] =	sst s5  }
0xe: {  	[smem:$0x3FB3] =	sst s6  }
0xf: {  	[smem:$0x3FB4] =	sst s7  }
0x10: {  	[smem:$0x3FB5] =	sst s8  }
0x11: {  	[smem:$0x3FB6] =	sst s9;
	s0 =	simm.s32 @!p0 $0x0  }
0x12: {  	s1 =	sld [smem:$0x3F9C];
	s0 =	simm.s32 @p0 $0x1  }
0x13: {  	[smem:$0x3FB7] =	sst s0;
	s0 =	simm.s32 @!p1 $0x0  }
0x14: {  	s2 =	sld [smem:$0x3F9B];
	s0 =	simm.s32 @p1 $0x1  }
0x15: {  	[smem:$0x3FB8] =	sst s0;
	s0 =	simm.s32 @!p2 $0x0  }
0x16: {  	s3 =	sld [smem:$0x3FDB];
	s0 =	simm.s32 @p2 $0x1  }
0x17: {  	s4 =	simm.s32 $0x1BF5;
	[smem:$0x3FBA] =	sst s0  }
0x18: {  	s0 =	sld [smem:$0x3F9D];
	_ =	swait.ge [sflag:s4], $0x0  }
0x19: {  	s7 =	sld [smem:$0x3F9E]  }
0x1a: {  	s8 =	sadd.s32 $0xFFFFE003, lr  }
0x1b: {  	s9 =	sadd.s32 $0xFFFFFEF7, lr;
	s5 =	simm.s32 $0xFFFFFFFF;
	p2 =	slt.u32 s8, $0xFFFFF086  }
0x1c: {  	p1 =	slt.u32 s9, $0xF7A;
	s5 =	simm.s32 @!p2 $0x0  }
0x1d: {  	s5 =	simm.s32 @p1 $0x1;
	p0 =	seq.s32 s7, s2  }
0x1e: {  	s7 =	smul.u32 @!p0 $0xF7A, s2;
	p2 =	seq.s32 @!p0 s5, $0x0  }
0x1f: {  	s9 =	smul.u32 $0xF7A, s1;
	s8 =	simm.s32 @!p0 $0x1BF5;
	p2 =	por !p2, p0  }
0x20: {  	[sflag:s8] =	ssyncset.s32 @!p0 $0xFFFFF086;
	s6 =	sadd.s32 @!p0 s3, s7;
	s7 =	simm.s32 @!p0 $0x108  }
0x21: {  	s3 =	sadd.s32 s3, s9;
	s6 =	sadd.s32 @!p0 $0x88, s6;
	s7 =	simm.s32 @p2 $0x1082  }
0x22: {  	[simem:s7], [sflag:s8] =	dma.local @!p0 [hbm:s6], $0xF7A  }
0x23: {  	s9 =	sor.u32 $0xD0000000, s2;
	s6 =	simm.s32 $0x108;
	_ =	swait.ge @!p0 [sflag:s8], $0x0  }
0x24: {  	s3 =	sadd.s32 $0x88, s3;
	s6 =	simm.s32 @!p1 $0x1082;
	[sflag:s4] =	ssyncset.s32 $0xFFFFF086  }
0x25: {  	[simem:s6], [sflag:s4] =	dma.local [hbm:s3], $0xF7A  }
0x26: {  	[smem:$0x3F9E] =	sst s1;
	(tag) =	ssettag s2;
	_ =	strace s9  }
0x27: {  	s1 =	sld [smem:$0x3FAE]  }
0x28: {  	s2 =	sld [smem:$0x3FAF]  }
0x29: {  	s4 =	sld [smem:$0x3FB1]  }
0x2a: {  	p0 =	seq.s32 s5, $0x0;
	s5 =	sld [smem:$0x3FB2]  }
0x2b: {  	s6 =	sld [smem:$0x3FB3]  }
0x2c: {  	s7 =	sld [smem:$0x3FB4]  }
0x2d: {  	s3 =	simm.s32 $0x108;
	s8 =	sld [smem:$0x3FB5]  }
0x2e: {  	s3 =	simm.s32 @!p0 $0x1082;
	s9 =	sld [smem:$0x3FB6]  }
0x2f: {  	lr =	sadd.s32 s0, s3;
	s0 =	sld [smem:$0x3FAD]  }
0x30: {  	s3 =	sld [smem:$0x3FB0]  }
0x31: {  	[smem:$0x3FB9] =	sst s10  }
0x32: {  	s10 =	sld [smem:$0x3FB7];
	_ =	sdelay $0x3  }
0x33: {  	p0 =	seq.s32 s10, $0x1;
	s10 =	sld [smem:$0x3FB9];
	_ =	sdelay $0x3  }
0x34: {  	[smem:$0x3FB9] =	sst s10  }
0x35: {  	s10 =	sld [smem:$0x3FB8];
	_ =	sdelay $0x3  }
0x36: {  	p1 =	seq.s32 s10, $0x1;
	s10 =	sld [smem:$0x3FB9];
	_ =	sdelay $0x3  }
0x37: {  	[smem:$0x3FB9] =	sst s10  }
0x38: {  	s10 =	sld [smem:$0x3FBA]  }
0x39: {  	_ = 	snop;
	(pc) =	sbr.ind lr, $3  }
0x3a: {  	_ = 	snop  }
0x3b: {  	_ = 	snop  }
0x3c: {  	p2 =	seq.s32 s10, $0x1;
	s10 =	sld [smem:$0x3FB9]  }
0x3d: {  	_ =	shalt  }
0x3e: {  	_ =	shalt  }
0x3f: {  	_ =	shalt  }
0x40: {  	_ =	shalt  }
0x41: {  	_ =	shalt  }
0x42: {  	_ =	shalt  }
0x43: {  	_ =	shalt  }
0x44: {  	_ =	shalt  }
0x45: {  	_ =	shalt  }
0x46: {  	_ =	shalt  }
0x47: {  	_ =	shalt  }
0x48: {  	_ =	shalt  }
0x49: {  	_ =	shalt  }
0x4a: {  	_ =	shalt  }
0x4b: {  	_ =	shalt  }
0x4c: {  	_ =	shalt  }
0x4d: {  	_ =	shalt  }
0x4e: {  	_ =	shalt  }
0x4f: {  	_ =	shalt  }
0x50: {  	_ =	shalt  }
0x51: {  	_ =	shalt  }
0x52: {  	_ =	shalt  }
0x53: {  	_ =	shalt  }
0x54: {  	_ =	shalt  }
0x55: {  	_ =	shalt  }
0x56: {  	_ =	shalt  }
0x57: {  	_ =	shalt  }
0x58: {  	_ =	shalt  }
0x59: {  	_ =	shalt  }
0x5a: {  	_ =	shalt  }
0x5b: {  	_ =	shalt  }
0x5c: {  	_ =	shalt  }
0x5d: {  	_ =	shalt  }
0x5e: {  	_ =	shalt  }
0x5f: {  	_ =	shalt  }
0x60: {  	_ =	shalt  }
0x61: {  	_ =	shalt  }
0x62: {  	_ =	shalt  }
0x63: {  	_ =	shalt  }
0x64: {  	_ =	shalt  }
0x65: {  	_ =	shalt  }
0x66: {  	_ =	shalt  }
0x67: {  	_ =	shalt  }
0x68: {  	_ =	shalt  }
0x69: {  	_ =	shalt  }
0x6a: {  	_ =	shalt  }
0x6b: {  	_ =	shalt  }
0x6c: {  	_ =	shalt  }
0x6d: {  	_ =	shalt  }
0x6e: {  	_ =	shalt  }
0x6f: {  	_ =	shalt  }
0x70: {  	_ =	shalt  }
0x71: {  	_ =	shalt  }
0x72: {  	_ =	shalt  }
0x73: {  	_ =	shalt  }
0x74: {  	_ =	shalt  }
0x75: {  	_ =	shalt  }
0x76: {  	_ =	shalt  }
0x77: {  	_ =	shalt  }
0x78: {  	_ =	shalt  }
0x79: {  	_ =	shalt  }
0x7a: {  	_ =	shalt  }
0x7b: {  	_ =	shalt  }
0x7c: {  	_ =	shalt  }
0x7d: {  	_ =	shalt  }
0x7e: {  	_ =	shalt  }
0x7f: {  	_ =	shalt  }
0x80: {  	_ =	shalt  }
0x81: {  	_ =	shalt  }
0x82: {  	_ =	shalt  }
0x83: {  	_ =	shalt  }
0x84: {  	_ =	shalt  }
0x85: {  	_ =	shalt  }
0x86: {  	_ =	shalt  }
0x87: {  	_ =	shalt  }
.Lfunc_end0:
.L_simem_size_0:
called_computation.2_lowered:
.L_overlay_start_0:
0x88: {  	s2 =	sld [smem:$0x3FD9]  }
0x89: {  	s3 =	sld [smem:$0x3FFE];
	_ =	sdelay $0x1  }
0x8a: {  	s1 =	srdreg.scid  }
0x8b: {  	s0 =	sand.u32 $0x1, s1  }
0x8c: {  	s14 =	sshll.u32 s0, $0xA;
	s2 =	sadd.s32 s3, s2  }
0x8d: {  	s2 =	sadd.s32 s2, s14  }
0x8e: {  	[smem:$0x3FC5] =	sst s2  }
0x8f: {  	_ = 	snop  }
0x90: {  	s2 =	sld [smem:$0x3FD0];
	_ =	sdelay $0x2  }
0x91: {  	s15 =	simm.s32 $0xA;
	s4 =	simm.s32 $0x10  }
0x92: {  	[smem:s4], [sflag:s15] =	dma.local [hbm:s2], $0x1  }
0x93: {  	_ =	swait.eq [sflag:s15], $0x1  }
0x94: {  	[sflag:s15] =	ssyncset.done $0x0  }
0x95: {  	[sflag:s15] =	ssyncadd.s32 $0xFFFFFFFF  }
0x96: {  	s16 =	sld [smem:$0x11];
	(tm) =	ssettm $0x1  }
0x97: {  	s17 =	sld [smem:$0x3FFB];
	_ =	sdelay $0x3  }
0x98: {  	_ =	strace s17  }
0x99: {  	s3 =	sld [smem:$0x3FFC];
	_ =	sdelay $0x3  }
0x9a: {  	_ =	strace s3  }
0x9b: {  	s3 =	sld [smem:$0x3FFD];
	_ =	sdelay $0x3  }
0x9c: {  	_ =	strace s3  }
0x9d: {  	_ =	strace $0x8FFFFFFF  }
0x9e: {  	s18 =	sld [smem:$0x3FDB];
	_ =	sdelay $0x1  }
0x9f: {  	s19 =	simm.s32 $_scs_section_size  }
0xa0: {  	s5 =	simm.s32 $_size__tile_overlayer_lowered;
	s6 =	simm.s32 $_tile_overlayer_lowered  }
0xa1: {  	s22 =	simm.s32 $0x1BFF;
	s21 =	sshll.u32 s6, $0x1;
	s3 =	sadd.s32 s19, s18  }
0xa2: {  	s7 =	simm.s32 $0x0;
	s20 =	sshll.u32 s5, $0x1;
	s5 =	sadd.s32 s21, s3  }
0xa3: {  	[timem:s7], [sflag:s22] =	dma.local [hbm:s5], s20  }
0xa4: {  	_ =	swait.ge [sflag:s22], s20  }
0xa5: {  	s4 =	ssub.s32 $0x0, s20;
	[sflag:s22] =	ssyncset.done $0x0  }
0xa6: {  	[sflag:s22] =	ssyncadd.s32 s4;
	_ =	sdelay $0x1  }
0xa7: {  	s23 =	simm.s32 $0x1B8B  }
0xa8: {  	_ =	swait.ge [sflag:s23], $0x1  }
0xa9: {  	[sflag:s23] =	ssyncset.done $0x0  }
0xaa: {  	s25 =	simm.s32 $0x1B8E;
	s24 =	sld [smem:$0x3FFE];
	[sflag:s23] =	ssyncadd.s32 $0xFFFFFFFF  }
0xab: {  	s26 =	simm.s32 $execute0_lowered;
	[smem:$0x3FD2] =	sst s25  }
0xac: {  	s5 =	sshll.u32 s26, $0x1;
	_ =	strace $0x8000004C;
	[dreg:$0x1] =	wrdreg $0xFFFFFFFF  }
0xad: {  	s28 =	simm.s32 $_size_execute0_lowered;
	s3 =	sadd.s32 s3, s5;
	[dreg:$0x0] =	wrdreg $0x0  }
0xae: {  	s5 =	sshll.u32 s28, $0x1;
	[dreg:$0x2] =	wrdreg s3  }
0xaf: {  	[dreg:$0x3] =	wrdreg s5  }
0xb0: {  	[dreg:$0x4] =	wrdreg $0xC0  }
0xb1: {  	_ =	task [dreg:s7], $0x5FFFF  }
0xb2: {  	[dreg:$0x1] =	wrdreg $0xFFFFFFFF  }
0xb3: {  	[dreg:$0x0] =	wrdreg $0x60  }
0xb4: {  	[dreg:$0x2] =	wrdreg s24  }
0xb5: {  	[dreg:$0x3] =	wrdreg s16  }
0xb6: {  	[dreg:$0x4] =	wrdreg $0x9  }
0xb7: {  	_ =	task.clear_ibuf [dreg:s7], $0x5FFFF;
	_ =	strace $0x9000004C  }
0xb8: {  	s29 =	simm.s32 $0x9;
	_ =	strace $0x8000004E  }
0xb9: {  	_ =	swait.ge [sflag:s29], $0x1  }
0xba: {  	[sflag:s29] =	ssyncadd.s32 $0xFFFFFFFF  }
0xbb: {  	_ =	strace $0x9000004E  }
0xbc: {  	_ =	sfence  }
0xbd: {  	s30 =	sld [smem:$0x0];
	_ =	sdelay $0x2  }
0xbe: {  	s31 =	sshll.u32 s1, $0xD;
	s1 =	sshrl.u32 s1, $0x2  }
0xbf: {  	s3 =	sand.u32 $0x4000, s31;
	s1 =	sadd.s32 s1, s30  }
0xc0: {  	s0 =	sor.u32 s3, s0;
	s1 =	sshll.u32 s1, $0x11  }
0xc1: {  	s0 =	sor.u32 s1, s0  }
0xc2: {  	s0 =	sadd.s32 $0x8F2B, s0  }
0xc3: {  	[sflag:s0] =	ssyncadd.remote.s32 $0x1  }
0xc4: {  	_ =	sfence.sel $0xFFFF  }
0xc5: {  	[dreg:$0x0] =	wrdreg $0xFFFFFFFF;
	(pc) =	sbr.abs _section_cstart, $3  }
0xc6: {  	[dreg:$0x1] =	wrdreg $0xFFFFFFFF  }
0xc7: {  	_ =	task.clear_ibuf [dreg:s7], $0x2FFFF;
	_ =	strace $0x9FFFFFFF  }
0xc8: {  	(tm) =	ssettm $0x7FFFFFFF  }
0xc9: {  	_ =	shalt  }
tec
execute0_lowered:
.L_overlay_start_1:
0x0: {  	(tag) =	ssettag $0x1  }
0x1: {  	s0 =	rddreg [dreg:$0x0];
	v0 =	vlaneseq.u32;
	v26 =	vimm.f32 $0.0e+00  }
0x2: {  	s5 =	rddreg [dreg:$0x1];
	s9 =	simm.s32 $0x1C0;
	s25 =	simm.s32 $0x5C0;
	v1 =	vor.u32 $0x40, v0;
	v51 =	vor.u32 $0x80, v0;
	v52 =	vor.u32 $0xC0, v0  }
0x3: {  	s11 =	simm.s32 $0xC0;
	s26 =	simm.s32 $0x9C0;
	s14 =	simm.s32 $0x140;
	v53 =	vor.u32 $0x100, v0;
	v54 =	vor.u32 $0x140, v0;
	v55 =	vor.u32 $0x10, v0  }
0x4: {  	s2 =	srdreg.scid;
	s15 =	simm.s32 $0x11C0;
	s16 =	simm.s32 $0x180;
	v56 =	vor.u32 $0x50, v0;
	v57 =	vor.u32 $0x90, v0;
	v58 =	vor.u32 $0xD0, v0;
	[tilespmem:$0x1FF20] =	vst v1  }
0x5: {  	s1 =	simm.s32 $0x0;
	s17 =	simm.s32 $0x15C0;
	s18 =	simm.s32 $0x19C0;
	v59 =	vor.u32 $0x110, v0;
	v60 =	vor.u32 $0x150, v0;
	v61 =	vor.u32 $0x20, v0;
	[tilespmem:$0x1FF30] =	vst v51  }
0x6: {  	s22 =	stileid.u32;
	s19 =	simm.s32 $0x1DC0;
	s20 =	simm.s32 $0x21C0;
	v62 =	vor.u32 $0x60, v0;
	v63 =	vor.u32 $0xA0, v0;
	v15 =	vor.u32 $0xE0, v0;
	[tilespmem:$0x1FF40] =	vst v52  }
0x7: {  	s10 =	simm.s32 $0x80;
	s21 =	simm.s32 $0x25C0;
	s28 =	simm.s32 $0x3DC0;
	v16 =	vor.u32 $0x120, v0;
	v17 =	vor.u32 $0x160, v0;
	v18 =	vor.u32 $0x30, v0;
	[tilespmem:$0x1FF50] =	vst v53  }
0x8: {  	s12 =	simm.s32 $0x100;
	s29 =	simm.s32 $0x41C0;
	s30 =	simm.s32 $0x45C0;
	v19 =	vor.u32 $0x70, v0;
	v20 =	vor.u32 $0xB0, v0;
	v22 =	vmul.u32 $0x10, v0;
	[tilespmem:$0x1FF60] =	vst v54  }
0x9: {  	s31 =	simm.s32 $0x1;
	s6 =	sand.u32 $0x1, s2;
	[smem:$0x7FF] =	sst s1;
	v21 =	vor.u32 $0xF0, v0;
	v23 =	vor.u32 $0x130, v0;
	v25 =	vmul.u32 $0x8, v0;
	[tilespmem:$0x1FF70] =	vst v55  }
0xa: {  	s3 =	sadd.s32 $0x183000, s0;
	v24 =	vor.u32 $0x170, v0;
	s4 =	sshll.u32 s6, $0x4;
	[tilespmem:$0x1FF80] =	vst v56;
	s6 =	ssub.s32 $0x2, s6;
	v27 =	vor.u32 $0x800, v22;
	v28 =	vor.u32 $0x1000, v22  }
0xb: {  	_ =	strace $0x8000004D;
	s7 =	sor.u32 s22, s4;
	[tilespmem:$0x1FF90] =	vst v57;
	[dreg:$0x5] =	wrdreg s25;
	v29 =	vor.u32 $0x2, v25;
	v30 =	vor.u32 $0x4, v25;
	v31 =	vor.u32 $0x5, v25  }
0xc: {  	[tilespmem:$0x1FFA0] =	vst v58;
	s4 =	sadd.s32 $0x103000, s0;
	s23 =	sshrl.u32 s6, $0x1;
	[dreg:$0x6] =	wrdreg s26;
	v32 =	vor.u32 $0x100, v22;
	v33 =	vor.u32 $0x900, v22;
	v34 =	vor.u32 $0x1100, v22  }
0xd: {  	v35 =	vor.u32 $0x80, v25;
	v36 =	vor.u32 $0x82, v25;
	v37 =	vor.u32 $0x84, v25;
	s22 =	simm.s32 $0x29C0;
	s25 =	simm.s32 $0x35C0;
	s26 =	simm.s32 $0x39C0  }
0xe: {  	[tilespmem:$0x1FFB0] =	vst v59;
	v38 =	vor.u32 $0x85, v25;
	v39 =	vor.u32 $0x200, v22;
	v40 =	vor.u32 $0xA00, v22;
	s8 =	sshll.u32 s7, $0x6;
	s7 =	sshll.u32 s7, $0x3;
	s24 =	ssub.s32 s6, s23  }
0xf: {  	[tilespmem:$0x1FFC0] =	vst v60;
	v41 =	vor.u32 $0x1200, v22;
	v42 =	vor.u32 $0x100, v25;
	v43 =	vor.u32 $0x102, v25;
	s23 =	simm.s32 $0x2DC0;
	s8 =	sadd.s32 s8, s0;
	s5 =	sadd.s32 s5, s7  }
0x10: {  	[tilespmem:$0x1FFD0] =	vst v61;
	v44 =	vor.u32 $0x104, v25;
	v45 =	vor.u32 $0x105, v25;
	v46 =	vor.u32 $0x300, v22;
	s6 =	smax.u32 s24, $0x1;
	s7 =	simm.s32 $0x2;
	s24 =	simm.s32 $0x31C0  }
0x11: {  	[tilespmem:$0x1FFE0] =	vst v62;
	v47 =	vor.u32 $0xB00, v22;
	v48 =	vor.u32 $0x1300, v22;
	v49 =	vor.u32 $0x180, v25;
	[dreg:$0x3] =	wrdreg s5;
	s8 =	sadd.s32 $0x1000, s8;
	s5 =	sadd.s32 $0x83000, s0  }
0x12: {  	[tilespmem:$0x1FFF0] =	vst v63;
	v50 =	vor.u32 $0x182, v25;
	v51 =	vor.u32 $0x184, v25;
	v52 =	vor.u32 $0x185, v25;
	s0 =	simm.s32 $0x49C0;
	[dreg:$0x4] =	wrdreg s8;
	s8 =	simm.s32 $0x40  }
.LBB2_1:
0x13: {  	s2 =	rddreg [dreg:$0x3]  }
0x14: {  	[tilespmem:s1], [sflag:$0x2] =	stream.linear.gather [hbm4b:s2+s1], $0x40, $0x38;
	[tilespmem:$0x4BC0] =	vst v63  }
0x15: {  	_ =	swait.ge [sflag:s7], $0x40  }
0x16: {  	[sflag:s7] =	ssyncset.done $0x0  }
0x17: {  	[sflag:s7] =	ssyncadd.s32 $0xFFFFFFC0  }
0x18: {  	v53 =	vld [tilespmem:$0x0]  }
0x19: {  	v7 =	vld [tilespmem:$0x1FF20]  }
0x1a: {  	v9 =	vld [tilespmem:$0x1FF30]  }
0x1b: {  	v0 =	vlaneseq.u32;
	v10 =	vld [tilespmem:$0x1FF40]  }
0x1c: {  	v57 =	vld [tilespmem:$0x1FF50]  }
0x1d: {  	v58 =	vld [tilespmem:$0x1FF60];
	v54 =	vadd.s32 $0xFFFFF7FF, v53  }
0x1e: {  	v54 =	vshrl.u32 v54, $0x4  }
0x1f: {  	v53 =	vadd.s32 $0xFFFFFFFF, v53;
	v55 =	vmin.u32 v54, $0x3FFFE  }
0x20: {  	v6 =	vshrl.u32 v53, $0x4;
	[tilespmem:v0+s8+$0x0] =	vst.idx.msk $0xffff, v54;
	v55 =	vadd.s32 $0x1, v55  }
0x21: {  	v53 =	vadd.s32 $0x800, v53;
	v8 =	vmin.u32 v6, $0x3FFFE;
	[tilespmem:v7+s8+$0x0] =	vst.idx.msk $0xffff, v55  }
0x22: {  	v53 =	vshrl.u32 v53, $0x4;
	v55 =	vadd.s32 $0x1, v8;
	[tilespmem:v9+s8+$0x0] =	vst.idx.msk $0xffff, v6  }
0x23: {  	v11 =	vmin.u32 v53, $0x3FFFE;
	[tilespmem:v10+s8+$0x0] =	vst.idx.msk $0xffff, v55  }
0x24: {  	v54 =	vadd.s32 $0x1, v11;
	[tilespmem:v57+s8+$0x0] =	vst.idx.msk $0xffff, v53  }
0x25: {  	v61 =	vld [tilespmem:$0x1FF70];
	[tilespmem:v58+s8+$0x0] =	vst.idx.msk $0xffff, v54  }
0x26: {  	v53 =	vld [tilespmem:$0x10]  }
0x27: {  	v63 =	vld [tilespmem:$0x1FF80]  }
0x28: {  	v4 =	vld [tilespmem:$0x1FF90]  }
0x29: {  	v5 =	vld [tilespmem:$0x1FFA0]  }
0x2a: {  	v7 =	vld [tilespmem:$0x1FFB0]  }
0x2b: {  	v8 =	vld [tilespmem:$0x1FFC0];
	v59 =	vadd.s32 $0xFFFFF7FF, v53  }
0x2c: {  	v54 =	vshrl.u32 v59, $0x4  }
0x2d: {  	v60 =	vadd.s32 $0xFFFFFFFF, v53;
	v56 =	vmin.u32 v54, $0x3FFFE  }
0x2e: {  	v62 =	vshrl.u32 v60, $0x4;
	[tilespmem:v61+s8+$0x0] =	vst.idx.msk $0xffff, v54;
	v56 =	vadd.s32 $0x1, v56  }
0x2f: {  	v53 =	vadd.s32 $0x7FF, v53;
	v55 =	vmin.u32 v62, $0x3FFFE;
	[tilespmem:v63+s8+$0x0] =	vst.idx.msk $0xffff, v56  }
0x30: {  	v53 =	vshrl.u32 v53, $0x4;
	v55 =	vadd.s32 $0x1, v55;
	[tilespmem:v4+s8+$0x0] =	vst.idx.msk $0xffff, v62  }
0x31: {  	v6 =	vmin.u32 v53, $0x3FFFE;
	[tilespmem:v5+s8+$0x0] =	vst.idx.msk $0xffff, v55  }
0x32: {  	v54 =	vadd.s32 $0x1, v6;
	[tilespmem:v7+s8+$0x0] =	vst.idx.msk $0xffff, v53  }
0x33: {  	v60 =	vld [tilespmem:$0x1FFD0];
	[tilespmem:v8+s8+$0x0] =	vst.idx.msk $0xffff, v54  }
0x34: {  	v53 =	vld [tilespmem:$0x20]  }
0x35: {  	v62 =	vld [tilespmem:$0x1FFE0]  }
0x36: {  	v63 =	vld [tilespmem:$0x1FFF0];
	_ =	sdelay $0x2  }
0x37: {  	v9 =	vadd.s32 $0xFFFFF7FF, v53  }
0x38: {  	v54 =	vshrl.u32 v9, $0x4  }
0x39: {  	v10 =	vadd.s32 $0xFFFFFFFF, v53;
	v11 =	vmin.u32 v54, $0x3FFFE  }
0x3a: {  	v61 =	vshrl.u32 v10, $0x4;
	[tilespmem:v60+s8+$0x0] =	vst.idx.msk $0xffff, v54;
	v56 =	vadd.s32 $0x1, v11  }
0x3b: {  	v53 =	vadd.s32 $0x7FF, v53;
	v55 =	vmin.u32 v61, $0x3FFFE;
	[tilespmem:v62+s8+$0x0] =	vst.idx.msk $0xffff, v56  }
0x3c: {  	v53 =	vshrl.u32 v53, $0x4;
	v55 =	vadd.s32 $0x1, v55;
	[tilespmem:v63+s8+$0x0] =	vst.idx.msk $0xffff, v61  }
0x3d: {  	v4 =	vmin.u32 v53, $0x3FFFE;
	[tilespmem:v15+s8+$0x0] =	vst.idx.msk $0xffff, v55  }
0x3e: {  	v54 =	vadd.s32 $0x1, v4;
	[tilespmem:v16+s8+$0x0] =	vst.idx.msk $0xffff, v53  }
0x3f: {  	[tilespmem:v17+s8+$0x0] =	vst.idx.msk $0xffff, v54  }
0x40: {  	v53 =	vld [tilespmem:$0x30];
	_ =	sdelay $0x4  }
0x41: {  	v5 =	vadd.s32 $0xFFFFF7FF, v53  }
0x42: {  	v54 =	vshrl.u32 v5, $0x4  }
0x43: {  	v6 =	vadd.s32 $0xFFFFFFFF, v53;
	v7 =	vmin.u32 v54, $0x3FFFE  }
0x44: {  	v8 =	vshrl.u32 v6, $0x4;
	[tilespmem:v18+s8+$0x0] =	vst.idx.msk $0xffff, v54;
	v56 =	vadd.s32 $0x1, v7  }
0x45: {  	v53 =	vadd.s32 $0x7FF, v53;
	v55 =	vmin.u32 v8, $0x3FFFE;
	[tilespmem:v19+s8+$0x0] =	vst.idx.msk $0xffff, v56  }
0x46: {  	v53 =	vshrl.u32 v53, $0x4;
	v55 =	vadd.s32 $0x1, v55;
	[tilespmem:v20+s8+$0x0] =	vst.idx.msk $0xffff, v8  }
0x47: {  	v9 =	vmin.u32 v53, $0x3FFFE;
	[tilespmem:v21+s8+$0x0] =	vst.idx.msk $0xffff, v55  }
0x48: {  	v54 =	vadd.s32 $0x1, v9;
	[tilespmem:v23+s8+$0x0] =	vst.idx.msk $0xffff, v53  }
0x49: {  	[tilespmem:v24+s8+$0x0] =	vst.idx.msk $0xffff, v54  }
0x4a: {  	[tilespmem:s9], [sflag:$0x1] =	stream.indirect.gather [hbm4b:s3+s8], $0x10, s8, s8, $0xb8;
	[tilespmem:$0x4BC0] =	vst v63  }
0x4b: {  	s2 =	rddreg [dreg:$0x5]  }
0x4c: {  	[tilespmem:s2], [sflag:$0x1] =	stream.indirect.gather [hbm4b:s3+s8], $0x10, s10, s8, $0xb8;
	[tilespmem:$0x4BC0] =	vst v63  }
0x4d: {  	s13 =	rddreg [dreg:$0x6]  }
0x4e: {  	[tilespmem:s13], [sflag:$0x1] =	stream.indirect.gather [hbm4b:s3+s8], $0x10, s11, s8, $0xb8;
	[tilespmem:$0x4BC0] =	vst v63  }
0x4f: {  	s13 =	simm.s32 $0xDC0  }
0x50: {  	[tilespmem:s13], [sflag:$0x1] =	stream.indirect.gather [hbm4b:s3+s8], $0x10, s12, s8, $0xb8;
	[tilespmem:$0x4BC0] =	vst v63  }
0x51: {  	_ = 	snop  }
0x52: {  	[tilespmem:s15], [sflag:$0x1] =	stream.indirect.gather [hbm4b:s3+s8], $0x10, s14, s8, $0xb8;
	[tilespmem:$0x4BC0] =	vst v63  }
0x53: {  	_ = 	snop  }
0x54: {  	[tilespmem:s17], [sflag:$0x1] =	stream.indirect.gather [hbm4b:s3+s8], $0x10, s16, s8, $0xb8;
	[tilespmem:$0x4BC0] =	vst v63  }
0x55: {  	_ = 	snop  }
0x56: {  	[tilespmem:s18], [sflag:$0x1] =	stream.indirect.gather [hbm4b:s4+s8], $0x10, s8, s8, $0xb8;
	[tilespmem:$0x4BC0] =	vst v63  }
0x57: {  	_ = 	snop  }
0x58: {  	[tilespmem:s19], [sflag:$0x1] =	stream.indirect.gather [hbm4b:s4+s8], $0x10, s10, s8, $0xb8;
	[tilespmem:$0x4BC0] =	vst v63  }
0x59: {  	_ = 	snop  }
0x5a: {  	[tilespmem:s20], [sflag:$0x1] =	stream.indirect.gather [hbm4b:s4+s8], $0x10, s11, s8, $0xb8;
	[tilespmem:$0x4BC0] =	vst v63  }
0x5b: {  	_ = 	snop  }
0x5c: {  	[tilespmem:s21], [sflag:$0x1] =	stream.indirect.gather [hbm4b:s4+s8], $0x10, s12, s8, $0xb8;
	[tilespmem:$0x4BC0] =	vst v63  }
0x5d: {  	_ = 	snop  }
0x5e: {  	[tilespmem:s22], [sflag:$0x1] =	stream.indirect.gather [hbm4b:s4+s8], $0x10, s14, s8, $0xb8;
	[tilespmem:$0x4BC0] =	vst v63  }
0x5f: {  	_ = 	snop  }
0x60: {  	[tilespmem:s23], [sflag:$0x1] =	stream.indirect.gather [hbm4b:s4+s8], $0x10, s16, s8, $0xb8;
	[tilespmem:$0x4BC0] =	vst v63  }
0x61: {  	_ = 	snop  }
0x62: {  	[tilespmem:s24], [sflag:$0x1] =	stream.indirect.gather [hbm4b:s5+s8], $0x10, s8, s8, $0xb8;
	[tilespmem:$0x4BC0] =	vst v63  }
0x63: {  	_ = 	snop  }
0x64: {  	[tilespmem:s25], [sflag:$0x1] =	stream.indirect.gather [hbm4b:s5+s8], $0x10, s10, s8, $0xb8;
	[tilespmem:$0x4BC0] =	vst v63  }
0x65: {  	_ = 	snop  }
0x66: {  	[tilespmem:s26], [sflag:$0x1] =	stream.indirect.gather [hbm4b:s5+s8], $0x10, s11, s8, $0xb8;
	[tilespmem:$0x4BC0] =	vst v63  }
0x67: {  	_ = 	snop  }
0x68: {  	[tilespmem:s28], [sflag:$0x1] =	stream.indirect.gather [hbm4b:s5+s8], $0x10, s12, s8, $0xb8;
	[tilespmem:$0x4BC0] =	vst v63  }
0x69: {  	_ = 	snop  }
0x6a: {  	[tilespmem:s29], [sflag:$0x1] =	stream.indirect.gather [hbm4b:s5+s8], $0x10, s14, s8, $0xb8;
	[tilespmem:$0x4BC0] =	vst v63  }
0x6b: {  	_ = 	snop  }
0x6c: {  	[tilespmem:s30], [sflag:$0x1] =	stream.indirect.gather [hbm4b:s5+s8], $0x10, s16, s8, $0xb8;
	[tilespmem:$0x4BC0] =	vst v63  }
0x6d: {  	_ =	swait.ge [sflag:s31], $0x400  }
0x6e: {  	[sflag:s31] =	ssyncset.done $0x0  }
0x6f: {  	[sflag:s31] =	ssyncadd.s32 $0xFFFFFC00  }
0x70: {  	_ =	swait.ge [sflag:s31], $0x400  }
0x71: {  	[sflag:s31] =	ssyncset.done $0x0  }
0x72: {  	[sflag:s31] =	ssyncadd.s32 $0xFFFFFC00  }
0x73: {  	_ =	swait.ge [sflag:s31], $0x400  }
0x74: {  	[sflag:s31] =	ssyncset.done $0x0  }
0x75: {  	[sflag:s31] =	ssyncadd.s32 $0xFFFFFC00  }
0x76: {  	_ =	swait.ge [sflag:s31], $0x400  }
0x77: {  	[sflag:s31] =	ssyncset.done $0x0  }
0x78: {  	[sflag:s31] =	ssyncadd.s32 $0xFFFFFC00  }
0x79: {  	_ =	swait.ge [sflag:s31], $0x400  }
0x7a: {  	[sflag:s31] =	ssyncset.done $0x0  }
0x7b: {  	[sflag:s31] =	ssyncadd.s32 $0xFFFFFC00  }
0x7c: {  	_ =	swait.ge [sflag:s31], $0x400  }
0x7d: {  	[sflag:s31] =	ssyncset.done $0x0  }
0x7e: {  	[sflag:s31] =	ssyncadd.s32 $0xFFFFFC00  }
0x7f: {  	_ =	swait.ge [sflag:s31], $0x400  }
0x80: {  	[sflag:s31] =	ssyncset.done $0x0  }
0x81: {  	[sflag:s31] =	ssyncadd.s32 $0xFFFFFC00  }
0x82: {  	_ =	swait.ge [sflag:s31], $0x400  }
0x83: {  	[sflag:s31] =	ssyncset.done $0x0  }
0x84: {  	[sflag:s31] =	ssyncadd.s32 $0xFFFFFC00  }
0x85: {  	_ =	swait.ge [sflag:s31], $0x400  }
0x86: {  	[sflag:s31] =	ssyncset.done $0x0  }
0x87: {  	[sflag:s31] =	ssyncadd.s32 $0xFFFFFC00  }
0x88: {  	_ =	swait.ge [sflag:s31], $0x400  }
0x89: {  	[sflag:s31] =	ssyncset.done $0x0  }
0x8a: {  	[sflag:s31] =	ssyncadd.s32 $0xFFFFFC00  }
0x8b: {  	_ =	swait.ge [sflag:s31], $0x400  }
0x8c: {  	[sflag:s31] =	ssyncset.done $0x0  }
0x8d: {  	[sflag:s31] =	ssyncadd.s32 $0xFFFFFC00  }
0x8e: {  	_ =	swait.ge [sflag:s31], $0x400  }
0x8f: {  	[sflag:s31] =	ssyncset.done $0x0  }
0x90: {  	[sflag:s31] =	ssyncadd.s32 $0xFFFFFC00  }
0x91: {  	_ =	swait.ge [sflag:s31], $0x400  }
0x92: {  	[sflag:s31] =	ssyncset.done $0x0  }
0x93: {  	[sflag:s31] =	ssyncadd.s32 $0xFFFFFC00  }
0x94: {  	_ =	swait.ge [sflag:s31], $0x400  }
0x95: {  	[sflag:s31] =	ssyncset.done $0x0  }
0x96: {  	[sflag:s31] =	ssyncadd.s32 $0xFFFFFC00  }
0x97: {  	_ =	swait.ge [sflag:s31], $0x400  }
0x98: {  	[sflag:s31] =	ssyncset.done $0x0  }
0x99: {  	[sflag:s31] =	ssyncadd.s32 $0xFFFFFC00  }
0x9a: {  	_ =	swait.ge [sflag:s31], $0x400  }
0x9b: {  	[sflag:s31] =	ssyncset.done $0x0  }
0x9c: {  	[sflag:s31] =	ssyncadd.s32 $0xFFFFFC00  }
0x9d: {  	_ =	swait.ge [sflag:s31], $0x400  }
0x9e: {  	[sflag:s31] =	ssyncset.done $0x0  }
0x9f: {  	[sflag:s31] =	ssyncadd.s32 $0xFFFFFC00  }
0xa0: {  	_ =	swait.ge [sflag:s31], $0x400  }
0xa1: {  	[sflag:s31] =	ssyncset.done $0x0  }
0xa2: {  	[sflag:s31] =	ssyncadd.s32 $0xFFFFFC00  }
0xa3: {  	[tilespmem:$0x49C0] =	vst v26  }
0xa4: {  	[tilespmem:$0x49D0] =	vst v26  }
0xa5: {  	[tilespmem:$0x49E0] =	vst v26  }
0xa6: {  	[tilespmem:$0x49F0] =	vst v26  }
0xa7: {  	[tilespmem:$0x4A00] =	vst v26  }
0xa8: {  	[tilespmem:$0x4A10] =	vst v26  }
0xa9: {  	[tilespmem:$0x4A20] =	vst v26  }
0xaa: {  	[tilespmem:$0x4A30] =	vst v26  }
0xab: {  	[tilespmem:$0x4A40] =	vst v26  }
0xac: {  	[tilespmem:$0x4A50] =	vst v26  }
0xad: {  	[tilespmem:$0x4A60] =	vst v26  }
0xae: {  	[tilespmem:$0x4A70] =	vst v26  }
0xaf: {  	[tilespmem:$0x4A80] =	vst v26  }
0xb0: {  	[tilespmem:$0x4A90] =	vst v26  }
0xb1: {  	[tilespmem:$0x4AA0] =	vst v26  }
0xb2: {  	[tilespmem:$0x4AB0] =	vst v26  }
0xb3: {  	[tilespmem:$0x4AC0] =	vst v26  }
0xb4: {  	[tilespmem:$0x4AD0] =	vst v26  }
0xb5: {  	[tilespmem:$0x4AE0] =	vst v26  }
0xb6: {  	[tilespmem:$0x4AF0] =	vst v26;
	v53 =	vld [tilespmem:$0x0]  }
0xb7: {  	[tilespmem:$0x4B00] =	vst v26  }
0xb8: {  	[tilespmem:$0x4B10] =	vst v26  }
0xb9: {  	[tilespmem:$0x4B20] =	vst v26  }
0xba: {  	[tilespmem:$0x4B30] =	vst v26  }
0xbb: {  	[tilespmem:$0x4B40] =	vst v26;
	v54 =	vand.u32 $0x7FF, v53  }
0xbc: {  	[tilespmem:$0x4B50] =	vst v26;
	v55 =	vadd.s32 $0xFFFFFFFF, v54  }
0xbd: {  	[tilespmem:$0x4B60] =	vst v26;
	v56 =	vand.u32 $0xFFFFF800, v53;
	v57 =	vand.u32 $0xF, v55  }
0xbe: {  	[tilespmem:$0x4B70] =	vst v26;
	v58 =	vadd.s32 $0xFFFFF800, v56;
	v59 =	vor.u32 v22, v57  }
0xbf: {  	[tilespmem:$0x4B80] =	vst v26;
	v60 =	vadd.s32 v55, v58;
	v58 =	vor.u32 v54, v58  }
0xc0: {  	[tilespmem:$0x4B90] =	vst v26;
	v61 =	vshrl.u32 v60, $0x4;
	v58 =	vshrl.u32 v58, $0x4  }
0xc1: {  	[tilespmem:$0x4BA0] =	vst v26;
	v58 =	vsub.s32 v58, v61  }
0xc2: {  	[tilespmem:$0x4BB0] =	vst v26;
	v62 =	vand.u32 $0xF, v53;
	v58 =	vshll.u32 v58, $0xA  }
0xc3: {  	v58 =	vor.u32 v62, v58;
	v63 =	vld.idx.msk [tilespmem:v59+s9+$0x0], $0xffff  }
0xc4: {  	v58 =	vor.u32 v22, v58  }
0xc5: {  	v60 =	vadd.s32 $0x2, v60;
	v0 =	vld.idx.msk [tilespmem:v59+s18+$0x0], $0xffff  }
0xc6: {  	v1 =	vshrl.u32 v60, $0x4  }
0xc7: {  	v1 =	vsub.s32 v1, v61;
	v59 =	vld.idx.msk [tilespmem:v59+s24+$0x0], $0xffff  }
0xc8: {  	v60 =	vand.u32 $0xF, v60;
	v1 =	vshll.u32 v1, $0xA;
	v10 =	vadd.f32 $0.0e+00, v63  }
0xc9: {  	v1 =	vor.u32 v60, v1;
	v2 =	vld.idx.msk [tilespmem:v58+s9+$0x0], $0xffff  }
0xca: {  	v1 =	vor.u32 v22, v1;
	v11 =	vadd.f32 v0, v10  }
0xcb: {  	v61 =	vld.idx.msk [tilespmem:v58+s18+$0x0], $0xffff  }
0xcc: {  	v60 =	vadd.f32 v59, v11  }
0xcd: {  	v58 =	vld.idx.msk [tilespmem:v58+s24+$0x0], $0xffff  }
0xce: {  	v60 =	vadd.f32 v2, v60  }
0xcf: {  	v3 =	vld.idx.msk [tilespmem:v1+s9+$0x0], $0xffff  }
0xd0: {  	v4 =	vor.u32 v27, v57;
	v60 =	vadd.f32 v61, v60  }
0xd1: {  	v6 =	vadd.s32 v56, v55;
	v5 =	vld.idx.msk [tilespmem:v1+s18+$0x0], $0xffff  }
0xd2: {  	v8 =	vshrl.u32 v53, $0x4;
	v7 =	vshrl.u32 v6, $0x4;
	v60 =	vadd.f32 v58, v60  }
0xd3: {  	v8 =	vsub.s32 v8, v7;
	v1 =	vld.idx.msk [tilespmem:v1+s24+$0x0], $0xffff  }
0xd4: {  	v8 =	vshll.u32 v8, $0xA;
	v60 =	vadd.f32 v3, v60  }
0xd5: {  	v8 =	vor.u32 v62, v8;
	v9 =	vld.idx.msk [tilespmem:v4+s9+$0x0], $0xffff  }
0xd6: {  	v8 =	vadd.s32 v27, v8;
	v60 =	vadd.f32 v5, v60  }
0xd7: {  	v6 =	vadd.s32 $0x2, v6;
	v10 =	vld.idx.msk [tilespmem:v4+s18+$0x0], $0xffff  }
0xd8: {  	v11 =	vshrl.u32 v6, $0x4;
	v60 =	vadd.f32 v1, v60  }
0xd9: {  	v4 =	vld.idx.msk [tilespmem:v4+s24+$0x0], $0xffff;
	v7 =	vsub.s32 v11, v7  }
0xda: {  	v6 =	vand.u32 $0xF, v6;
	v7 =	vshll.u32 v7, $0xA;
	v11 =	vadd.f32 v9, v60  }
0xdb: {  	v6 =	vor.u32 v6, v7;
	v60 =	vld.idx.msk [tilespmem:v8+s9+$0x0], $0xffff  }
0xdc: {  	v6 =	vadd.s32 v27, v6;
	v7 =	vadd.f32 v10, v11  }
0xdd: {  	v11 =	vld.idx.msk [tilespmem:v8+s18+$0x0], $0xffff  }
0xde: {  	v7 =	vadd.f32 v4, v7  }
0xdf: {  	v8 =	vld.idx.msk [tilespmem:v8+s24+$0x0], $0xffff  }
0xe0: {  	v7 =	vadd.f32 v60, v7  }
0xe1: {  	v12 =	vld.idx.msk [tilespmem:v6+s9+$0x0], $0xffff  }
0xe2: {  	v7 =	vadd.f32 v11, v7;
	v11 =	vadd.s32 $0x800, v56;
	v56 =	vor.u32 v28, v57  }
0xe3: {  	v57 =	vld.idx.msk [tilespmem:v6+s18+$0x0], $0xffff;
	v55 =	vadd.s32 v55, v11;
	v11 =	vor.u32 v54, v11  }
0xe4: {  	v7 =	vadd.f32 v8, v7;
	v13 =	vshrl.u32 v55, $0x4;
	v11 =	vshrl.u32 v11, $0x4  }
0xe5: {  	v63 =	vsub.f32 $0.0e+00, v63;
	v6 =	vld.idx.msk [tilespmem:v6+s24+$0x0], $0xffff;
	v11 =	vsub.s32 v11, v13  }
0xe6: {  	v7 =	vadd.f32 v12, v7;
	v11 =	vshll.u32 v11, $0xA  }
0xe7: {  	v0 =	vsub.f32 v63, v0;
	v14 =	vld.idx.msk [tilespmem:v56+s9+$0x0], $0xffff;
	v11 =	vor.u32 v62, v11  }
0xe8: {  	v7 =	vadd.f32 v57, v7;
	v11 =	vadd.s32 v28, v11  }
0xe9: {  	v0 =	vsub.f32 v0, v59;
	v55 =	vadd.s32 $0x2, v55;
	v62 =	vadd.f32 v59, v63;
	v59 =	vld.idx.msk [tilespmem:v56+s18+$0x0], $0xffff  }
0xea: {  	v63 =	vshrl.u32 v55, $0x4;
	v55 =	vand.u32 $0xF, v55;
	v7 =	vadd.f32 v6, v7  }
0xeb: {  	v56 =	vld.idx.msk [tilespmem:v56+s24+$0x0], $0xffff;
	v13 =	vsub.s32 v63, v13;
	v63 =	vadd.f32 v3, v0;
	v62 =	vsub.f32 v62, v2  }
0xec: {  	v0 =	vsub.f32 v0, v2;
	v13 =	vshll.u32 v13, $0xA;
	v7 =	vadd.f32 v14, v7  }
0xed: {  	v63 =	vadd.f32 v5, v63;
	v13 =	vor.u32 v55, v13;
	v62 =	vadd.f32 v58, v62;
	v55 =	vld.idx.msk [tilespmem:v11+s9+$0x0], $0xffff  }
0xee: {  	v0 =	vsub.f32 v0, v61;
	v2 =	vadd.f32 v59, v7;
	v7 =	vadd.s32 v28, v13  }
0xef: {  	v13 =	vsub.f32 v62, v3;
	v62 =	vadd.f32 v1, v63;
	v63 =	vld.idx.msk [tilespmem:v11+s18+$0x0], $0xffff  }
0xf0: {  	v2 =	vadd.f32 v56, v2  }
0xf1: {  	v0 =	vsub.f32 v0, v58;
	v11 =	vld.idx.msk [tilespmem:v11+s24+$0x0], $0xffff;
	v13 =	vadd.f32 v1, v13  }
0xf2: {  	v61 =	vsub.f32 v62, v9;
	v2 =	vadd.f32 v55, v2  }
0xf3: {  	v0 =	vsub.f32 v0, v3;
	v9 =	vsub.f32 v13, v9;
	v13 =	vld.idx.msk [tilespmem:v7+s9+$0x0], $0xffff  }
0xf4: {  	v10 =	vsub.f32 v61, v10;
	v2 =	vadd.f32 v63, v2  }
0xf5: {  	v0 =	vsub.f32 v0, v5;
	v62 =	vadd.f32 v4, v9;
	v9 =	vld.idx.msk [tilespmem:v7+s18+$0x0], $0xffff  }
0xf6: {  	v4 =	vsub.f32 v10, v4;
	v2 =	vadd.f32 v11, v2  }
0xf7: {  	v0 =	vsub.f32 v0, v1;
	v58 =	vld.idx.msk [tilespmem:v7+s24+$0x0], $0xffff;
	v3 =	vsub.f32 v62, v60  }
0xf8: {  	v4 =	vadd.f32 v12, v4;
	v60 =	vadd.f32 v13, v2  }
0xf9: {  	v0 =	vadd.f32 v14, v0;
	v61 =	vadd.f32 v8, v3  }
0xfa: {  	v62 =	vadd.f32 v57, v4;
	v1 =	vadd.f32 v9, v60  }
0xfb: {  	v0 =	vadd.f32 v59, v0;
	v2 =	vsub.f32 v61, v12  }
0xfc: {  	v3 =	vadd.f32 v6, v62;
	v1 =	vadd.f32 v58, v1  }
0xfd: {  	v0 =	vadd.f32 v56, v0;
	v2 =	vadd.f32 v6, v2  }
0xfe: {  	v3 =	vsub.f32 v3, v14;
	v1 =	vadd.f32 $9.999999930e-09, v1  }
0xff: {  	v2 =	vsub.f32 v2, v14  }
0x100: {  	v0 =	vadd.f32 v55, v0;
	v3 =	vsub.f32 v3, v59;
	(erf) = vrcp.f32 v1  }
0x101: {  	v7 =	vadd.f32 v56, v2  }
0x102: {  	v0 =	vadd.f32 v63, v0;
	v8 =	vsub.f32 v3, v56  }
0x103: {  	v1 =	vsub.f32 v7, v55  }
0x104: {  	v0 =	vadd.f32 v11, v0;
	v2 =	vadd.f32 v13, v8  }
0x105: {  	v1 =	vadd.f32 v11, v1  }
0x106: {  	v0 =	vadd.f32 v13, v0;
	v2 =	vadd.f32 v9, v2  }
0x107: {  	v1 =	vsub.f32 v1, v13  }
0x108: {  	v0 =	vadd.f32 v9, v0;
	v2 =	vadd.f32 v58, v2  }
0x109: {  	v1 =	vadd.f32 v58, v1;
	v10 =	vpop (erf)  }
0x10a: {  	v0 =	vadd.f32 v58, v0;
	v11 =	vcvt.s32.f32 v54;
	v2 =	vmul.f32 v10, v2  }
0x10b: {  	v53 =	vshrl.u32 v53, $0xB;
	v1 =	vmul.f32 v10, v1  }
0x10c: {  	v54 =	vcvt.s32.f32 v53;
	v0 =	vmul.f32 v10, v0;
	v2 =	vadd.f32 v11, v2  }
0x10d: {  	v1 =	vmul.f32 $4.882812500e-04, v1  }
0x10e: {  	v0 =	vadd.f32 v54, v0;
	v2 =	vmul.f32 $4.882812500e-04, v2  }
0x10f: {  	[tilespmem:v25+s0+$0x0] =	vst.idx.msk $0xffff, v1  }
0x110: {  	v0 =	vmul.f32 $4.882812500e-04, v0;
	[tilespmem:v29+s0+$0x0] =	vst.idx.msk $0xffff, v2  }
0x111: {  	[tilespmem:v30+s0+$0x0] =	vst.idx.msk $0xffff, v1  }
0x112: {  	[tilespmem:v31+s0+$0x0] =	vst.idx.msk $0xffff, v0  }
0x113: {  	v53 =	vld [tilespmem:$0x10];
	_ =	sdelay $0x4  }
0x114: {  	v54 =	vand.u32 $0x7FF, v53  }
0x115: {  	v0 =	vadd.s32 $0xFFFFFFFF, v54  }
0x116: {  	v1 =	vand.u32 $0xFFFFF800, v53;
	v2 =	vand.u32 $0xF, v0  }
0x117: {  	v55 =	vadd.s32 $0xFFFFF800, v1;
	v56 =	vor.u32 v32, v2  }
0x118: {  	v57 =	vadd.s32 v0, v55;
	v3 =	vor.u32 v54, v55  }
0x119: {  	v58 =	vshrl.u32 v57, $0x4;
	v3 =	vshrl.u32 v3, $0x4  }
0x11a: {  	v3 =	vsub.s32 v3, v58  }
0x11b: {  	v7 =	vand.u32 $0xF, v53;
	v3 =	vshll.u32 v3, $0xA  }
0x11c: {  	v3 =	vor.u32 v7, v3;
	v8 =	vld.idx.msk [tilespmem:v56+s9+$0x0], $0xffff  }
0x11d: {  	v3 =	vor.u32 v32, v3  }
0x11e: {  	v5 =	vadd.s32 $0x2, v57;
	v9 =	vld.idx.msk [tilespmem:v56+s18+$0x0], $0xffff  }
0x11f: {  	v59 =	vshrl.u32 v5, $0x4  }
0x120: {  	v6 =	vsub.s32 v59, v58;
	v4 =	vld.idx.msk [tilespmem:v56+s24+$0x0], $0xffff  }
0x121: {  	v5 =	vand.u32 $0xF, v5;
	v6 =	vshll.u32 v6, $0xA;
	v60 =	vadd.f32 $0.0e+00, v8  }
0x122: {  	v5 =	vor.u32 v5, v6;
	v11 =	vld.idx.msk [tilespmem:v3+s9+$0x0], $0xffff  }
0x123: {  	v5 =	vor.u32 v32, v5;
	v61 =	vadd.f32 v9, v60  }
0x124: {  	v10 =	vld.idx.msk [tilespmem:v3+s18+$0x0], $0xffff  }
0x125: {  	v6 =	vadd.f32 v4, v61  }
0x126: {  	v3 =	vld.idx.msk [tilespmem:v3+s24+$0x0], $0xffff  }
0x127: {  	v6 =	vadd.f32 v11, v6  }
0x128: {  	v12 =	vld.idx.msk [tilespmem:v5+s9+$0x0], $0xffff  }
0x129: {  	v13 =	vor.u32 v33, v2;
	v6 =	vadd.f32 v10, v6  }
0x12a: {  	v62 =	vadd.s32 v1, v0;
	v14 =	vld.idx.msk [tilespmem:v5+s18+$0x0], $0xffff  }
0x12b: {  	v63 =	vshrl.u32 v53, $0x4;
	v56 =	vshrl.u32 v62, $0x4;
	v6 =	vadd.f32 v3, v6  }
0x12c: {  	v57 =	vsub.s32 v63, v56;
	v5 =	vld.idx.msk [tilespmem:v5+s24+$0x0], $0xffff  }
0x12d: {  	v57 =	vshll.u32 v57, $0xA;
	v6 =	vadd.f32 v12, v6  }
0x12e: {  	v58 =	vld.idx.msk [tilespmem:v13+s9+$0x0], $0xffff;
	v57 =	vor.u32 v7, v57  }
0x12f: {  	v57 =	vadd.s32 v33, v57;
	v6 =	vadd.f32 v14, v6  }
0x130: {  	v55 =	vadd.s32 $0x2, v62;
	v59 =	vld.idx.msk [tilespmem:v13+s18+$0x0], $0xffff  }
0x131: {  	v60 =	vshrl.u32 v55, $0x4;
	v6 =	vadd.f32 v5, v6  }
0x132: {  	v13 =	vld.idx.msk [tilespmem:v13+s24+$0x0], $0xffff;
	v56 =	vsub.s32 v60, v56  }
0x133: {  	v55 =	vand.u32 $0xF, v55;
	v56 =	vshll.u32 v56, $0xA;
	v6 =	vadd.f32 v58, v6  }
0x134: {  	v60 =	vld.idx.msk [tilespmem:v57+s9+$0x0], $0xffff;
	v55 =	vor.u32 v55, v56  }
0x135: {  	v55 =	vadd.s32 v33, v55;
	v6 =	vadd.f32 v59, v6  }
0x136: {  	v56 =	vld.idx.msk [tilespmem:v57+s18+$0x0], $0xffff  }
0x137: {  	v6 =	vadd.f32 v13, v6  }
0x138: {  	v57 =	vld.idx.msk [tilespmem:v57+s24+$0x0], $0xffff  }
0x139: {  	v6 =	vadd.f32 v60, v6  }
0x13a: {  	v61 =	vld.idx.msk [tilespmem:v55+s9+$0x0], $0xffff  }
0x13b: {  	v1 =	vadd.s32 $0x800, v1;
	v2 =	vor.u32 v34, v2;
	v6 =	vadd.f32 v56, v6  }
0x13c: {  	v0 =	vadd.s32 v0, v1;
	v1 =	vor.u32 v54, v1;
	v56 =	vld.idx.msk [tilespmem:v55+s18+$0x0], $0xffff  }
0x13d: {  	v1 =	vshrl.u32 v1, $0x4;
	v62 =	vshrl.u32 v0, $0x4;
	v6 =	vadd.f32 v57, v6  }
0x13e: {  	v1 =	vsub.s32 v1, v62;
	v8 =	vsub.f32 $0.0e+00, v8;
	v55 =	vld.idx.msk [tilespmem:v55+s24+$0x0], $0xffff  }
0x13f: {  	v1 =	vshll.u32 v1, $0xA;
	v6 =	vadd.f32 v61, v6  }
0x140: {  	v63 =	vld.idx.msk [tilespmem:v2+s9+$0x0], $0xffff;
	v1 =	vor.u32 v7, v1;
	v9 =	vsub.f32 v8, v9  }
0x141: {  	v1 =	vadd.s32 v34, v1;
	v7 =	vadd.f32 v4, v8;
	v6 =	vadd.f32 v56, v6  }
0x142: {  	v0 =	vadd.s32 $0x2, v0;
	v8 =	vld.idx.msk [tilespmem:v2+s18+$0x0], $0xffff;
	v4 =	vsub.f32 v9, v4  }
0x143: {  	v9 =	vshrl.u32 v0, $0x4;
	v7 =	vsub.f32 v7, v11;
	v6 =	vadd.f32 v55, v6  }
0x144: {  	v2 =	vld.idx.msk [tilespmem:v2+s24+$0x0], $0xffff;
	v0 =	vand.u32 $0xF, v0;
	v9 =	vsub.s32 v9, v62;
	v62 =	vadd.f32 v12, v4  }
0x145: {  	v9 =	vshll.u32 v9, $0xA;
	v4 =	vsub.f32 v4, v11;
	v6 =	vadd.f32 v63, v6  }
0x146: {  	v7 =	vadd.f32 v3, v7;
	v0 =	vor.u32 v0, v9;
	v9 =	vld.idx.msk [tilespmem:v1+s9+$0x0], $0xffff;
	v62 =	vadd.f32 v14, v62  }
0x147: {  	v0 =	vadd.s32 v34, v0;
	v4 =	vsub.f32 v4, v10;
	v6 =	vadd.f32 v8, v6  }
0x148: {  	v7 =	vsub.f32 v7, v12;
	v11 =	vadd.f32 v5, v62;
	v62 =	vld.idx.msk [tilespmem:v1+s18+$0x0], $0xffff  }
0x149: {  	v3 =	vsub.f32 v4, v3;
	v6 =	vadd.f32 v2, v6  }
0x14a: {  	v7 =	vadd.f32 v5, v7;
	v1 =	vld.idx.msk [tilespmem:v1+s24+$0x0], $0xffff;
	v10 =	vsub.f32 v11, v58  }
0x14b: {  	v3 =	vsub.f32 v3, v12;
	v4 =	vadd.f32 v9, v6  }
0x14c: {  	v58 =	vsub.f32 v7, v58;
	v59 =	vsub.f32 v10, v59;
	v10 =	vld.idx.msk [tilespmem:v0+s9+$0x0], $0xffff  }
0x14d: {  	v4 =	vadd.f32 v62, v4  }
0x14e: {  	v3 =	vsub.f32 v3, v14;
	v6 =	vadd.f32 v13, v58;
	v58 =	vld.idx.msk [tilespmem:v0+s18+$0x0], $0xffff  }
0x14f: {  	v7 =	vsub.f32 v59, v13;
	v4 =	vadd.f32 v1, v4  }
0x150: {  	v3 =	vsub.f32 v3, v5;
	v0 =	vld.idx.msk [tilespmem:v0+s24+$0x0], $0xffff;
	v6 =	vsub.f32 v6, v60  }
0x151: {  	v7 =	vadd.f32 v61, v7;
	v4 =	vadd.f32 v10, v4  }
0x152: {  	v3 =	vadd.f32 v63, v3;
	v59 =	vadd.f32 v57, v6  }
0x153: {  	v60 =	vadd.f32 v56, v7;
	v4 =	vadd.f32 v58, v4  }
0x154: {  	v3 =	vadd.f32 v8, v3;
	v5 =	vsub.f32 v59, v61  }
0x155: {  	v6 =	vadd.f32 v55, v60;
	v4 =	vadd.f32 v0, v4  }
0x156: {  	v3 =	vadd.f32 v2, v3;
	v5 =	vadd.f32 v55, v5  }
0x157: {  	v6 =	vsub.f32 v6, v63;
	v4 =	vadd.f32 $9.999999930e-09, v4  }
0x158: {  	v5 =	vsub.f32 v5, v63  }
0x159: {  	v3 =	vadd.f32 v9, v3;
	v6 =	vsub.f32 v6, v8;
	(erf) = vrcp.f32 v4  }
0x15a: {  	v8 =	vadd.f32 v2, v5  }
0x15b: {  	v3 =	vadd.f32 v62, v3;
	v2 =	vsub.f32 v6, v2  }
0x15c: {  	v4 =	vsub.f32 v8, v9  }
0x15d: {  	v3 =	vadd.f32 v1, v3;
	v2 =	vadd.f32 v10, v2  }
0x15e: {  	v1 =	vadd.f32 v1, v4  }
0x15f: {  	v3 =	vadd.f32 v10, v3;
	v2 =	vadd.f32 v58, v2  }
0x160: {  	v1 =	vsub.f32 v1, v10  }
0x161: {  	v3 =	vadd.f32 v58, v3;
	v2 =	vadd.f32 v0, v2  }
0x162: {  	v1 =	vadd.f32 v0, v1;
	v10 =	vpop (erf)  }
0x163: {  	v11 =	vcvt.s32.f32 v54;
	v0 =	vadd.f32 v0, v3;
	v2 =	vmul.f32 v10, v2  }
0x164: {  	v53 =	vshrl.u32 v53, $0xB;
	v1 =	vmul.f32 v10, v1  }
0x165: {  	v54 =	vcvt.s32.f32 v53;
	v0 =	vmul.f32 v10, v0;
	v2 =	vadd.f32 v11, v2  }
0x166: {  	v1 =	vmul.f32 $4.882812500e-04, v1  }
0x167: {  	v0 =	vadd.f32 v54, v0;
	v2 =	vmul.f32 $4.882812500e-04, v2  }
0x168: {  	[tilespmem:v35+s0+$0x0] =	vst.idx.msk $0xffff, v1  }
0x169: {  	v0 =	vmul.f32 $4.882812500e-04, v0;
	[tilespmem:v36+s0+$0x0] =	vst.idx.msk $0xffff, v2  }
0x16a: {  	[tilespmem:v37+s0+$0x0] =	vst.idx.msk $0xffff, v1  }
0x16b: {  	[tilespmem:v38+s0+$0x0] =	vst.idx.msk $0xffff, v0  }
0x16c: {  	v53 =	vld [tilespmem:$0x20];
	_ =	sdelay $0x4  }
0x16d: {  	v54 =	vand.u32 $0x7FF, v53  }
0x16e: {  	v0 =	vadd.s32 $0xFFFFFFFF, v54  }
0x16f: {  	v1 =	vand.u32 $0xFFFFF800, v53;
	v2 =	vand.u32 $0xF, v0  }
0x170: {  	v55 =	vadd.s32 $0xFFFFF800, v1;
	v56 =	vor.u32 v39, v2  }
0x171: {  	v57 =	vadd.s32 v0, v55;
	v3 =	vor.u32 v54, v55  }
0x172: {  	v58 =	vshrl.u32 v57, $0x4;
	v3 =	vshrl.u32 v3, $0x4  }
0x173: {  	v3 =	vsub.s32 v3, v58  }
0x174: {  	v7 =	vand.u32 $0xF, v53;
	v3 =	vshll.u32 v3, $0xA  }
0x175: {  	v3 =	vor.u32 v7, v3;
	v8 =	vld.idx.msk [tilespmem:v56+s9+$0x0], $0xffff  }
0x176: {  	v3 =	vor.u32 v39, v3  }
0x177: {  	v5 =	vadd.s32 $0x2, v57;
	v9 =	vld.idx.msk [tilespmem:v56+s18+$0x0], $0xffff  }
0x178: {  	v59 =	vshrl.u32 v5, $0x4  }
0x179: {  	v6 =	vsub.s32 v59, v58;
	v4 =	vld.idx.msk [tilespmem:v56+s24+$0x0], $0xffff  }
0x17a: {  	v5 =	vand.u32 $0xF, v5;
	v6 =	vshll.u32 v6, $0xA;
	v60 =	vadd.f32 $0.0e+00, v8  }
0x17b: {  	v5 =	vor.u32 v5, v6;
	v11 =	vld.idx.msk [tilespmem:v3+s9+$0x0], $0xffff  }
0x17c: {  	v5 =	vor.u32 v39, v5;
	v61 =	vadd.f32 v9, v60  }
0x17d: {  	v10 =	vld.idx.msk [tilespmem:v3+s18+$0x0], $0xffff  }
0x17e: {  	v6 =	vadd.f32 v4, v61  }
0x17f: {  	v3 =	vld.idx.msk [tilespmem:v3+s24+$0x0], $0xffff  }
0x180: {  	v6 =	vadd.f32 v11, v6  }
0x181: {  	v12 =	vld.idx.msk [tilespmem:v5+s9+$0x0], $0xffff  }
0x182: {  	v13 =	vor.u32 v40, v2;
	v6 =	vadd.f32 v10, v6  }
0x183: {  	v62 =	vadd.s32 v1, v0;
	v14 =	vld.idx.msk [tilespmem:v5+s18+$0x0], $0xffff  }
0x184: {  	v63 =	vshrl.u32 v53, $0x4;
	v56 =	vshrl.u32 v62, $0x4;
	v6 =	vadd.f32 v3, v6  }
0x185: {  	v57 =	vsub.s32 v63, v56;
	v5 =	vld.idx.msk [tilespmem:v5+s24+$0x0], $0xffff  }
0x186: {  	v57 =	vshll.u32 v57, $0xA;
	v6 =	vadd.f32 v12, v6  }
0x187: {  	v58 =	vld.idx.msk [tilespmem:v13+s9+$0x0], $0xffff;
	v57 =	vor.u32 v7, v57  }
0x188: {  	v57 =	vadd.s32 v40, v57;
	v6 =	vadd.f32 v14, v6  }
0x189: {  	v55 =	vadd.s32 $0x2, v62;
	v59 =	vld.idx.msk [tilespmem:v13+s18+$0x0], $0xffff  }
0x18a: {  	v60 =	vshrl.u32 v55, $0x4;
	v6 =	vadd.f32 v5, v6  }
0x18b: {  	v13 =	vld.idx.msk [tilespmem:v13+s24+$0x0], $0xffff;
	v56 =	vsub.s32 v60, v56  }
0x18c: {  	v55 =	vand.u32 $0xF, v55;
	v56 =	vshll.u32 v56, $0xA;
	v6 =	vadd.f32 v58, v6  }
0x18d: {  	v60 =	vld.idx.msk [tilespmem:v57+s9+$0x0], $0xffff;
	v55 =	vor.u32 v55, v56  }
0x18e: {  	v55 =	vadd.s32 v40, v55;
	v6 =	vadd.f32 v59, v6  }
0x18f: {  	v56 =	vld.idx.msk [tilespmem:v57+s18+$0x0], $0xffff  }
0x190: {  	v6 =	vadd.f32 v13, v6  }
0x191: {  	v57 =	vld.idx.msk [tilespmem:v57+s24+$0x0], $0xffff  }
0x192: {  	v6 =	vadd.f32 v60, v6  }
0x193: {  	v61 =	vld.idx.msk [tilespmem:v55+s9+$0x0], $0xffff  }
0x194: {  	v1 =	vadd.s32 $0x800, v1;
	v2 =	vor.u32 v41, v2;
	v6 =	vadd.f32 v56, v6  }
0x195: {  	v0 =	vadd.s32 v0, v1;
	v1 =	vor.u32 v54, v1;
	v56 =	vld.idx.msk [tilespmem:v55+s18+$0x0], $0xffff  }
0x196: {  	v1 =	vshrl.u32 v1, $0x4;
	v62 =	vshrl.u32 v0, $0x4;
	v6 =	vadd.f32 v57, v6  }
0x197: {  	v1 =	vsub.s32 v1, v62;
	v8 =	vsub.f32 $0.0e+00, v8;
	v55 =	vld.idx.msk [tilespmem:v55+s24+$0x0], $0xffff  }
0x198: {  	v1 =	vshll.u32 v1, $0xA;
	v6 =	vadd.f32 v61, v6  }
0x199: {  	v63 =	vld.idx.msk [tilespmem:v2+s9+$0x0], $0xffff;
	v1 =	vor.u32 v7, v1;
	v9 =	vsub.f32 v8, v9  }
0x19a: {  	v1 =	vadd.s32 v41, v1;
	v7 =	vadd.f32 v4, v8;
	v6 =	vadd.f32 v56, v6  }
0x19b: {  	v0 =	vadd.s32 $0x2, v0;
	v8 =	vld.idx.msk [tilespmem:v2+s18+$0x0], $0xffff;
	v4 =	vsub.f32 v9, v4  }
0x19c: {  	v9 =	vshrl.u32 v0, $0x4;
	v7 =	vsub.f32 v7, v11;
	v6 =	vadd.f32 v55, v6  }
0x19d: {  	v2 =	vld.idx.msk [tilespmem:v2+s24+$0x0], $0xffff;
	v0 =	vand.u32 $0xF, v0;
	v9 =	vsub.s32 v9, v62;
	v62 =	vadd.f32 v12, v4  }
0x19e: {  	v9 =	vshll.u32 v9, $0xA;
	v4 =	vsub.f32 v4, v11;
	v6 =	vadd.f32 v63, v6  }
0x19f: {  	v7 =	vadd.f32 v3, v7;
	v0 =	vor.u32 v0, v9;
	v9 =	vld.idx.msk [tilespmem:v1+s9+$0x0], $0xffff;
	v62 =	vadd.f32 v14, v62  }
0x1a0: {  	v0 =	vadd.s32 v41, v0;
	v4 =	vsub.f32 v4, v10;
	v6 =	vadd.f32 v8, v6  }
0x1a1: {  	v7 =	vsub.f32 v7, v12;
	v11 =	vadd.f32 v5, v62;
	v62 =	vld.idx.msk [tilespmem:v1+s18+$0x0], $0xffff  }
0x1a2: {  	v3 =	vsub.f32 v4, v3;
	v6 =	vadd.f32 v2, v6  }
0x1a3: {  	v7 =	vadd.f32 v5, v7;
	v1 =	vld.idx.msk [tilespmem:v1+s24+$0x0], $0xffff;
	v10 =	vsub.f32 v11, v58  }
0x1a4: {  	v3 =	vsub.f32 v3, v12;
	v4 =	vadd.f32 v9, v6  }
0x1a5: {  	v58 =	vsub.f32 v7, v58;
	v59 =	vsub.f32 v10, v59;
	v10 =	vld.idx.msk [tilespmem:v0+s9+$0x0], $0xffff  }
0x1a6: {  	v4 =	vadd.f32 v62, v4  }
0x1a7: {  	v3 =	vsub.f32 v3, v14;
	v6 =	vadd.f32 v13, v58;
	v58 =	vld.idx.msk [tilespmem:v0+s18+$0x0], $0xffff  }
0x1a8: {  	v7 =	vsub.f32 v59, v13;
	v4 =	vadd.f32 v1, v4  }
0x1a9: {  	v3 =	vsub.f32 v3, v5;
	v0 =	vld.idx.msk [tilespmem:v0+s24+$0x0], $0xffff;
	v6 =	vsub.f32 v6, v60  }
0x1aa: {  	v7 =	vadd.f32 v61, v7;
	v4 =	vadd.f32 v10, v4  }
0x1ab: {  	v3 =	vadd.f32 v63, v3;
	v59 =	vadd.f32 v57, v6  }
0x1ac: {  	v60 =	vadd.f32 v56, v7;
	v4 =	vadd.f32 v58, v4  }
0x1ad: {  	v3 =	vadd.f32 v8, v3;
	v5 =	vsub.f32 v59, v61  }
0x1ae: {  	v6 =	vadd.f32 v55, v60;
	v4 =	vadd.f32 v0, v4  }
0x1af: {  	v3 =	vadd.f32 v2, v3;
	v5 =	vadd.f32 v55, v5  }
0x1b0: {  	v6 =	vsub.f32 v6, v63;
	v4 =	vadd.f32 $9.999999930e-09, v4  }
0x1b1: {  	v5 =	vsub.f32 v5, v63  }
0x1b2: {  	v3 =	vadd.f32 v9, v3;
	v6 =	vsub.f32 v6, v8;
	(erf) = vrcp.f32 v4  }
0x1b3: {  	v8 =	vadd.f32 v2, v5  }
0x1b4: {  	v3 =	vadd.f32 v62, v3;
	v2 =	vsub.f32 v6, v2  }
0x1b5: {  	v4 =	vsub.f32 v8, v9  }
0x1b6: {  	v3 =	vadd.f32 v1, v3;
	v2 =	vadd.f32 v10, v2  }
0x1b7: {  	v1 =	vadd.f32 v1, v4  }
0x1b8: {  	v3 =	vadd.f32 v10, v3;
	v2 =	vadd.f32 v58, v2  }
0x1b9: {  	v1 =	vsub.f32 v1, v10  }
0x1ba: {  	v3 =	vadd.f32 v58, v3;
	v2 =	vadd.f32 v0, v2  }
0x1bb: {  	v1 =	vadd.f32 v0, v1;
	v10 =	vpop (erf)  }
0x1bc: {  	v11 =	vcvt.s32.f32 v54;
	v0 =	vadd.f32 v0, v3;
	v2 =	vmul.f32 v10, v2  }
0x1bd: {  	v53 =	vshrl.u32 v53, $0xB;
	v1 =	vmul.f32 v10, v1  }
0x1be: {  	v54 =	vcvt.s32.f32 v53;
	v0 =	vmul.f32 v10, v0;
	v2 =	vadd.f32 v11, v2  }
0x1bf: {  	v1 =	vmul.f32 $4.882812500e-04, v1  }
0x1c0: {  	v0 =	vadd.f32 v54, v0;
	v2 =	vmul.f32 $4.882812500e-04, v2  }
0x1c1: {  	[tilespmem:v42+s0+$0x0] =	vst.idx.msk $0xffff, v1  }
0x1c2: {  	v0 =	vmul.f32 $4.882812500e-04, v0;
	[tilespmem:v43+s0+$0x0] =	vst.idx.msk $0xffff, v2  }
0x1c3: {  	[tilespmem:v44+s0+$0x0] =	vst.idx.msk $0xffff, v1  }
0x1c4: {  	[tilespmem:v45+s0+$0x0] =	vst.idx.msk $0xffff, v0  }
0x1c5: {  	v53 =	vld [tilespmem:$0x30];
	_ =	sdelay $0x4  }
0x1c6: {  	v54 =	vand.u32 $0x7FF, v53  }
0x1c7: {  	v0 =	vadd.s32 $0xFFFFFFFF, v54  }
0x1c8: {  	v1 =	vand.u32 $0xFFFFF800, v53;
	v2 =	vand.u32 $0xF, v0  }
0x1c9: {  	v55 =	vadd.s32 $0xFFFFF800, v1;
	v56 =	vor.u32 v46, v2  }
0x1ca: {  	v57 =	vadd.s32 v0, v55;
	v3 =	vor.u32 v54, v55  }
0x1cb: {  	v58 =	vshrl.u32 v57, $0x4;
	v3 =	vshrl.u32 v3, $0x4  }
0x1cc: {  	v3 =	vsub.s32 v3, v58  }
0x1cd: {  	v7 =	vand.u32 $0xF, v53;
	v3 =	vshll.u32 v3, $0xA  }
0x1ce: {  	v3 =	vor.u32 v7, v3;
	v8 =	vld.idx.msk [tilespmem:v56+s9+$0x0], $0xffff  }
0x1cf: {  	v3 =	vor.u32 v46, v3  }
0x1d0: {  	v5 =	vadd.s32 $0x2, v57;
	v9 =	vld.idx.msk [tilespmem:v56+s18+$0x0], $0xffff  }
0x1d1: {  	v59 =	vshrl.u32 v5, $0x4  }
0x1d2: {  	v6 =	vsub.s32 v59, v58;
	v4 =	vld.idx.msk [tilespmem:v56+s24+$0x0], $0xffff  }
0x1d3: {  	v5 =	vand.u32 $0xF, v5;
	v6 =	vshll.u32 v6, $0xA;
	v60 =	vadd.f32 $0.0e+00, v8  }
0x1d4: {  	v5 =	vor.u32 v5, v6;
	v11 =	vld.idx.msk [tilespmem:v3+s9+$0x0], $0xffff  }
0x1d5: {  	v5 =	vor.u32 v46, v5;
	v61 =	vadd.f32 v9, v60  }
0x1d6: {  	v10 =	vld.idx.msk [tilespmem:v3+s18+$0x0], $0xffff  }
0x1d7: {  	v6 =	vadd.f32 v4, v61  }
0x1d8: {  	v3 =	vld.idx.msk [tilespmem:v3+s24+$0x0], $0xffff  }
0x1d9: {  	v6 =	vadd.f32 v11, v6  }
0x1da: {  	v12 =	vld.idx.msk [tilespmem:v5+s9+$0x0], $0xffff  }
0x1db: {  	v13 =	vor.u32 v47, v2;
	v6 =	vadd.f32 v10, v6  }
0x1dc: {  	v62 =	vadd.s32 v1, v0;
	v14 =	vld.idx.msk [tilespmem:v5+s18+$0x0], $0xffff  }
0x1dd: {  	v63 =	vshrl.u32 v53, $0x4;
	v56 =	vshrl.u32 v62, $0x4;
	v6 =	vadd.f32 v3, v6  }
0x1de: {  	v57 =	vsub.s32 v63, v56;
	v5 =	vld.idx.msk [tilespmem:v5+s24+$0x0], $0xffff  }
0x1df: {  	v57 =	vshll.u32 v57, $0xA;
	v6 =	vadd.f32 v12, v6  }
0x1e0: {  	v58 =	vld.idx.msk [tilespmem:v13+s9+$0x0], $0xffff;
	v57 =	vor.u32 v7, v57  }
0x1e1: {  	v57 =	vadd.s32 v47, v57;
	v6 =	vadd.f32 v14, v6  }
0x1e2: {  	v55 =	vadd.s32 $0x2, v62;
	v59 =	vld.idx.msk [tilespmem:v13+s18+$0x0], $0xffff  }
0x1e3: {  	v60 =	vshrl.u32 v55, $0x4;
	v6 =	vadd.f32 v5, v6  }
0x1e4: {  	v13 =	vld.idx.msk [tilespmem:v13+s24+$0x0], $0xffff;
	v56 =	vsub.s32 v60, v56  }
0x1e5: {  	v55 =	vand.u32 $0xF, v55;
	v56 =	vshll.u32 v56, $0xA;
	v6 =	vadd.f32 v58, v6  }
0x1e6: {  	v60 =	vld.idx.msk [tilespmem:v57+s9+$0x0], $0xffff;
	v55 =	vor.u32 v55, v56  }
0x1e7: {  	v55 =	vadd.s32 v47, v55;
	v6 =	vadd.f32 v59, v6  }
0x1e8: {  	v56 =	vld.idx.msk [tilespmem:v57+s18+$0x0], $0xffff  }
0x1e9: {  	v6 =	vadd.f32 v13, v6  }
0x1ea: {  	v57 =	vld.idx.msk [tilespmem:v57+s24+$0x0], $0xffff  }
0x1eb: {  	v6 =	vadd.f32 v60, v6  }
0x1ec: {  	v61 =	vld.idx.msk [tilespmem:v55+s9+$0x0], $0xffff  }
0x1ed: {  	v1 =	vadd.s32 $0x800, v1;
	v2 =	vor.u32 v48, v2;
	v6 =	vadd.f32 v56, v6  }
0x1ee: {  	v0 =	vadd.s32 v0, v1;
	v1 =	vor.u32 v54, v1;
	v56 =	vld.idx.msk [tilespmem:v55+s18+$0x0], $0xffff  }
0x1ef: {  	v1 =	vshrl.u32 v1, $0x4;
	v62 =	vshrl.u32 v0, $0x4;
	v6 =	vadd.f32 v57, v6  }
0x1f0: {  	v1 =	vsub.s32 v1, v62;
	v8 =	vsub.f32 $0.0e+00, v8;
	v55 =	vld.idx.msk [tilespmem:v55+s24+$0x0], $0xffff  }
0x1f1: {  	v1 =	vshll.u32 v1, $0xA;
	v6 =	vadd.f32 v61, v6  }
0x1f2: {  	v63 =	vld.idx.msk [tilespmem:v2+s9+$0x0], $0xffff;
	v1 =	vor.u32 v7, v1;
	v9 =	vsub.f32 v8, v9  }
0x1f3: {  	v1 =	vadd.s32 v48, v1;
	v7 =	vadd.f32 v4, v8;
	v6 =	vadd.f32 v56, v6  }
0x1f4: {  	v0 =	vadd.s32 $0x2, v0;
	v8 =	vld.idx.msk [tilespmem:v2+s18+$0x0], $0xffff;
	v4 =	vsub.f32 v9, v4  }
0x1f5: {  	v9 =	vshrl.u32 v0, $0x4;
	v7 =	vsub.f32 v7, v11;
	v6 =	vadd.f32 v55, v6  }
0x1f6: {  	v2 =	vld.idx.msk [tilespmem:v2+s24+$0x0], $0xffff;
	v0 =	vand.u32 $0xF, v0;
	v9 =	vsub.s32 v9, v62;
	v62 =	vadd.f32 v12, v4  }
0x1f7: {  	v9 =	vshll.u32 v9, $0xA;
	v4 =	vsub.f32 v4, v11;
	v6 =	vadd.f32 v63, v6  }
0x1f8: {  	v7 =	vadd.f32 v3, v7;
	v0 =	vor.u32 v0, v9;
	v9 =	vld.idx.msk [tilespmem:v1+s9+$0x0], $0xffff;
	v62 =	vadd.f32 v14, v62  }
0x1f9: {  	v0 =	vadd.s32 v48, v0;
	v4 =	vsub.f32 v4, v10;
	v6 =	vadd.f32 v8, v6  }
0x1fa: {  	v7 =	vsub.f32 v7, v12;
	v11 =	vadd.f32 v5, v62;
	v62 =	vld.idx.msk [tilespmem:v1+s18+$0x0], $0xffff  }
0x1fb: {  	v3 =	vsub.f32 v4, v3;
	v6 =	vadd.f32 v2, v6  }
0x1fc: {  	v7 =	vadd.f32 v5, v7;
	v1 =	vld.idx.msk [tilespmem:v1+s24+$0x0], $0xffff;
	v10 =	vsub.f32 v11, v58  }
0x1fd: {  	v3 =	vsub.f32 v3, v12;
	v4 =	vadd.f32 v9, v6  }
0x1fe: {  	v58 =	vsub.f32 v7, v58;
	v59 =	vsub.f32 v10, v59;
	v10 =	vld.idx.msk [tilespmem:v0+s9+$0x0], $0xffff  }
0x1ff: {  	v4 =	vadd.f32 v62, v4  }
0x200: {  	v11 =	vld.idx.msk [tilespmem:v0+s18+$0x0], $0xffff;
	v3 =	vsub.f32 v3, v14;
	v6 =	vadd.f32 v13, v58  }
0x201: {  	v7 =	vsub.f32 v59, v13;
	v4 =	vadd.f32 v1, v4  }
0x202: {  	v3 =	vsub.f32 v3, v5;
	v0 =	vld.idx.msk [tilespmem:v0+s24+$0x0], $0xffff;
	v6 =	vsub.f32 v6, v60  }
0x203: {  	v7 =	vadd.f32 v61, v7;
	v4 =	vadd.f32 v10, v4  }
0x204: {  	v3 =	vadd.f32 v63, v3;
	v57 =	vadd.f32 v57, v6  }
0x205: {  	v58 =	vadd.f32 v56, v7;
	v4 =	vadd.f32 v11, v4  }
0x206: {  	v3 =	vadd.f32 v8, v3;
	v5 =	vsub.f32 v57, v61  }
0x207: {  	v6 =	vadd.f32 v55, v58;
	v4 =	vadd.f32 v0, v4  }
0x208: {  	v3 =	vadd.f32 v2, v3;
	v5 =	vadd.f32 v55, v5  }
0x209: {  	v6 =	vsub.f32 v6, v63;
	v4 =	vadd.f32 $9.999999930e-09, v4  }
0x20a: {  	v5 =	vsub.f32 v5, v63  }
0x20b: {  	v3 =	vadd.f32 v9, v3;
	v6 =	vsub.f32 v6, v8;
	(erf) = vrcp.f32 v4  }
0x20c: {  	v59 =	vadd.f32 v2, v5  }
0x20d: {  	v3 =	vadd.f32 v62, v3;
	v2 =	vsub.f32 v6, v2  }
0x20e: {  	v4 =	vsub.f32 v59, v9  }
0x20f: {  	v3 =	vadd.f32 v1, v3;
	v2 =	vadd.f32 v10, v2  }
0x210: {  	v1 =	vadd.f32 v1, v4  }
0x211: {  	v3 =	vadd.f32 v10, v3;
	v2 =	vadd.f32 v11, v2  }
0x212: {  	v1 =	vsub.f32 v1, v10  }
0x213: {  	v3 =	vadd.f32 v11, v3;
	v2 =	vadd.f32 v0, v2  }
0x214: {  	v1 =	vadd.f32 v0, v1;
	v60 =	vpop (erf)  }
0x215: {  	v61 =	vcvt.s32.f32 v54;
	v0 =	vadd.f32 v0, v3;
	v2 =	vmul.f32 v60, v2  }
0x216: {  	v62 =	vshrl.u32 v53, $0xB;
	v1 =	vmul.f32 v60, v1  }
0x217: {  	v63 =	vcvt.s32.f32 v62;
	v0 =	vmul.f32 v60, v0;
	v2 =	vadd.f32 v61, v2  }
0x218: {  	v1 =	vmul.f32 $4.882812500e-04, v1  }
0x219: {  	v0 =	vadd.f32 v63, v0;
	v2 =	vmul.f32 $4.882812500e-04, v2  }
0x21a: {  	[tilespmem:v49+s0+$0x0] =	vst.idx.msk $0xffff, v1  }
0x21b: {  	v0 =	vmul.f32 $4.882812500e-04, v0;
	[tilespmem:v50+s0+$0x0] =	vst.idx.msk $0xffff, v2  }
0x21c: {  	p0 =	sne.s32 s6, $0x1;
	[tilespmem:v51+s0+$0x0] =	vst.idx.msk $0xffff, v1  }
.Ltmp0:
0x21d: {  	s13 =	rddreg [dreg:$0x4];
	[tilespmem:v52+s0+$0x0] =	vst.idx.msk $0xffff, v0;
	(pc) =	sbr.rel @p0 .LBB2_1-.Ltmp0, $4  }
0x21e: {  	[hbm4b:s13+s1] =	stream.linear.scatter [tilespmem:s0], [sflag:$0x2], $0x200, $0x38;
	[tilespmem:$0x4BC0] =	vst v63  }
0x21f: {  	_ =	swait.ge [sflag:s7], $0x200  }
0x220: {  	[sflag:s7] =	ssyncset.done $0x0  }
0x221: {  	s6 =	sadd.s32 $0xFFFFFFFF, s6;
	[sflag:s7] =	ssyncadd.s32 $0xFFFFFE00  }
0x222: {  	_ =	sfence.sel $0x180000  }
0x223: {  	[bflag:$0x0] =	sbarrier.arrive $0xFFFF  }
0x224: {  	_ =	strace $0x9000004D  }
0x225: {  	s0 =	stileid.u32;
	[bflag:$0x2] =	sbarrier.arrive $0xFFFF  }
0x226: {  	p0 =	sne.s32 s0, $0x0;
	s0 =	rddreg [dreg:$0x2]  }
0x227: {  	s0 =	sadd.s32 @!p0 $0x100000, s0  }
0x228: {  	[sflag:s0] =	ssyncadd.tile.s32 @!p0 $0x1;
	_ =	shalt  }
.Lfunc_end2:
_tile_overlayer_lowered:
.L_overlay_start_2:
0x229: {  	(tag) =	ssettag $0x2  }
0x22a: {  	s0 =	rddreg [dreg:$0x0];
	s2 =	stileid.u32  }
0x22b: {  	s1 =	rddreg [dreg:$0x1];
	p0 =	sne.s32 s2, $0x0  }
0x22c: {  	s3 =	rddreg [dreg:$0x2];
	[bflag:$0x3] =	sbarrier.arrive $0xFFFF;
	s2 =	simm.s32 @!p0 $0x1C02  }
0x22d: {  	[timem:s3], [sflag:s2] =	dma.local @!p0 [hbm:s0], s1  }
0x22e: {  	s0 =	simm.s32 @!p0 $0x2  }
0x22f: {  	_ =	swait.ge @!p0 [sflag:s0], s1  }
0x230: {  	s1 =	ssub.s32 @!p0 $0x0, s1;
	[sflag:s0] =	ssyncset.done @!p0 $0x0  }
0x231: {  	[sflag:s0] =	ssyncadd.s32 @!p0 s1  }
0x232: {  	[bflag:$0x3] =	sbarrier.arrive $0xFFFF  }
0x233: {  	_ =	shalt  }

// kernel: gather_offload_async_start
scs
__scs_entry_jumppad:
0x0: {  	(pc) =	sbr.rel $0x88, $3  }
0x1: {  	(tag) =	ssettag $0x0;
	lr =	simm.s32 $0x1  }
0x2: {  	[smem:$0x3F9E] =	sst lr;
	_ =	strace $0xD0000000  }
0x3: {  	_ = 	snop  }
0x4: {  	_ = 	snop  }
0x5: {  	_ = 	snop  }
0x6: {  	_ = 	snop  }
0x7: {  	_ = 	snop  }
__scs_overlays_trampoline_lowered:
0x8: {  	[smem:$0x3FAD] =	sst s0  }
0x9: {  	[smem:$0x3FAE] =	sst s1  }
0xa: {  	[smem:$0x3FAF] =	sst s2  }
0xb: {  	[smem:$0x3FB0] =	sst s3  }
0xc: {  	[smem:$0x3FB1] =	sst s4  }
0xd: {  	[smem:$0x3FB2] =	sst s5  }
0xe: {  	[smem:$0x3FB3] =	sst s6  }
0xf: {  	[smem:$0x3FB4] =	sst s7  }
0x10: {  	[smem:$0x3FB5] =	sst s8  }
0x11: {  	[smem:$0x3FB6] =	sst s9;
	s0 =	simm.s32 @!p0 $0x0  }
0x12: {  	s1 =	sld [smem:$0x3F9C];
	s0 =	simm.s32 @p0 $0x1  }
0x13: {  	[smem:$0x3FB7] =	sst s0;
	s0 =	simm.s32 @!p1 $0x0  }
0x14: {  	s2 =	sld [smem:$0x3F9B];
	s0 =	simm.s32 @p1 $0x1  }
0x15: {  	[smem:$0x3FB8] =	sst s0;
	s0 =	simm.s32 @!p2 $0x0  }
0x16: {  	s3 =	sld [smem:$0x3FDB];
	s0 =	simm.s32 @p2 $0x1  }
0x17: {  	s4 =	simm.s32 $0x1BF5;
	[smem:$0x3FBA] =	sst s0  }
0x18: {  	s0 =	sld [smem:$0x3F9D];
	_ =	swait.ge [sflag:s4], $0x0  }
0x19: {  	s7 =	sld [smem:$0x3F9E]  }
0x1a: {  	s8 =	sadd.s32 $0xFFFFE003, lr  }
0x1b: {  	s9 =	sadd.s32 $0xFFFFFEF7, lr;
	s5 =	simm.s32 $0xFFFFFFFF;
	p2 =	slt.u32 s8, $0xFFFFF086  }
0x1c: {  	p1 =	slt.u32 s9, $0xF7A;
	s5 =	simm.s32 @!p2 $0x0  }
0x1d: {  	s5 =	simm.s32 @p1 $0x1;
	p0 =	seq.s32 s7, s2  }
0x1e: {  	s7 =	smul.u32 @!p0 $0xF7A, s2;
	p2 =	seq.s32 @!p0 s5, $0x0  }
0x1f: {  	s9 =	smul.u32 $0xF7A, s1;
	s8 =	simm.s32 @!p0 $0x1BF5;
	p2 =	por !p2, p0  }
0x20: {  	[sflag:s8] =	ssyncset.s32 @!p0 $0xFFFFF086;
	s6 =	sadd.s32 @!p0 s3, s7;
	s7 =	simm.s32 @!p0 $0x108  }
0x21: {  	s3 =	sadd.s32 s3, s9;
	s6 =	sadd.s32 @!p0 $0x88, s6;
	s7 =	simm.s32 @p2 $0x1082  }
0x22: {  	[simem:s7], [sflag:s8] =	dma.local @!p0 [hbm:s6], $0xF7A  }
0x23: {  	s9 =	sor.u32 $0xD0000000, s2;
	s6 =	simm.s32 $0x108;
	_ =	swait.ge @!p0 [sflag:s8], $0x0  }
0x24: {  	s3 =	sadd.s32 $0x88, s3;
	s6 =	simm.s32 @!p1 $0x1082;
	[sflag:s4] =	ssyncset.s32 $0xFFFFF086  }
0x25: {  	[simem:s6], [sflag:s4] =	dma.local [hbm:s3], $0xF7A  }
0x26: {  	[smem:$0x3F9E] =	sst s1;
	(tag) =	ssettag s2;
	_ =	strace s9  }
0x27: {  	s1 =	sld [smem:$0x3FAE]  }
0x28: {  	s2 =	sld [smem:$0x3FAF]  }
0x29: {  	s4 =	sld [smem:$0x3FB1]  }
0x2a: {  	p0 =	seq.s32 s5, $0x0;
	s5 =	sld [smem:$0x3FB2]  }
0x2b: {  	s6 =	sld [smem:$0x3FB3]  }
0x2c: {  	s7 =	sld [smem:$0x3FB4]  }
0x2d: {  	s3 =	simm.s32 $0x108;
	s8 =	sld [smem:$0x3FB5]  }
0x2e: {  	s3 =	simm.s32 @!p0 $0x1082;
	s9 =	sld [smem:$0x3FB6]  }
0x2f: {  	lr =	sadd.s32 s0, s3;
	s0 =	sld [smem:$0x3FAD]  }
0x30: {  	s3 =	sld [smem:$0x3FB0]  }
0x31: {  	[smem:$0x3FB9] =	sst s10  }
0x32: {  	s10 =	sld [smem:$0x3FB7];
	_ =	sdelay $0x3  }
0x33: {  	p0 =	seq.s32 s10, $0x1;
	s10 =	sld [smem:$0x3FB9];
	_ =	sdelay $0x3  }
0x34: {  	[smem:$0x3FB9] =	sst s10  }
0x35: {  	s10 =	sld [smem:$0x3FB8];
	_ =	sdelay $0x3  }
0x36: {  	p1 =	seq.s32 s10, $0x1;
	s10 =	sld [smem:$0x3FB9];
	_ =	sdelay $0x3  }
0x37: {  	[smem:$0x3FB9] =	sst s10  }
0x38: {  	s10 =	sld [smem:$0x3FBA]  }
0x39: {  	_ = 	snop;
	(pc) =	sbr.ind lr, $3  }
0x3a: {  	_ = 	snop  }
0x3b: {  	_ = 	snop  }
0x3c: {  	p2 =	seq.s32 s10, $0x1;
	s10 =	sld [smem:$0x3FB9]  }
0x3d: {  	_ =	shalt  }
0x3e: {  	_ =	shalt  }
0x3f: {  	_ =	shalt  }
0x40: {  	_ =	shalt  }
0x41: {  	_ =	shalt  }
0x42: {  	_ =	shalt  }
0x43: {  	_ =	shalt  }
0x44: {  	_ =	shalt  }
0x45: {  	_ =	shalt  }
0x46: {  	_ =	shalt  }
0x47: {  	_ =	shalt  }
0x48: {  	_ =	shalt  }
0x49: {  	_ =	shalt  }
0x4a: {  	_ =	shalt  }
0x4b: {  	_ =	shalt  }
0x4c: {  	_ =	shalt  }
0x4d: {  	_ =	shalt  }
0x4e: {  	_ =	shalt  }
0x4f: {  	_ =	shalt  }
0x50: {  	_ =	shalt  }
0x51: {  	_ =	shalt  }
0x52: {  	_ =	shalt  }
0x53: {  	_ =	shalt  }
0x54: {  	_ =	shalt  }
0x55: {  	_ =	shalt  }
0x56: {  	_ =	shalt  }
0x57: {  	_ =	shalt  }
0x58: {  	_ =	shalt  }
0x59: {  	_ =	shalt  }
0x5a: {  	_ =	shalt  }
0x5b: {  	_ =	shalt  }
0x5c: {  	_ =	shalt  }
0x5d: {  	_ =	shalt  }
0x5e: {  	_ =	shalt  }
0x5f: {  	_ =	shalt  }
0x60: {  	_ =	shalt  }
0x61: {  	_ =	shalt  }
0x62: {  	_ =	shalt  }
0x63: {  	_ =	shalt  }
0x64: {  	_ =	shalt  }
0x65: {  	_ =	shalt  }
0x66: {  	_ =	shalt  }
0x67: {  	_ =	shalt  }
0x68: {  	_ =	shalt  }
0x69: {  	_ =	shalt  }
0x6a: {  	_ =	shalt  }
0x6b: {  	_ =	shalt  }
0x6c: {  	_ =	shalt  }
0x6d: {  	_ =	shalt  }
0x6e: {  	_ =	shalt  }
0x6f: {  	_ =	shalt  }
0x70: {  	_ =	shalt  }
0x71: {  	_ =	shalt  }
0x72: {  	_ =	shalt  }
0x73: {  	_ =	shalt  }
0x74: {  	_ =	shalt  }
0x75: {  	_ =	shalt  }
0x76: {  	_ =	shalt  }
0x77: {  	_ =	shalt  }
0x78: {  	_ =	shalt  }
0x79: {  	_ =	shalt  }
0x7a: {  	_ =	shalt  }
0x7b: {  	_ =	shalt  }
0x7c: {  	_ =	shalt  }
0x7d: {  	_ =	shalt  }
0x7e: {  	_ =	shalt  }
0x7f: {  	_ =	shalt  }
0x80: {  	_ =	shalt  }
0x81: {  	_ =	shalt  }
0x82: {  	_ =	shalt  }
0x83: {  	_ =	shalt  }
0x84: {  	_ =	shalt  }
0x85: {  	_ =	shalt  }
0x86: {  	_ =	shalt  }
0x87: {  	_ =	shalt  }
.Lfunc_end0:
.L_simem_size_0:
called_computation_lowered:
.L_overlay_start_0:
0x88: {  	s0 =	sld [smem:$0x3FD9]  }
0x89: {  	s1 =	sld [smem:$0x3FFE];
	_ =	sdelay $0x3  }
0x8a: {  	s0 =	sadd.s32 s1, s0  }
0x8b: {  	[smem:$0x3FC5] =	sst s0  }
0x8c: {  	_ = 	snop  }
0x8d: {  	s0 =	sld [smem:$0x3FD0];
	_ =	sdelay $0x2  }
0x8e: {  	s13 =	simm.s32 $0xA;
	s2 =	simm.s32 $0x10  }
0x8f: {  	[smem:s2], [sflag:s13] =	dma.local [hbm:s0], $0x1  }
0x90: {  	_ =	swait.eq [sflag:s13], $0x1  }
0x91: {  	[sflag:s13] =	ssyncset.done $0x0  }
0x92: {  	[sflag:s13] =	ssyncadd.s32 $0xFFFFFFFF  }
0x93: {  	s14 =	sld [smem:$0x10];
	(tm) =	ssettm $0x1  }
0x94: {  	s15 =	sld [smem:$0x3FFB];
	_ =	sdelay $0x3  }
0x95: {  	_ =	strace s15  }
0x96: {  	s1 =	sld [smem:$0x3FFC];
	_ =	sdelay $0x3  }
0x97: {  	_ =	strace s1  }
0x98: {  	s1 =	sld [smem:$0x3FFD];
	_ =	sdelay $0x3  }
0x99: {  	_ =	strace s1  }
0x9a: {  	_ =	strace $0x8FFFFFFF  }
0x9b: {  	s16 =	sld [smem:$0x3FDB];
	_ =	sdelay $0x1  }
0x9c: {  	s17 =	simm.s32 $_scs_section_size  }
0x9d: {  	s3 =	simm.s32 $_size__tile_overlayer_lowered;
	s4 =	simm.s32 $_tile_overlayer_lowered  }
0x9e: {  	s20 =	simm.s32 $0x1BFF;
	s19 =	sshll.u32 s4, $0x1;
	s1 =	sadd.s32 s17, s16  }
0x9f: {  	s5 =	simm.s32 $0x0;
	s18 =	sshll.u32 s3, $0x1;
	s3 =	sadd.s32 s19, s1  }
0xa0: {  	[timem:s5], [sflag:s20] =	dma.local [hbm:s3], s18  }
0xa1: {  	_ =	swait.ge [sflag:s20], s18  }
0xa2: {  	s2 =	ssub.s32 $0x0, s18;
	[sflag:s20] =	ssyncset.done $0x0  }
0xa3: {  	[sflag:s20] =	ssyncadd.s32 s2;
	_ =	sdelay $0x1  }
0xa4: {  	s21 =	simm.s32 $0x1B8B  }
0xa5: {  	_ =	swait.ge [sflag:s21], $0x1  }
0xa6: {  	[sflag:s21] =	ssyncset.done $0x0  }
0xa7: {  	s23 =	simm.s32 $0x1B8E;
	s22 =	sld [smem:$0x3FFE];
	[sflag:s21] =	ssyncadd.s32 $0xFFFFFFFF  }
0xa8: {  	s24 =	simm.s32 $execute0_lowered;
	[smem:$0x3FD2] =	sst s23  }
0xa9: {  	s3 =	sshll.u32 s24, $0x1;
	_ =	strace $0x80000049;
	[dreg:$0x1] =	wrdreg $0xFFFFFFFF  }
0xaa: {  	s25 =	simm.s32 $_size_execute0_lowered;
	s1 =	sadd.s32 s1, s3;
	[dreg:$0x0] =	wrdreg $0x0  }
0xab: {  	s3 =	sshll.u32 s25, $0x1;
	[dreg:$0x2] =	wrdreg s1  }
0xac: {  	[dreg:$0x3] =	wrdreg s3  }
0xad: {  	[dreg:$0x4] =	wrdreg $0xC0  }
0xae: {  	_ =	task [dreg:s5], $0x5FFFF  }
0xaf: {  	[dreg:$0x1] =	wrdreg $0xFFFFFFFF  }
0xb0: {  	[dreg:$0x0] =	wrdreg $0x60  }
0xb1: {  	[dreg:$0x2] =	wrdreg s22  }
0xb2: {  	[dreg:$0x3] =	wrdreg s14  }
0xb3: {  	[dreg:$0x4] =	wrdreg $0x9  }
0xb4: {  	_ =	task.clear_ibuf [dreg:s5], $0x5FFFF;
	_ =	strace $0x90000049  }
0xb5: {  	s26 =	simm.s32 $0x9;
	_ =	strace $0x8000004B  }
0xb6: {  	_ =	swait.ge [sflag:s26], $0x1  }
0xb7: {  	[sflag:s26] =	ssyncadd.s32 $0xFFFFFFFF  }
0xb8: {  	_ =	strace $0x9000004B  }
0xb9: {  	_ =	sfence  }
0xba: {  	s28 =	sld [smem:$0x0];
	_ =	sdelay $0x1  }
0xbb: {  	s29 =	srdreg.scid  }
0xbc: {  	s30 =	sshll.u32 s29, $0xD;
	s31 =	sshrl.u32 s29, $0x2  }
0xbd: {  	s2 =	sand.u32 $0x4000, s30;
	s1 =	sand.u32 $0x1, s29;
	s0 =	sadd.s32 s31, s28  }
0xbe: {  	s1 =	sor.u32 s2, s1;
	s0 =	sshll.u32 s0, $0x11  }
0xbf: {  	s0 =	sor.u32 s0, s1  }
0xc0: {  	s0 =	sadd.s32 $0x8F2B, s0  }
0xc1: {  	[sflag:s0] =	ssyncadd.remote.s32 $0x1  }
0xc2: {  	_ =	sfence.sel $0xFFFF  }
0xc3: {  	[dreg:$0x0] =	wrdreg $0xFFFFFFFF;
	(pc) =	sbr.abs _section_cstart, $3  }
0xc4: {  	[dreg:$0x1] =	wrdreg $0xFFFFFFFF  }
0xc5: {  	_ =	task.clear_ibuf [dreg:s5], $0x2FFFF;
	_ =	strace $0x9FFFFFFF  }
0xc6: {  	(tm) =	ssettm $0x7FFFFFFF  }
0xc7: {  	_ =	shalt  }
tec
execute0_lowered:
.L_overlay_start_1:
0x0: {  	(tag) =	ssettag $0x1  }
0x1: {  	s8 =	rddreg [dreg:$0x0]  }
0x2: {  	s2 =	rddreg [dreg:$0x1]  }
0x3: {  	s0 =	rddreg [dreg:$0x2]  }
0x4: {  	s1 =	stileid.u32;
	_ =	strace $0x8000004A;
	s5 =	simm.s32 $0x1  }
0x5: {  	s6 =	simm.s32 $0x500;
	s9 =	simm.s32 $0x1;
	s10 =	simm.s32 $0x3  }
0x6: {  	s13 =	simm.s32 $0x0;
	s12 =	simm.s32 $0x0;
	s4 =	smul.u32 $0x50, s1  }
0x7: {  	s3 =	sadd.s32 $0x1000, s8;
	p0 =	slt.u32 s1, $0xA;
	[sflag:s5] =	ssyncpa.u1 $0x0  }
.Ltmp0:
0x8: {  	s6 =	simm.s32 @!p0 $0x0;
	s7 =	ssub.s32 $0x7D0, s4;
	(pc) =	sbr.rel .LBB2_1-.Ltmp0, $4  }
0x9: {  	s9 =	simm.s32 @!p0 $0x0;
	p0 =	sne.s32 s7, s6;
	s7 =	simm.s32 $0x1  }
0xa: {  	s8 =	sadd.s32 $0x2000, s8;
	s6 =	simm.s32 $0x2;
	s7 =	simm.s32 @!p0 $0x0  }
0xb: {  	s11 =	smov.u32 s4;
	[sflag:s6] =	ssyncpa.u1 $0x0;
	s7 =	sadd.s32 s9, s7  }
0xc: {  	vm0 =	vmmov $0xffff;
	[sflag:s10] =	ssyncpa.u1 $0x0;
	s10 =	simm.s32 $0x0;
	s9 =	sadd.s32 $0x1, s7  }
.LBB2_4:
0xd: {  	v2 =	vnsel vm1, $0x0, v2  }
0xe: {  	vm1 =	vgt.s32 v0, $0x0;
	v2 =	vmin.u32 v2, $0x7FFF  }
0xf: {  	v0 =	vnsel vm1, $0x0, v0  }
0x10: {  	v0 =	vmin.u32 v0, $0x7FFF  }
0x11: {  	[tilespmem:s18], [sflag:$0x1] =	stream.indirect_vreg.gather [hbm4b:s3+s10], $0x1, v1, vm0, $0x4038;
	[tilespmem:$0x140] =	vst v63  }
0x12: {  	(ifvalue) =	ssetifvalue $0x7FFFFFFF  }
0x13: {  	[tilespmem:s15], [sflag:$0x1] =	stream.indirect_vreg.gather [hbm4b:s3+s10], $0x1, v2, vm0, $0x4038;
	[tilespmem:$0x140] =	vst v63  }
0x14: {  	s29 =	sadd.s32 $0x10, s15;
	(ifvalue) =	ssetifvalue $0x7FFFFFFF  }
0x15: {  	[tilespmem:s29], [sflag:$0x1] =	stream.indirect_vreg.gather [hbm4b:s3+s10], $0x1, v0, vm0, $0x4038;
	[tilespmem:$0x140] =	vst v63  }
0x16: {  	_ =	swait.ge [sflag:s5], $0x50  }
0x17: {  	s30 =	sshrl.u32 s13, $0x3;
	[sflag:s5] =	ssyncset.done $0x0  }
0x18: {  	s31 =	sand.u32 $0x7, s13;
	s15 =	sadd.s32 s8, s30;
	[sflag:s5] =	ssyncadd.s32 $0xFFFFFFB0  }
0x19: {  	[hbm4b:s15+s31] =	stream.linear.scatter [tilespmem:s14], [sflag:$0x3], $0x50, $0x38;
	[tilespmem:$0x140] =	vst v63  }
.LBB2_5:
0x1a: {  	s15 =	sadd.s32 $0x500, s11  }
0x1b: {  	p1 =	sgt.s32 s15, $0x7CF  }
0x1c: {  	s15 =	smov.u32 @p1 s4;
	p1 =	sne.s32 s12, s9  }
.Ltmp1:
0x1d: {  	p0 =	slt.u32 s12, $0x2;
	(pc) =	sbr.rel @!p1 .LBB2_6-.Ltmp1, $4  }
0x1e: {  	s14 =	simm.s32 @!p0 $0x3  }
0x1f: {  	_ =	swait.ge @!p0 [sflag:s14], $0x50  }
0x20: {  	s16 =	sadd.s32 $0x1, s12;
	s13 =	smov.u32 s11;
	[sflag:s14] =	ssyncset.done @!p0 $0x0  }
0x21: {  	s12 =	smov.u32 s16;
	s11 =	smov.u32 s15;
	[sflag:s14] =	ssyncadd.s32 @!p0 $0xFFFFFFB0  }
.LBB2_1:
0x22: {  	p0 =	sge.u32 s12, s7  }
0x23: {  	s14 =	sxor.u32 @!p0 $0x1, s12  }
0x24: {  	s14 =	smul.u32 @!p0 $0x140, s14  }
0x25: {  	s31 =	sadd.s32 $0xFFFFFFFF, s12;
	s15 =	sshrl.u32 @!p0 s11, $0x3  }
0x26: {  	s16 =	sand.u32 @!p0 $0x7, s11;
	s15 =	sadd.s32 @!p0 s2, s15;
	s14 =	sshra.s32 @!p0 s14, $0x2  }
0x27: {  	[tilespmem:s14], [sflag:$0x2] =	stream.linear.gather @!p0 [hbm4b:s15+s16], $0x50, $0x38;
	[tilespmem:$0x140] =	vst v63  }
0x28: {  	p0 =	sge.u32 s31, s7  }
.Ltmp2:
0x29: {  	_ = 	snop;
	(pc) =	sbr.rel @p0 .LBB2_5-.Ltmp2, $1  }
0x2a: {  	_ =	sdelay $0x3  }
0x2b: {  	s14 =	sand.u32 $0x1, s12  }
0x2c: {  	_ =	swait.ge [sflag:s6], $0x50;
	p0 =	seq.s32 s14, $0x1;
	s14 =	simm.s32 $0x50  }
0x2d: {  	[sflag:s6] =	ssyncset.done $0x0;
	s14 =	simm.s32 @!p0 $0x0  }
0x2e: {  	[sflag:s6] =	ssyncadd.s32 $0xFFFFFFB0;
	(ifvalue) =	ssetifvalue $0x7FFFFFFF;
	v0 =	vld.msk [tilespmem:s14+$0x0 ss:$0x1], $0xffff;
	_ =	sdelay $0x4  }
0x2f: {  	s15 =	sadd.s32 $0x10, s14;
	vm1 =	vgt.s32 v0, $0x0  }
0x30: {  	v2 =	vld.msk [tilespmem:s15+$0x0 ss:$0x1], $0xffff;
	v1 =	vnsel vm1, $0x0, v0  }
0x31: {  	v1 =	vmin.u32 v1, $0x7FFF;
	_ =	sdelay $0x2  }
0x32: {  	s17 =	simm.s32 $0x20;
	s14 =	sor.u32 $0xA0, s14;
	s16 =	sadd.s32 $0x10, s15  }
0x33: {  	s15 =	sadd.s32 $0x10, s14;
	s18 =	smov.u32 s14;
	v0 =	vld.msk [tilespmem:s16+$0x0 ss:$0x1], $0xffff;
	vm1 =	vgt.s32 v2, $0x0;
	(ifvalue) =	ssetifvalue $0x7FFFFFFF  }
.LBB2_3:
0x34: {  	[tilespmem:s18], [sflag:$0x1] =	stream.indirect_vreg.gather [hbm4b:s3+s10], $0x1, v1, vm0, $0x4038;
	[tilespmem:$0x140] =	vst v63  }
0x35: {  	s17 =	sadd.s32 $0x10, s17  }
0x36: {  	v2 =	vnsel vm1, $0x0, v2;
	p0 =	slt.u32 s17, $0x40  }
.Ltmp3:
0x37: {  	s18 =	smov.u32 s15;
	v1 =	vmin.u32 v2, $0x7FFF;
	(pc) =	sbr.rel @p0 .LBB2_3-.Ltmp3, $3  }
0x38: {  	_ =	sdelay $0x1  }
0x39: {  	s16 =	sadd.s32 $0x10, s16  }
0x3a: {  	vm1 =	vgt.s32 v0, $0x0;
	s15 =	sadd.s32 $0x10, s15;
	v2 =	vmov v0;
	(ifvalue) =	ssetifvalue $0x7FFFFFFF;
	v0 =	vld.msk [tilespmem:s16+$0x0 ss:$0x1], $0xffff  }
.Ltmp4:
0x3b: {  	_ = 	snop;
	(pc) =	sbr.rel .LBB2_4-.Ltmp4, $1  }
0x3c: {  	_ =	sdelay $0x3  }
.LBB2_6:
0x3d: {  	_ =	sfence.sel $0x180000  }
0x3e: {  	s2 =	simm.s32 $0x2;
	[bflag:$0x0] =	sbarrier.arrive $0xFFFF  }
0x3f: {  	s30 =	simm.s32 $0x3;
	[sflag:s2] =	ssyncpa.u1 $0x1  }
0x40: {  	s31 =	simm.s32 $0x1;
	[sflag:s30] =	ssyncpa.u1 $0x1  }
0x41: {  	[sflag:s31] =	ssyncpa.u1 $0x1  }
0x42: {  	p0 =	sne.s32 s1, $0x0;
	_ =	strace $0x9000004A  }
0x43: {  	s0 =	sadd.s32 @!p0 $0x100000, s0;
	[bflag:$0x2] =	sbarrier.arrive $0xFFFF  }
0x44: {  	[sflag:s0] =	ssyncadd.tile.s32 @!p0 $0x1;
	_ =	shalt  }
.Lfunc_end2:
_tile_overlayer_lowered:
.L_overlay_start_2:
0x45: {  	(tag) =	ssettag $0x2  }
0x46: {  	s0 =	rddreg [dreg:$0x0];
	s2 =	stileid.u32  }
0x47: {  	s1 =	rddreg [dreg:$0x1];
	p0 =	sne.s32 s2, $0x0  }
0x48: {  	s3 =	rddreg [dreg:$0x2];
	[bflag:$0x3] =	sbarrier.arrive $0xFFFF;
	s2 =	simm.s32 @!p0 $0x1C01  }
0x49: {  	[timem:s3], [sflag:s2] =	dma.local @!p0 [hbm:s0], s1  }
0x4a: {  	s0 =	simm.s32 @!p0 $0x1  }
0x4b: {  	_ =	swait.ge @!p0 [sflag:s0], s1  }
0x4c: {  	s1 =	ssub.s32 @!p0 $0x0, s1;
	[sflag:s0] =	ssyncset.done @!p0 $0x0  }
0x4d: {  	[sflag:s0] =	ssyncadd.s32 @!p0 s1  }
0x4e: {  	[bflag:$0x3] =	sbarrier.arrive $0xFFFF  }
0x4f: {  	_ =	shalt  }

</sc_bundles>
